<compile_context>
chip_gen: v7x
topology: tpu7x:2x2x1
jax: 0.10.2.dev20260603
libtpu: 0.0.44.dev20260713+nightly
codegen_flags: <defaults>
</compile_context>

<pallas_src>
import functools
import math

import jax
import jax.numpy as jnp
from jax import lax
from jax.experimental import pallas as pl
from jax.experimental.pallas import tpu as pltpu
from jax.experimental.pallas import tpu_sc as plsc

D_MODEL = 64
SCALE = math.sqrt(D_MODEL)
LANES = 16
CHUNK = 128
NBUF = 4
SEQ = 4096
BATCH = 200


def _make_sc_kernel(b_per_w, n_chunks, num_cores):
    mesh = plsc.VectorSubcoreMesh(core_axis_name="c", subcore_axis_name="s")
    n_groups = n_chunks // NBUF

    @functools.partial(
        pl.kernel,
        mesh=mesh,
        compiler_params=pltpu.CompilerParams(use_tc_tiling_on_sc=False, needs_layout_passes=False),
        out_type=jax.ShapeDtypeStruct(
            (BATCH, 8, SEQ // CHUNK, 8, CHUNK), jnp.float32),
        scratch_types=[
            pltpu.VMEM((n_chunks, CHUNK), jnp.int32),
            *[pltpu.VMEM((CHUNK, D_MODEL), jnp.float32) for _ in range(NBUF)],
            *[pltpu.VMEM((8, 8, CHUNK + 1), jnp.float32) for _ in range(NBUF)],
            *[pltpu.SemaphoreType.DMA for _ in range(2 * NBUF)],
        ],
    )
    def sc_gather(table_hbm, idx_hbm, out_hbm, idx_all, *bufs_and_sems):
        rows = bufs_and_sems[:NBUF]
        tbuf = bufs_and_sems[NBUF:2 * NBUF]
        gsem = bufs_and_sems[2 * NBUF:3 * NBUF]
        osem = bufs_and_sems[3 * NBUF:]
        wid = lax.axis_index("s") * num_cores + lax.axis_index("c")
        base = wid * b_per_w

        pltpu.sync_copy(idx_hbm.at[wid], idx_all)
        for j in range(NBUF):
            pltpu.async_copy(table_hbm.at[idx_all.at[j]], rows[j], gsem[j])

        iota16 = lax.iota(jnp.int32, LANES)
        a_vecs = [(j0 * LANES + iota16) // 8 for j0 in range(D_MODEL // LANES)]
        c_vecs = [(j0 * LANES + iota16) % 8 for j0 in range(D_MODEL // LANES)]

        def group_body(g0, carry):
            for j in range(NBUF):
                g = g0 * NBUF + j
                b_glob = base + g * CHUNK
                s = b_glob // SEQ
                bp = (b_glob % SEQ) // CHUNK

                pltpu.make_async_copy(
                    table_hbm.at[idx_all.at[0]], rows[j], gsem[j]).wait()

                @pl.when(g0 > 0)
                def _wait_out():
                    pltpu.make_async_copy(
                        tbuf[j].at[:, :, pl.ds(0, CHUNK)],
                        out_hbm.at[0, :, 0], osem[j]).wait()

                rows_j = rows[j]
                tbuf_j = tbuf[j]

                @plsc.parallel_loop(0, CHUNK, step=1, unroll=16)
                def transpose_rows(d):
                    dsp = jnp.full((LANES,), d, jnp.int32)
                    for j0 in range(D_MODEL // LANES):
                        v = rows_j[d, pl.ds(j0 * LANES, LANES)]
                        plsc.store_scatter(
                            tbuf_j, [a_vecs[j0], c_vecs[j0], dsp],
                            v * SCALE)
                pltpu.async_copy(
                    tbuf[j].at[:, :, pl.ds(0, CHUNK)],
                    out_hbm.at[s, :, bp], osem[j])

                @pl.when(g + NBUF < n_chunks)
                def _issue_gather():
                    pltpu.async_copy(
                        table_hbm.at[idx_all.at[g + NBUF]], rows[j], gsem[j])
            return carry

        lax.fori_loop(0, n_groups, group_body, 0)
        for j in range(NBUF):
            pltpu.make_async_copy(
                tbuf[j].at[:, :, pl.ds(0, CHUNK)],
                out_hbm.at[0, :, 0], osem[j]).wait()

    return sc_gather


def kernel(src, W):
    info = plsc.get_sparse_core_info()
    nw = info.num_cores * info.num_subcores
    idx = src.reshape(-1).astype(jnp.int32) * 2
    B = idx.shape[0]
    b_per_w = B // nw
    n_chunks = b_per_w // CHUNK
    idx3 = idx.reshape(nw, n_chunks, CHUNK)
    W2 = jnp.pad(W, ((0, 0), (0, 128 - D_MODEL))).reshape(
        2 * W.shape[0], D_MODEL)
    sc_gather = _make_sc_kernel(b_per_w, n_chunks, info.num_cores)
    out5 = sc_gather(W2, idx3)
    out = out5.transpose(0, 2, 4, 1, 3).reshape(BATCH, SEQ, D_MODEL)
    return out

# --- scband reference (transcript-rebuilt; emitter-appended) ---
"""Pipeline reference for scband-sin-cos-text-encoder-4269197492451 (READ-ONLY COPY).

The authoritative reference and input builder live on the scoring server;
editing this copy changes nothing except your own understanding.
"""

import math
import jax, jax.numpy as jnp
import numpy as np

N_TOKENS = 1000000
D_MODEL = 64
INIT_RANGE = 0.1

def setup_inputs(seed: int = 0) -> dict:
    key = jax.random.key(seed)
    k_src, k_w = jax.random.split(key)
    src = jax.random.randint(k_src, (200, 4096), 0, N_TOKENS, dtype=jnp.int64 if jax.config.jax_enable_x64 else jnp.int32)
    W = jax.random.uniform(k_w, (N_TOKENS, D_MODEL), dtype=jnp.float32, minval=-INIT_RANGE, maxval=INIT_RANGE)
    return {"src": src, "W": W}

def reference(src, W):
    # nn.Embedding lookup then scale by sqrt(d_model)
    out = jnp.take(W, src, axis=0)
    return out * math.sqrt(D_MODEL)

if __name__ == "__main__":
    import jax
    _d = setup_inputs()
    print(jax.jit(kernel)(*tuple(_d.values())))

</pallas_src>

<mosaic_0001>
#map = affine_map<(d0, d1) -> (0, 0)>
#map1 = affine_map<(d0, d1) -> (0, 0, 0)>
#map2 = affine_map<(d0, d1) -> (0, 0, 0, 0, 0)>
module attributes {stable_mosaic.version = 14 : i64} {
  func.func @sc_gather(%arg0: i32, %arg1: i32, %arg2: memref<2000000x64xf32, #tpu.memory_space<hbm>>, %arg3: memref<32x200x128xi32, #tpu.memory_space<hbm>>, %arg4: memref<200x8x32x8x128xf32, #tpu.memory_space<hbm>>, %arg5: memref<200x128xi32, #tpu.memory_space<vmem>>, %arg6: memref<128x64xf32, #tpu.memory_space<vmem>>, %arg7: memref<128x64xf32, #tpu.memory_space<vmem>>, %arg8: memref<128x64xf32, #tpu.memory_space<vmem>>, %arg9: memref<128x64xf32, #tpu.memory_space<vmem>>, %arg10: memref<8x8x129xf32, #tpu.memory_space<vmem>>, %arg11: memref<8x8x129xf32, #tpu.memory_space<vmem>>, %arg12: memref<8x8x129xf32, #tpu.memory_space<vmem>>, %arg13: memref<8x8x129xf32, #tpu.memory_space<vmem>>, %arg14: memref<!tpu.dma_semaphore, #tpu.memory_space<semaphore_mem>>, %arg15: memref<!tpu.dma_semaphore, #tpu.memory_space<semaphore_mem>>, %arg16: memref<!tpu.dma_semaphore, #tpu.memory_space<semaphore_mem>>, %arg17: memref<!tpu.dma_semaphore, #tpu.memory_space<semaphore_mem>>, %arg18: memref<!tpu.dma_semaphore, #tpu.memory_space<semaphore_mem>>, %arg19: memref<!tpu.dma_semaphore, #tpu.memory_space<semaphore_mem>>, %arg20: memref<!tpu.dma_semaphore, #tpu.memory_space<semaphore_mem>>, %arg21: memref<!tpu.dma_semaphore, #tpu.memory_space<semaphore_mem>>) attributes {dimension_semantics = [#tpu.dimension_semantics<core_parallel>, #tpu.dimension_semantics<subcore_parallel>], iteration_bounds = array<i64: 2, 16>, scalar_prefetch = 0 : i64, scratch_operands = 17 : i64, tpu.core_type = #tpu.core_type<sc_vector_subcore>, window_params = [{transform_indices = #map}, {transform_indices = #map1}, {transform_indices = #map2}]} {
    %mul3A = arith.constant 2 : i32
    %mul3A_0 = arith.muli %arg1, %mul3A : i32
    %add3A = arith.addi %mul3A_0, %arg0 : i32
    %mul3A_1 = arith.constant 25600 : i32
    %mul3A_2 = arith.muli %add3A, %mul3A_1 : i32
    "tpu.region"() ({
      %run_scoped3A = tpu.sem_alloc : memref<!tpu.dma_semaphore, #tpu.memory_space<semaphore_mem>>
      %dma_start3A_340 = arith.constant 0 : i32
      %dma_start3A_341 = arith.constant 0 : i32
      %dma_start3A_342 = tpu.memref_slice %arg3[%add3A, %dma_start3A_340, %dma_start3A_341] : memref<32x200x128xi32, #tpu.memory_space<hbm>> -> memref<1x200x128xi32, #tpu.memory_space<hbm>>
      %dma_start3A_343 = tpu.memref_squeeze %dma_start3A_342 : memref<1x200x128xi32, #tpu.memory_space<hbm>> -> memref<200x128xi32, #tpu.memory_space<hbm>>
      %dma_start3A_344 = arith.constant 0 : i32
      %dma_start3A_345 = arith.constant 0 : i32
      %dma_start3A_346 = tpu.memref_slice %arg3[%add3A, %dma_start3A_344, %dma_start3A_345] : memref<32x200x128xi32, #tpu.memory_space<hbm>> -> memref<1x200x128xi32, #tpu.memory_space<hbm>>
      %dma_start3A_347 = tpu.memref_squeeze %dma_start3A_346 : memref<1x200x128xi32, #tpu.memory_space<hbm>> -> memref<200x128xi32, #tpu.memory_space<hbm>>
      tpu.enqueue_dma source(%dma_start3A_347 : memref<200x128xi32, #tpu.memory_space<hbm>>) target(%arg5 : memref<200x128xi32, #tpu.memory_space<vmem>>) target_semaphore(%run_scoped3A : memref<!tpu.dma_semaphore, #tpu.memory_space<semaphore_mem>>)
      %dma_wait3A_348 = arith.constant 0 : i32
      %dma_wait3A_349 = arith.constant 0 : i32
      %dma_wait3A_350 = tpu.memref_slice %arg3[%add3A, %dma_wait3A_348, %dma_wait3A_349] : memref<32x200x128xi32, #tpu.memory_space<hbm>> -> memref<1x200x128xi32, #tpu.memory_space<hbm>>
      %dma_wait3A_351 = tpu.memref_squeeze %dma_wait3A_350 : memref<1x200x128xi32, #tpu.memory_space<hbm>> -> memref<200x128xi32, #tpu.memory_space<hbm>>
      %dma_wait3A_352 = arith.constant 0 : i32
      %dma_wait3A_353 = arith.constant 0 : i32
      %dma_wait3A_354 = tpu.memref_slice %arg3[%add3A, %dma_wait3A_352, %dma_wait3A_353] : memref<32x200x128xi32, #tpu.memory_space<hbm>> -> memref<1x200x128xi32, #tpu.memory_space<hbm>>
      %dma_wait3A_355 = tpu.memref_squeeze %dma_wait3A_354 : memref<1x200x128xi32, #tpu.memory_space<hbm>> -> memref<200x128xi32, #tpu.memory_space<hbm>>
      tpu.wait_dma2 semaphore(%run_scoped3A : memref<!tpu.dma_semaphore, #tpu.memory_space<semaphore_mem>>) src(%dma_wait3A_355 : memref<200x128xi32, #tpu.memory_space<hbm>>) dst(%arg5 : memref<200x128xi32, #tpu.memory_space<vmem>>)
      tpu.yield
    }) : () -> ()
    %dma_start3A = arith.constant 0 : i32
    %dma_start3A_3 = arith.constant 0 : i32
    %dma_start3A_4 = tpu.memref_slice %arg5[%dma_start3A, %dma_start3A_3] : memref<200x128xi32, #tpu.memory_space<vmem>> -> memref<1x128xi32, #tpu.memory_space<vmem>>
    %dma_start3A_5 = tpu.memref_squeeze %dma_start3A_4 : memref<1x128xi32, #tpu.memory_space<vmem>> -> memref<128xi32, #tpu.memory_space<vmem>>
    %dma_start3A_6 = arith.constant 0 : i32
    %dma_start3A_7 = arith.constant 0 : i32
    %dma_start3A_8 = tpu.memref_slice %arg2[%dma_start3A_6, %dma_start3A_7] : memref<2000000x64xf32, #tpu.memory_space<hbm>> -> memref<2000000x64xf32, #tpu.memory_space<hbm>>
    tpu.enqueue_indirect_dma source(%dma_start3A_8 : memref<2000000x64xf32, #tpu.memory_space<hbm>>) target(%arg6 : memref<128x64xf32, #tpu.memory_space<vmem>>) offsets(%dma_start3A_5 : memref<128xi32, #tpu.memory_space<vmem>>) semaphore(%arg14 : memref<!tpu.dma_semaphore, #tpu.memory_space<semaphore_mem>>)
    %dma_start3A_9 = arith.constant 1 : i32
    %dma_start3A_10 = arith.constant 0 : i32
    %dma_start3A_11 = tpu.memref_slice %arg5[%dma_start3A_9, %dma_start3A_10] : memref<200x128xi32, #tpu.memory_space<vmem>> -> memref<1x128xi32, #tpu.memory_space<vmem>>
    %dma_start3A_12 = tpu.memref_squeeze %dma_start3A_11 : memref<1x128xi32, #tpu.memory_space<vmem>> -> memref<128xi32, #tpu.memory_space<vmem>>
    %dma_start3A_13 = arith.constant 0 : i32
    %dma_start3A_14 = arith.constant 0 : i32
    %dma_start3A_15 = tpu.memref_slice %arg2[%dma_start3A_13, %dma_start3A_14] : memref<2000000x64xf32, #tpu.memory_space<hbm>> -> memref<2000000x64xf32, #tpu.memory_space<hbm>>
    tpu.enqueue_indirect_dma source(%dma_start3A_15 : memref<2000000x64xf32, #tpu.memory_space<hbm>>) target(%arg7 : memref<128x64xf32, #tpu.memory_space<vmem>>) offsets(%dma_start3A_12 : memref<128xi32, #tpu.memory_space<vmem>>) semaphore(%arg15 : memref<!tpu.dma_semaphore, #tpu.memory_space<semaphore_mem>>)
    %dma_start3A_16 = arith.constant 2 : i32
    %dma_start3A_17 = arith.constant 0 : i32
    %dma_start3A_18 = tpu.memref_slice %arg5[%dma_start3A_16, %dma_start3A_17] : memref<200x128xi32, #tpu.memory_space<vmem>> -> memref<1x128xi32, #tpu.memory_space<vmem>>
    %dma_start3A_19 = tpu.memref_squeeze %dma_start3A_18 : memref<1x128xi32, #tpu.memory_space<vmem>> -> memref<128xi32, #tpu.memory_space<vmem>>
    %dma_start3A_20 = arith.constant 0 : i32
    %dma_start3A_21 = arith.constant 0 : i32
    %dma_start3A_22 = tpu.memref_slice %arg2[%dma_start3A_20, %dma_start3A_21] : memref<2000000x64xf32, #tpu.memory_space<hbm>> -> memref<2000000x64xf32, #tpu.memory_space<hbm>>
    tpu.enqueue_indirect_dma source(%dma_start3A_22 : memref<2000000x64xf32, #tpu.memory_space<hbm>>) target(%arg8 : memref<128x64xf32, #tpu.memory_space<vmem>>) offsets(%dma_start3A_19 : memref<128xi32, #tpu.memory_space<vmem>>) semaphore(%arg16 : memref<!tpu.dma_semaphore, #tpu.memory_space<semaphore_mem>>)
    %dma_start3A_23 = arith.constant 3 : i32
    %dma_start3A_24 = arith.constant 0 : i32
    %dma_start3A_25 = tpu.memref_slice %arg5[%dma_start3A_23, %dma_start3A_24] : memref<200x128xi32, #tpu.memory_space<vmem>> -> memref<1x128xi32, #tpu.memory_space<vmem>>
    %dma_start3A_26 = tpu.memref_squeeze %dma_start3A_25 : memref<1x128xi32, #tpu.memory_space<vmem>> -> memref<128xi32, #tpu.memory_space<vmem>>
    %dma_start3A_27 = arith.constant 0 : i32
    %dma_start3A_28 = arith.constant 0 : i32
    %dma_start3A_29 = tpu.memref_slice %arg2[%dma_start3A_27, %dma_start3A_28] : memref<2000000x64xf32, #tpu.memory_space<hbm>> -> memref<2000000x64xf32, #tpu.memory_space<hbm>>
    tpu.enqueue_indirect_dma source(%dma_start3A_29 : memref<2000000x64xf32, #tpu.memory_space<hbm>>) target(%arg9 : memref<128x64xf32, #tpu.memory_space<vmem>>) offsets(%dma_start3A_26 : memref<128xi32, #tpu.memory_space<vmem>>) semaphore(%arg17 : memref<!tpu.dma_semaphore, #tpu.memory_space<semaphore_mem>>)
    %iota3A = tpu.iota {dimensions = array<i32: 0>} : vector<16xi32>
    %add3A_30 = arith.constant 0 : i32
    %add3A_31 = vector.broadcast %add3A_30 : i32 to vector<16xi32>
    %add3A_32 = arith.addi %add3A_31, %iota3A : vector<16xi32>
    %jit3A = arith.constant 8 : i32
    %div3A = vector.broadcast %jit3A : i32 to vector<16xi32>
    %div3A_33 = arith.divsi %add3A_32, %div3A : vector<16xi32>
    %sign3A = arith.constant 0 : i32
    %sign3A_34 = vector.broadcast %sign3A : i32 to vector<16xi32>
    %sign3A_35 = arith.cmpi sgt, %add3A_32, %sign3A_34 : vector<16xi32>
    %sign3A_36 = arith.extui %sign3A_35 : vector<16xi1> to vector<16xi32>
    %sign3A_37 = arith.constant 0 : i32
    %sign3A_38 = vector.broadcast %sign3A_37 : i32 to vector<16xi32>
    %sign3A_39 = arith.cmpi slt, %add3A_32, %sign3A_38 : vector<16xi32>
    %sign3A_40 = arith.extui %sign3A_39 : vector<16xi1> to vector<16xi32>
    %sign3A_41 = arith.subi %sign3A_36, %sign3A_40 : vector<16xi32>
    %sign3A_42 = arith.constant 0 : i32
    %sign3A_43 = arith.cmpi sgt, %jit3A, %sign3A_42 : i32
    %sign3A_44 = arith.extui %sign3A_43 : i1 to i32
    %sign3A_45 = arith.constant 0 : i32
    %sign3A_46 = arith.cmpi slt, %jit3A, %sign3A_45 : i32
    %sign3A_47 = arith.extui %sign3A_46 : i1 to i32
    %sign3A_48 = arith.subi %sign3A_44, %sign3A_47 : i32
    %ne3A = vector.broadcast %sign3A_48 : i32 to vector<16xi32>
    %ne3A_49 = arith.cmpi ne, %sign3A_41, %ne3A : vector<16xi32>
    %rem3A = vector.broadcast %jit3A : i32 to vector<16xi32>
    %rem3A_50 = arith.remsi %add3A_32, %rem3A : vector<16xi32>
    %ne3A_51 = arith.constant 0 : i32
    %ne3A_52 = vector.broadcast %ne3A_51 : i32 to vector<16xi32>
    %ne3A_53 = arith.cmpi ne, %rem3A_50, %ne3A_52 : vector<16xi32>
    %and3A = arith.andi %ne3A_49, %ne3A_53 : vector<16xi1>
    %sub3A = arith.constant 1 : i32
    %sub3A_54 = vector.broadcast %sub3A : i32 to vector<16xi32>
    %sub3A_55 = arith.subi %div3A_33, %sub3A_54 : vector<16xi32>
    %select_n3A = arith.select %and3A, %sub3A_55, %div3A_33 : vector<16xi1>, vector<16xi32>
    %add3A_56 = arith.constant 16 : i32
    %add3A_57 = vector.broadcast %add3A_56 : i32 to vector<16xi32>
    %add3A_58 = arith.addi %add3A_57, %iota3A : vector<16xi32>
    %jit3A_59 = arith.constant 8 : i32
    %div3A_60 = vector.broadcast %jit3A_59 : i32 to vector<16xi32>
    %div3A_61 = arith.divsi %add3A_58, %div3A_60 : vector<16xi32>
    %sign3A_62 = arith.constant 0 : i32
    %sign3A_63 = vector.broadcast %sign3A_62 : i32 to vector<16xi32>
    %sign3A_64 = arith.cmpi sgt, %add3A_58, %sign3A_63 : vector<16xi32>
    %sign3A_65 = arith.extui %sign3A_64 : vector<16xi1> to vector<16xi32>
    %sign3A_66 = arith.constant 0 : i32
    %sign3A_67 = vector.broadcast %sign3A_66 : i32 to vector<16xi32>
    %sign3A_68 = arith.cmpi slt, %add3A_58, %sign3A_67 : vector<16xi32>
    %sign3A_69 = arith.extui %sign3A_68 : vector<16xi1> to vector<16xi32>
    %sign3A_70 = arith.subi %sign3A_65, %sign3A_69 : vector<16xi32>
    %sign3A_71 = arith.constant 0 : i32
    %sign3A_72 = arith.cmpi sgt, %jit3A_59, %sign3A_71 : i32
    %sign3A_73 = arith.extui %sign3A_72 : i1 to i32
    %sign3A_74 = arith.constant 0 : i32
    %sign3A_75 = arith.cmpi slt, %jit3A_59, %sign3A_74 : i32
    %sign3A_76 = arith.extui %sign3A_75 : i1 to i32
    %sign3A_77 = arith.subi %sign3A_73, %sign3A_76 : i32
    %ne3A_78 = vector.broadcast %sign3A_77 : i32 to vector<16xi32>
    %ne3A_79 = arith.cmpi ne, %sign3A_70, %ne3A_78 : vector<16xi32>
    %rem3A_80 = vector.broadcast %jit3A_59 : i32 to vector<16xi32>
    %rem3A_81 = arith.remsi %add3A_58, %rem3A_80 : vector<16xi32>
    %ne3A_82 = arith.constant 0 : i32
    %ne3A_83 = vector.broadcast %ne3A_82 : i32 to vector<16xi32>
    %ne3A_84 = arith.cmpi ne, %rem3A_81, %ne3A_83 : vector<16xi32>
    %and3A_85 = arith.andi %ne3A_79, %ne3A_84 : vector<16xi1>
    %sub3A_86 = arith.constant 1 : i32
    %sub3A_87 = vector.broadcast %sub3A_86 : i32 to vector<16xi32>
    %sub3A_88 = arith.subi %div3A_61, %sub3A_87 : vector<16xi32>
    %select_n3A_89 = arith.select %and3A_85, %sub3A_88, %div3A_61 : vector<16xi1>, vector<16xi32>
    %add3A_90 = arith.constant 32 : i32
    %add3A_91 = vector.broadcast %add3A_90 : i32 to vector<16xi32>
    %add3A_92 = arith.addi %add3A_91, %iota3A : vector<16xi32>
    %jit3A_93 = arith.constant 8 : i32
    %div3A_94 = vector.broadcast %jit3A_93 : i32 to vector<16xi32>
    %div3A_95 = arith.divsi %add3A_92, %div3A_94 : vector<16xi32>
    %sign3A_96 = arith.constant 0 : i32
    %sign3A_97 = vector.broadcast %sign3A_96 : i32 to vector<16xi32>
    %sign3A_98 = arith.cmpi sgt, %add3A_92, %sign3A_97 : vector<16xi32>
    %sign3A_99 = arith.extui %sign3A_98 : vector<16xi1> to vector<16xi32>
    %sign3A_100 = arith.constant 0 : i32
    %sign3A_101 = vector.broadcast %sign3A_100 : i32 to vector<16xi32>
    %sign3A_102 = arith.cmpi slt, %add3A_92, %sign3A_101 : vector<16xi32>
    %sign3A_103 = arith.extui %sign3A_102 : vector<16xi1> to vector<16xi32>
    %sign3A_104 = arith.subi %sign3A_99, %sign3A_103 : vector<16xi32>
    %sign3A_105 = arith.constant 0 : i32
    %sign3A_106 = arith.cmpi sgt, %jit3A_93, %sign3A_105 : i32
    %sign3A_107 = arith.extui %sign3A_106 : i1 to i32
    %sign3A_108 = arith.constant 0 : i32
    %sign3A_109 = arith.cmpi slt, %jit3A_93, %sign3A_108 : i32
    %sign3A_110 = arith.extui %sign3A_109 : i1 to i32
    %sign3A_111 = arith.subi %sign3A_107, %sign3A_110 : i32
    %ne3A_112 = vector.broadcast %sign3A_111 : i32 to vector<16xi32>
    %ne3A_113 = arith.cmpi ne, %sign3A_104, %ne3A_112 : vector<16xi32>
    %rem3A_114 = vector.broadcast %jit3A_93 : i32 to vector<16xi32>
    %rem3A_115 = arith.remsi %add3A_92, %rem3A_114 : vector<16xi32>
    %ne3A_116 = arith.constant 0 : i32
    %ne3A_117 = vector.broadcast %ne3A_116 : i32 to vector<16xi32>
    %ne3A_118 = arith.cmpi ne, %rem3A_115, %ne3A_117 : vector<16xi32>
    %and3A_119 = arith.andi %ne3A_113, %ne3A_118 : vector<16xi1>
    %sub3A_120 = arith.constant 1 : i32
    %sub3A_121 = vector.broadcast %sub3A_120 : i32 to vector<16xi32>
    %sub3A_122 = arith.subi %div3A_95, %sub3A_121 : vector<16xi32>
    %select_n3A_123 = arith.select %and3A_119, %sub3A_122, %div3A_95 : vector<16xi1>, vector<16xi32>
    %add3A_124 = arith.constant 48 : i32
    %add3A_125 = vector.broadcast %add3A_124 : i32 to vector<16xi32>
    %add3A_126 = arith.addi %add3A_125, %iota3A : vector<16xi32>
    %jit3A_127 = arith.constant 8 : i32
    %div3A_128 = vector.broadcast %jit3A_127 : i32 to vector<16xi32>
    %div3A_129 = arith.divsi %add3A_126, %div3A_128 : vector<16xi32>
    %sign3A_130 = arith.constant 0 : i32
    %sign3A_131 = vector.broadcast %sign3A_130 : i32 to vector<16xi32>
    %sign3A_132 = arith.cmpi sgt, %add3A_126, %sign3A_131 : vector<16xi32>
    %sign3A_133 = arith.extui %sign3A_132 : vector<16xi1> to vector<16xi32>
    %sign3A_134 = arith.constant 0 : i32
    %sign3A_135 = vector.broadcast %sign3A_134 : i32 to vector<16xi32>
    %sign3A_136 = arith.cmpi slt, %add3A_126, %sign3A_135 : vector<16xi32>
    %sign3A_137 = arith.extui %sign3A_136 : vector<16xi1> to vector<16xi32>
    %sign3A_138 = arith.subi %sign3A_133, %sign3A_137 : vector<16xi32>
    %sign3A_139 = arith.constant 0 : i32
    %sign3A_140 = arith.cmpi sgt, %jit3A_127, %sign3A_139 : i32
    %sign3A_141 = arith.extui %sign3A_140 : i1 to i32
    %sign3A_142 = arith.constant 0 : i32
    %sign3A_143 = arith.cmpi slt, %jit3A_127, %sign3A_142 : i32
    %sign3A_144 = arith.extui %sign3A_143 : i1 to i32
    %sign3A_145 = arith.subi %sign3A_141, %sign3A_144 : i32
    %ne3A_146 = vector.broadcast %sign3A_145 : i32 to vector<16xi32>
    %ne3A_147 = arith.cmpi ne, %sign3A_138, %ne3A_146 : vector<16xi32>
    %rem3A_148 = vector.broadcast %jit3A_127 : i32 to vector<16xi32>
    %rem3A_149 = arith.remsi %add3A_126, %rem3A_148 : vector<16xi32>
    %ne3A_150 = arith.constant 0 : i32
    %ne3A_151 = vector.broadcast %ne3A_150 : i32 to vector<16xi32>
    %ne3A_152 = arith.cmpi ne, %rem3A_149, %ne3A_151 : vector<16xi32>
    %and3A_153 = arith.andi %ne3A_147, %ne3A_152 : vector<16xi1>
    %sub3A_154 = arith.constant 1 : i32
    %sub3A_155 = vector.broadcast %sub3A_154 : i32 to vector<16xi32>
    %sub3A_156 = arith.subi %div3A_129, %sub3A_155 : vector<16xi32>
    %select_n3A_157 = arith.select %and3A_153, %sub3A_156, %div3A_129 : vector<16xi1>, vector<16xi32>
    %add3A_158 = arith.constant 0 : i32
    %add3A_159 = vector.broadcast %add3A_158 : i32 to vector<16xi32>
    %add3A_160 = arith.addi %add3A_159, %iota3A : vector<16xi32>
    %jit3A_161 = arith.constant 8 : i32
    %eq3A = arith.constant 0 : i32
    %eq3A_162 = arith.cmpi eq, %jit3A_161, %eq3A : i32
    %jit3A_163 = arith.constant 1 : i32
    %select_n3A_164 = arith.select %eq3A_162, %jit3A_163, %jit3A_161 : i32
    %rem3A_165 = vector.broadcast %select_n3A_164 : i32 to vector<16xi32>
    %rem3A_166 = arith.remsi %add3A_160, %rem3A_165 : vector<16xi32>
    %ne3A_167 = arith.constant 0 : i32
    %ne3A_168 = vector.broadcast %ne3A_167 : i32 to vector<16xi32>
    %ne3A_169 = arith.cmpi ne, %rem3A_166, %ne3A_168 : vector<16xi32>
    %lt3A = arith.constant 0 : i32
    %lt3A_170 = vector.broadcast %lt3A : i32 to vector<16xi32>
    %lt3A_171 = arith.cmpi slt, %rem3A_166, %lt3A_170 : vector<16xi32>
    %lt3A_172 = arith.constant 0 : i32
    %lt3A_173 = arith.cmpi slt, %select_n3A_164, %lt3A_172 : i32
    %ne3A_174 = vector.broadcast %lt3A_173 : i1 to vector<16xi1>
    %ne3A_175 = vector.broadcast %ne3A_174 : vector<16xi1> to vector<16xi1>
    %ne3A_176 = arith.xori %lt3A_171, %ne3A_175 : vector<16xi1>
    %and3A_177 = arith.andi %ne3A_176, %ne3A_169 : vector<16xi1>
    %add3A_178 = vector.broadcast %select_n3A_164 : i32 to vector<16xi32>
    %add3A_179 = arith.addi %rem3A_166, %add3A_178 : vector<16xi32>
    %select_n3A_180 = arith.select %and3A_177, %add3A_179, %rem3A_166 : vector<16xi1>, vector<16xi32>
    %add3A_181 = arith.constant 16 : i32
    %add3A_182 = vector.broadcast %add3A_181 : i32 to vector<16xi32>
    %add3A_183 = arith.addi %add3A_182, %iota3A : vector<16xi32>
    %jit3A_184 = arith.constant 8 : i32
    %eq3A_185 = arith.constant 0 : i32
    %eq3A_186 = arith.cmpi eq, %jit3A_184, %eq3A_185 : i32
    %jit3A_187 = arith.constant 1 : i32
    %select_n3A_188 = arith.select %eq3A_186, %jit3A_187, %jit3A_184 : i32
    %rem3A_189 = vector.broadcast %select_n3A_188 : i32 to vector<16xi32>
    %rem3A_190 = arith.remsi %add3A_183, %rem3A_189 : vector<16xi32>
    %ne3A_191 = arith.constant 0 : i32
    %ne3A_192 = vector.broadcast %ne3A_191 : i32 to vector<16xi32>
    %ne3A_193 = arith.cmpi ne, %rem3A_190, %ne3A_192 : vector<16xi32>
    %lt3A_194 = arith.constant 0 : i32
    %lt3A_195 = vector.broadcast %lt3A_194 : i32 to vector<16xi32>
    %lt3A_196 = arith.cmpi slt, %rem3A_190, %lt3A_195 : vector<16xi32>
    %lt3A_197 = arith.constant 0 : i32
    %lt3A_198 = arith.cmpi slt, %select_n3A_188, %lt3A_197 : i32
    %ne3A_199 = vector.broadcast %lt3A_198 : i1 to vector<16xi1>
    %ne3A_200 = vector.broadcast %ne3A_199 : vector<16xi1> to vector<16xi1>
    %ne3A_201 = arith.xori %lt3A_196, %ne3A_200 : vector<16xi1>
    %and3A_202 = arith.andi %ne3A_201, %ne3A_193 : vector<16xi1>
    %add3A_203 = vector.broadcast %select_n3A_188 : i32 to vector<16xi32>
    %add3A_204 = arith.addi %rem3A_190, %add3A_203 : vector<16xi32>
    %select_n3A_205 = arith.select %and3A_202, %add3A_204, %rem3A_190 : vector<16xi1>, vector<16xi32>
    %add3A_206 = arith.constant 32 : i32
    %add3A_207 = vector.broadcast %add3A_206 : i32 to vector<16xi32>
    %add3A_208 = arith.addi %add3A_207, %iota3A : vector<16xi32>
    %jit3A_209 = arith.constant 8 : i32
    %eq3A_210 = arith.constant 0 : i32
    %eq3A_211 = arith.cmpi eq, %jit3A_209, %eq3A_210 : i32
    %jit3A_212 = arith.constant 1 : i32
    %select_n3A_213 = arith.select %eq3A_211, %jit3A_212, %jit3A_209 : i32
    %rem3A_214 = vector.broadcast %select_n3A_213 : i32 to vector<16xi32>
    %rem3A_215 = arith.remsi %add3A_208, %rem3A_214 : vector<16xi32>
    %ne3A_216 = arith.constant 0 : i32
    %ne3A_217 = vector.broadcast %ne3A_216 : i32 to vector<16xi32>
    %ne3A_218 = arith.cmpi ne, %rem3A_215, %ne3A_217 : vector<16xi32>
    %lt3A_219 = arith.constant 0 : i32
    %lt3A_220 = vector.broadcast %lt3A_219 : i32 to vector<16xi32>
    %lt3A_221 = arith.cmpi slt, %rem3A_215, %lt3A_220 : vector<16xi32>
    %lt3A_222 = arith.constant 0 : i32
    %lt3A_223 = arith.cmpi slt, %select_n3A_213, %lt3A_222 : i32
    %ne3A_224 = vector.broadcast %lt3A_223 : i1 to vector<16xi1>
    %ne3A_225 = vector.broadcast %ne3A_224 : vector<16xi1> to vector<16xi1>
    %ne3A_226 = arith.xori %lt3A_221, %ne3A_225 : vector<16xi1>
    %and3A_227 = arith.andi %ne3A_226, %ne3A_218 : vector<16xi1>
    %add3A_228 = vector.broadcast %select_n3A_213 : i32 to vector<16xi32>
    %add3A_229 = arith.addi %rem3A_215, %add3A_228 : vector<16xi32>
    %select_n3A_230 = arith.select %and3A_227, %add3A_229, %rem3A_215 : vector<16xi1>, vector<16xi32>
    %add3A_231 = arith.constant 48 : i32
    %add3A_232 = vector.broadcast %add3A_231 : i32 to vector<16xi32>
    %add3A_233 = arith.addi %add3A_232, %iota3A : vector<16xi32>
    %jit3A_234 = arith.constant 8 : i32
    %eq3A_235 = arith.constant 0 : i32
    %eq3A_236 = arith.cmpi eq, %jit3A_234, %eq3A_235 : i32
    %jit3A_237 = arith.constant 1 : i32
    %select_n3A_238 = arith.select %eq3A_236, %jit3A_237, %jit3A_234 : i32
    %rem3A_239 = vector.broadcast %select_n3A_238 : i32 to vector<16xi32>
    %rem3A_240 = arith.remsi %add3A_233, %rem3A_239 : vector<16xi32>
    %ne3A_241 = arith.constant 0 : i32
    %ne3A_242 = vector.broadcast %ne3A_241 : i32 to vector<16xi32>
    %ne3A_243 = arith.cmpi ne, %rem3A_240, %ne3A_242 : vector<16xi32>
    %lt3A_244 = arith.constant 0 : i32
    %lt3A_245 = vector.broadcast %lt3A_244 : i32 to vector<16xi32>
    %lt3A_246 = arith.cmpi slt, %rem3A_240, %lt3A_245 : vector<16xi32>
    %lt3A_247 = arith.constant 0 : i32
    %lt3A_248 = arith.cmpi slt, %select_n3A_238, %lt3A_247 : i32
    %ne3A_249 = vector.broadcast %lt3A_248 : i1 to vector<16xi1>
    %ne3A_250 = vector.broadcast %ne3A_249 : vector<16xi1> to vector<16xi1>
    %ne3A_251 = arith.xori %lt3A_246, %ne3A_250 : vector<16xi1>
    %and3A_252 = arith.andi %ne3A_251, %ne3A_243 : vector<16xi1>
    %add3A_253 = vector.broadcast %select_n3A_238 : i32 to vector<16xi32>
    %add3A_254 = arith.addi %rem3A_240, %add3A_253 : vector<16xi32>
    %select_n3A_255 = arith.select %and3A_252, %add3A_254, %rem3A_240 : vector<16xi1>, vector<16xi32>
    %scan3A = arith.constant 0 : i32
    %scan3A_256 = arith.constant 0 : i32
    %scan3A_257 = arith.constant 50 : i32
    %scan3A_258 = arith.addi %scan3A_256, %scan3A_257 : i32
    %scan3A_259 = arith.constant 1 : i32
    scf.for %scan3A_340 = %scan3A_256 to %scan3A_258 step %scan3A_259  : i32 {
      %mul3A_341 = arith.constant 4 : i32
      %mul3A_342 = arith.muli %scan3A_340, %mul3A_341 : i32
      %add3A_343 = arith.constant 0 : i32
      %add3A_344 = arith.addi %mul3A_342, %add3A_343 : i32
      %mul3A_345 = arith.constant 128 : i32
      %mul3A_346 = arith.muli %add3A_344, %mul3A_345 : i32
      %add3A_347 = arith.addi %mul3A_2, %mul3A_346 : i32
      %jit3A_348 = arith.constant 4096 : i32
      %div3A_349 = arith.divsi %add3A_347, %jit3A_348 : i32
      %sign3A_350 = arith.constant 0 : i32
      %sign3A_351 = arith.cmpi sgt, %add3A_347, %sign3A_350 : i32
      %sign3A_352 = arith.extui %sign3A_351 : i1 to i32
      %sign3A_353 = arith.constant 0 : i32
      %sign3A_354 = arith.cmpi slt, %add3A_347, %sign3A_353 : i32
      %sign3A_355 = arith.extui %sign3A_354 : i1 to i32
      %sign3A_356 = arith.subi %sign3A_352, %sign3A_355 : i32
      %sign3A_357 = arith.constant 0 : i32
      %sign3A_358 = arith.cmpi sgt, %jit3A_348, %sign3A_357 : i32
      %sign3A_359 = arith.extui %sign3A_358 : i1 to i32
      %sign3A_360 = arith.constant 0 : i32
      %sign3A_361 = arith.cmpi slt, %jit3A_348, %sign3A_360 : i32
      %sign3A_362 = arith.extui %sign3A_361 : i1 to i32
      %sign3A_363 = arith.subi %sign3A_359, %sign3A_362 : i32
      %ne3A_364 = arith.cmpi ne, %sign3A_356, %sign3A_363 : i32
      %rem3A_365 = arith.remsi %add3A_347, %jit3A_348 : i32
      %ne3A_366 = arith.constant 0 : i32
      %ne3A_367 = arith.cmpi ne, %rem3A_365, %ne3A_366 : i32
      %and3A_368 = arith.andi %ne3A_364, %ne3A_367 : i1
      %sub3A_369 = arith.constant 1 : i32
      %sub3A_370 = arith.subi %div3A_349, %sub3A_369 : i32
      %select_n3A_371 = arith.select %and3A_368, %sub3A_370, %div3A_349 : i32
      %jit3A_372 = arith.constant 4096 : i32
      %eq3A_373 = arith.constant 0 : i32
      %eq3A_374 = arith.cmpi eq, %jit3A_372, %eq3A_373 : i32
      %jit3A_375 = arith.constant 1 : i32
      %select_n3A_376 = arith.select %eq3A_374, %jit3A_375, %jit3A_372 : i32
      %rem3A_377 = arith.remsi %add3A_347, %select_n3A_376 : i32
      %ne3A_378 = arith.constant 0 : i32
      %ne3A_379 = arith.cmpi ne, %rem3A_377, %ne3A_378 : i32
      %lt3A_380 = arith.constant 0 : i32
      %lt3A_381 = arith.cmpi slt, %rem3A_377, %lt3A_380 : i32
      %lt3A_382 = arith.constant 0 : i32
      %lt3A_383 = arith.cmpi slt, %select_n3A_376, %lt3A_382 : i32
      %ne3A_384 = arith.xori %lt3A_381, %lt3A_383 : i1
      %and3A_385 = arith.andi %ne3A_384, %ne3A_379 : i1
      %add3A_386 = arith.addi %rem3A_377, %select_n3A_376 : i32
      %select_n3A_387 = arith.select %and3A_385, %add3A_386, %rem3A_377 : i32
      %jit3A_388 = arith.constant 128 : i32
      %div3A_389 = arith.divsi %select_n3A_387, %jit3A_388 : i32
      %sign3A_390 = arith.constant 0 : i32
      %sign3A_391 = arith.cmpi sgt, %select_n3A_387, %sign3A_390 : i32
      %sign3A_392 = arith.extui %sign3A_391 : i1 to i32
      %sign3A_393 = arith.constant 0 : i32
      %sign3A_394 = arith.cmpi slt, %select_n3A_387, %sign3A_393 : i32
      %sign3A_395 = arith.extui %sign3A_394 : i1 to i32
      %sign3A_396 = arith.subi %sign3A_392, %sign3A_395 : i32
      %sign3A_397 = arith.constant 0 : i32
      %sign3A_398 = arith.cmpi sgt, %jit3A_388, %sign3A_397 : i32
      %sign3A_399 = arith.extui %sign3A_398 : i1 to i32
      %sign3A_400 = arith.constant 0 : i32
      %sign3A_401 = arith.cmpi slt, %jit3A_388, %sign3A_400 : i32
      %sign3A_402 = arith.extui %sign3A_401 : i1 to i32
      %sign3A_403 = arith.subi %sign3A_399, %sign3A_402 : i32
      %ne3A_404 = arith.cmpi ne, %sign3A_396, %sign3A_403 : i32
      %rem3A_405 = arith.remsi %select_n3A_387, %jit3A_388 : i32
      %ne3A_406 = arith.constant 0 : i32
      %ne3A_407 = arith.cmpi ne, %rem3A_405, %ne3A_406 : i32
      %and3A_408 = arith.andi %ne3A_404, %ne3A_407 : i1
      %sub3A_409 = arith.constant 1 : i32
      %sub3A_410 = arith.subi %div3A_389, %sub3A_409 : i32
      %select_n3A_411 = arith.select %and3A_408, %sub3A_410, %div3A_389 : i32
      %dma_wait3A_412 = arith.constant 0 : i32
      %dma_wait3A_413 = arith.constant 0 : i32
      %dma_wait3A_414 = tpu.memref_slice %arg5[%dma_wait3A_412, %dma_wait3A_413] : memref<200x128xi32, #tpu.memory_space<vmem>> -> memref<1x128xi32, #tpu.memory_space<vmem>>
      %dma_wait3A_415 = tpu.memref_squeeze %dma_wait3A_414 : memref<1x128xi32, #tpu.memory_space<vmem>> -> memref<128xi32, #tpu.memory_space<vmem>>
      %dma_wait3A_416 = arith.constant 0 : i32
      %dma_wait3A_417 = arith.constant 0 : i32
      %dma_wait3A_418 = tpu.memref_slice %arg2[%dma_wait3A_416, %dma_wait3A_417] : memref<2000000x64xf32, #tpu.memory_space<hbm>> -> memref<2000000x64xf32, #tpu.memory_space<hbm>>
      tpu.wait_indirect_dma semaphore(%arg14 : memref<!tpu.dma_semaphore, #tpu.memory_space<semaphore_mem>>) src(%dma_wait3A_418 : memref<2000000x64xf32, #tpu.memory_space<hbm>>) dst(%arg6 : memref<128x64xf32, #tpu.memory_space<vmem>>)
      %gt3A = arith.constant 0 : i32
      %gt3A_419 = arith.cmpi sgt, %scan3A_340, %gt3A : i32
      %convert_element_type3A = arith.extui %gt3A_419 : i1 to i32
      %cond3A = arith.constant 0 : i32
      %cond3A_420 = arith.cmpi ne, %convert_element_type3A, %cond3A : i32
      scf.if %cond3A_420 {
        %dma_wait3A_781 = arith.constant 0 : i32
        %dma_wait3A_782 = arith.constant 0 : i32
        %dma_wait3A_783 = arith.constant 0 : i32
        %dma_wait3A_784 = arith.constant 0 : i32
        %dma_wait3A_785 = arith.constant 0 : i32
        %dma_wait3A_786 = tpu.memref_slice %arg10[%dma_wait3A_783, %dma_wait3A_784, %dma_wait3A_785] : memref<8x8x129xf32, #tpu.memory_space<vmem>> -> memref<8x8x128xf32, #tpu.memory_space<vmem>>
        %dma_wait3A_787 = arith.constant 0 : i32
        %dma_wait3A_788 = arith.constant 0 : i32
        %dma_wait3A_789 = arith.constant 0 : i32
        %dma_wait3A_790 = tpu.memref_slice %arg4[%dma_wait3A_781, %dma_wait3A_787, %dma_wait3A_782, %dma_wait3A_788, %dma_wait3A_789] : memref<200x8x32x8x128xf32, #tpu.memory_space<hbm>> -> memref<1x8x1x8x128xf32, #tpu.memory_space<hbm>>
        %dma_wait3A_791 = tpu.memref_squeeze %dma_wait3A_790 : memref<1x8x1x8x128xf32, #tpu.memory_space<hbm>> -> memref<8x8x128xf32, #tpu.memory_space<hbm>>
        %dma_wait3A_792 = arith.constant 0 : i32
        %dma_wait3A_793 = arith.constant 0 : i32
        %dma_wait3A_794 = arith.constant 0 : i32
        %dma_wait3A_795 = tpu.memref_slice %arg4[%dma_wait3A_781, %dma_wait3A_792, %dma_wait3A_782, %dma_wait3A_793, %dma_wait3A_794] : memref<200x8x32x8x128xf32, #tpu.memory_space<hbm>> -> memref<1x8x1x8x128xf32, #tpu.memory_space<hbm>>
        %dma_wait3A_796 = tpu.memref_squeeze %dma_wait3A_795 : memref<1x8x1x8x128xf32, #tpu.memory_space<hbm>> -> memref<8x8x128xf32, #tpu.memory_space<hbm>>
        %dma_wait3A_797 = arith.constant 0 : i32
        %dma_wait3A_798 = arith.constant 0 : i32
        %dma_wait3A_799 = arith.constant 0 : i32
        %dma_wait3A_800 = tpu.memref_slice %arg10[%dma_wait3A_797, %dma_wait3A_798, %dma_wait3A_799] : memref<8x8x129xf32, #tpu.memory_space<vmem>> -> memref<8x8x128xf32, #tpu.memory_space<vmem>>
        tpu.wait_dma2 semaphore(%arg18 : memref<!tpu.dma_semaphore, #tpu.memory_space<semaphore_mem>>) src(%dma_wait3A_800 : memref<8x8x128xf32, #tpu.memory_space<vmem>>) dst(%dma_wait3A_796 : memref<8x8x128xf32, #tpu.memory_space<hbm>>)
      } else {
      }
      %parallel_loop3A = arith.constant 0 : i32
      %parallel_loop3A_421 = arith.constant 128 : i32
      %parallel_loop3A_422 = arith.constant 1 : i32
      scf.for %parallel_loop3A_781 = %parallel_loop3A to %parallel_loop3A_421 step %parallel_loop3A_422  : i32 {
        %parallel_loop3A_782 = vector.broadcast %parallel_loop3A_781 : i32 to vector<16xi32>
        %parallel_loop3A_783 = arith.index_cast %parallel_loop3A_781 : i32 to index
        %parallel_loop3A_784 = arith.constant 0 : index
        %parallel_loop3A_785 = tpu.vector_load %arg6[%parallel_loop3A_783, %parallel_loop3A_784] {strides = array<i32>} : memref<128x64xf32, #tpu.memory_space<vmem>>, vector<16xf32>,
        %parallel_loop3A_786 = arith.constant 8.000000e+00 : f32
        %parallel_loop3A_787 = vector.broadcast %parallel_loop3A_786 : f32 to vector<16xf32>
        %parallel_loop3A_788 = arith.mulf %parallel_loop3A_785, %parallel_loop3A_787 : vector<16xf32>
        tpu.vector_store_idx %arg10[%select_n3A, %select_n3A_180, %parallel_loop3A_782], %parallel_loop3A_788 : memref<8x8x129xf32, #tpu.memory_space<vmem>>[vector<16xi32>, vector<16xi32>, vector<16xi32>], vector<16xf32>,
        %parallel_loop3A_789 = arith.index_cast %parallel_loop3A_781 : i32 to index
        %parallel_loop3A_790 = arith.constant 16 : index
        %parallel_loop3A_791 = tpu.vector_load %arg6[%parallel_loop3A_789, %parallel_loop3A_790] {strides = array<i32>} : memref<128x64xf32, #tpu.memory_space<vmem>>, vector<16xf32>,
        %parallel_loop3A_792 = arith.constant 8.000000e+00 : f32
        %parallel_loop3A_793 = vector.broadcast %parallel_loop3A_792 : f32 to vector<16xf32>
        %parallel_loop3A_794 = arith.mulf %parallel_loop3A_791, %parallel_loop3A_793 : vector<16xf32>
        tpu.vector_store_idx %arg10[%select_n3A_89, %select_n3A_205, %parallel_loop3A_782], %parallel_loop3A_794 : memref<8x8x129xf32, #tpu.memory_space<vmem>>[vector<16xi32>, vector<16xi32>, vector<16xi32>], vector<16xf32>,
        %parallel_loop3A_795 = arith.index_cast %parallel_loop3A_781 : i32 to index
        %parallel_loop3A_796 = arith.constant 32 : index
        %parallel_loop3A_797 = tpu.vector_load %arg6[%parallel_loop3A_795, %parallel_loop3A_796] {strides = array<i32>} : memref<128x64xf32, #tpu.memory_space<vmem>>, vector<16xf32>,
        %parallel_loop3A_798 = arith.constant 8.000000e+00 : f32
        %parallel_loop3A_799 = vector.broadcast %parallel_loop3A_798 : f32 to vector<16xf32>
        %parallel_loop3A_800 = arith.mulf %parallel_loop3A_797, %parallel_loop3A_799 : vector<16xf32>
        tpu.vector_store_idx %arg10[%select_n3A_123, %select_n3A_230, %parallel_loop3A_782], %parallel_loop3A_800 : memref<8x8x129xf32, #tpu.memory_space<vmem>>[vector<16xi32>, vector<16xi32>, vector<16xi32>], vector<16xf32>,
        %parallel_loop3A_801 = arith.index_cast %parallel_loop3A_781 : i32 to index
        %parallel_loop3A_802 = arith.constant 48 : index
        %parallel_loop3A_803 = tpu.vector_load %arg6[%parallel_loop3A_801, %parallel_loop3A_802] {strides = array<i32>} : memref<128x64xf32, #tpu.memory_space<vmem>>, vector<16xf32>,
        %parallel_loop3A_804 = arith.constant 8.000000e+00 : f32
        %parallel_loop3A_805 = vector.broadcast %parallel_loop3A_804 : f32 to vector<16xf32>
        %parallel_loop3A_806 = arith.mulf %parallel_loop3A_803, %parallel_loop3A_805 : vector<16xf32>
        tpu.vector_store_idx %arg10[%select_n3A_157, %select_n3A_255, %parallel_loop3A_782], %parallel_loop3A_806 : memref<8x8x129xf32, #tpu.memory_space<vmem>>[vector<16xi32>, vector<16xi32>, vector<16xi32>], vector<16xf32>,
      } {sc.loop_unroll_factor = 16 : i64, sc.parallel_access}
      %dma_start3A_423 = arith.constant 0 : i32
      %dma_start3A_424 = arith.constant 0 : i32
      %dma_start3A_425 = arith.constant 0 : i32
      %dma_start3A_426 = tpu.memref_slice %arg10[%dma_start3A_423, %dma_start3A_424, %dma_start3A_425] : memref<8x8x129xf32, #tpu.memory_space<vmem>> -> memref<8x8x128xf32, #tpu.memory_space<vmem>>
      %dma_start3A_427 = arith.constant 0 : i32
      %dma_start3A_428 = arith.constant 0 : i32
      %dma_start3A_429 = arith.constant 0 : i32
      %dma_start3A_430 = tpu.memref_slice %arg4[%select_n3A_371, %dma_start3A_427, %select_n3A_411, %dma_start3A_428, %dma_start3A_429] : memref<200x8x32x8x128xf32, #tpu.memory_space<hbm>> -> memref<1x8x1x8x128xf32, #tpu.memory_space<hbm>>
      %dma_start3A_431 = tpu.memref_squeeze %dma_start3A_430 : memref<1x8x1x8x128xf32, #tpu.memory_space<hbm>> -> memref<8x8x128xf32, #tpu.memory_space<hbm>>
      %dma_start3A_432 = arith.constant 0 : i32
      %dma_start3A_433 = arith.constant 0 : i32
      %dma_start3A_434 = arith.constant 0 : i32
      %dma_start3A_435 = tpu.memref_slice %arg4[%select_n3A_371, %dma_start3A_432, %select_n3A_411, %dma_start3A_433, %dma_start3A_434] : memref<200x8x32x8x128xf32, #tpu.memory_space<hbm>> -> memref<1x8x1x8x128xf32, #tpu.memory_space<hbm>>
      %dma_start3A_436 = tpu.memref_squeeze %dma_start3A_435 : memref<1x8x1x8x128xf32, #tpu.memory_space<hbm>> -> memref<8x8x128xf32, #tpu.memory_space<hbm>>
      %dma_start3A_437 = arith.constant 0 : i32
      %dma_start3A_438 = arith.constant 0 : i32
      %dma_start3A_439 = arith.constant 0 : i32
      %dma_start3A_440 = tpu.memref_slice %arg10[%dma_start3A_437, %dma_start3A_438, %dma_start3A_439] : memref<8x8x129xf32, #tpu.memory_space<vmem>> -> memref<8x8x128xf32, #tpu.memory_space<vmem>>
      tpu.enqueue_dma source(%dma_start3A_440 : memref<8x8x128xf32, #tpu.memory_space<vmem>>) target(%dma_start3A_436 : memref<8x8x128xf32, #tpu.memory_space<hbm>>) target_semaphore(%arg18 : memref<!tpu.dma_semaphore, #tpu.memory_space<semaphore_mem>>)
      %add3A_441 = arith.constant 4 : i32
      %add3A_442 = arith.addi %add3A_344, %add3A_441 : i32
      %lt3A_443 = arith.constant 200 : i32
      %lt3A_444 = arith.cmpi slt, %add3A_442, %lt3A_443 : i32
      %convert_element_type3A_445 = arith.extui %lt3A_444 : i1 to i32
      %cond3A_446 = arith.constant 0 : i32
      %cond3A_447 = arith.cmpi ne, %convert_element_type3A_445, %cond3A_446 : i32
      scf.if %cond3A_447 {
        %add3A_781 = arith.constant 4 : i32
        %add3A_782 = arith.addi %add3A_344, %add3A_781 : i32
        %dma_start3A_783 = arith.constant 0 : i32
        %dma_start3A_784 = tpu.memref_slice %arg5[%add3A_782, %dma_start3A_783] : memref<200x128xi32, #tpu.memory_space<vmem>> -> memref<1x128xi32, #tpu.memory_space<vmem>>
        %dma_start3A_785 = tpu.memref_squeeze %dma_start3A_784 : memref<1x128xi32, #tpu.memory_space<vmem>> -> memref<128xi32, #tpu.memory_space<vmem>>
        %dma_start3A_786 = arith.constant 0 : i32
        %dma_start3A_787 = arith.constant 0 : i32
        %dma_start3A_788 = tpu.memref_slice %arg2[%dma_start3A_786, %dma_start3A_787] : memref<2000000x64xf32, #tpu.memory_space<hbm>> -> memref<2000000x64xf32, #tpu.memory_space<hbm>>
        tpu.enqueue_indirect_dma source(%dma_start3A_788 : memref<2000000x64xf32, #tpu.memory_space<hbm>>) target(%arg6 : memref<128x64xf32, #tpu.memory_space<vmem>>) offsets(%dma_start3A_785 : memref<128xi32, #tpu.memory_space<vmem>>) semaphore(%arg14 : memref<!tpu.dma_semaphore, #tpu.memory_space<semaphore_mem>>)
      } else {
      }
      %mul3A_448 = arith.constant 4 : i32
      %mul3A_449 = arith.muli %scan3A_340, %mul3A_448 : i32
      %add3A_450 = arith.constant 1 : i32
      %add3A_451 = arith.addi %mul3A_449, %add3A_450 : i32
      %mul3A_452 = arith.constant 128 : i32
      %mul3A_453 = arith.muli %add3A_451, %mul3A_452 : i32
      %add3A_454 = arith.addi %mul3A_2, %mul3A_453 : i32
      %jit3A_455 = arith.constant 4096 : i32
      %div3A_456 = arith.divsi %add3A_454, %jit3A_455 : i32
      %sign3A_457 = arith.constant 0 : i32
      %sign3A_458 = arith.cmpi sgt, %add3A_454, %sign3A_457 : i32
      %sign3A_459 = arith.extui %sign3A_458 : i1 to i32
      %sign3A_460 = arith.constant 0 : i32
      %sign3A_461 = arith.cmpi slt, %add3A_454, %sign3A_460 : i32
      %sign3A_462 = arith.extui %sign3A_461 : i1 to i32
      %sign3A_463 = arith.subi %sign3A_459, %sign3A_462 : i32
      %sign3A_464 = arith.constant 0 : i32
      %sign3A_465 = arith.cmpi sgt, %jit3A_455, %sign3A_464 : i32
      %sign3A_466 = arith.extui %sign3A_465 : i1 to i32
      %sign3A_467 = arith.constant 0 : i32
      %sign3A_468 = arith.cmpi slt, %jit3A_455, %sign3A_467 : i32
      %sign3A_469 = arith.extui %sign3A_468 : i1 to i32
      %sign3A_470 = arith.subi %sign3A_466, %sign3A_469 : i32
      %ne3A_471 = arith.cmpi ne, %sign3A_463, %sign3A_470 : i32
      %rem3A_472 = arith.remsi %add3A_454, %jit3A_455 : i32
      %ne3A_473 = arith.constant 0 : i32
      %ne3A_474 = arith.cmpi ne, %rem3A_472, %ne3A_473 : i32
      %and3A_475 = arith.andi %ne3A_471, %ne3A_474 : i1
      %sub3A_476 = arith.constant 1 : i32
      %sub3A_477 = arith.subi %div3A_456, %sub3A_476 : i32
      %select_n3A_478 = arith.select %and3A_475, %sub3A_477, %div3A_456 : i32
      %jit3A_479 = arith.constant 4096 : i32
      %eq3A_480 = arith.constant 0 : i32
      %eq3A_481 = arith.cmpi eq, %jit3A_479, %eq3A_480 : i32
      %jit3A_482 = arith.constant 1 : i32
      %select_n3A_483 = arith.select %eq3A_481, %jit3A_482, %jit3A_479 : i32
      %rem3A_484 = arith.remsi %add3A_454, %select_n3A_483 : i32
      %ne3A_485 = arith.constant 0 : i32
      %ne3A_486 = arith.cmpi ne, %rem3A_484, %ne3A_485 : i32
      %lt3A_487 = arith.constant 0 : i32
      %lt3A_488 = arith.cmpi slt, %rem3A_484, %lt3A_487 : i32
      %lt3A_489 = arith.constant 0 : i32
      %lt3A_490 = arith.cmpi slt, %select_n3A_483, %lt3A_489 : i32
      %ne3A_491 = arith.xori %lt3A_488, %lt3A_490 : i1
      %and3A_492 = arith.andi %ne3A_491, %ne3A_486 : i1
      %add3A_493 = arith.addi %rem3A_484, %select_n3A_483 : i32
      %select_n3A_494 = arith.select %and3A_492, %add3A_493, %rem3A_484 : i32
      %jit3A_495 = arith.constant 128 : i32
      %div3A_496 = arith.divsi %select_n3A_494, %jit3A_495 : i32
      %sign3A_497 = arith.constant 0 : i32
      %sign3A_498 = arith.cmpi sgt, %select_n3A_494, %sign3A_497 : i32
      %sign3A_499 = arith.extui %sign3A_498 : i1 to i32
      %sign3A_500 = arith.constant 0 : i32
      %sign3A_501 = arith.cmpi slt, %select_n3A_494, %sign3A_500 : i32
      %sign3A_502 = arith.extui %sign3A_501 : i1 to i32
      %sign3A_503 = arith.subi %sign3A_499, %sign3A_502 : i32
      %sign3A_504 = arith.constant 0 : i32
      %sign3A_505 = arith.cmpi sgt, %jit3A_495, %sign3A_504 : i32
      %sign3A_506 = arith.extui %sign3A_505 : i1 to i32
      %sign3A_507 = arith.constant 0 : i32
      %sign3A_508 = arith.cmpi slt, %jit3A_495, %sign3A_507 : i32
      %sign3A_509 = arith.extui %sign3A_508 : i1 to i32
      %sign3A_510 = arith.subi %sign3A_506, %sign3A_509 : i32
      %ne3A_511 = arith.cmpi ne, %sign3A_503, %sign3A_510 : i32
      %rem3A_512 = arith.remsi %select_n3A_494, %jit3A_495 : i32
      %ne3A_513 = arith.constant 0 : i32
      %ne3A_514 = arith.cmpi ne, %rem3A_512, %ne3A_513 : i32
      %and3A_515 = arith.andi %ne3A_511, %ne3A_514 : i1
      %sub3A_516 = arith.constant 1 : i32
      %sub3A_517 = arith.subi %div3A_496, %sub3A_516 : i32
      %select_n3A_518 = arith.select %and3A_515, %sub3A_517, %div3A_496 : i32
      %dma_wait3A_519 = arith.constant 0 : i32
      %dma_wait3A_520 = arith.constant 0 : i32
      %dma_wait3A_521 = tpu.memref_slice %arg5[%dma_wait3A_519, %dma_wait3A_520] : memref<200x128xi32, #tpu.memory_space<vmem>> -> memref<1x128xi32, #tpu.memory_space<vmem>>
      %dma_wait3A_522 = tpu.memref_squeeze %dma_wait3A_521 : memref<1x128xi32, #tpu.memory_space<vmem>> -> memref<128xi32, #tpu.memory_space<vmem>>
      %dma_wait3A_523 = arith.constant 0 : i32
      %dma_wait3A_524 = arith.constant 0 : i32
      %dma_wait3A_525 = tpu.memref_slice %arg2[%dma_wait3A_523, %dma_wait3A_524] : memref<2000000x64xf32, #tpu.memory_space<hbm>> -> memref<2000000x64xf32, #tpu.memory_space<hbm>>
      tpu.wait_indirect_dma semaphore(%arg15 : memref<!tpu.dma_semaphore, #tpu.memory_space<semaphore_mem>>) src(%dma_wait3A_525 : memref<2000000x64xf32, #tpu.memory_space<hbm>>) dst(%arg7 : memref<128x64xf32, #tpu.memory_space<vmem>>)
      %gt3A_526 = arith.constant 0 : i32
      %gt3A_527 = arith.cmpi sgt, %scan3A_340, %gt3A_526 : i32
      %convert_element_type3A_528 = arith.extui %gt3A_527 : i1 to i32
      %cond3A_529 = arith.constant 0 : i32
      %cond3A_530 = arith.cmpi ne, %convert_element_type3A_528, %cond3A_529 : i32
      scf.if %cond3A_530 {
        %dma_wait3A_781 = arith.constant 0 : i32
        %dma_wait3A_782 = arith.constant 0 : i32
        %dma_wait3A_783 = arith.constant 0 : i32
        %dma_wait3A_784 = arith.constant 0 : i32
        %dma_wait3A_785 = arith.constant 0 : i32
        %dma_wait3A_786 = tpu.memref_slice %arg11[%dma_wait3A_783, %dma_wait3A_784, %dma_wait3A_785] : memref<8x8x129xf32, #tpu.memory_space<vmem>> -> memref<8x8x128xf32, #tpu.memory_space<vmem>>
        %dma_wait3A_787 = arith.constant 0 : i32
        %dma_wait3A_788 = arith.constant 0 : i32
        %dma_wait3A_789 = arith.constant 0 : i32
        %dma_wait3A_790 = tpu.memref_slice %arg4[%dma_wait3A_781, %dma_wait3A_787, %dma_wait3A_782, %dma_wait3A_788, %dma_wait3A_789] : memref<200x8x32x8x128xf32, #tpu.memory_space<hbm>> -> memref<1x8x1x8x128xf32, #tpu.memory_space<hbm>>
        %dma_wait3A_791 = tpu.memref_squeeze %dma_wait3A_790 : memref<1x8x1x8x128xf32, #tpu.memory_space<hbm>> -> memref<8x8x128xf32, #tpu.memory_space<hbm>>
        %dma_wait3A_792 = arith.constant 0 : i32
        %dma_wait3A_793 = arith.constant 0 : i32
        %dma_wait3A_794 = arith.constant 0 : i32
        %dma_wait3A_795 = tpu.memref_slice %arg4[%dma_wait3A_781, %dma_wait3A_792, %dma_wait3A_782, %dma_wait3A_793, %dma_wait3A_794] : memref<200x8x32x8x128xf32, #tpu.memory_space<hbm>> -> memref<1x8x1x8x128xf32, #tpu.memory_space<hbm>>
        %dma_wait3A_796 = tpu.memref_squeeze %dma_wait3A_795 : memref<1x8x1x8x128xf32, #tpu.memory_space<hbm>> -> memref<8x8x128xf32, #tpu.memory_space<hbm>>
        %dma_wait3A_797 = arith.constant 0 : i32
        %dma_wait3A_798 = arith.constant 0 : i32
        %dma_wait3A_799 = arith.constant 0 : i32
        %dma_wait3A_800 = tpu.memref_slice %arg11[%dma_wait3A_797, %dma_wait3A_798, %dma_wait3A_799] : memref<8x8x129xf32, #tpu.memory_space<vmem>> -> memref<8x8x128xf32, #tpu.memory_space<vmem>>
        tpu.wait_dma2 semaphore(%arg19 : memref<!tpu.dma_semaphore, #tpu.memory_space<semaphore_mem>>) src(%dma_wait3A_800 : memref<8x8x128xf32, #tpu.memory_space<vmem>>) dst(%dma_wait3A_796 : memref<8x8x128xf32, #tpu.memory_space<hbm>>)
      } else {
      }
      %parallel_loop3A_531 = arith.constant 0 : i32
      %parallel_loop3A_532 = arith.constant 128 : i32
      %parallel_loop3A_533 = arith.constant 1 : i32
      scf.for %parallel_loop3A_781 = %parallel_loop3A_531 to %parallel_loop3A_532 step %parallel_loop3A_533  : i32 {
        %parallel_loop3A_782 = vector.broadcast %parallel_loop3A_781 : i32 to vector<16xi32>
        %parallel_loop3A_783 = arith.index_cast %parallel_loop3A_781 : i32 to index
        %parallel_loop3A_784 = arith.constant 0 : index
        %parallel_loop3A_785 = tpu.vector_load %arg7[%parallel_loop3A_783, %parallel_loop3A_784] {strides = array<i32>} : memref<128x64xf32, #tpu.memory_space<vmem>>, vector<16xf32>,
        %parallel_loop3A_786 = arith.constant 8.000000e+00 : f32
        %parallel_loop3A_787 = vector.broadcast %parallel_loop3A_786 : f32 to vector<16xf32>
        %parallel_loop3A_788 = arith.mulf %parallel_loop3A_785, %parallel_loop3A_787 : vector<16xf32>
        tpu.vector_store_idx %arg11[%select_n3A, %select_n3A_180, %parallel_loop3A_782], %parallel_loop3A_788 : memref<8x8x129xf32, #tpu.memory_space<vmem>>[vector<16xi32>, vector<16xi32>, vector<16xi32>], vector<16xf32>,
        %parallel_loop3A_789 = arith.index_cast %parallel_loop3A_781 : i32 to index
        %parallel_loop3A_790 = arith.constant 16 : index
        %parallel_loop3A_791 = tpu.vector_load %arg7[%parallel_loop3A_789, %parallel_loop3A_790] {strides = array<i32>} : memref<128x64xf32, #tpu.memory_space<vmem>>, vector<16xf32>,
        %parallel_loop3A_792 = arith.constant 8.000000e+00 : f32
        %parallel_loop3A_793 = vector.broadcast %parallel_loop3A_792 : f32 to vector<16xf32>
        %parallel_loop3A_794 = arith.mulf %parallel_loop3A_791, %parallel_loop3A_793 : vector<16xf32>
        tpu.vector_store_idx %arg11[%select_n3A_89, %select_n3A_205, %parallel_loop3A_782], %parallel_loop3A_794 : memref<8x8x129xf32, #tpu.memory_space<vmem>>[vector<16xi32>, vector<16xi32>, vector<16xi32>], vector<16xf32>,
        %parallel_loop3A_795 = arith.index_cast %parallel_loop3A_781 : i32 to index
        %parallel_loop3A_796 = arith.constant 32 : index
        %parallel_loop3A_797 = tpu.vector_load %arg7[%parallel_loop3A_795, %parallel_loop3A_796] {strides = array<i32>} : memref<128x64xf32, #tpu.memory_space<vmem>>, vector<16xf32>,
        %parallel_loop3A_798 = arith.constant 8.000000e+00 : f32
        %parallel_loop3A_799 = vector.broadcast %parallel_loop3A_798 : f32 to vector<16xf32>
        %parallel_loop3A_800 = arith.mulf %parallel_loop3A_797, %parallel_loop3A_799 : vector<16xf32>
        tpu.vector_store_idx %arg11[%select_n3A_123, %select_n3A_230, %parallel_loop3A_782], %parallel_loop3A_800 : memref<8x8x129xf32, #tpu.memory_space<vmem>>[vector<16xi32>, vector<16xi32>, vector<16xi32>], vector<16xf32>,
        %parallel_loop3A_801 = arith.index_cast %parallel_loop3A_781 : i32 to index
        %parallel_loop3A_802 = arith.constant 48 : index
        %parallel_loop3A_803 = tpu.vector_load %arg7[%parallel_loop3A_801, %parallel_loop3A_802] {strides = array<i32>} : memref<128x64xf32, #tpu.memory_space<vmem>>, vector<16xf32>,
        %parallel_loop3A_804 = arith.constant 8.000000e+00 : f32
        %parallel_loop3A_805 = vector.broadcast %parallel_loop3A_804 : f32 to vector<16xf32>
        %parallel_loop3A_806 = arith.mulf %parallel_loop3A_803, %parallel_loop3A_805 : vector<16xf32>
        tpu.vector_store_idx %arg11[%select_n3A_157, %select_n3A_255, %parallel_loop3A_782], %parallel_loop3A_806 : memref<8x8x129xf32, #tpu.memory_space<vmem>>[vector<16xi32>, vector<16xi32>, vector<16xi32>], vector<16xf32>,
      } {sc.loop_unroll_factor = 16 : i64, sc.parallel_access}
      %dma_start3A_534 = arith.constant 0 : i32
      %dma_start3A_535 = arith.constant 0 : i32
      %dma_start3A_536 = arith.constant 0 : i32
      %dma_start3A_537 = tpu.memref_slice %arg11[%dma_start3A_534, %dma_start3A_535, %dma_start3A_536] : memref<8x8x129xf32, #tpu.memory_space<vmem>> -> memref<8x8x128xf32, #tpu.memory_space<vmem>>
      %dma_start3A_538 = arith.constant 0 : i32
      %dma_start3A_539 = arith.constant 0 : i32
      %dma_start3A_540 = arith.constant 0 : i32
      %dma_start3A_541 = tpu.memref_slice %arg4[%select_n3A_478, %dma_start3A_538, %select_n3A_518, %dma_start3A_539, %dma_start3A_540] : memref<200x8x32x8x128xf32, #tpu.memory_space<hbm>> -> memref<1x8x1x8x128xf32, #tpu.memory_space<hbm>>
      %dma_start3A_542 = tpu.memref_squeeze %dma_start3A_541 : memref<1x8x1x8x128xf32, #tpu.memory_space<hbm>> -> memref<8x8x128xf32, #tpu.memory_space<hbm>>
      %dma_start3A_543 = arith.constant 0 : i32
      %dma_start3A_544 = arith.constant 0 : i32
      %dma_start3A_545 = arith.constant 0 : i32
      %dma_start3A_546 = tpu.memref_slice %arg4[%select_n3A_478, %dma_start3A_543, %select_n3A_518, %dma_start3A_544, %dma_start3A_545] : memref<200x8x32x8x128xf32, #tpu.memory_space<hbm>> -> memref<1x8x1x8x128xf32, #tpu.memory_space<hbm>>
      %dma_start3A_547 = tpu.memref_squeeze %dma_start3A_546 : memref<1x8x1x8x128xf32, #tpu.memory_space<hbm>> -> memref<8x8x128xf32, #tpu.memory_space<hbm>>
      %dma_start3A_548 = arith.constant 0 : i32
      %dma_start3A_549 = arith.constant 0 : i32
      %dma_start3A_550 = arith.constant 0 : i32
      %dma_start3A_551 = tpu.memref_slice %arg11[%dma_start3A_548, %dma_start3A_549, %dma_start3A_550] : memref<8x8x129xf32, #tpu.memory_space<vmem>> -> memref<8x8x128xf32, #tpu.memory_space<vmem>>
      tpu.enqueue_dma source(%dma_start3A_551 : memref<8x8x128xf32, #tpu.memory_space<vmem>>) target(%dma_start3A_547 : memref<8x8x128xf32, #tpu.memory_space<hbm>>) target_semaphore(%arg19 : memref<!tpu.dma_semaphore, #tpu.memory_space<semaphore_mem>>)
      %add3A_552 = arith.constant 4 : i32
      %add3A_553 = arith.addi %add3A_451, %add3A_552 : i32
      %lt3A_554 = arith.constant 200 : i32
      %lt3A_555 = arith.cmpi slt, %add3A_553, %lt3A_554 : i32
      %convert_element_type3A_556 = arith.extui %lt3A_555 : i1 to i32
      %cond3A_557 = arith.constant 0 : i32
      %cond3A_558 = arith.cmpi ne, %convert_element_type3A_556, %cond3A_557 : i32
      scf.if %cond3A_558 {
        %add3A_781 = arith.constant 4 : i32
        %add3A_782 = arith.addi %add3A_451, %add3A_781 : i32
        %dma_start3A_783 = arith.constant 0 : i32
        %dma_start3A_784 = tpu.memref_slice %arg5[%add3A_782, %dma_start3A_783] : memref<200x128xi32, #tpu.memory_space<vmem>> -> memref<1x128xi32, #tpu.memory_space<vmem>>
        %dma_start3A_785 = tpu.memref_squeeze %dma_start3A_784 : memref<1x128xi32, #tpu.memory_space<vmem>> -> memref<128xi32, #tpu.memory_space<vmem>>
        %dma_start3A_786 = arith.constant 0 : i32
        %dma_start3A_787 = arith.constant 0 : i32
        %dma_start3A_788 = tpu.memref_slice %arg2[%dma_start3A_786, %dma_start3A_787] : memref<2000000x64xf32, #tpu.memory_space<hbm>> -> memref<2000000x64xf32, #tpu.memory_space<hbm>>
        tpu.enqueue_indirect_dma source(%dma_start3A_788 : memref<2000000x64xf32, #tpu.memory_space<hbm>>) target(%arg7 : memref<128x64xf32, #tpu.memory_space<vmem>>) offsets(%dma_start3A_785 : memref<128xi32, #tpu.memory_space<vmem>>) semaphore(%arg15 : memref<!tpu.dma_semaphore, #tpu.memory_space<semaphore_mem>>)
      } else {
      }
      %mul3A_559 = arith.constant 4 : i32
      %mul3A_560 = arith.muli %scan3A_340, %mul3A_559 : i32
      %add3A_561 = arith.constant 2 : i32
      %add3A_562 = arith.addi %mul3A_560, %add3A_561 : i32
      %mul3A_563 = arith.constant 128 : i32
      %mul3A_564 = arith.muli %add3A_562, %mul3A_563 : i32
      %add3A_565 = arith.addi %mul3A_2, %mul3A_564 : i32
      %jit3A_566 = arith.constant 4096 : i32
      %div3A_567 = arith.divsi %add3A_565, %jit3A_566 : i32
      %sign3A_568 = arith.constant 0 : i32
      %sign3A_569 = arith.cmpi sgt, %add3A_565, %sign3A_568 : i32
      %sign3A_570 = arith.extui %sign3A_569 : i1 to i32
      %sign3A_571 = arith.constant 0 : i32
      %sign3A_572 = arith.cmpi slt, %add3A_565, %sign3A_571 : i32
      %sign3A_573 = arith.extui %sign3A_572 : i1 to i32
      %sign3A_574 = arith.subi %sign3A_570, %sign3A_573 : i32
      %sign3A_575 = arith.constant 0 : i32
      %sign3A_576 = arith.cmpi sgt, %jit3A_566, %sign3A_575 : i32
      %sign3A_577 = arith.extui %sign3A_576 : i1 to i32
      %sign3A_578 = arith.constant 0 : i32
      %sign3A_579 = arith.cmpi slt, %jit3A_566, %sign3A_578 : i32
      %sign3A_580 = arith.extui %sign3A_579 : i1 to i32
      %sign3A_581 = arith.subi %sign3A_577, %sign3A_580 : i32
      %ne3A_582 = arith.cmpi ne, %sign3A_574, %sign3A_581 : i32
      %rem3A_583 = arith.remsi %add3A_565, %jit3A_566 : i32
      %ne3A_584 = arith.constant 0 : i32
      %ne3A_585 = arith.cmpi ne, %rem3A_583, %ne3A_584 : i32
      %and3A_586 = arith.andi %ne3A_582, %ne3A_585 : i1
      %sub3A_587 = arith.constant 1 : i32
      %sub3A_588 = arith.subi %div3A_567, %sub3A_587 : i32
      %select_n3A_589 = arith.select %and3A_586, %sub3A_588, %div3A_567 : i32
      %jit3A_590 = arith.constant 4096 : i32
      %eq3A_591 = arith.constant 0 : i32
      %eq3A_592 = arith.cmpi eq, %jit3A_590, %eq3A_591 : i32
      %jit3A_593 = arith.constant 1 : i32
      %select_n3A_594 = arith.select %eq3A_592, %jit3A_593, %jit3A_590 : i32
      %rem3A_595 = arith.remsi %add3A_565, %select_n3A_594 : i32
      %ne3A_596 = arith.constant 0 : i32
      %ne3A_597 = arith.cmpi ne, %rem3A_595, %ne3A_596 : i32
      %lt3A_598 = arith.constant 0 : i32
      %lt3A_599 = arith.cmpi slt, %rem3A_595, %lt3A_598 : i32
      %lt3A_600 = arith.constant 0 : i32
      %lt3A_601 = arith.cmpi slt, %select_n3A_594, %lt3A_600 : i32
      %ne3A_602 = arith.xori %lt3A_599, %lt3A_601 : i1
      %and3A_603 = arith.andi %ne3A_602, %ne3A_597 : i1
      %add3A_604 = arith.addi %rem3A_595, %select_n3A_594 : i32
      %select_n3A_605 = arith.select %and3A_603, %add3A_604, %rem3A_595 : i32
      %jit3A_606 = arith.constant 128 : i32
      %div3A_607 = arith.divsi %select_n3A_605, %jit3A_606 : i32
      %sign3A_608 = arith.constant 0 : i32
      %sign3A_609 = arith.cmpi sgt, %select_n3A_605, %sign3A_608 : i32
      %sign3A_610 = arith.extui %sign3A_609 : i1 to i32
      %sign3A_611 = arith.constant 0 : i32
      %sign3A_612 = arith.cmpi slt, %select_n3A_605, %sign3A_611 : i32
      %sign3A_613 = arith.extui %sign3A_612 : i1 to i32
      %sign3A_614 = arith.subi %sign3A_610, %sign3A_613 : i32
      %sign3A_615 = arith.constant 0 : i32
      %sign3A_616 = arith.cmpi sgt, %jit3A_606, %sign3A_615 : i32
      %sign3A_617 = arith.extui %sign3A_616 : i1 to i32
      %sign3A_618 = arith.constant 0 : i32
      %sign3A_619 = arith.cmpi slt, %jit3A_606, %sign3A_618 : i32
      %sign3A_620 = arith.extui %sign3A_619 : i1 to i32
      %sign3A_621 = arith.subi %sign3A_617, %sign3A_620 : i32
      %ne3A_622 = arith.cmpi ne, %sign3A_614, %sign3A_621 : i32
      %rem3A_623 = arith.remsi %select_n3A_605, %jit3A_606 : i32
      %ne3A_624 = arith.constant 0 : i32
      %ne3A_625 = arith.cmpi ne, %rem3A_623, %ne3A_624 : i32
      %and3A_626 = arith.andi %ne3A_622, %ne3A_625 : i1
      %sub3A_627 = arith.constant 1 : i32
      %sub3A_628 = arith.subi %div3A_607, %sub3A_627 : i32
      %select_n3A_629 = arith.select %and3A_626, %sub3A_628, %div3A_607 : i32
      %dma_wait3A_630 = arith.constant 0 : i32
      %dma_wait3A_631 = arith.constant 0 : i32
      %dma_wait3A_632 = tpu.memref_slice %arg5[%dma_wait3A_630, %dma_wait3A_631] : memref<200x128xi32, #tpu.memory_space<vmem>> -> memref<1x128xi32, #tpu.memory_space<vmem>>
      %dma_wait3A_633 = tpu.memref_squeeze %dma_wait3A_632 : memref<1x128xi32, #tpu.memory_space<vmem>> -> memref<128xi32, #tpu.memory_space<vmem>>
      %dma_wait3A_634 = arith.constant 0 : i32
      %dma_wait3A_635 = arith.constant 0 : i32
      %dma_wait3A_636 = tpu.memref_slice %arg2[%dma_wait3A_634, %dma_wait3A_635] : memref<2000000x64xf32, #tpu.memory_space<hbm>> -> memref<2000000x64xf32, #tpu.memory_space<hbm>>
      tpu.wait_indirect_dma semaphore(%arg16 : memref<!tpu.dma_semaphore, #tpu.memory_space<semaphore_mem>>) src(%dma_wait3A_636 : memref<2000000x64xf32, #tpu.memory_space<hbm>>) dst(%arg8 : memref<128x64xf32, #tpu.memory_space<vmem>>)
      %gt3A_637 = arith.constant 0 : i32
      %gt3A_638 = arith.cmpi sgt, %scan3A_340, %gt3A_637 : i32
      %convert_element_type3A_639 = arith.extui %gt3A_638 : i1 to i32
      %cond3A_640 = arith.constant 0 : i32
      %cond3A_641 = arith.cmpi ne, %convert_element_type3A_639, %cond3A_640 : i32
      scf.if %cond3A_641 {
        %dma_wait3A_781 = arith.constant 0 : i32
        %dma_wait3A_782 = arith.constant 0 : i32
        %dma_wait3A_783 = arith.constant 0 : i32
        %dma_wait3A_784 = arith.constant 0 : i32
        %dma_wait3A_785 = arith.constant 0 : i32
        %dma_wait3A_786 = tpu.memref_slice %arg12[%dma_wait3A_783, %dma_wait3A_784, %dma_wait3A_785] : memref<8x8x129xf32, #tpu.memory_space<vmem>> -> memref<8x8x128xf32, #tpu.memory_space<vmem>>
        %dma_wait3A_787 = arith.constant 0 : i32
        %dma_wait3A_788 = arith.constant 0 : i32
        %dma_wait3A_789 = arith.constant 0 : i32
        %dma_wait3A_790 = tpu.memref_slice %arg4[%dma_wait3A_781, %dma_wait3A_787, %dma_wait3A_782, %dma_wait3A_788, %dma_wait3A_789] : memref<200x8x32x8x128xf32, #tpu.memory_space<hbm>> -> memref<1x8x1x8x128xf32, #tpu.memory_space<hbm>>
        %dma_wait3A_791 = tpu.memref_squeeze %dma_wait3A_790 : memref<1x8x1x8x128xf32, #tpu.memory_space<hbm>> -> memref<8x8x128xf32, #tpu.memory_space<hbm>>
        %dma_wait3A_792 = arith.constant 0 : i32
        %dma_wait3A_793 = arith.constant 0 : i32
        %dma_wait3A_794 = arith.constant 0 : i32
        %dma_wait3A_795 = tpu.memref_slice %arg4[%dma_wait3A_781, %dma_wait3A_792, %dma_wait3A_782, %dma_wait3A_793, %dma_wait3A_794] : memref<200x8x32x8x128xf32, #tpu.memory_space<hbm>> -> memref<1x8x1x8x128xf32, #tpu.memory_space<hbm>>
        %dma_wait3A_796 = tpu.memref_squeeze %dma_wait3A_795 : memref<1x8x1x8x128xf32, #tpu.memory_space<hbm>> -> memref<8x8x128xf32, #tpu.memory_space<hbm>>
        %dma_wait3A_797 = arith.constant 0 : i32
        %dma_wait3A_798 = arith.constant 0 : i32
        %dma_wait3A_799 = arith.constant 0 : i32
        %dma_wait3A_800 = tpu.memref_slice %arg12[%dma_wait3A_797, %dma_wait3A_798, %dma_wait3A_799] : memref<8x8x129xf32, #tpu.memory_space<vmem>> -> memref<8x8x128xf32, #tpu.memory_space<vmem>>
        tpu.wait_dma2 semaphore(%arg20 : memref<!tpu.dma_semaphore, #tpu.memory_space<semaphore_mem>>) src(%dma_wait3A_800 : memref<8x8x128xf32, #tpu.memory_space<vmem>>) dst(%dma_wait3A_796 : memref<8x8x128xf32, #tpu.memory_space<hbm>>)
      } else {
      }
      %parallel_loop3A_642 = arith.constant 0 : i32
      %parallel_loop3A_643 = arith.constant 128 : i32
      %parallel_loop3A_644 = arith.constant 1 : i32
      scf.for %parallel_loop3A_781 = %parallel_loop3A_642 to %parallel_loop3A_643 step %parallel_loop3A_644  : i32 {
        %parallel_loop3A_782 = vector.broadcast %parallel_loop3A_781 : i32 to vector<16xi32>
        %parallel_loop3A_783 = arith.index_cast %parallel_loop3A_781 : i32 to index
        %parallel_loop3A_784 = arith.constant 0 : index
        %parallel_loop3A_785 = tpu.vector_load %arg8[%parallel_loop3A_783, %parallel_loop3A_784] {strides = array<i32>} : memref<128x64xf32, #tpu.memory_space<vmem>>, vector<16xf32>,
        %parallel_loop3A_786 = arith.constant 8.000000e+00 : f32
        %parallel_loop3A_787 = vector.broadcast %parallel_loop3A_786 : f32 to vector<16xf32>
        %parallel_loop3A_788 = arith.mulf %parallel_loop3A_785, %parallel_loop3A_787 : vector<16xf32>
        tpu.vector_store_idx %arg12[%select_n3A, %select_n3A_180, %parallel_loop3A_782], %parallel_loop3A_788 : memref<8x8x129xf32, #tpu.memory_space<vmem>>[vector<16xi32>, vector<16xi32>, vector<16xi32>], vector<16xf32>,
        %parallel_loop3A_789 = arith.index_cast %parallel_loop3A_781 : i32 to index
        %parallel_loop3A_790 = arith.constant 16 : index
        %parallel_loop3A_791 = tpu.vector_load %arg8[%parallel_loop3A_789, %parallel_loop3A_790] {strides = array<i32>} : memref<128x64xf32, #tpu.memory_space<vmem>>, vector<16xf32>,
        %parallel_loop3A_792 = arith.constant 8.000000e+00 : f32
        %parallel_loop3A_793 = vector.broadcast %parallel_loop3A_792 : f32 to vector<16xf32>
        %parallel_loop3A_794 = arith.mulf %parallel_loop3A_791, %parallel_loop3A_793 : vector<16xf32>
        tpu.vector_store_idx %arg12[%select_n3A_89, %select_n3A_205, %parallel_loop3A_782], %parallel_loop3A_794 : memref<8x8x129xf32, #tpu.memory_space<vmem>>[vector<16xi32>, vector<16xi32>, vector<16xi32>], vector<16xf32>,
        %parallel_loop3A_795 = arith.index_cast %parallel_loop3A_781 : i32 to index
        %parallel_loop3A_796 = arith.constant 32 : index
        %parallel_loop3A_797 = tpu.vector_load %arg8[%parallel_loop3A_795, %parallel_loop3A_796] {strides = array<i32>} : memref<128x64xf32, #tpu.memory_space<vmem>>, vector<16xf32>,
        %parallel_loop3A_798 = arith.constant 8.000000e+00 : f32
        %parallel_loop3A_799 = vector.broadcast %parallel_loop3A_798 : f32 to vector<16xf32>
        %parallel_loop3A_800 = arith.mulf %parallel_loop3A_797, %parallel_loop3A_799 : vector<16xf32>
        tpu.vector_store_idx %arg12[%select_n3A_123, %select_n3A_230, %parallel_loop3A_782], %parallel_loop3A_800 : memref<8x8x129xf32, #tpu.memory_space<vmem>>[vector<16xi32>, vector<16xi32>, vector<16xi32>], vector<16xf32>,
        %parallel_loop3A_801 = arith.index_cast %parallel_loop3A_781 : i32 to index
        %parallel_loop3A_802 = arith.constant 48 : index
        %parallel_loop3A_803 = tpu.vector_load %arg8[%parallel_loop3A_801, %parallel_loop3A_802] {strides = array<i32>} : memref<128x64xf32, #tpu.memory_space<vmem>>, vector<16xf32>,
        %parallel_loop3A_804 = arith.constant 8.000000e+00 : f32
        %parallel_loop3A_805 = vector.broadcast %parallel_loop3A_804 : f32 to vector<16xf32>
        %parallel_loop3A_806 = arith.mulf %parallel_loop3A_803, %parallel_loop3A_805 : vector<16xf32>
        tpu.vector_store_idx %arg12[%select_n3A_157, %select_n3A_255, %parallel_loop3A_782], %parallel_loop3A_806 : memref<8x8x129xf32, #tpu.memory_space<vmem>>[vector<16xi32>, vector<16xi32>, vector<16xi32>], vector<16xf32>,
      } {sc.loop_unroll_factor = 16 : i64, sc.parallel_access}
      %dma_start3A_645 = arith.constant 0 : i32
      %dma_start3A_646 = arith.constant 0 : i32
      %dma_start3A_647 = arith.constant 0 : i32
      %dma_start3A_648 = tpu.memref_slice %arg12[%dma_start3A_645, %dma_start3A_646, %dma_start3A_647] : memref<8x8x129xf32, #tpu.memory_space<vmem>> -> memref<8x8x128xf32, #tpu.memory_space<vmem>>
      %dma_start3A_649 = arith.constant 0 : i32
      %dma_start3A_650 = arith.constant 0 : i32
      %dma_start3A_651 = arith.constant 0 : i32
      %dma_start3A_652 = tpu.memref_slice %arg4[%select_n3A_589, %dma_start3A_649, %select_n3A_629, %dma_start3A_650, %dma_start3A_651] : memref<200x8x32x8x128xf32, #tpu.memory_space<hbm>> -> memref<1x8x1x8x128xf32, #tpu.memory_space<hbm>>
      %dma_start3A_653 = tpu.memref_squeeze %dma_start3A_652 : memref<1x8x1x8x128xf32, #tpu.memory_space<hbm>> -> memref<8x8x128xf32, #tpu.memory_space<hbm>>
      %dma_start3A_654 = arith.constant 0 : i32
      %dma_start3A_655 = arith.constant 0 : i32
      %dma_start3A_656 = arith.constant 0 : i32
      %dma_start3A_657 = tpu.memref_slice %arg4[%select_n3A_589, %dma_start3A_654, %select_n3A_629, %dma_start3A_655, %dma_start3A_656] : memref<200x8x32x8x128xf32, #tpu.memory_space<hbm>> -> memref<1x8x1x8x128xf32, #tpu.memory_space<hbm>>
      %dma_start3A_658 = tpu.memref_squeeze %dma_start3A_657 : memref<1x8x1x8x128xf32, #tpu.memory_space<hbm>> -> memref<8x8x128xf32, #tpu.memory_space<hbm>>
      %dma_start3A_659 = arith.constant 0 : i32
      %dma_start3A_660 = arith.constant 0 : i32
      %dma_start3A_661 = arith.constant 0 : i32
      %dma_start3A_662 = tpu.memref_slice %arg12[%dma_start3A_659, %dma_start3A_660, %dma_start3A_661] : memref<8x8x129xf32, #tpu.memory_space<vmem>> -> memref<8x8x128xf32, #tpu.memory_space<vmem>>
      tpu.enqueue_dma source(%dma_start3A_662 : memref<8x8x128xf32, #tpu.memory_space<vmem>>) target(%dma_start3A_658 : memref<8x8x128xf32, #tpu.memory_space<hbm>>) target_semaphore(%arg20 : memref<!tpu.dma_semaphore, #tpu.memory_space<semaphore_mem>>)
      %add3A_663 = arith.constant 4 : i32
      %add3A_664 = arith.addi %add3A_562, %add3A_663 : i32
      %lt3A_665 = arith.constant 200 : i32
      %lt3A_666 = arith.cmpi slt, %add3A_664, %lt3A_665 : i32
      %convert_element_type3A_667 = arith.extui %lt3A_666 : i1 to i32
      %cond3A_668 = arith.constant 0 : i32
      %cond3A_669 = arith.cmpi ne, %convert_element_type3A_667, %cond3A_668 : i32
      scf.if %cond3A_669 {
        %add3A_781 = arith.constant 4 : i32
        %add3A_782 = arith.addi %add3A_562, %add3A_781 : i32
        %dma_start3A_783 = arith.constant 0 : i32
        %dma_start3A_784 = tpu.memref_slice %arg5[%add3A_782, %dma_start3A_783] : memref<200x128xi32, #tpu.memory_space<vmem>> -> memref<1x128xi32, #tpu.memory_space<vmem>>
        %dma_start3A_785 = tpu.memref_squeeze %dma_start3A_784 : memref<1x128xi32, #tpu.memory_space<vmem>> -> memref<128xi32, #tpu.memory_space<vmem>>
        %dma_start3A_786 = arith.constant 0 : i32
        %dma_start3A_787 = arith.constant 0 : i32
        %dma_start3A_788 = tpu.memref_slice %arg2[%dma_start3A_786, %dma_start3A_787] : memref<2000000x64xf32, #tpu.memory_space<hbm>> -> memref<2000000x64xf32, #tpu.memory_space<hbm>>
        tpu.enqueue_indirect_dma source(%dma_start3A_788 : memref<2000000x64xf32, #tpu.memory_space<hbm>>) target(%arg8 : memref<128x64xf32, #tpu.memory_space<vmem>>) offsets(%dma_start3A_785 : memref<128xi32, #tpu.memory_space<vmem>>) semaphore(%arg16 : memref<!tpu.dma_semaphore, #tpu.memory_space<semaphore_mem>>)
      } else {
      }
      %mul3A_670 = arith.constant 4 : i32
      %mul3A_671 = arith.muli %scan3A_340, %mul3A_670 : i32
      %add3A_672 = arith.constant 3 : i32
      %add3A_673 = arith.addi %mul3A_671, %add3A_672 : i32
      %mul3A_674 = arith.constant 128 : i32
      %mul3A_675 = arith.muli %add3A_673, %mul3A_674 : i32
      %add3A_676 = arith.addi %mul3A_2, %mul3A_675 : i32
      %jit3A_677 = arith.constant 4096 : i32
      %div3A_678 = arith.divsi %add3A_676, %jit3A_677 : i32
      %sign3A_679 = arith.constant 0 : i32
      %sign3A_680 = arith.cmpi sgt, %add3A_676, %sign3A_679 : i32
      %sign3A_681 = arith.extui %sign3A_680 : i1 to i32
      %sign3A_682 = arith.constant 0 : i32
      %sign3A_683 = arith.cmpi slt, %add3A_676, %sign3A_682 : i32
      %sign3A_684 = arith.extui %sign3A_683 : i1 to i32
      %sign3A_685 = arith.subi %sign3A_681, %sign3A_684 : i32
      %sign3A_686 = arith.constant 0 : i32
      %sign3A_687 = arith.cmpi sgt, %jit3A_677, %sign3A_686 : i32
      %sign3A_688 = arith.extui %sign3A_687 : i1 to i32
      %sign3A_689 = arith.constant 0 : i32
      %sign3A_690 = arith.cmpi slt, %jit3A_677, %sign3A_689 : i32
      %sign3A_691 = arith.extui %sign3A_690 : i1 to i32
      %sign3A_692 = arith.subi %sign3A_688, %sign3A_691 : i32
      %ne3A_693 = arith.cmpi ne, %sign3A_685, %sign3A_692 : i32
      %rem3A_694 = arith.remsi %add3A_676, %jit3A_677 : i32
      %ne3A_695 = arith.constant 0 : i32
      %ne3A_696 = arith.cmpi ne, %rem3A_694, %ne3A_695 : i32
      %and3A_697 = arith.andi %ne3A_693, %ne3A_696 : i1
      %sub3A_698 = arith.constant 1 : i32
      %sub3A_699 = arith.subi %div3A_678, %sub3A_698 : i32
      %select_n3A_700 = arith.select %and3A_697, %sub3A_699, %div3A_678 : i32
      %jit3A_701 = arith.constant 4096 : i32
      %eq3A_702 = arith.constant 0 : i32
      %eq3A_703 = arith.cmpi eq, %jit3A_701, %eq3A_702 : i32
      %jit3A_704 = arith.constant 1 : i32
      %select_n3A_705 = arith.select %eq3A_703, %jit3A_704, %jit3A_701 : i32
      %rem3A_706 = arith.remsi %add3A_676, %select_n3A_705 : i32
      %ne3A_707 = arith.constant 0 : i32
      %ne3A_708 = arith.cmpi ne, %rem3A_706, %ne3A_707 : i32
      %lt3A_709 = arith.constant 0 : i32
      %lt3A_710 = arith.cmpi slt, %rem3A_706, %lt3A_709 : i32
      %lt3A_711 = arith.constant 0 : i32
      %lt3A_712 = arith.cmpi slt, %select_n3A_705, %lt3A_711 : i32
      %ne3A_713 = arith.xori %lt3A_710, %lt3A_712 : i1
      %and3A_714 = arith.andi %ne3A_713, %ne3A_708 : i1
      %add3A_715 = arith.addi %rem3A_706, %select_n3A_705 : i32
      %select_n3A_716 = arith.select %and3A_714, %add3A_715, %rem3A_706 : i32
      %jit3A_717 = arith.constant 128 : i32
      %div3A_718 = arith.divsi %select_n3A_716, %jit3A_717 : i32
      %sign3A_719 = arith.constant 0 : i32
      %sign3A_720 = arith.cmpi sgt, %select_n3A_716, %sign3A_719 : i32
      %sign3A_721 = arith.extui %sign3A_720 : i1 to i32
      %sign3A_722 = arith.constant 0 : i32
      %sign3A_723 = arith.cmpi slt, %select_n3A_716, %sign3A_722 : i32
      %sign3A_724 = arith.extui %sign3A_723 : i1 to i32
      %sign3A_725 = arith.subi %sign3A_721, %sign3A_724 : i32
      %sign3A_726 = arith.constant 0 : i32
      %sign3A_727 = arith.cmpi sgt, %jit3A_717, %sign3A_726 : i32
      %sign3A_728 = arith.extui %sign3A_727 : i1 to i32
      %sign3A_729 = arith.constant 0 : i32
      %sign3A_730 = arith.cmpi slt, %jit3A_717, %sign3A_729 : i32
      %sign3A_731 = arith.extui %sign3A_730 : i1 to i32
      %sign3A_732 = arith.subi %sign3A_728, %sign3A_731 : i32
      %ne3A_733 = arith.cmpi ne, %sign3A_725, %sign3A_732 : i32
      %rem3A_734 = arith.remsi %select_n3A_716, %jit3A_717 : i32
      %ne3A_735 = arith.constant 0 : i32
      %ne3A_736 = arith.cmpi ne, %rem3A_734, %ne3A_735 : i32
      %and3A_737 = arith.andi %ne3A_733, %ne3A_736 : i1
      %sub3A_738 = arith.constant 1 : i32
      %sub3A_739 = arith.subi %div3A_718, %sub3A_738 : i32
      %select_n3A_740 = arith.select %and3A_737, %sub3A_739, %div3A_718 : i32
      %dma_wait3A_741 = arith.constant 0 : i32
      %dma_wait3A_742 = arith.constant 0 : i32
      %dma_wait3A_743 = tpu.memref_slice %arg5[%dma_wait3A_741, %dma_wait3A_742] : memref<200x128xi32, #tpu.memory_space<vmem>> -> memref<1x128xi32, #tpu.memory_space<vmem>>
      %dma_wait3A_744 = tpu.memref_squeeze %dma_wait3A_743 : memref<1x128xi32, #tpu.memory_space<vmem>> -> memref<128xi32, #tpu.memory_space<vmem>>
      %dma_wait3A_745 = arith.constant 0 : i32
      %dma_wait3A_746 = arith.constant 0 : i32
      %dma_wait3A_747 = tpu.memref_slice %arg2[%dma_wait3A_745, %dma_wait3A_746] : memref<2000000x64xf32, #tpu.memory_space<hbm>> -> memref<2000000x64xf32, #tpu.memory_space<hbm>>
      tpu.wait_indirect_dma semaphore(%arg17 : memref<!tpu.dma_semaphore, #tpu.memory_space<semaphore_mem>>) src(%dma_wait3A_747 : memref<2000000x64xf32, #tpu.memory_space<hbm>>) dst(%arg9 : memref<128x64xf32, #tpu.memory_space<vmem>>)
      %gt3A_748 = arith.constant 0 : i32
      %gt3A_749 = arith.cmpi sgt, %scan3A_340, %gt3A_748 : i32
      %convert_element_type3A_750 = arith.extui %gt3A_749 : i1 to i32
      %cond3A_751 = arith.constant 0 : i32
      %cond3A_752 = arith.cmpi ne, %convert_element_type3A_750, %cond3A_751 : i32
      scf.if %cond3A_752 {
        %dma_wait3A_781 = arith.constant 0 : i32
        %dma_wait3A_782 = arith.constant 0 : i32
        %dma_wait3A_783 = arith.constant 0 : i32
        %dma_wait3A_784 = arith.constant 0 : i32
        %dma_wait3A_785 = arith.constant 0 : i32
        %dma_wait3A_786 = tpu.memref_slice %arg13[%dma_wait3A_783, %dma_wait3A_784, %dma_wait3A_785] : memref<8x8x129xf32, #tpu.memory_space<vmem>> -> memref<8x8x128xf32, #tpu.memory_space<vmem>>
        %dma_wait3A_787 = arith.constant 0 : i32
        %dma_wait3A_788 = arith.constant 0 : i32
        %dma_wait3A_789 = arith.constant 0 : i32
        %dma_wait3A_790 = tpu.memref_slice %arg4[%dma_wait3A_781, %dma_wait3A_787, %dma_wait3A_782, %dma_wait3A_788, %dma_wait3A_789] : memref<200x8x32x8x128xf32, #tpu.memory_space<hbm>> -> memref<1x8x1x8x128xf32, #tpu.memory_space<hbm>>
        %dma_wait3A_791 = tpu.memref_squeeze %dma_wait3A_790 : memref<1x8x1x8x128xf32, #tpu.memory_space<hbm>> -> memref<8x8x128xf32, #tpu.memory_space<hbm>>
        %dma_wait3A_792 = arith.constant 0 : i32
        %dma_wait3A_793 = arith.constant 0 : i32
        %dma_wait3A_794 = arith.constant 0 : i32
        %dma_wait3A_795 = tpu.memref_slice %arg4[%dma_wait3A_781, %dma_wait3A_792, %dma_wait3A_782, %dma_wait3A_793, %dma_wait3A_794] : memref<200x8x32x8x128xf32, #tpu.memory_space<hbm>> -> memref<1x8x1x8x128xf32, #tpu.memory_space<hbm>>
        %dma_wait3A_796 = tpu.memref_squeeze %dma_wait3A_795 : memref<1x8x1x8x128xf32, #tpu.memory_space<hbm>> -> memref<8x8x128xf32, #tpu.memory_space<hbm>>
        %dma_wait3A_797 = arith.constant 0 : i32
        %dma_wait3A_798 = arith.constant 0 : i32
        %dma_wait3A_799 = arith.constant 0 : i32
        %dma_wait3A_800 = tpu.memref_slice %arg13[%dma_wait3A_797, %dma_wait3A_798, %dma_wait3A_799] : memref<8x8x129xf32, #tpu.memory_space<vmem>> -> memref<8x8x128xf32, #tpu.memory_space<vmem>>
        tpu.wait_dma2 semaphore(%arg21 : memref<!tpu.dma_semaphore, #tpu.memory_space<semaphore_mem>>) src(%dma_wait3A_800 : memref<8x8x128xf32, #tpu.memory_space<vmem>>) dst(%dma_wait3A_796 : memref<8x8x128xf32, #tpu.memory_space<hbm>>)
      } else {
      }
      %parallel_loop3A_753 = arith.constant 0 : i32
      %parallel_loop3A_754 = arith.constant 128 : i32
      %parallel_loop3A_755 = arith.constant 1 : i32
      scf.for %parallel_loop3A_781 = %parallel_loop3A_753 to %parallel_loop3A_754 step %parallel_loop3A_755  : i32 {
        %parallel_loop3A_782 = vector.broadcast %parallel_loop3A_781 : i32 to vector<16xi32>
        %parallel_loop3A_783 = arith.index_cast %parallel_loop3A_781 : i32 to index
        %parallel_loop3A_784 = arith.constant 0 : index
        %parallel_loop3A_785 = tpu.vector_load %arg9[%parallel_loop3A_783, %parallel_loop3A_784] {strides = array<i32>} : memref<128x64xf32, #tpu.memory_space<vmem>>, vector<16xf32>,
        %parallel_loop3A_786 = arith.constant 8.000000e+00 : f32
        %parallel_loop3A_787 = vector.broadcast %parallel_loop3A_786 : f32 to vector<16xf32>
        %parallel_loop3A_788 = arith.mulf %parallel_loop3A_785, %parallel_loop3A_787 : vector<16xf32>
        tpu.vector_store_idx %arg13[%select_n3A, %select_n3A_180, %parallel_loop3A_782], %parallel_loop3A_788 : memref<8x8x129xf32, #tpu.memory_space<vmem>>[vector<16xi32>, vector<16xi32>, vector<16xi32>], vector<16xf32>,
        %parallel_loop3A_789 = arith.index_cast %parallel_loop3A_781 : i32 to index
        %parallel_loop3A_790 = arith.constant 16 : index
        %parallel_loop3A_791 = tpu.vector_load %arg9[%parallel_loop3A_789, %parallel_loop3A_790] {strides = array<i32>} : memref<128x64xf32, #tpu.memory_space<vmem>>, vector<16xf32>,
        %parallel_loop3A_792 = arith.constant 8.000000e+00 : f32
        %parallel_loop3A_793 = vector.broadcast %parallel_loop3A_792 : f32 to vector<16xf32>
        %parallel_loop3A_794 = arith.mulf %parallel_loop3A_791, %parallel_loop3A_793 : vector<16xf32>
        tpu.vector_store_idx %arg13[%select_n3A_89, %select_n3A_205, %parallel_loop3A_782], %parallel_loop3A_794 : memref<8x8x129xf32, #tpu.memory_space<vmem>>[vector<16xi32>, vector<16xi32>, vector<16xi32>], vector<16xf32>,
        %parallel_loop3A_795 = arith.index_cast %parallel_loop3A_781 : i32 to index
        %parallel_loop3A_796 = arith.constant 32 : index
        %parallel_loop3A_797 = tpu.vector_load %arg9[%parallel_loop3A_795, %parallel_loop3A_796] {strides = array<i32>} : memref<128x64xf32, #tpu.memory_space<vmem>>, vector<16xf32>,
        %parallel_loop3A_798 = arith.constant 8.000000e+00 : f32
        %parallel_loop3A_799 = vector.broadcast %parallel_loop3A_798 : f32 to vector<16xf32>
        %parallel_loop3A_800 = arith.mulf %parallel_loop3A_797, %parallel_loop3A_799 : vector<16xf32>
        tpu.vector_store_idx %arg13[%select_n3A_123, %select_n3A_230, %parallel_loop3A_782], %parallel_loop3A_800 : memref<8x8x129xf32, #tpu.memory_space<vmem>>[vector<16xi32>, vector<16xi32>, vector<16xi32>], vector<16xf32>,
        %parallel_loop3A_801 = arith.index_cast %parallel_loop3A_781 : i32 to index
        %parallel_loop3A_802 = arith.constant 48 : index
        %parallel_loop3A_803 = tpu.vector_load %arg9[%parallel_loop3A_801, %parallel_loop3A_802] {strides = array<i32>} : memref<128x64xf32, #tpu.memory_space<vmem>>, vector<16xf32>,
        %parallel_loop3A_804 = arith.constant 8.000000e+00 : f32
        %parallel_loop3A_805 = vector.broadcast %parallel_loop3A_804 : f32 to vector<16xf32>
        %parallel_loop3A_806 = arith.mulf %parallel_loop3A_803, %parallel_loop3A_805 : vector<16xf32>
        tpu.vector_store_idx %arg13[%select_n3A_157, %select_n3A_255, %parallel_loop3A_782], %parallel_loop3A_806 : memref<8x8x129xf32, #tpu.memory_space<vmem>>[vector<16xi32>, vector<16xi32>, vector<16xi32>], vector<16xf32>,
      } {sc.loop_unroll_factor = 16 : i64, sc.parallel_access}
      %dma_start3A_756 = arith.constant 0 : i32
      %dma_start3A_757 = arith.constant 0 : i32
      %dma_start3A_758 = arith.constant 0 : i32
      %dma_start3A_759 = tpu.memref_slice %arg13[%dma_start3A_756, %dma_start3A_757, %dma_start3A_758] : memref<8x8x129xf32, #tpu.memory_space<vmem>> -> memref<8x8x128xf32, #tpu.memory_space<vmem>>
      %dma_start3A_760 = arith.constant 0 : i32
      %dma_start3A_761 = arith.constant 0 : i32
      %dma_start3A_762 = arith.constant 0 : i32
      %dma_start3A_763 = tpu.memref_slice %arg4[%select_n3A_700, %dma_start3A_760, %select_n3A_740, %dma_start3A_761, %dma_start3A_762] : memref<200x8x32x8x128xf32, #tpu.memory_space<hbm>> -> memref<1x8x1x8x128xf32, #tpu.memory_space<hbm>>
      %dma_start3A_764 = tpu.memref_squeeze %dma_start3A_763 : memref<1x8x1x8x128xf32, #tpu.memory_space<hbm>> -> memref<8x8x128xf32, #tpu.memory_space<hbm>>
      %dma_start3A_765 = arith.constant 0 : i32
      %dma_start3A_766 = arith.constant 0 : i32
      %dma_start3A_767 = arith.constant 0 : i32
      %dma_start3A_768 = tpu.memref_slice %arg4[%select_n3A_700, %dma_start3A_765, %select_n3A_740, %dma_start3A_766, %dma_start3A_767] : memref<200x8x32x8x128xf32, #tpu.memory_space<hbm>> -> memref<1x8x1x8x128xf32, #tpu.memory_space<hbm>>
      %dma_start3A_769 = tpu.memref_squeeze %dma_start3A_768 : memref<1x8x1x8x128xf32, #tpu.memory_space<hbm>> -> memref<8x8x128xf32, #tpu.memory_space<hbm>>
      %dma_start3A_770 = arith.constant 0 : i32
      %dma_start3A_771 = arith.constant 0 : i32
      %dma_start3A_772 = arith.constant 0 : i32
      %dma_start3A_773 = tpu.memref_slice %arg13[%dma_start3A_770, %dma_start3A_771, %dma_start3A_772] : memref<8x8x129xf32, #tpu.memory_space<vmem>> -> memref<8x8x128xf32, #tpu.memory_space<vmem>>
      tpu.enqueue_dma source(%dma_start3A_773 : memref<8x8x128xf32, #tpu.memory_space<vmem>>) target(%dma_start3A_769 : memref<8x8x128xf32, #tpu.memory_space<hbm>>) target_semaphore(%arg21 : memref<!tpu.dma_semaphore, #tpu.memory_space<semaphore_mem>>)
      %add3A_774 = arith.constant 4 : i32
      %add3A_775 = arith.addi %add3A_673, %add3A_774 : i32
      %lt3A_776 = arith.constant 200 : i32
      %lt3A_777 = arith.cmpi slt, %add3A_775, %lt3A_776 : i32
      %convert_element_type3A_778 = arith.extui %lt3A_777 : i1 to i32
      %cond3A_779 = arith.constant 0 : i32
      %cond3A_780 = arith.cmpi ne, %convert_element_type3A_778, %cond3A_779 : i32
      scf.if %cond3A_780 {
        %add3A_781 = arith.constant 4 : i32
        %add3A_782 = arith.addi %add3A_673, %add3A_781 : i32
        %dma_start3A_783 = arith.constant 0 : i32
        %dma_start3A_784 = tpu.memref_slice %arg5[%add3A_782, %dma_start3A_783] : memref<200x128xi32, #tpu.memory_space<vmem>> -> memref<1x128xi32, #tpu.memory_space<vmem>>
        %dma_start3A_785 = tpu.memref_squeeze %dma_start3A_784 : memref<1x128xi32, #tpu.memory_space<vmem>> -> memref<128xi32, #tpu.memory_space<vmem>>
        %dma_start3A_786 = arith.constant 0 : i32
        %dma_start3A_787 = arith.constant 0 : i32
        %dma_start3A_788 = tpu.memref_slice %arg2[%dma_start3A_786, %dma_start3A_787] : memref<2000000x64xf32, #tpu.memory_space<hbm>> -> memref<2000000x64xf32, #tpu.memory_space<hbm>>
        tpu.enqueue_indirect_dma source(%dma_start3A_788 : memref<2000000x64xf32, #tpu.memory_space<hbm>>) target(%arg9 : memref<128x64xf32, #tpu.memory_space<vmem>>) offsets(%dma_start3A_785 : memref<128xi32, #tpu.memory_space<vmem>>) semaphore(%arg17 : memref<!tpu.dma_semaphore, #tpu.memory_space<semaphore_mem>>)
      } else {
      }
    }
    %scan3A_260 = arith.constant 50 : i32
    %dma_wait3A = arith.constant 0 : i32
    %dma_wait3A_261 = arith.constant 0 : i32
    %dma_wait3A_262 = arith.constant 0 : i32
    %dma_wait3A_263 = arith.constant 0 : i32
    %dma_wait3A_264 = arith.constant 0 : i32
    %dma_wait3A_265 = tpu.memref_slice %arg10[%dma_wait3A_262, %dma_wait3A_263, %dma_wait3A_264] : memref<8x8x129xf32, #tpu.memory_space<vmem>> -> memref<8x8x128xf32, #tpu.memory_space<vmem>>
    %dma_wait3A_266 = arith.constant 0 : i32
    %dma_wait3A_267 = arith.constant 0 : i32
    %dma_wait3A_268 = arith.constant 0 : i32
    %dma_wait3A_269 = tpu.memref_slice %arg4[%dma_wait3A, %dma_wait3A_266, %dma_wait3A_261, %dma_wait3A_267, %dma_wait3A_268] : memref<200x8x32x8x128xf32, #tpu.memory_space<hbm>> -> memref<1x8x1x8x128xf32, #tpu.memory_space<hbm>>
    %dma_wait3A_270 = tpu.memref_squeeze %dma_wait3A_269 : memref<1x8x1x8x128xf32, #tpu.memory_space<hbm>> -> memref<8x8x128xf32, #tpu.memory_space<hbm>>
    %dma_wait3A_271 = arith.constant 0 : i32
    %dma_wait3A_272 = arith.constant 0 : i32
    %dma_wait3A_273 = arith.constant 0 : i32
    %dma_wait3A_274 = tpu.memref_slice %arg4[%dma_wait3A, %dma_wait3A_271, %dma_wait3A_261, %dma_wait3A_272, %dma_wait3A_273] : memref<200x8x32x8x128xf32, #tpu.memory_space<hbm>> -> memref<1x8x1x8x128xf32, #tpu.memory_space<hbm>>
    %dma_wait3A_275 = tpu.memref_squeeze %dma_wait3A_274 : memref<1x8x1x8x128xf32, #tpu.memory_space<hbm>> -> memref<8x8x128xf32, #tpu.memory_space<hbm>>
    %dma_wait3A_276 = arith.constant 0 : i32
    %dma_wait3A_277 = arith.constant 0 : i32
    %dma_wait3A_278 = arith.constant 0 : i32
    %dma_wait3A_279 = tpu.memref_slice %arg10[%dma_wait3A_276, %dma_wait3A_277, %dma_wait3A_278] : memref<8x8x129xf32, #tpu.memory_space<vmem>> -> memref<8x8x128xf32, #tpu.memory_space<vmem>>
    tpu.wait_dma2 semaphore(%arg18 : memref<!tpu.dma_semaphore, #tpu.memory_space<semaphore_mem>>) src(%dma_wait3A_279 : memref<8x8x128xf32, #tpu.memory_space<vmem>>) dst(%dma_wait3A_275 : memref<8x8x128xf32, #tpu.memory_space<hbm>>)
    %dma_wait3A_280 = arith.constant 0 : i32
    %dma_wait3A_281 = arith.constant 0 : i32
    %dma_wait3A_282 = arith.constant 0 : i32
    %dma_wait3A_283 = arith.constant 0 : i32
    %dma_wait3A_284 = arith.constant 0 : i32
    %dma_wait3A_285 = tpu.memref_slice %arg11[%dma_wait3A_282, %dma_wait3A_283, %dma_wait3A_284] : memref<8x8x129xf32, #tpu.memory_space<vmem>> -> memref<8x8x128xf32, #tpu.memory_space<vmem>>
    %dma_wait3A_286 = arith.constant 0 : i32
    %dma_wait3A_287 = arith.constant 0 : i32
    %dma_wait3A_288 = arith.constant 0 : i32
    %dma_wait3A_289 = tpu.memref_slice %arg4[%dma_wait3A_280, %dma_wait3A_286, %dma_wait3A_281, %dma_wait3A_287, %dma_wait3A_288] : memref<200x8x32x8x128xf32, #tpu.memory_space<hbm>> -> memref<1x8x1x8x128xf32, #tpu.memory_space<hbm>>
    %dma_wait3A_290 = tpu.memref_squeeze %dma_wait3A_289 : memref<1x8x1x8x128xf32, #tpu.memory_space<hbm>> -> memref<8x8x128xf32, #tpu.memory_space<hbm>>
    %dma_wait3A_291 = arith.constant 0 : i32
    %dma_wait3A_292 = arith.constant 0 : i32
    %dma_wait3A_293 = arith.constant 0 : i32
    %dma_wait3A_294 = tpu.memref_slice %arg4[%dma_wait3A_280, %dma_wait3A_291, %dma_wait3A_281, %dma_wait3A_292, %dma_wait3A_293] : memref<200x8x32x8x128xf32, #tpu.memory_space<hbm>> -> memref<1x8x1x8x128xf32, #tpu.memory_space<hbm>>
    %dma_wait3A_295 = tpu.memref_squeeze %dma_wait3A_294 : memref<1x8x1x8x128xf32, #tpu.memory_space<hbm>> -> memref<8x8x128xf32, #tpu.memory_space<hbm>>
    %dma_wait3A_296 = arith.constant 0 : i32
    %dma_wait3A_297 = arith.constant 0 : i32
    %dma_wait3A_298 = arith.constant 0 : i32
    %dma_wait3A_299 = tpu.memref_slice %arg11[%dma_wait3A_296, %dma_wait3A_297, %dma_wait3A_298] : memref<8x8x129xf32, #tpu.memory_space<vmem>> -> memref<8x8x128xf32, #tpu.memory_space<vmem>>
    tpu.wait_dma2 semaphore(%arg19 : memref<!tpu.dma_semaphore, #tpu.memory_space<semaphore_mem>>) src(%dma_wait3A_299 : memref<8x8x128xf32, #tpu.memory_space<vmem>>) dst(%dma_wait3A_295 : memref<8x8x128xf32, #tpu.memory_space<hbm>>)
    %dma_wait3A_300 = arith.constant 0 : i32
    %dma_wait3A_301 = arith.constant 0 : i32
    %dma_wait3A_302 = arith.constant 0 : i32
    %dma_wait3A_303 = arith.constant 0 : i32
    %dma_wait3A_304 = arith.constant 0 : i32
    %dma_wait3A_305 = tpu.memref_slice %arg12[%dma_wait3A_302, %dma_wait3A_303, %dma_wait3A_304] : memref<8x8x129xf32, #tpu.memory_space<vmem>> -> memref<8x8x128xf32, #tpu.memory_space<vmem>>
    %dma_wait3A_306 = arith.constant 0 : i32
    %dma_wait3A_307 = arith.constant 0 : i32
    %dma_wait3A_308 = arith.constant 0 : i32
    %dma_wait3A_309 = tpu.memref_slice %arg4[%dma_wait3A_300, %dma_wait3A_306, %dma_wait3A_301, %dma_wait3A_307, %dma_wait3A_308] : memref<200x8x32x8x128xf32, #tpu.memory_space<hbm>> -> memref<1x8x1x8x128xf32, #tpu.memory_space<hbm>>
    %dma_wait3A_310 = tpu.memref_squeeze %dma_wait3A_309 : memref<1x8x1x8x128xf32, #tpu.memory_space<hbm>> -> memref<8x8x128xf32, #tpu.memory_space<hbm>>
    %dma_wait3A_311 = arith.constant 0 : i32
    %dma_wait3A_312 = arith.constant 0 : i32
    %dma_wait3A_313 = arith.constant 0 : i32
    %dma_wait3A_314 = tpu.memref_slice %arg4[%dma_wait3A_300, %dma_wait3A_311, %dma_wait3A_301, %dma_wait3A_312, %dma_wait3A_313] : memref<200x8x32x8x128xf32, #tpu.memory_space<hbm>> -> memref<1x8x1x8x128xf32, #tpu.memory_space<hbm>>
    %dma_wait3A_315 = tpu.memref_squeeze %dma_wait3A_314 : memref<1x8x1x8x128xf32, #tpu.memory_space<hbm>> -> memref<8x8x128xf32, #tpu.memory_space<hbm>>
    %dma_wait3A_316 = arith.constant 0 : i32
    %dma_wait3A_317 = arith.constant 0 : i32
    %dma_wait3A_318 = arith.constant 0 : i32
    %dma_wait3A_319 = tpu.memref_slice %arg12[%dma_wait3A_316, %dma_wait3A_317, %dma_wait3A_318] : memref<8x8x129xf32, #tpu.memory_space<vmem>> -> memref<8x8x128xf32, #tpu.memory_space<vmem>>
    tpu.wait_dma2 semaphore(%arg20 : memref<!tpu.dma_semaphore, #tpu.memory_space<semaphore_mem>>) src(%dma_wait3A_319 : memref<8x8x128xf32, #tpu.memory_space<vmem>>) dst(%dma_wait3A_315 : memref<8x8x128xf32, #tpu.memory_space<hbm>>)
    %dma_wait3A_320 = arith.constant 0 : i32
    %dma_wait3A_321 = arith.constant 0 : i32
    %dma_wait3A_322 = arith.constant 0 : i32
    %dma_wait3A_323 = arith.constant 0 : i32
    %dma_wait3A_324 = arith.constant 0 : i32
    %dma_wait3A_325 = tpu.memref_slice %arg13[%dma_wait3A_322, %dma_wait3A_323, %dma_wait3A_324] : memref<8x8x129xf32, #tpu.memory_space<vmem>> -> memref<8x8x128xf32, #tpu.memory_space<vmem>>
    %dma_wait3A_326 = arith.constant 0 : i32
    %dma_wait3A_327 = arith.constant 0 : i32
    %dma_wait3A_328 = arith.constant 0 : i32
    %dma_wait3A_329 = tpu.memref_slice %arg4[%dma_wait3A_320, %dma_wait3A_326, %dma_wait3A_321, %dma_wait3A_327, %dma_wait3A_328] : memref<200x8x32x8x128xf32, #tpu.memory_space<hbm>> -> memref<1x8x1x8x128xf32, #tpu.memory_space<hbm>>
    %dma_wait3A_330 = tpu.memref_squeeze %dma_wait3A_329 : memref<1x8x1x8x128xf32, #tpu.memory_space<hbm>> -> memref<8x8x128xf32, #tpu.memory_space<hbm>>
    %dma_wait3A_331 = arith.constant 0 : i32
    %dma_wait3A_332 = arith.constant 0 : i32
    %dma_wait3A_333 = arith.constant 0 : i32
    %dma_wait3A_334 = tpu.memref_slice %arg4[%dma_wait3A_320, %dma_wait3A_331, %dma_wait3A_321, %dma_wait3A_332, %dma_wait3A_333] : memref<200x8x32x8x128xf32, #tpu.memory_space<hbm>> -> memref<1x8x1x8x128xf32, #tpu.memory_space<hbm>>
    %dma_wait3A_335 = tpu.memref_squeeze %dma_wait3A_334 : memref<1x8x1x8x128xf32, #tpu.memory_space<hbm>> -> memref<8x8x128xf32, #tpu.memory_space<hbm>>
    %dma_wait3A_336 = arith.constant 0 : i32
    %dma_wait3A_337 = arith.constant 0 : i32
    %dma_wait3A_338 = arith.constant 0 : i32
    %dma_wait3A_339 = tpu.memref_slice %arg13[%dma_wait3A_336, %dma_wait3A_337, %dma_wait3A_338] : memref<8x8x129xf32, #tpu.memory_space<vmem>> -> memref<8x8x128xf32, #tpu.memory_space<vmem>>
    tpu.wait_dma2 semaphore(%arg21 : memref<!tpu.dma_semaphore, #tpu.memory_space<semaphore_mem>>) src(%dma_wait3A_339 : memref<8x8x128xf32, #tpu.memory_space<vmem>>) dst(%dma_wait3A_335 : memref<8x8x128xf32, #tpu.memory_space<hbm>>)
    return
  }
}

</mosaic_0001>

<sc_bundles>
// kernel: kernel.3.cloned.1.call-start
scs
__scs_entry_jumppad:
0x0: {  	(pc) =	sbr.rel $0x88, $3  }
0x1: {  	(tag) =	ssettag $0x0;
	lr =	simm.s32 $0x1  }
0x2: {  	[smem:$0x3F9F] =	sst lr;
	_ =	strace $0xD0000000  }
0x3: {  	_ = 	snop  }
0x4: {  	_ = 	snop  }
0x5: {  	_ = 	snop  }
0x6: {  	_ = 	snop  }
0x7: {  	_ = 	snop  }
__scs_overlays_trampoline_lowered:
0x8: {  	[smem:$0x3FAE] =	sst s0  }
0x9: {  	[smem:$0x3FAF] =	sst s1  }
0xa: {  	[smem:$0x3FB0] =	sst s2  }
0xb: {  	[smem:$0x3FB1] =	sst s3  }
0xc: {  	[smem:$0x3FB2] =	sst s4  }
0xd: {  	[smem:$0x3FB3] =	sst s5  }
0xe: {  	[smem:$0x3FB4] =	sst s6  }
0xf: {  	[smem:$0x3FB5] =	sst s7  }
0x10: {  	[smem:$0x3FB6] =	sst s8  }
0x11: {  	[smem:$0x3FB7] =	sst s9;
	s0 =	simm.s32 @!p0 $0x0  }
0x12: {  	s1 =	sld [smem:$0x3F9D];
	s0 =	simm.s32 @p0 $0x1  }
0x13: {  	[smem:$0x3FB8] =	sst s0;
	s0 =	simm.s32 @!p1 $0x0  }
0x14: {  	s2 =	sld [smem:$0x3F9C];
	s0 =	simm.s32 @p1 $0x1  }
0x15: {  	[smem:$0x3FB9] =	sst s0;
	s0 =	simm.s32 @!p2 $0x0  }
0x16: {  	s3 =	sld [smem:$0x3FDB];
	s0 =	simm.s32 @p2 $0x1  }
0x17: {  	s4 =	simm.s32 $0x1BF5;
	[smem:$0x3FBB] =	sst s0  }
0x18: {  	s0 =	sld [smem:$0x3F9E];
	_ =	swait.ge [sflag:s4], $0x0  }
0x19: {  	s7 =	sld [smem:$0x3F9F]  }
0x1a: {  	s8 =	sadd.s32 $0xFFFFE003, lr  }
0x1b: {  	s9 =	sadd.s32 $0xFFFFFEF7, lr;
	s5 =	simm.s32 $0xFFFFFFFF;
	p2 =	slt.u32 s8, $0xFFFFF086  }
0x1c: {  	p1 =	slt.u32 s9, $0xF7A;
	s5 =	simm.s32 @!p2 $0x0  }
0x1d: {  	s5 =	simm.s32 @p1 $0x1;
	p0 =	seq.s32 s7, s2  }
0x1e: {  	s7 =	smul.u32 @!p0 $0xF7A, s2;
	p2 =	seq.s32 @!p0 s5, $0x0  }
0x1f: {  	s9 =	smul.u32 $0xF7A, s1;
	s8 =	simm.s32 @!p0 $0x1BF5;
	p2 =	por !p2, p0  }
0x20: {  	[sflag:s8] =	ssyncset.s32 @!p0 $0xFFFFF086;
	s6 =	sadd.s32 @!p0 s3, s7;
	s7 =	simm.s32 @!p0 $0x108  }
0x21: {  	s3 =	sadd.s32 s3, s9;
	s6 =	sadd.s32 @!p0 $0x88, s6;
	s7 =	simm.s32 @p2 $0x1082  }
0x22: {  	[simem:s7], [sflag:s8] =	dma.local @!p0 [hbm:s6], $0xF7A  }
0x23: {  	s9 =	sor.u32 $0xD0000000, s2;
	s6 =	simm.s32 $0x108;
	_ =	swait.ge @!p0 [sflag:s8], $0x0  }
0x24: {  	s3 =	sadd.s32 $0x88, s3;
	s6 =	simm.s32 @!p1 $0x1082;
	[sflag:s4] =	ssyncset.s32 $0xFFFFF086  }
0x25: {  	[simem:s6], [sflag:s4] =	dma.local [hbm:s3], $0xF7A  }
0x26: {  	[smem:$0x3F9F] =	sst s1;
	(tag) =	ssettag s2;
	_ =	strace s9  }
0x27: {  	s1 =	sld [smem:$0x3FAF]  }
0x28: {  	s2 =	sld [smem:$0x3FB0]  }
0x29: {  	s4 =	sld [smem:$0x3FB2]  }
0x2a: {  	p0 =	seq.s32 s5, $0x0;
	s5 =	sld [smem:$0x3FB3]  }
0x2b: {  	s6 =	sld [smem:$0x3FB4]  }
0x2c: {  	s7 =	sld [smem:$0x3FB5]  }
0x2d: {  	s3 =	simm.s32 $0x108;
	s8 =	sld [smem:$0x3FB6]  }
0x2e: {  	s3 =	simm.s32 @!p0 $0x1082;
	s9 =	sld [smem:$0x3FB7]  }
0x2f: {  	lr =	sadd.s32 s0, s3;
	s0 =	sld [smem:$0x3FAE]  }
0x30: {  	s3 =	sld [smem:$0x3FB1]  }
0x31: {  	[smem:$0x3FBA] =	sst s10  }
0x32: {  	s10 =	sld [smem:$0x3FB8];
	_ =	sdelay $0x3  }
0x33: {  	p0 =	seq.s32 s10, $0x1;
	s10 =	sld [smem:$0x3FBA];
	_ =	sdelay $0x3  }
0x34: {  	[smem:$0x3FBA] =	sst s10  }
0x35: {  	s10 =	sld [smem:$0x3FB9];
	_ =	sdelay $0x3  }
0x36: {  	p1 =	seq.s32 s10, $0x1;
	s10 =	sld [smem:$0x3FBA];
	_ =	sdelay $0x3  }
0x37: {  	[smem:$0x3FBA] =	sst s10  }
0x38: {  	s10 =	sld [smem:$0x3FBB]  }
0x39: {  	_ = 	snop;
	(pc) =	sbr.ind lr, $3  }
0x3a: {  	_ = 	snop  }
0x3b: {  	_ = 	snop  }
0x3c: {  	p2 =	seq.s32 s10, $0x1;
	s10 =	sld [smem:$0x3FBA]  }
0x3d: {  	_ =	shalt  }
0x3e: {  	_ =	shalt  }
0x3f: {  	_ =	shalt  }
0x40: {  	_ =	shalt  }
0x41: {  	_ =	shalt  }
0x42: {  	_ =	shalt  }
0x43: {  	_ =	shalt  }
0x44: {  	_ =	shalt  }
0x45: {  	_ =	shalt  }
0x46: {  	_ =	shalt  }
0x47: {  	_ =	shalt  }
0x48: {  	_ =	shalt  }
0x49: {  	_ =	shalt  }
0x4a: {  	_ =	shalt  }
0x4b: {  	_ =	shalt  }
0x4c: {  	_ =	shalt  }
0x4d: {  	_ =	shalt  }
0x4e: {  	_ =	shalt  }
0x4f: {  	_ =	shalt  }
0x50: {  	_ =	shalt  }
0x51: {  	_ =	shalt  }
0x52: {  	_ =	shalt  }
0x53: {  	_ =	shalt  }
0x54: {  	_ =	shalt  }
0x55: {  	_ =	shalt  }
0x56: {  	_ =	shalt  }
0x57: {  	_ =	shalt  }
0x58: {  	_ =	shalt  }
0x59: {  	_ =	shalt  }
0x5a: {  	_ =	shalt  }
0x5b: {  	_ =	shalt  }
0x5c: {  	_ =	shalt  }
0x5d: {  	_ =	shalt  }
0x5e: {  	_ =	shalt  }
0x5f: {  	_ =	shalt  }
0x60: {  	_ =	shalt  }
0x61: {  	_ =	shalt  }
0x62: {  	_ =	shalt  }
0x63: {  	_ =	shalt  }
0x64: {  	_ =	shalt  }
0x65: {  	_ =	shalt  }
0x66: {  	_ =	shalt  }
0x67: {  	_ =	shalt  }
0x68: {  	_ =	shalt  }
0x69: {  	_ =	shalt  }
0x6a: {  	_ =	shalt  }
0x6b: {  	_ =	shalt  }
0x6c: {  	_ =	shalt  }
0x6d: {  	_ =	shalt  }
0x6e: {  	_ =	shalt  }
0x6f: {  	_ =	shalt  }
0x70: {  	_ =	shalt  }
0x71: {  	_ =	shalt  }
0x72: {  	_ =	shalt  }
0x73: {  	_ =	shalt  }
0x74: {  	_ =	shalt  }
0x75: {  	_ =	shalt  }
0x76: {  	_ =	shalt  }
0x77: {  	_ =	shalt  }
0x78: {  	_ =	shalt  }
0x79: {  	_ =	shalt  }
0x7a: {  	_ =	shalt  }
0x7b: {  	_ =	shalt  }
0x7c: {  	_ =	shalt  }
0x7d: {  	_ =	shalt  }
0x7e: {  	_ =	shalt  }
0x7f: {  	_ =	shalt  }
0x80: {  	_ =	shalt  }
0x81: {  	_ =	shalt  }
0x82: {  	_ =	shalt  }
0x83: {  	_ =	shalt  }
0x84: {  	_ =	shalt  }
0x85: {  	_ =	shalt  }
0x86: {  	_ =	shalt  }
0x87: {  	_ =	shalt  }
.Lfunc_end0:
.L_simem_size_0:
called_computation.1_lowered:
.L_overlay_start_0:
0x88: {  	s2 =	sld [smem:$0x3FD9]  }
0x89: {  	s3 =	sld [smem:$0x3FFE];
	_ =	sdelay $0x1  }
0x8a: {  	s1 =	srdreg.scid  }
0x8b: {  	s0 =	sand.u32 $0x1, s1  }
0x8c: {  	s17 =	sshll.u32 s0, $0xA;
	s2 =	sadd.s32 s3, s2  }
0x8d: {  	s2 =	sadd.s32 s2, s17  }
0x8e: {  	[smem:$0x3FC6] =	sst s2  }
0x8f: {  	_ = 	snop  }
0x90: {  	s2 =	sld [smem:$0x3FD0];
	(tm) =	ssettm $0x1  }
0x91: {  	s18 =	sld [smem:$0x3FFB];
	_ =	sdelay $0x3  }
0x92: {  	_ =	strace s18  }
0x93: {  	s3 =	sld [smem:$0x3FFC];
	_ =	sdelay $0x3  }
0x94: {  	_ =	strace s3  }
0x95: {  	s3 =	sld [smem:$0x3FFD];
	_ =	sdelay $0x3  }
0x96: {  	_ =	strace s3  }
0x97: {  	_ =	strace $0x8FFFFFFF  }
0x98: {  	s19 =	sld [smem:$0x3FDB];
	_ =	sdelay $0x1  }
0x99: {  	s4 =	simm.s32 $_scs_section_size  }
0x9a: {  	s5 =	simm.s32 $_size__tile_overlayer_lowered;
	s6 =	simm.s32 $_tile_overlayer_lowered  }
0x9b: {  	s22 =	simm.s32 $0x1BFF;
	s21 =	sshll.u32 s6, $0x1;
	s3 =	sadd.s32 s4, s19  }
0x9c: {  	s7 =	simm.s32 $0x0;
	s20 =	sshll.u32 s5, $0x1;
	s5 =	sadd.s32 s21, s3  }
0x9d: {  	[timem:s7], [sflag:s22] =	dma.local [hbm:s5], s20  }
0x9e: {  	_ =	swait.ge [sflag:s22], s20  }
0x9f: {  	s4 =	ssub.s32 $0x0, s20;
	[sflag:s22] =	ssyncset.done $0x0  }
0xa0: {  	[sflag:s22] =	ssyncadd.s32 s4;
	_ =	sdelay $0x1  }
0xa1: {  	s23 =	simm.s32 $0x1B8B  }
0xa2: {  	_ =	swait.ge [sflag:s23], $0x1  }
0xa3: {  	[sflag:s23] =	ssyncset.done $0x0  }
0xa4: {  	s25 =	simm.s32 $0x1B8E;
	s24 =	sld [smem:$0x3FFE];
	[sflag:s23] =	ssyncadd.s32 $0xFFFFFFFF  }
0xa5: {  	s26 =	simm.s32 $execute0_lowered;
	[smem:$0x3FD2] =	sst s25  }
0xa6: {  	s5 =	sshll.u32 s26, $0x1;
	_ =	strace $0x80000049;
	[dreg:$0x1] =	wrdreg $0xFFFFFFFF  }
0xa7: {  	s28 =	simm.s32 $_size_execute0_lowered;
	s3 =	sadd.s32 s3, s5;
	[dreg:$0x0] =	wrdreg $0x0  }
0xa8: {  	s5 =	sshll.u32 s28, $0x1;
	[dreg:$0x2] =	wrdreg s3  }
0xa9: {  	[dreg:$0x3] =	wrdreg s5  }
0xaa: {  	[dreg:$0x4] =	wrdreg $0xC0  }
0xab: {  	_ =	task [dreg:s7], $0x5FFFF  }
0xac: {  	[dreg:$0x1] =	wrdreg $0xFFFFFFFF  }
0xad: {  	[dreg:$0x0] =	wrdreg $0x60  }
0xae: {  	[dreg:$0x2] =	wrdreg s24  }
0xaf: {  	[dreg:$0x3] =	wrdreg s2  }
0xb0: {  	[dreg:$0x4] =	wrdreg $0x9  }
0xb1: {  	_ =	task.clear_ibuf [dreg:s7], $0x5FFFF;
	_ =	strace $0x90000049  }
0xb2: {  	s29 =	simm.s32 $0x9;
	_ =	strace $0x8000004B  }
0xb3: {  	_ =	swait.ge [sflag:s29], $0x1  }
0xb4: {  	[sflag:s29] =	ssyncadd.s32 $0xFFFFFFFF  }
0xb5: {  	_ =	strace $0x9000004B  }
0xb6: {  	_ =	sfence  }
0xb7: {  	s30 =	sld [smem:$0x0];
	_ =	sdelay $0x2  }
0xb8: {  	s31 =	sshll.u32 s1, $0xD;
	s1 =	sshrl.u32 s1, $0x2  }
0xb9: {  	s3 =	sand.u32 $0x4000, s31;
	s1 =	sadd.s32 s1, s30  }
0xba: {  	s0 =	sor.u32 s3, s0;
	s1 =	sshll.u32 s1, $0x11  }
0xbb: {  	s0 =	sor.u32 s1, s0  }
0xbc: {  	s0 =	sadd.s32 $0x8F2B, s0  }
0xbd: {  	[sflag:s0] =	ssyncadd.remote.s32 $0x1  }
0xbe: {  	_ =	sfence.sel $0xFFFF  }
0xbf: {  	[dreg:$0x0] =	wrdreg $0xFFFFFFFF;
	(pc) =	sbr.abs _section_cstart, $3  }
0xc0: {  	[dreg:$0x1] =	wrdreg $0xFFFFFFFF  }
0xc1: {  	_ =	task.clear_ibuf [dreg:s7], $0x2FFFF;
	_ =	strace $0x9FFFFFFF  }
0xc2: {  	(tm) =	ssettm $0x7FFFFFFF  }
0xc3: {  	_ =	shalt  }
tec
execute0_lowered:
.L_overlay_start_1:
0x0: {  	(tag) =	ssettag $0x1  }
0x1: {  	v0 =	vlaneseq.u32  }
0x2: {  	s5 =	rddreg [dreg:$0x0];
	s4 =	simm.s32 $0x0;
	v19 =	vmul.u32 $0x88, v0  }
0x3: {  	[smem:$0x7FF] =	sst s4  }
0x4: {  	s2 =	rddreg [dreg:$0x1];
	_ =	strace $0x8000004A;
	v21 =	vadd.s32 $0x1100, v19;
	[tilespmem:$0x1FF80] =	vst v19  }
0x5: {  	v22 =	vadd.s32 $0x1980, v19;
	[tilespmem:$0x1FE00] =	vst v21  }
0x6: {  	v12 =	vor.u32 $0x3, v19;
	[tilespmem:$0x1FE10] =	vst v22  }
0x7: {  	v23 =	vor.u32 $0x4, v19;
	[tilespmem:$0x1FE20] =	vst v12  }
0x8: {  	v26 =	vor.u32 $0x5, v19;
	[tilespmem:$0x1FE30] =	vst v23  }
0x9: {  	v29 =	vadd.s32 $0x885, v19;
	[tilespmem:$0x1FE40] =	vst v26  }
0xa: {  	v17 =	vadd.s32 $0x1105, v19;
	[tilespmem:$0x1FE50] =	vst v29  }
0xb: {  	vm0 =	vcmask $0x300;
	v0 =	vimm.s32 $0x0;
	v18 =	vadd.s32 $0x1985, v19;
	[tilespmem:$0x1FE60] =	vst v17  }
0xc: {  	v1 =	vsel vm0, $0x3, v0;
	v0 =	vor.u32 $0x6, v19;
	[tilespmem:$0x1FE70] =	vst v18  }
0xd: {  	v2 =	vadd.s32 $0x886, v19;
	[tilespmem:$0x1FE80] =	vst v0  }
0xe: {  	v3 =	vadd.s32 $0x1106, v19;
	[tilespmem:$0x1FE90] =	vst v2  }
0xf: {  	v16 =	vadd.s32 $0x1986, v19;
	[tilespmem:$0x1FEA0] =	vst v3  }
0x10: {  	v4 =	vadd.s32 $0x887, v19;
	[tilespmem:$0x1FEB0] =	vst v16  }
0x11: {  	v5 =	vadd.s32 $0x1107, v19;
	[tilespmem:$0x1FEC0] =	vst v4  }
0x12: {  	v6 =	vadd.s32 $0x1987, v19;
	[tilespmem:$0x1FED0] =	vst v5  }
0x13: {  	v24 =	vadd.s32 $0x1982, v19;
	[tilespmem:$0x1FEE0] =	vst v6  }
0x14: {  	v10 =	vadd.s32 $0x1983, v19;
	[tilespmem:$0x1FEF0] =	vst v24  }
0x15: {  	v25 =	vadd.s32 $0x1104, v19;
	[tilespmem:$0x1FF00] =	vst v10  }
0x16: {  	v11 =	vadd.s32 $0x1984, v19;
	[tilespmem:$0x1FF10] =	vst v25  }
0x17: {  	v13 =	vadd.s32 $0x881, v19;
	[tilespmem:$0x1FF20] =	vst v11  }
0x18: {  	v14 =	vadd.s32 $0x1101, v19;
	[tilespmem:$0x1FF30] =	vst v13  }
0x19: {  	s0 =	srdreg.scid;
	s1 =	stileid.u32;
	s8 =	simm.s32 $0x9;
	v15 =	vadd.s32 $0x1981, v19;
	[tilespmem:$0x1FF40] =	vst v14  }
0x1a: {  	s9 =	simm.s32 $0x80;
	s15 =	simm.s32 $0xC400;
	s16 =	simm.s32 $0x1;
	v9 =	vadd.s32 $0x882, v19;
	[tilespmem:$0x1FF50] =	vst v15  }
0x1b: {  	s17 =	simm.s32 $0xE400;
	s18 =	simm.s32 $0x2;
	s19 =	simm.s32 $0x10600;
	v48 =	vadd.s32 $0x1102, v19;
	[tilespmem:$0x1FF60] =	vst v9  }
0x1c: {  	s20 =	simm.s32 $0x3;
	s0 =	sand.u32 $0x1, s0;
	s1 =	sshll.u32 s1, $0x1;
	v7 =	vor.u32 $0x1, v19;
	[tilespmem:$0x1FF70] =	vst v48  }
0x1d: {  	s21 =	simm.s32 $0x12800;
	s22 =	simm.s32 $0x4;
	s1 =	sor.u32 s0, s1;
	v8 =	vor.u32 $0x2, v19;
	[tilespmem:$0x1FF90] =	vst v7  }
0x1e: {  	s23 =	simm.s32 $0x14A00;
	s0 =	ssub.s32 $0x2, s0;
	s3 =	smul.u32 $0x6400, s1;
	v27 =	vor.u32 $0x7, v19;
	[tilespmem:$0x1FFA0] =	vst v8  }
.Ltmp0:
0x1f: {  	s24 =	simm.s32 $0x5;
	s6 =	sshrl.u32 s0, $0x1;
	v31 =	vadd.s32 $0x883, v19;
	[tilespmem:$0x1FFB0] =	vst v27;
	(pc) =	sbr.rel .LBB2_1-.Ltmp0, $4  }
0x20: {  	s25 =	simm.s32 $0x6;
	v28 =	vadd.s32 $0x884, v19;
	s0 =	ssub.s32 s0, s6;
	[tilespmem:$0x1FFC0] =	vst v31;
	s1 =	sshrl.u32 s3, $0x3  }
0x21: {  	s26 =	simm.s32 $0x7;
	v20 =	vadd.s32 $0x880, v19;
	[tilespmem:$0x1FFD0] =	vst v28;
	s0 =	smax.u32 s0, $0x1;
	s1 =	sadd.s32 s1, s5  }
0x22: {  	s28 =	simm.s32 $0x8;
	v32 =	vadd.s32 $0x1103, v19;
	[tilespmem:$0x1FFE0] =	vst v20;
	[dreg:$0x4] =	wrdreg s0;
	s1 =	sadd.s32 $0xF42E00, s1  }
0x23: {  	s29 =	simm.s32 $0x0;
	[tilespmem:$0x1FFF0] =	vst v32;
	s5 =	sadd.s32 $0xF5BE00, s5;
	[dreg:$0x3] =	wrdreg s1  }
.LBB2_20:
0x24: {  	_ =	swait.ge [sflag:s24], $0x2000  }
0x25: {  	[sflag:s24] =	ssyncset.done $0x0  }
0x26: {  	[sflag:s24] =	ssyncadd.s32 $0xFFFFE000  }
0x27: {  	_ =	swait.ge [sflag:s25], $0x2000  }
0x28: {  	[sflag:s25] =	ssyncset.done $0x0  }
0x29: {  	[sflag:s25] =	ssyncadd.s32 $0xFFFFE000  }
0x2a: {  	_ =	swait.ge [sflag:s26], $0x2000  }
0x2b: {  	[sflag:s26] =	ssyncset.done $0x0  }
0x2c: {  	[sflag:s26] =	ssyncadd.s32 $0xFFFFE000  }
0x2d: {  	_ =	swait.ge [sflag:s28], $0x2000  }
0x2e: {  	s29 =	sadd.s32 $0x1, s29;
	s0 =	rddreg [dreg:$0x4]  }
0x2f: {  	p0 =	sne.s32 s29, s0  }
.Ltmp1:
0x30: {  	v21 =	vld [tilespmem:$0x1FE00];
	(pc) =	sbr.rel @!p0 .LBB2_21-.Ltmp1, $4  }
0x31: {  	v22 =	vld [tilespmem:$0x1FE10]  }
0x32: {  	v17 =	vld [tilespmem:$0x1FE60]  }
0x33: {  	[sflag:s28] =	ssyncset.done $0x0;
	v18 =	vld [tilespmem:$0x1FE70]  }
0x34: {  	v7 =	vmov v16;
	v8 =	vmov v56;
	v16 =	vld [tilespmem:$0x1FEB0];
	[sflag:s28] =	ssyncadd.s32 $0xFFFFE000  }
.LBB2_1:
0x35: {  	s0 =	rddreg [dreg:$0x3]  }
0x36: {  	[tilespmem:s4], [sflag:$0x9] =	stream.linear.gather [hbm4b:s0+s4], $0x6400, $0x38;
	[tilespmem:$0x16C00] =	vst v63  }
0x37: {  	_ =	swait.ge [sflag:s8], $0x6400  }
0x38: {  	[sflag:s8] =	ssyncset.done $0x0  }
0x39: {  	s12 =	simm.s32 $0x6400;
	[sflag:s8] =	ssyncadd.s32 $0xFFFF9C00  }
0x3a: {  	[tilespmem:s12], [sflag:$0x1] =	stream.indirect.gather [hbm4b:s5+s9], $0x40, s4, s9, $0xb8;
	[tilespmem:$0x16C00] =	vst v63  }
0x3b: {  	s13 =	simm.s32 $0x8400  }
0x3c: {  	[tilespmem:s13], [sflag:$0x2] =	stream.indirect.gather [hbm4b:s5+s9], $0x40, s9, s9, $0xb8;
	[tilespmem:$0x16C00] =	vst v63  }
0x3d: {  	s14 =	simm.s32 $0x100;
	s1 =	simm.s32 $0xA400  }
0x3e: {  	[tilespmem:s1], [sflag:$0x3] =	stream.indirect.gather [hbm4b:s5+s9], $0x40, s14, s9, $0xb8;
	[tilespmem:$0x16C00] =	vst v63  }
0x3f: {  	s31 =	simm.s32 $0x180;
	s30 =	simm.s32 $0x0  }
0x40: {  	v29 =	vmov v21;
	[tilespmem:s15], [sflag:$0x4] =	stream.indirect.gather [hbm4b:s5+s9], $0x40, s31, s9, $0xb8;
	[tilespmem:$0x16C00] =	vst v63  }
.LBB2_2:
0x41: {  	s0 =	simm.s32 $0x0;
	s6 =	simm.s32 $0x1;
	s7 =	simm.s32 $0x2  }
0x42: {  	s1 =	simm.s32 $0x3;
	s10 =	simm.s32 $0x4;
	s11 =	simm.s32 $0x6  }
0x43: {  	s12 =	simm.s32 $0x7;
	s13 =	simm.s32 $0x8;
	s14 =	simm.s32 $0x9;
	v0 =	vmov s0;
	v33 =	vmov s6;
	v34 =	vmov s7  }
0x44: {  	_ =	swait.ge [sflag:s16], $0x2000;
	p0 =	seq.s32 s30, $0x0;
	v35 =	vmov s1;
	v36 =	vmov s10;
	s10 =	simm.s32 $0x5;
	v38 =	vmov s11  }
0x45: {  	v39 =	vmov s12;
	s6 =	simm.s32 $0xA;
	v40 =	vmov s13;
	v41 =	vmov s14;
	s11 =	simm.s32 $0xD;
	[sflag:s16] =	ssyncset.done $0x0  }
0x46: {  	s12 =	simm.s32 $0xE;
	s0 =	simm.s32 @!p0 $0x5;
	v0 =	vshrl.u32 v0, $0x3;
	v37 =	vmov s10;
	v42 =	vmov s6;
	[sflag:s16] =	ssyncadd.s32 $0xFFFFE000  }
0x47: {  	s13 =	simm.s32 $0xF;
	v45 =	vmov s11;
	v46 =	vmov s12;
	v0 =	vshll.u32 v0, v1;
	_ =	swait.ge @!p0 [sflag:s0], $0x2000  }
0x48: {  	v47 =	vshrl.u32 v33, $0x3;
	v33 =	vbroadcast v0, $0x0;
	v0 =	vmov s13;
	[sflag:s0] =	ssyncset.done @!p0 $0x0  }
0x49: {  	s1 =	simm.s32 $0x6600;
	v34 =	vshrl.u32 v34, $0x3;
	v35 =	vshrl.u32 v35, $0x3;
	v0 =	vshrl.u32 v0, $0x3;
	[sflag:s0] =	ssyncadd.s32 @!p0 $0xFFFFE000  }
0x4a: {  	v36 =	vshrl.u32 v36, $0x3;
	v38 =	vshrl.u32 v38, $0x3;
	v0 =	vshll.u32 v0, v1;
	v6 =	vld [tilespmem:s1+$0xFFFFFE00]  }
0x4b: {  	s10 =	simm.s32 $0xC;
	v63 =	vshrl.u32 v45, $0x3;
	v5 =	vshll.u32 v47, v1;
	v49 =	vld [tilespmem:s1+$0x1C0];
	v45 =	vbroadcast v0, $0x0  }
0x4c: {  	v44 =	vmov s10;
	v15 =	vbroadcast v5, $0x0;
	v53 =	vld [tilespmem:s1+$0xFFFFFE40];
	v55 =	vadd.s32 v19, v33  }
0x4d: {  	v42 =	vshrl.u32 v42, $0x3;
	v50 =	vshrl.u32 v46, $0x3;
	v54 =	vadd.s32 v27, v45  }
0x4e: {  	v34 =	vshll.u32 v34, v1;
	v44 =	vshrl.u32 v44, $0x3;
	v3 =	vld [tilespmem:$0x1FE30];
	v57 =	vadd.s32 v7, v15  }
0x4f: {  	v23 =	vbroadcast v34, $0x0;
	v34 =	vshll.u32 v44, v1;
	v56 =	vld [tilespmem:s1+$0xFFFFFE80];
	v44 =	vmul.f32 $8.000000000e+00, v6  }
0x50: {  	v36 =	vshll.u32 v36, v1;
	v52 =	vshll.u32 v42, v1;
	v2 =	vld [tilespmem:$0x1FE20];
	v42 =	vmul.f32 $8.000000000e+00, v49  }
0x51: {  	v10 =	vbroadcast v36, $0x0;
	v14 =	vadd.s32 v8, v23;
	v59 =	vld [tilespmem:s1+$0xFFFFFF00];
	v46 =	vmul.f32 $8.000000000e+00, v53;
	[tilespmem:v55+s17+$0x0] =	vst.idx.msk $0xffff, v44  }
0x52: {  	v39 =	vshrl.u32 v39, $0x3;
	v40 =	vshrl.u32 v40, $0x3;
	v41 =	vshrl.u32 v41, $0x3;
	v58 =	vld [tilespmem:s1+$0xFFFFFEC0];
	[tilespmem:v54+s17+$0x0] =	vst.idx.msk $0xffff, v42  }
0x53: {  	v37 =	vshrl.u32 v37, $0x3;
	v35 =	vshll.u32 v35, v1;
	v47 =	vadd.s32 v3, v10;
	v4 =	vld [tilespmem:$0x1FE40];
	[tilespmem:v57+s17+$0x0] =	vst.idx.msk $0xffff, v46  }
0x54: {  	v51 =	vshll.u32 v41, v1;
	v0 =	vshll.u32 v39, v1;
	v41 =	vmul.f32 $8.000000000e+00, v56;
	v5 =	vld [tilespmem:$0x1FE80]  }
0x55: {  	v13 =	vbroadcast v35, $0x0;
	v62 =	vld [tilespmem:s1+$0xFFFFFF80];
	v39 =	vshll.u32 v40, v1;
	v21 =	vbroadcast v0, $0x0  }
0x56: {  	v48 =	vshll.u32 v38, v1;
	v30 =	vbroadcast v39, $0x0;
	v0 =	vmul.f32 $8.000000000e+00, v59;
	v59 =	vld [tilespmem:s1+$0x0];
	[tilespmem:v14+s17+$0x0] =	vst.idx.msk $0xffff, v41  }
0x57: {  	v37 =	vshll.u32 v37, v1;
	v9 =	vbroadcast v48, $0x0;
	v60 =	vadd.s32 v2, v13;
	v6 =	vld [tilespmem:$0x1FEC0]  }
0x58: {  	v11 =	vbroadcast v37, $0x0;
	v61 =	vld [tilespmem:s1+$0xFFFFFF40];
	[tilespmem:v47+s17+$0x0] =	vst.idx.msk $0xffff, v0;
	v47 =	vadd.s32 v19, v30  }
0x59: {  	v42 =	vmul.f32 $8.000000000e+00, v58;
	v58 =	vld [tilespmem:s1+$0xFFFFFFC0];
	v14 =	vbroadcast v51, $0x0;
	v57 =	vadd.s32 v5, v9  }
0x5a: {  	v12 =	vbroadcast v52, $0x0;
	v56 =	vld [tilespmem:s1+$0x1D0];
	v54 =	vadd.s32 v4, v11  }
0x5b: {  	v37 =	vadd.s32 v27, v21;
	v46 =	vld [tilespmem:s1+$0x40];
	v52 =	vadd.s32 v7, v14;
	v7 =	vmul.f32 $8.000000000e+00, v59  }
0x5c: {  	s7 =	simm.s32 $0xB;
	[tilespmem:v60+s17+$0x0] =	vst.idx.msk $0xffff, v42;
	v0 =	vmul.f32 $8.000000000e+00, v62;
	v39 =	vadd.s32 v6, v45  }
0x5d: {  	v43 =	vmov s7;
	v48 =	vld [tilespmem:s1+$0x80];
	v44 =	vmul.f32 $8.000000000e+00, v61;
	[tilespmem:v47+s17+$0x0] =	vst.idx.msk $0xffff, v7  }
0x5e: {  	v43 =	vshrl.u32 v43, $0x3;
	[tilespmem:v57+s17+$0x0] =	vst.idx.msk $0xffff, v0;
	v0 =	vmul.f32 $8.000000000e+00, v58  }
0x5f: {  	v43 =	vshll.u32 v43, v1;
	v49 =	vmul.f32 $8.000000000e+00, v56;
	v56 =	vadd.s32 v8, v12;
	[tilespmem:v54+s17+$0x0] =	vst.idx.msk $0xffff, v44  }
0x60: {  	v35 =	vbroadcast v43, $0x0;
	v54 =	vld [tilespmem:s1+$0xC0];
	[tilespmem:v37+s17+$0x0] =	vst.idx.msk $0xffff, v0;
	v0 =	vmul.f32 $8.000000000e+00, v46  }
0x61: {  	v53 =	vld [tilespmem:s1+$0x180];
	[tilespmem:v39+s17+$0x0] =	vst.idx.msk $0xffff, v49  }
0x62: {  	v61 =	vld [tilespmem:s1+$0x140];
	v59 =	vadd.s32 v2, v35;
	v44 =	vmul.f32 $8.000000000e+00, v48;
	[tilespmem:v52+s17+$0x0] =	vst.idx.msk $0xffff, v0  }
0x63: {  	v7 =	vld [tilespmem:$0x1FED0]  }
0x64: {  	v36 =	vbroadcast v34, $0x0;
	v55 =	vshll.u32 v63, v1;
	v57 =	vld [tilespmem:s1+$0x100];
	[tilespmem:v56+s17+$0x0] =	vst.idx.msk $0xffff, v44  }
0x65: {  	v34 =	vbroadcast v55, $0x0;
	v0 =	vmul.f32 $8.000000000e+00, v54;
	v2 =	vld [tilespmem:$0x1FF30]  }
0x66: {  	v8 =	vshll.u32 v50, v1;
	v39 =	vadd.s32 v3, v36;
	v43 =	vld [tilespmem:s1+$0x1E0]  }
0x67: {  	v51 =	vadd.s32 v4, v34;
	v47 =	vld [tilespmem:s1+$0xFFFFFE50];
	v37 =	vbroadcast v8, $0x0;
	[tilespmem:v59+s17+$0x0] =	vst.idx.msk $0xffff, v0  }
0x68: {  	v3 =	vld [tilespmem:$0x1FF60];
	v52 =	vadd.s32 v7, v45  }
0x69: {  	s14 =	simm.s32 $0x10;
	v44 =	vmul.f32 $8.000000000e+00, v57;
	v56 =	vadd.s32 v5, v37  }
0x6a: {  	v46 =	vmov s14;
	v0 =	vmul.f32 $8.000000000e+00, v61;
	v60 =	vadd.s32 v2, v15  }
0x6b: {  	v8 =	vld [tilespmem:s1+$0xFFFFFE90];
	v54 =	vshrl.u32 v46, $0x3;
	[tilespmem:v39+s17+$0x0] =	vst.idx.msk $0xffff, v44;
	v46 =	vmul.f32 $8.000000000e+00, v43  }
0x6c: {  	[tilespmem:v51+s17+$0x0] =	vst.idx.msk $0xffff, v0;
	v0 =	vmul.f32 $8.000000000e+00, v53  }
0x6d: {  	v62 =	vld [tilespmem:s1+$0xFFFFFED0];
	v47 =	vmul.f32 $8.000000000e+00, v47;
	v61 =	vadd.s32 v3, v23;
	[tilespmem:v52+s17+$0x0] =	vst.idx.msk $0xffff, v46  }
0x6e: {  	v4 =	vld [tilespmem:$0x1FE50];
	[tilespmem:v56+s17+$0x0] =	vst.idx.msk $0xffff, v0  }
0x6f: {  	v63 =	vld [tilespmem:s1+$0xFFFFFF10];
	[tilespmem:v60+s17+$0x0] =	vst.idx.msk $0xffff, v47  }
0x70: {  	v50 =	vadd.s32 v31, v13;
	v5 =	vmov v31;
	v8 =	vmul.f32 $8.000000000e+00, v8;
	v31 =	vld [tilespmem:$0x1FE90]  }
0x71: {  	v40 =	vld [tilespmem:s1+$0xFFFFFF50]  }
0x72: {  	v58 =	vadd.s32 v28, v10;
	v38 =	vld [tilespmem:s1+$0xFFFFFF90];
	[tilespmem:v61+s17+$0x0] =	vst.idx.msk $0xffff, v8  }
0x73: {  	v24 =	vld [tilespmem:$0x1FEE0]  }
0x74: {  	v39 =	vmul.f32 $8.000000000e+00, v62;
	v62 =	vld [tilespmem:s1+$0xFFFFFFD0];
	v55 =	vadd.s32 v4, v11  }
0x75: {  	v52 =	vmul.f32 $8.000000000e+00, v63;
	v61 =	vld [tilespmem:s1+$0x10];
	v60 =	vadd.s32 v31, v9  }
0x76: {  	v0 =	vld [tilespmem:s1+$0x1F0];
	[tilespmem:v50+s17+$0x0] =	vst.idx.msk $0xffff, v39;
	v50 =	vadd.s32 v6, v21  }
0x77: {  	v40 =	vmul.f32 $8.000000000e+00, v40;
	v8 =	vld [tilespmem:s1+$0x50];
	[tilespmem:v58+s17+$0x0] =	vst.idx.msk $0xffff, v52;
	v52 =	vadd.s32 v20, v30  }
0x78: {  	v38 =	vmul.f32 $8.000000000e+00, v38;
	v58 =	vld [tilespmem:s1+$0x90];
	v45 =	vadd.s32 v24, v45  }
0x79: {  	v6 =	vmul.f32 $8.000000000e+00, v62;
	[tilespmem:v55+s17+$0x0] =	vst.idx.msk $0xffff, v40;
	v40 =	vadd.s32 v2, v14;
	v55 =	vld [tilespmem:s1+$0xD0]  }
0x7a: {  	v61 =	vmul.f32 $8.000000000e+00, v61;
	[tilespmem:v60+s17+$0x0] =	vst.idx.msk $0xffff, v38;
	v60 =	vadd.s32 v3, v12  }
0x7b: {  	v39 =	vadd.s32 v5, v35;
	v0 =	vmul.f32 $8.000000000e+00, v0;
	[tilespmem:v50+s17+$0x0] =	vst.idx.msk $0xffff, v6  }
0x7c: {  	v8 =	vmul.f32 $8.000000000e+00, v8;
	[tilespmem:v52+s17+$0x0] =	vst.idx.msk $0xffff, v61  }
0x7d: {  	v58 =	vmul.f32 $8.000000000e+00, v58;
	[tilespmem:v45+s17+$0x0] =	vst.idx.msk $0xffff, v0  }
0x7e: {  	[tilespmem:v40+s17+$0x0] =	vst.idx.msk $0xffff, v8;
	v6 =	vmul.f32 $8.000000000e+00, v55  }
0x7f: {  	v41 =	vld [tilespmem:s1+$0x150];
	[tilespmem:v60+s17+$0x0] =	vst.idx.msk $0xffff, v58  }
0x80: {  	v62 =	vld [tilespmem:s1+$0x110];
	[tilespmem:v39+s17+$0x0] =	vst.idx.msk $0xffff, v6  }
0x81: {  	v2 =	vld [tilespmem:$0x1FF40]  }
0x82: {  	v5 =	vadd.s32 v28, v36;
	v50 =	vld [tilespmem:s1+$0x190]  }
0x83: {  	v52 =	vld [tilespmem:s1+$0xFFFFFE10];
	v61 =	vadd.s32 v4, v34  }
0x84: {  	v38 =	vld [tilespmem:s1+$0xFFFFFE60];
	v55 =	vadd.s32 v31, v37  }
0x85: {  	v62 =	vmul.f32 $8.000000000e+00, v62;
	v58 =	vadd.s32 v20, v33  }
0x86: {  	v41 =	vmul.f32 $8.000000000e+00, v41;
	v39 =	vadd.s32 v2, v15  }
0x87: {  	v50 =	vmul.f32 $8.000000000e+00, v50;
	[tilespmem:v5+s17+$0x0] =	vst.idx.msk $0xffff, v62  }
0x88: {  	v52 =	vmul.f32 $8.000000000e+00, v52;
	v3 =	vld [tilespmem:$0x1FF70];
	[tilespmem:v61+s17+$0x0] =	vst.idx.msk $0xffff, v41  }
0x89: {  	v8 =	vld [tilespmem:s1+$0xFFFFFEE0];
	v38 =	vmul.f32 $8.000000000e+00, v38;
	[tilespmem:v55+s17+$0x0] =	vst.idx.msk $0xffff, v50  }
0x8a: {  	s11 =	simm.s32 $0x14;
	v40 =	vld [tilespmem:s1+$0x20];
	[tilespmem:v58+s17+$0x0] =	vst.idx.msk $0xffff, v52  }
0x8b: {  	s6 =	simm.s32 $0x11;
	s10 =	simm.s32 $0x13;
	v42 =	vmov s11;
	v60 =	vld [tilespmem:s1+$0xFFFFFEA0];
	[tilespmem:v39+s17+$0x0] =	vst.idx.msk $0xffff, v38  }
0x8c: {  	s7 =	simm.s32 $0x12;
	v49 =	vmov s10;
	v57 =	vmov s6;
	s6 =	simm.s32 $0x18;
	v54 =	vshll.u32 v54, v1;
	v26 =	vld [tilespmem:$0x1FEA0]  }
0x8d: {  	s10 =	simm.s32 $0x1A;
	v59 =	vmov s7;
	s7 =	simm.s32 $0x19;
	v43 =	vmov s6;
	v62 =	vld [tilespmem:s1+$0xFFFFFF20];
	v45 =	vadd.s32 v3, v23  }
0x8e: {  	s13 =	simm.s32 $0x16;
	s11 =	simm.s32 $0x1B;
	v44 =	vmov s10;
	v46 =	vmov s7;
	v41 =	vadd.s32 v32, v13;
	v61 =	vld [tilespmem:s1+$0xFFFFFF60]  }
0x8f: {  	s14 =	simm.s32 $0x17;
	v63 =	vmov s11;
	v56 =	vmov s13;
	v50 =	vadd.s32 v25, v10;
	v55 =	vld [tilespmem:s1+$0xFFFFFFA0]  }
0x90: {  	v47 =	vmov s14;
	s14 =	simm.s32 $0x1E;
	v5 =	vmul.f32 $8.000000000e+00, v60;
	v58 =	vadd.s32 v17, v11;
	v60 =	vld [tilespmem:s1+$0xFFFFFFE0]  }
0x91: {  	v53 =	vmov s14;
	v38 =	vmul.f32 $8.000000000e+00, v8;
	v39 =	vadd.s32 v26, v9  }
0x92: {  	s13 =	simm.s32 $0x1D;
	v4 =	vshrl.u32 v42, $0x3;
	v52 =	vadd.s32 v7, v21;
	[tilespmem:v45+s17+$0x0] =	vst.idx.msk $0xffff, v5;
	v45 =	vmul.f32 $8.000000000e+00, v62;
	v62 =	vld [tilespmem:s1+$0x60]  }
0x93: {  	v0 =	vmov s13;
	[tilespmem:v41+s17+$0x0] =	vst.idx.msk $0xffff, v38;
	v38 =	vmul.f32 $8.000000000e+00, v61;
	v41 =	vadd.s32 v29, v30;
	v61 =	vld [tilespmem:s1+$0xA0]  }
0x94: {  	v6 =	vshrl.u32 v44, $0x3;
	v44 =	vmul.f32 $8.000000000e+00, v55;
	v55 =	vld [tilespmem:s1+$0xE0];
	[tilespmem:v50+s17+$0x0] =	vst.idx.msk $0xffff, v45;
	v45 =	vadd.s32 v2, v14  }
0x95: {  	v40 =	vmul.f32 $8.000000000e+00, v40;
	[tilespmem:v58+s17+$0x0] =	vst.idx.msk $0xffff, v38;
	v38 =	vmul.f32 $8.000000000e+00, v60;
	v58 =	vadd.s32 v3, v12;
	v60 =	vld [tilespmem:s1+$0x120]  }
0x96: {  	v7 =	vshrl.u32 v46, $0x3;
	v5 =	vshrl.u32 v63, $0x3;
	v63 =	vld [tilespmem:s1+$0x160];
	[tilespmem:v39+s17+$0x0] =	vst.idx.msk $0xffff, v44;
	v44 =	vadd.s32 v32, v35  }
0x97: {  	v42 =	vld [tilespmem:s1+$0x1A0];
	v50 =	vshrl.u32 v0, $0x3;
	[tilespmem:v52+s17+$0x0] =	vst.idx.msk $0xffff, v38;
	v0 =	vmul.f32 $8.000000000e+00, v62;
	v52 =	vadd.s32 v25, v36  }
0x98: {  	[tilespmem:v41+s17+$0x0] =	vst.idx.msk $0xffff, v40;
	v41 =	vmul.f32 $8.000000000e+00, v61;
	v39 =	vshrl.u32 v53, $0x3;
	v53 =	vadd.s32 v17, v34  }
0x99: {  	v46 =	vld [tilespmem:s1+$0xFFFFFE70];
	v38 =	vbroadcast v54, $0x0;
	v54 =	vadd.s32 v26, v37;
	[tilespmem:v45+s17+$0x0] =	vst.idx.msk $0xffff, v0;
	v45 =	vmul.f32 $8.000000000e+00, v55  }
0x9a: {  	v8 =	vshrl.u32 v43, $0x3;
	v43 =	vld [tilespmem:s1+$0xFFFFFF30];
	[tilespmem:v58+s17+$0x0] =	vst.idx.msk $0xffff, v41;
	v61 =	vmul.f32 $8.000000000e+00, v60  }
0x9b: {  	s12 =	simm.s32 $0x15;
	v40 =	vld [tilespmem:s1+$0xFFFFFE20];
	v58 =	vmul.f32 $8.000000000e+00, v63;
	[tilespmem:v44+s17+$0x0] =	vst.idx.msk $0xffff, v45  }
0x9c: {  	v48 =	vmov s12;
	v42 =	vmul.f32 $8.000000000e+00, v42;
	v2 =	vld [tilespmem:$0x1FF50];
	[tilespmem:v52+s17+$0x0] =	vst.idx.msk $0xffff, v61  }
0x9d: {  	v48 =	vshrl.u32 v48, $0x3;
	v3 =	vld [tilespmem:$0x1FEF0];
	[tilespmem:v53+s17+$0x0] =	vst.idx.msk $0xffff, v58  }
0x9e: {  	s12 =	simm.s32 $0x1C;
	v41 =	vadd.s32 v29, v33;
	v61 =	vshll.u32 v4, v1;
	v4 =	vmov v29;
	v29 =	vld [tilespmem:$0x1FF00];
	[tilespmem:v54+s17+$0x0] =	vst.idx.msk $0xffff, v42  }
0x9f: {  	v49 =	vshrl.u32 v49, $0x3;
	v59 =	vshrl.u32 v59, $0x3;
	v51 =	vmov s12;
	v27 =	vld [tilespmem:$0x1FF20]  }
0xa0: {  	v57 =	vshrl.u32 v57, $0x3;
	v59 =	vshll.u32 v59, v1;
	v51 =	vshrl.u32 v51, $0x3;
	v55 =	vld [tilespmem:s1+$0xFFFFFEB0]  }
0xa1: {  	v56 =	vshrl.u32 v56, $0x3;
	v47 =	vshrl.u32 v47, $0x3;
	v45 =	vld [tilespmem:s1+$0xFFFFFEF0];
	v44 =	vadd.s32 v2, v15  }
0xa2: {  	v62 =	vshll.u32 v57, v1;
	v60 =	vshll.u32 v49, v1;
	v49 =	vadd.s32 v3, v23  }
0xa3: {  	v57 =	vshll.u32 v48, v1;
	v0 =	vld [tilespmem:s1+$0xFFFFFF70];
	v40 =	vmul.f32 $8.000000000e+00, v40;
	v53 =	vadd.s32 v29, v13  }
0xa4: {  	v63 =	vmul.f32 $8.000000000e+00, v46;
	v48 =	vld [tilespmem:s1+$0xFFFFFFB0];
	v52 =	vshll.u32 v47, v1;
	v46 =	vadd.s32 v27, v10  }
0xa5: {  	v58 =	vshll.u32 v56, v1;
	v56 =	vadd.s32 v18, v11;
	[tilespmem:v41+s17+$0x0] =	vst.idx.msk $0xffff, v40;
	v40 =	vmul.f32 $8.000000000e+00, v55;
	v10 =	vld [tilespmem:s1+$0xFFFFFFF0]  }
0xa6: {  	v47 =	vadd.s32 v22, v30;
	v11 =	vmul.f32 $8.000000000e+00, v43;
	v42 =	vld [tilespmem:s1+$0x30];
	v13 =	vmul.f32 $8.000000000e+00, v45;
	[tilespmem:v44+s17+$0x0] =	vst.idx.msk $0xffff, v63  }
0xa7: {  	v43 =	vadd.s32 v24, v21;
	v21 =	vmov v4;
	v54 =	vshll.u32 v8, v1;
	v41 =	vld [tilespmem:s1+$0xF0];
	[tilespmem:v49+s17+$0x0] =	vst.idx.msk $0xffff, v40  }
0xa8: {  	v55 =	vshll.u32 v6, v1;
	v45 =	vadd.s32 v2, v14;
	v44 =	vld [tilespmem:s1+$0x70];
	[tilespmem:v53+s17+$0x0] =	vst.idx.msk $0xffff, v13;
	v13 =	vmul.f32 $8.000000000e+00, v0  }
0xa9: {  	s31 =	sshll.u32 s30, $0xB;
	s0 =	sshll.u32 s30, $0x9;
	v63 =	vadd.s32 v16, v9;
	v40 =	vld [tilespmem:s1+$0xB0];
	v53 =	vshll.u32 v7, v1;
	v0 =	vmul.f32 $8.000000000e+00, v48;
	[tilespmem:v46+s17+$0x0] =	vst.idx.msk $0xffff, v11  }
0xaa: {  	s10 =	sadd.s32 s3, s0;
	s12 =	simm.s32 $0x1F;
	s11 =	simm.s32 $0x20;
	v48 =	vadd.s32 v3, v12;
	v49 =	vmul.f32 $8.000000000e+00, v10;
	v46 =	vld [tilespmem:s1+$0x130];
	[tilespmem:v56+s17+$0x0] =	vst.idx.msk $0xffff, v13;
	v56 =	vshll.u32 v5, v1  }
.LBB2_3:
0xab: {  	v7 =	vld [tilespmem:s1+$0x1B0]  }
0xac: {  	v12 =	vld [tilespmem:s1+$0xFFFFFE30]  }
0xad: {  	v9 =	vld [tilespmem:$0x1FFB0]  }
0xae: {  	v8 =	vld [tilespmem:$0x1FFA0]  }
0xaf: {  	v4 =	vld [tilespmem:$0x1FE20]  }
0xb0: {  	v5 =	vld [tilespmem:$0x1FE30]  }
0xb1: {  	v10 =	vld [tilespmem:$0x1FE80]  }
0xb2: {  	v11 =	vld [tilespmem:$0x1FEC0]  }
0xb3: {  	v2 =	vmov s12;
	v23 =	vld [tilespmem:$0x1FED0]  }
0xb4: {  	v35 =	vadd.s32 v29, v35;
	v36 =	vadd.s32 v27, v36;
	v15 =	vld [tilespmem:$0x1FF40];
	[tilespmem:v63+s17+$0x0] =	vst.idx.msk $0xffff, v0;
	v0 =	vmul.f32 $8.000000000e+00, v42  }
0xb5: {  	v37 =	vadd.s32 v16, v37;
	v2 =	vshrl.u32 v2, $0x3;
	v42 =	vld [tilespmem:s1+$0x170];
	v6 =	vmul.f32 $8.000000000e+00, v44  }
0xb6: {  	v3 =	vadd.s32 v22, v33;
	v16 =	vld [tilespmem:$0x1FF70];
	v2 =	vshll.u32 v2, v1;
	s1 =	sadd.s32 $0x400, s1;
	[tilespmem:v47+s17+$0x0] =	vst.idx.msk $0xffff, v0;
	v0 =	vmul.f32 $8.000000000e+00, v40  }
0xb7: {  	v34 =	vadd.s32 v18, v34;
	v63 =	vbroadcast v2, $0x0;
	v2 =	vmul.f32 $8.000000000e+00, v41;
	v13 =	vld [tilespmem:s1+$0x1C0];
	[tilespmem:v45+s17+$0x0] =	vst.idx.msk $0xffff, v6  }
0xb8: {  	v14 =	vld [tilespmem:s1+$0xFFFFFE00];
	v40 =	vbroadcast v62, $0x0;
	[tilespmem:v48+s17+$0x0] =	vst.idx.msk $0xffff, v0;
	v0 =	vmul.f32 $8.000000000e+00, v46  }
0xb9: {  	v33 =	vmovc v38;
	v38 =	vld [tilespmem:s1+$0xFFFFFE80];
	[tilespmem:v35+s17+$0x0] =	vst.idx.msk $0xffff, v2;
	v45 =	vbroadcast v59, $0x0;
	v62 =	vmul.f32 $8.000000000e+00, v12;
	v48 =	vadd.s32 v9, v63  }
0xba: {  	v35 =	vadd.s32 v19, v33;
	v2 =	vmul.f32 $8.000000000e+00, v42;
	[tilespmem:v36+s17+$0x0] =	vst.idx.msk $0xffff, v0;
	v0 =	vmul.f32 $8.000000000e+00, v7;
	v7 =	vld [tilespmem:$0x1FF90]  }
0xbb: {  	v59 =	vld [tilespmem:s1+$0xFFFFFEC0];
	[tilespmem:v3+s17+$0x0] =	vst.idx.msk $0xffff, v62  }
0xbc: {  	v12 =	vld [tilespmem:s1+$0xFFFFFF00];
	v42 =	vbroadcast v61, $0x0;
	v47 =	vmul.f32 $8.000000000e+00, v13;
	[tilespmem:v34+s17+$0x0] =	vst.idx.msk $0xffff, v2;
	v2 =	vadd.s32 v8, v45  }
0xbd: {  	v46 =	vld [tilespmem:s1+$0xFFFFFE40];
	[tilespmem:v37+s17+$0x0] =	vst.idx.msk $0xffff, v0;
	v0 =	vmul.f32 $8.000000000e+00, v14  }
0xbe: {  	v41 =	vbroadcast v60, $0x0;
	v6 =	vld [tilespmem:$0x1FE40];
	v60 =	vadd.s32 v5, v42;
	[tilespmem:v48+s17+$0x0] =	vst.idx.msk $0xffff, v47  }
0xbf: {  	v61 =	vld [tilespmem:s1+$0xFFFFFF80];
	[tilespmem:v35+s17+$0x0] =	vst.idx.msk $0xffff, v0;
	v0 =	vmul.f32 $8.000000000e+00, v38;
	v36 =	vadd.s32 v7, v40  }
0xc0: {  	[tilespmem:v43+s17+$0x0] =	vst.idx.msk $0xffff, v49;
	v38 =	vshll.u32 v50, v1;
	v50 =	vld [tilespmem:s1+$0x1D0]  }
0xc1: {  	v43 =	vbroadcast v57, $0x0;
	v13 =	vadd.s32 v4, v41;
	v14 =	vld [tilespmem:s1+$0xFFFFFF40];
	[tilespmem:v2+s17+$0x0] =	vst.idx.msk $0xffff, v0;
	v0 =	vmul.f32 $8.000000000e+00, v12  }
0xc2: {  	v44 =	vbroadcast v58, $0x0;
	v58 =	vld [tilespmem:s1+$0xFFFFFFC0];
	v3 =	vmul.f32 $8.000000000e+00, v46;
	v12 =	vadd.s32 v11, v63  }
0xc3: {  	v62 =	vadd.s32 v6, v43;
	v48 =	vbroadcast v52, $0x0;
	v2 =	vld [tilespmem:s1+$0x0];
	[tilespmem:v60+s17+$0x0] =	vst.idx.msk $0xffff, v0  }
0xc4: {  	v0 =	vmul.f32 $8.000000000e+00, v61;
	v61 =	vld [tilespmem:s1+$0x80];
	[tilespmem:v36+s17+$0x0] =	vst.idx.msk $0xffff, v3;
	v3 =	vmul.f32 $8.000000000e+00, v59;
	v36 =	vadd.s32 v10, v44  }
0xc5: {  	v51 =	vshll.u32 v51, v1;
	v47 =	vbroadcast v54, $0x0;
	v50 =	vmul.f32 $8.000000000e+00, v50;
	v59 =	vld [tilespmem:s1+$0x140]  }
0xc6: {  	v49 =	vbroadcast v53, $0x0;
	[tilespmem:v13+s17+$0x0] =	vst.idx.msk $0xffff, v3;
	v3 =	vmul.f32 $8.000000000e+00, v14;
	v13 =	vadd.s32 v9, v48;
	v14 =	vld [tilespmem:s1+$0x40]  }
0xc7: {  	v46 =	vbroadcast v55, $0x0;
	v35 =	vbroadcast v56, $0x0;
	v60 =	vadd.s32 v19, v47;
	[tilespmem:v12+s17+$0x0] =	vst.idx.msk $0xffff, v50;
	v12 =	vld [tilespmem:s1+$0xFFFFFE50]  }
0xc8: {  	v34 =	vbroadcast v38, $0x0;
	v9 =	vmov s11;
	[tilespmem:v62+s17+$0x0] =	vst.idx.msk $0xffff, v3;
	v3 =	vadd.s32 v7, v49;
	v62 =	vld [tilespmem:s1+$0xC0]  }
0xc9: {  	v7 =	vadd.s32 v8, v46;
	v8 =	vld [tilespmem:s1+$0x100];
	[tilespmem:v36+s17+$0x0] =	vst.idx.msk $0xffff, v0;
	v0 =	vmul.f32 $8.000000000e+00, v58;
	v36 =	vbroadcast v51, $0x0  }
0xca: {  	v2 =	vmul.f32 $8.000000000e+00, v2;
	v53 =	vshrl.u32 v9, $0x3;
	v9 =	vld [tilespmem:$0x1FF60];
	v51 =	vadd.s32 v4, v35  }
0xcb: {  	[tilespmem:v13+s17+$0x0] =	vst.idx.msk $0xffff, v0;
	v0 =	vmul.f32 $8.000000000e+00, v14;
	v38 =	vadd.s32 v5, v36;
	v13 =	vshll.u32 v39, v1;
	v39 =	vld [tilespmem:s1+$0x1E0]  }
0xcc: {  	v50 =	vadd.s32 v6, v34;
	[tilespmem:v60+s17+$0x0] =	vst.idx.msk $0xffff, v2;
	v2 =	vmul.f32 $8.000000000e+00, v61;
	v14 =	vld [tilespmem:s1+$0x180]  }
0xcd: {  	v37 =	vbroadcast v13, $0x0;
	v13 =	vld [tilespmem:s1+$0xFFFFFE90];
	[tilespmem:v3+s17+$0x0] =	vst.idx.msk $0xffff, v0;
	v0 =	vmul.f32 $8.000000000e+00, v62;
	v3 =	vadd.s32 v23, v63  }
0xce: {  	[tilespmem:v7+s17+$0x0] =	vst.idx.msk $0xffff, v2;
	v2 =	vmul.f32 $8.000000000e+00, v8;
	v8 =	vld [tilespmem:$0x1FF30]  }
0xcf: {  	v60 =	vld [tilespmem:s1+$0xFFFFFED0];
	v56 =	vadd.s32 v10, v37;
	[tilespmem:v51+s17+$0x0] =	vst.idx.msk $0xffff, v0;
	v0 =	vmul.f32 $8.000000000e+00, v59  }
0xd0: {  	v10 =	vld [tilespmem:$0x1FFC0];
	[tilespmem:v38+s17+$0x0] =	vst.idx.msk $0xffff, v2;
	v2 =	vmul.f32 $8.000000000e+00, v39  }
0xd1: {  	v61 =	vld [tilespmem:s1+$0xFFFFFF10];
	v59 =	vadd.s32 v9, v45;
	[tilespmem:v50+s17+$0x0] =	vst.idx.msk $0xffff, v0  }
0xd2: {  	v0 =	vmul.f32 $8.000000000e+00, v14;
	[tilespmem:v3+s17+$0x0] =	vst.idx.msk $0xffff, v2;
	v3 =	vmul.f32 $8.000000000e+00, v13;
	v13 =	vld [tilespmem:$0x1FE50]  }
0xd3: {  	v4 =	vld [tilespmem:s1+$0xFFFFFF90];
	v58 =	vadd.s32 v8, v40  }
0xd4: {  	v54 =	vadd.s32 v28, v42;
	[tilespmem:v56+s17+$0x0] =	vst.idx.msk $0xffff, v0;
	v0 =	vld [tilespmem:s1+$0x1F0]  }
0xd5: {  	v62 =	vld [tilespmem:s1+$0xFFFFFF50];
	v39 =	vadd.s32 v10, v41  }
0xd6: {  	s13 =	sadd.s32 $0x1, s11;
	v30 =	vld [tilespmem:$0x1FEF0];
	v52 =	vmul.f32 $8.000000000e+00, v12;
	[tilespmem:v59+s17+$0x0] =	vst.idx.msk $0xffff, v3;
	v3 =	vmul.f32 $8.000000000e+00, v61;
	v61 =	vadd.s32 v24, v63  }
0xd7: {  	v57 =	vmov s13;
	v59 =	vld [tilespmem:s1+$0x10];
	v55 =	vadd.s32 v13, v43  }
0xd8: {  	v12 =	vadd.s32 v11, v48;
	v14 =	vmul.f32 $8.000000000e+00, v60;
	v60 =	vld [tilespmem:s1+$0xFFFFFFD0];
	[tilespmem:v58+s17+$0x0] =	vst.idx.msk $0xffff, v52;
	v58 =	vadd.s32 v31, v44  }
0xd9: {  	s14 =	sadd.s32 $0x2, s11;
	s6 =	sadd.s32 $0x3, s11;
	v11 =	vld [tilespmem:s1+$0x150];
	[tilespmem:v54+s17+$0x0] =	vst.idx.msk $0xffff, v3;
	v3 =	vmul.f32 $8.000000000e+00, v4;
	v4 =	vadd.s32 v20, v47;
	v0 =	vmul.f32 $8.000000000e+00, v0  }
0xda: {  	s7 =	sadd.s32 $0x4, s11;
	v51 =	vmov s14;
	v38 =	vmov s6;
	s6 =	sadd.s32 $0x7, s11;
	[tilespmem:v39+s17+$0x0] =	vst.idx.msk $0xffff, v14;
	v39 =	vmul.f32 $8.000000000e+00, v62;
	v14 =	vld [tilespmem:s1+$0x50]  }
0xdb: {  	s13 =	sadd.s32 $0x5, s11;
	v53 =	vshll.u32 v53, v1;
	v50 =	vmov s7;
	v5 =	vmov s6;
	v54 =	vld [tilespmem:s1+$0x90];
	[tilespmem:v61+s17+$0x0] =	vst.idx.msk $0xffff, v0  }
0xdc: {  	v2 =	vmov s13;
	v59 =	vmul.f32 $8.000000000e+00, v59;
	[tilespmem:v55+s17+$0x0] =	vst.idx.msk $0xffff, v39;
	v39 =	vadd.s32 v8, v49;
	v55 =	vld [tilespmem:s1+$0xD0]  }
0xdd: {  	s14 =	sadd.s32 $0x6, s11;
	s13 =	sadd.s32 $0x9, s11;
	v5 =	vshrl.u32 v5, $0x3;
	[tilespmem:v58+s17+$0x0] =	vst.idx.msk $0xffff, v3;
	v3 =	vmul.f32 $8.000000000e+00, v60;
	v58 =	vadd.s32 v9, v46;
	v60 =	vld [tilespmem:s1+$0x110]  }
0xde: {  	v56 =	vmov s14;
	v6 =	vmov s13;
	v10 =	vadd.s32 v10, v35;
	v61 =	vld [tilespmem:s1+$0x190];
	[tilespmem:v4+s17+$0x0] =	vst.idx.msk $0xffff, v59  }
0xdf: {  	s7 =	sadd.s32 $0x8, s11;
	v2 =	vshrl.u32 v2, $0x3;
	v52 =	vadd.s32 v28, v36;
	v59 =	vld [tilespmem:s1+$0xFFFFFE60];
	[tilespmem:v12+s17+$0x0] =	vst.idx.msk $0xffff, v3;
	v3 =	vmul.f32 $8.000000000e+00, v14  }
0xe0: {  	s14 =	sadd.s32 $0xA, s11;
	v63 =	vmov s7;
	v4 =	vmul.f32 $8.000000000e+00, v54;
	v54 =	vadd.s32 v13, v34;
	v13 =	vld [tilespmem:s1+$0xFFFFFEA0]  }
0xe1: {  	v7 =	vmov s14;
	v6 =	vshrl.u32 v6, $0x3;
	v12 =	vld [tilespmem:s1+$0xFFFFFE10];
	[tilespmem:v39+s17+$0x0] =	vst.idx.msk $0xffff, v3;
	v3 =	vmul.f32 $8.000000000e+00, v55  }
0xe2: {  	v39 =	vadd.s32 v31, v37;
	v55 =	vshrl.u32 v57, $0x3;
	[tilespmem:v58+s17+$0x0] =	vst.idx.msk $0xffff, v4;
	v4 =	vmul.f32 $8.000000000e+00, v60;
	v60 =	vld [tilespmem:s1+$0xFFFFFEE0]  }
0xe3: {  	v57 =	vadd.s32 v20, v33;
	v58 =	vshrl.u32 v51, $0x3;
	[tilespmem:v10+s17+$0x0] =	vst.idx.msk $0xffff, v3;
	v10 =	vshrl.u32 v38, $0x3;
	v38 =	vld [tilespmem:s1+$0xFFFFFF20]  }
0xe4: {  	v51 =	vadd.s32 v15, v40;
	v3 =	vmul.f32 $8.000000000e+00, v11;
	[tilespmem:v52+s17+$0x0] =	vst.idx.msk $0xffff, v4;
	v4 =	vmul.f32 $8.000000000e+00, v61;
	v61 =	vld [tilespmem:s1+$0xFFFFFF60]  }
0xe5: {  	v14 =	vshrl.u32 v63, $0x3;
	v11 =	vadd.s32 v16, v45;
	v52 =	vshrl.u32 v50, $0x3;
	v63 =	vld [tilespmem:s1+$0x120]  }
0xe6: {  	s14 =	sadd.s32 $0xE, s11;
	v12 =	vmul.f32 $8.000000000e+00, v12;
	v50 =	vadd.s32 v32, v41;
	[tilespmem:v54+s17+$0x0] =	vst.idx.msk $0xffff, v3;
	v3 =	vmul.f32 $8.000000000e+00, v59;
	v59 =	vld [tilespmem:s1+$0xFFFFFFA0]  }
0xe7: {  	v7 =	vshrl.u32 v7, $0x3;
	v62 =	vmov s14;
	v54 =	vadd.s32 v25, v42;
	[tilespmem:v39+s17+$0x0] =	vst.idx.msk $0xffff, v4;
	v39 =	vld [tilespmem:s1+$0xFFFFFFE0]  }
0xe8: {  	v4 =	vshrl.u32 v56, $0x3;
	[tilespmem:v57+s17+$0x0] =	vst.idx.msk $0xffff, v12;
	v12 =	vmul.f32 $8.000000000e+00, v13;
	v13 =	vadd.s32 v17, v43;
	v57 =	vld [tilespmem:s1+$0x20]  }
0xe9: {  	s6 =	sadd.s32 $0xB, s11;
	s13 =	sadd.s32 $0xD, s11;
	v56 =	vadd.s32 v26, v44;
	[tilespmem:v51+s17+$0x0] =	vst.idx.msk $0xffff, v3;
	v3 =	vmul.f32 $8.000000000e+00, v60;
	v51 =	vmul.f32 $8.000000000e+00, v38;
	v38 =	vld [tilespmem:s1+$0x60]  }
0xea: {  	s7 =	sadd.s32 $0xC, s11;
	v0 =	vmov s13;
	v8 =	vmov s6;
	[tilespmem:v11+s17+$0x0] =	vst.idx.msk $0xffff, v12;
	v12 =	vadd.s32 v23, v48;
	v23 =	vld [tilespmem:$0x1FF50]  }
0xeb: {  	v9 =	vmov s7;
	v60 =	vadd.s32 v21, v47;
	[tilespmem:v50+s17+$0x0] =	vst.idx.msk $0xffff, v3;
	v3 =	vmul.f32 $8.000000000e+00, v61;
	v61 =	vld [tilespmem:s1+$0xA0]  }
0xec: {  	[tilespmem:v54+s17+$0x0] =	vst.idx.msk $0xffff, v51;
	v11 =	vmul.f32 $8.000000000e+00, v59;
	v54 =	vadd.s32 v15, v49;
	v59 =	vld [tilespmem:s1+$0xE0];
	v51 =	vshrl.u32 v9, $0x3  }
0xed: {  	[tilespmem:v13+s17+$0x0] =	vst.idx.msk $0xffff, v3;
	v3 =	vmul.f32 $8.000000000e+00, v39;
	v13 =	vadd.s32 v16, v46;
	v9 =	vmul.f32 $8.000000000e+00, v57;
	v57 =	vld [tilespmem:s1+$0xFFFFFE20]  }
0xee: {  	v47 =	vadd.s32 v22, v47;
	v50 =	vshrl.u32 v0, $0x3;
	[tilespmem:v56+s17+$0x0] =	vst.idx.msk $0xffff, v11;
	v11 =	vadd.s32 v32, v35;
	v56 =	vld [tilespmem:s1+$0x160]  }
0xef: {  	v15 =	vadd.s32 v17, v34;
	[tilespmem:v12+s17+$0x0] =	vst.idx.msk $0xffff, v3;
	v0 =	vmul.f32 $8.000000000e+00, v38;
	v3 =	vadd.s32 v25, v36;
	v12 =	vld [tilespmem:s1+$0x1A0]  }
0xf0: {  	v39 =	vshrl.u32 v62, $0x3;
	v62 =	vshll.u32 v55, v1;
	v16 =	vld [tilespmem:s1+$0xFFFFFEB0];
	[tilespmem:v60+s17+$0x0] =	vst.idx.msk $0xffff, v9;
	v9 =	vmul.f32 $8.000000000e+00, v61  }
0xf1: {  	v38 =	vbroadcast v53, $0x0;
	v53 =	vld [tilespmem:s1+$0xFFFFFE70];
	[tilespmem:v54+s17+$0x0] =	vst.idx.msk $0xffff, v0;
	v0 =	vmul.f32 $8.000000000e+00, v59;
	v54 =	vadd.s32 v26, v37  }
0xf2: {  	v55 =	vadd.s32 v21, v33;
	[tilespmem:v13+s17+$0x0] =	vst.idx.msk $0xffff, v9;
	v9 =	vmul.f32 $8.000000000e+00, v63;
	v13 =	vadd.s32 v23, v40;
	v40 =	vld [tilespmem:s1+$0xFFFFFEF0]  }
0xf3: {  	v60 =	vshll.u32 v10, v1;
	v10 =	vadd.s32 v30, v45;
	[tilespmem:v11+s17+$0x0] =	vst.idx.msk $0xffff, v0;
	v0 =	vmul.f32 $8.000000000e+00, v56;
	v11 =	vld [tilespmem:s1+$0xFFFFFF30]  }
0xf4: {  	v61 =	vshll.u32 v52, v1;
	[tilespmem:v3+s17+$0x0] =	vst.idx.msk $0xffff, v9;
	v3 =	vmul.f32 $8.000000000e+00, v12;
	v12 =	vadd.s32 v29, v41;
	v41 =	vld [tilespmem:s1+$0xFFFFFF70]  }
0xf5: {  	v59 =	vshll.u32 v58, v1;
	v45 =	vmul.f32 $8.000000000e+00, v57;
	v57 =	vshll.u32 v2, v1;
	v9 =	vld [tilespmem:s1+$0xFFFFFFF0];
	[tilespmem:v15+s17+$0x0] =	vst.idx.msk $0xffff, v0  }
0xf6: {  	v2 =	vadd.s32 v27, v42;
	v0 =	vmul.f32 $8.000000000e+00, v53;
	[tilespmem:v54+s17+$0x0] =	vst.idx.msk $0xffff, v3;
	v3 =	vmul.f32 $8.000000000e+00, v16;
	v16 =	vld [tilespmem:$0x1FEB0]  }
0xf7: {  	p1 =	slt.u32 s11, $0x70;
	v8 =	vshrl.u32 v8, $0x3;
	v58 =	vshll.u32 v4, v1;
	v4 =	vadd.s32 v18, v43;
	[tilespmem:v55+s17+$0x0] =	vst.idx.msk $0xffff, v45;
	v15 =	vld [tilespmem:s1+$0xFFFFFFB0]  }
.Ltmp2:
0xf8: {  	v52 =	vshll.u32 v5, v1;
	v43 =	vadd.s32 v24, v48;
	v42 =	vld [tilespmem:s1+$0x30];
	[tilespmem:v13+s17+$0x0] =	vst.idx.msk $0xffff, v0;
	v0 =	vmul.f32 $8.000000000e+00, v40;
	(pc) =	sbr.rel @p1 .LBB2_3-.Ltmp2, $4  }
0xf9: {  	v56 =	vshll.u32 v8, v1;
	v55 =	vshll.u32 v7, v1;
	v40 =	vld [tilespmem:s1+$0xB0];
	[tilespmem:v10+s17+$0x0] =	vst.idx.msk $0xffff, v3;
	v3 =	vmul.f32 $8.000000000e+00, v11  }
0xfa: {  	v45 =	vadd.s32 v23, v49;
	v53 =	vshll.u32 v6, v1;
	[tilespmem:v12+s17+$0x0] =	vst.idx.msk $0xffff, v0;
	v48 =	vmul.f32 $8.000000000e+00, v41;
	v41 =	vld [tilespmem:s1+$0xF0]  }
0xfb: {  	v54 =	vshll.u32 v14, v1;
	[tilespmem:v2+s17+$0x0] =	vst.idx.msk $0xffff, v3;
	v63 =	vadd.s32 v16, v44;
	v44 =	vld [tilespmem:s1+$0x70]  }
0xfc: {  	s12 =	sadd.s32 $0xF, s11;
	s11 =	sadd.s32 $0x10, s11;
	v49 =	vmul.f32 $8.000000000e+00, v9;
	v0 =	vmul.f32 $8.000000000e+00, v15;
	[tilespmem:v4+s17+$0x0] =	vst.idx.msk $0xffff, v48;
	v48 =	vadd.s32 v30, v46;
	v46 =	vld [tilespmem:s1+$0x130]  }
0xfd: {  	_ =	sdelay $0x3  }
0xfe: {  	v2 =	vmul.f32 $8.000000000e+00, v42;
	v3 =	vadd.s32 v29, v35;
	[tilespmem:v63+s17+$0x0] =	vst.idx.msk $0xffff, v0  }
0xff: {  	[tilespmem:v43+s17+$0x0] =	vst.idx.msk $0xffff, v49;
	v8 =	vmul.f32 $8.000000000e+00, v40  }
0x100: {  	v4 =	vld [tilespmem:s1+$0x170];
	[tilespmem:v47+s17+$0x0] =	vst.idx.msk $0xffff, v2;
	v5 =	vmul.f32 $8.000000000e+00, v44  }
0x101: {  	v6 =	vadd.s32 v27, v36;
	v7 =	vld [tilespmem:s1+$0x1B0];
	v10 =	vmul.f32 $8.000000000e+00, v41;
	[tilespmem:v48+s17+$0x0] =	vst.idx.msk $0xffff, v8  }
0x102: {  	v9 =	vadd.s32 v18, v34;
	v2 =	vld [tilespmem:s1+$0xFFFFFE30];
	[tilespmem:v45+s17+$0x0] =	vst.idx.msk $0xffff, v5  }
0x103: {  	v11 =	vadd.s32 v16, v37;
	[tilespmem:v3+s17+$0x0] =	vst.idx.msk $0xffff, v10  }
0x104: {  	v13 =	vadd.s32 v22, v33;
	v0 =	vmov s12;
	v14 =	vmul.f32 $8.000000000e+00, v46;
	v23 =	vld [tilespmem:$0x1FFB0]  }
0x105: {  	s12 =	sadd.s32 $0x400, s1;
	v0 =	vshrl.u32 v0, $0x3;
	v4 =	vmul.f32 $8.000000000e+00, v4  }
0x106: {  	v40 =	vld [tilespmem:s12+$0x1C0];
	v0 =	vshll.u32 v0, v1;
	v7 =	vmul.f32 $8.000000000e+00, v7;
	[tilespmem:v6+s17+$0x0] =	vst.idx.msk $0xffff, v14  }
0x107: {  	v42 =	vld [tilespmem:s12+$0xFFFFFE00];
	v0 =	vbroadcast v0, $0x0;
	[tilespmem:v9+s17+$0x0] =	vst.idx.msk $0xffff, v4;
	v2 =	vmul.f32 $8.000000000e+00, v2  }
0x108: {  	v34 =	vbroadcast v59, $0x0;
	v59 =	vld [tilespmem:$0x1FF90];
	[tilespmem:v11+s17+$0x0] =	vst.idx.msk $0xffff, v7  }
0x109: {  	v33 =	vbroadcast v62, $0x0;
	v62 =	vld [tilespmem:$0x1FFA0];
	[tilespmem:v13+s17+$0x0] =	vst.idx.msk $0xffff, v2;
	v43 =	vadd.s32 v23, v0  }
0x10a: {  	v6 =	vadd.s32 v19, v38;
	v49 =	vld [tilespmem:$0x1FE20]  }
0x10b: {  	v3 =	vld [tilespmem:s12+$0xFFFFFE40]  }
0x10c: {  	v14 =	vld [tilespmem:s12+$0xFFFFFE80];
	v5 =	vmul.f32 $8.000000000e+00, v40  }
0x10d: {  	v35 =	vbroadcast v60, $0x0;
	v44 =	vld [tilespmem:s12+$0xFFFFFEC0];
	v8 =	vmul.f32 $8.000000000e+00, v42;
	v4 =	vadd.s32 v59, v33  }
0x10e: {  	v36 =	vbroadcast v61, $0x0;
	v61 =	vld [tilespmem:s12+$0xFFFFFF40];
	v47 =	vadd.s32 v62, v34;
	[tilespmem:v43+s17+$0x0] =	vst.idx.msk $0xffff, v5  }
0x10f: {  	v12 =	vshll.u32 v51, v1;
	v2 =	vadd.s32 v49, v35;
	v51 =	vld [tilespmem:$0x1FE30];
	[tilespmem:v6+s17+$0x0] =	vst.idx.msk $0xffff, v8  }
0x110: {  	v37 =	vbroadcast v57, $0x0;
	v3 =	vmul.f32 $8.000000000e+00, v3;
	v57 =	vld [tilespmem:$0x1FE40]  }
0x111: {  	v63 =	vld [tilespmem:s12+$0xFFFFFFC0];
	v48 =	vmul.f32 $8.000000000e+00, v14  }
0x112: {  	v41 =	vbroadcast v52, $0x0;
	v7 =	vld [tilespmem:s12+$0x0];
	[tilespmem:v4+s17+$0x0] =	vst.idx.msk $0xffff, v3;
	v3 =	vmul.f32 $8.000000000e+00, v44  }
0x113: {  	v30 =	vld [tilespmem:$0x1FE80];
	[tilespmem:v47+s17+$0x0] =	vst.idx.msk $0xffff, v48  }
0x114: {  	v42 =	vbroadcast v54, $0x0;
	v52 =	vld [tilespmem:$0x1FEC0];
	[tilespmem:v2+s17+$0x0] =	vst.idx.msk $0xffff, v3;
	v3 =	vadd.s32 v23, v41  }
0x115: {  	v60 =	vld [tilespmem:s12+$0xFFFFFF00];
	v40 =	vbroadcast v58, $0x0;
	v58 =	vadd.s32 v57, v37  }
0x116: {  	v46 =	vld [tilespmem:s12+$0xFFFFFF80];
	v2 =	vmul.f32 $8.000000000e+00, v61;
	v61 =	vadd.s32 v19, v42  }
0x117: {  	v63 =	vmul.f32 $8.000000000e+00, v63;
	v15 =	vld [tilespmem:s12+$0x1D0];
	v45 =	vadd.s32 v51, v36  }
0x118: {  	v14 =	vshll.u32 v50, v1;
	v50 =	vld [tilespmem:s12+$0x40];
	v43 =	vbroadcast v53, $0x0;
	v4 =	vadd.s32 v30, v40  }
0x119: {  	v7 =	vmul.f32 $8.000000000e+00, v7;
	v48 =	vadd.s32 v52, v0;
	[tilespmem:v3+s17+$0x0] =	vst.idx.msk $0xffff, v63  }
0x11a: {  	v47 =	vmul.f32 $8.000000000e+00, v60;
	[tilespmem:v58+s17+$0x0] =	vst.idx.msk $0xffff, v2;
	v2 =	vadd.s32 v59, v43  }
0x11b: {  	v60 =	vmul.f32 $8.000000000e+00, v46;
	[tilespmem:v61+s17+$0x0] =	vst.idx.msk $0xffff, v7  }
0x11c: {  	v15 =	vmul.f32 $8.000000000e+00, v15;
	[tilespmem:v45+s17+$0x0] =	vst.idx.msk $0xffff, v47  }
0x11d: {  	v54 =	vld [tilespmem:s12+$0x80];
	v3 =	vmul.f32 $8.000000000e+00, v50;
	[tilespmem:v4+s17+$0x0] =	vst.idx.msk $0xffff, v60  }
0x11e: {  	v9 =	vld [tilespmem:s12+$0x100];
	v44 =	vbroadcast v55, $0x0;
	[tilespmem:v48+s17+$0x0] =	vst.idx.msk $0xffff, v15  }
0x11f: {  	v45 =	vbroadcast v56, $0x0;
	v58 =	vld [tilespmem:s12+$0xC0];
	[tilespmem:v2+s17+$0x0] =	vst.idx.msk $0xffff, v3  }
0x120: {  	v46 =	vbroadcast v12, $0x0;
	v5 =	vadd.s32 v62, v44;
	v56 =	vld [tilespmem:$0x1FED0]  }
0x121: {  	v12 =	vld [tilespmem:s12+$0x140];
	v50 =	vshll.u32 v39, v1;
	v47 =	vbroadcast v14, $0x0;
	v11 =	vadd.s32 v49, v45  }
0x122: {  	v10 =	vld [tilespmem:s12+$0x180];
	v39 =	vbroadcast v50, $0x0;
	v48 =	vadd.s32 v51, v46  }
0x123: {  	v60 =	vmul.f32 $8.000000000e+00, v54;
	v61 =	vadd.s32 v57, v47;
	v53 =	vld [tilespmem:s12+$0x1E0]  }
0x124: {  	v55 =	vmul.f32 $8.000000000e+00, v9;
	v9 =	vadd.s32 v30, v39;
	v3 =	vmul.f32 $8.000000000e+00, v58  }
0x125: {  	[tilespmem:v5+s17+$0x0] =	vst.idx.msk $0xffff, v60;
	v63 =	vadd.s32 v56, v0  }
0x126: {  	v12 =	vmul.f32 $8.000000000e+00, v12;
	v2 =	vld [tilespmem:s12+$0xFFFFFE50];
	[tilespmem:v11+s17+$0x0] =	vst.idx.msk $0xffff, v3  }
0x127: {  	v10 =	vmul.f32 $8.000000000e+00, v10;
	v58 =	vld [tilespmem:$0x1FF30];
	[tilespmem:v48+s17+$0x0] =	vst.idx.msk $0xffff, v55  }
0x128: {  	v60 =	vmul.f32 $8.000000000e+00, v53;
	v48 =	vld [tilespmem:$0x1FF60];
	[tilespmem:v61+s17+$0x0] =	vst.idx.msk $0xffff, v12  }
0x129: {  	v54 =	vld [tilespmem:$0x1FFC0];
	[tilespmem:v9+s17+$0x0] =	vst.idx.msk $0xffff, v10  }
0x12a: {  	v5 =	vld [tilespmem:s12+$0xFFFFFE90];
	[tilespmem:v63+s17+$0x0] =	vst.idx.msk $0xffff, v60  }
0x12b: {  	v50 =	vld [tilespmem:$0x1FE50]  }
0x12c: {  	v11 =	vld [tilespmem:s12+$0xFFFFFED0];
	v3 =	vadd.s32 v58, v33  }
0x12d: {  	v6 =	vld [tilespmem:s12+$0xFFFFFF10];
	v4 =	vadd.s32 v48, v34  }
0x12e: {  	v61 =	vld [tilespmem:s12+$0xFFFFFF50];
	v7 =	vadd.s32 v54, v35  }
0x12f: {  	v53 =	vld [tilespmem:s12+$0xFFFFFF90];
	v2 =	vmul.f32 $8.000000000e+00, v2;
	v63 =	vadd.s32 v28, v36  }
0x130: {  	v5 =	vmul.f32 $8.000000000e+00, v5;
	v10 =	vld [tilespmem:s12+$0x1F0];
	v55 =	vadd.s32 v50, v37  }
0x131: {  	[tilespmem:v3+s17+$0x0] =	vst.idx.msk $0xffff, v2;
	v2 =	vmul.f32 $8.000000000e+00, v11;
	v3 =	vadd.s32 v31, v40;
	v11 =	vld [tilespmem:s12+$0xFFFFFFD0]  }
0x132: {  	v0 =	vadd.s32 v24, v0;
	v60 =	vmul.f32 $8.000000000e+00, v6;
	[tilespmem:v4+s17+$0x0] =	vst.idx.msk $0xffff, v5;
	v5 =	vld [tilespmem:s12+$0x10]  }
0x133: {  	v6 =	vadd.s32 v52, v41;
	[tilespmem:v7+s17+$0x0] =	vst.idx.msk $0xffff, v2;
	v2 =	vmul.f32 $8.000000000e+00, v61;
	v7 =	vld [tilespmem:s12+$0x50]  }
0x134: {  	v61 =	vmul.f32 $8.000000000e+00, v53;
	v53 =	vld [tilespmem:s12+$0x90];
	[tilespmem:v63+s17+$0x0] =	vst.idx.msk $0xffff, v60;
	v63 =	vadd.s32 v20, v42  }
0x135: {  	v10 =	vmul.f32 $8.000000000e+00, v10;
	[tilespmem:v55+s17+$0x0] =	vst.idx.msk $0xffff, v2;
	v2 =	vadd.s32 v58, v43;
	v55 =	vld [tilespmem:s12+$0xD0]  }
0x136: {  	v60 =	vadd.s32 v48, v44;
	[tilespmem:v3+s17+$0x0] =	vst.idx.msk $0xffff, v61;
	v3 =	vmul.f32 $8.000000000e+00, v11;
	v61 =	vld [tilespmem:s12+$0x110]  }
0x137: {  	v5 =	vmul.f32 $8.000000000e+00, v5;
	[tilespmem:v0+s17+$0x0] =	vst.idx.msk $0xffff, v10;
	v0 =	vadd.s32 v54, v45  }
0x138: {  	[tilespmem:v6+s17+$0x0] =	vst.idx.msk $0xffff, v3;
	v3 =	vmul.f32 $8.000000000e+00, v7;
	v6 =	vadd.s32 v28, v46  }
0x139: {  	[tilespmem:v63+s17+$0x0] =	vst.idx.msk $0xffff, v5;
	v63 =	vmul.f32 $8.000000000e+00, v53  }
0x13a: {  	[tilespmem:v2+s17+$0x0] =	vst.idx.msk $0xffff, v3;
	v3 =	vmul.f32 $8.000000000e+00, v55  }
0x13b: {  	v10 =	vld [tilespmem:s12+$0x150];
	[tilespmem:v60+s17+$0x0] =	vst.idx.msk $0xffff, v63;
	v11 =	vmul.f32 $8.000000000e+00, v61  }
0x13c: {  	v7 =	vld [tilespmem:s12+$0x190];
	[tilespmem:v0+s17+$0x0] =	vst.idx.msk $0xffff, v3  }
0x13d: {  	v60 =	vld [tilespmem:$0x1FF40];
	[tilespmem:v6+s17+$0x0] =	vst.idx.msk $0xffff, v11  }
0x13e: {  	v13 =	vld [tilespmem:$0x1FF70]  }
0x13f: {  	v12 =	vadd.s32 v50, v47;
	v5 =	vld [tilespmem:s12+$0xFFFFFE10]  }
0x140: {  	v53 =	vadd.s32 v31, v39;
	v2 =	vld [tilespmem:s12+$0xFFFFFE60]  }
0x141: {  	v4 =	vadd.s32 v20, v38;
	v55 =	vld [tilespmem:s12+$0xFFFFFEA0]  }
0x142: {  	v10 =	vmul.f32 $8.000000000e+00, v10;
	v3 =	vld [tilespmem:s12+$0xFFFFFEE0];
	v0 =	vadd.s32 v60, v33  }
0x143: {  	v61 =	vld [tilespmem:s12+$0xFFFFFF20];
	v7 =	vmul.f32 $8.000000000e+00, v7;
	v6 =	vadd.s32 v13, v34  }
0x144: {  	v63 =	vld [tilespmem:s12+$0xFFFFFF60];
	v5 =	vmul.f32 $8.000000000e+00, v5;
	[tilespmem:v12+s17+$0x0] =	vst.idx.msk $0xffff, v10;
	v10 =	vadd.s32 v32, v35  }
0x145: {  	[tilespmem:v53+s17+$0x0] =	vst.idx.msk $0xffff, v7;
	v7 =	vadd.s32 v25, v36;
	v53 =	vld [tilespmem:s12+$0xFFFFFFA0];
	v2 =	vmul.f32 $8.000000000e+00, v2  }
0x146: {  	v8 =	vld [tilespmem:s12+$0xFFFFFFE0];
	[tilespmem:v4+s17+$0x0] =	vst.idx.msk $0xffff, v5;
	v5 =	vadd.s32 v17, v37;
	v55 =	vmul.f32 $8.000000000e+00, v55  }
0x147: {  	[tilespmem:v0+s17+$0x0] =	vst.idx.msk $0xffff, v2;
	v0 =	vmul.f32 $8.000000000e+00, v3;
	v2 =	vadd.s32 v26, v40;
	v3 =	vld [tilespmem:s12+$0x20]  }
0x148: {  	v61 =	vmul.f32 $8.000000000e+00, v61;
	v11 =	vld [tilespmem:s12+$0x60];
	[tilespmem:v6+s17+$0x0] =	vst.idx.msk $0xffff, v55;
	v6 =	vadd.s32 v56, v41  }
0x149: {  	[tilespmem:v10+s17+$0x0] =	vst.idx.msk $0xffff, v0;
	v0 =	vmul.f32 $8.000000000e+00, v63;
	v10 =	vadd.s32 v21, v42;
	v63 =	vld [tilespmem:s12+$0xA0]  }
0x14a: {  	[tilespmem:v7+s17+$0x0] =	vst.idx.msk $0xffff, v61;
	v14 =	vmul.f32 $8.000000000e+00, v53;
	v53 =	vadd.s32 v60, v43;
	v55 =	vld [tilespmem:s12+$0xE0]  }
0x14b: {  	v61 =	vadd.s32 v13, v44;
	[tilespmem:v5+s17+$0x0] =	vst.idx.msk $0xffff, v0;
	v0 =	vmul.f32 $8.000000000e+00, v8;
	v8 =	vld [tilespmem:s12+$0x120]  }
0x14c: {  	[tilespmem:v2+s17+$0x0] =	vst.idx.msk $0xffff, v14;
	v2 =	vmul.f32 $8.000000000e+00, v3;
	v3 =	vadd.s32 v32, v45  }
0x14d: {  	[tilespmem:v6+s17+$0x0] =	vst.idx.msk $0xffff, v0;
	v0 =	vmul.f32 $8.000000000e+00, v11;
	v6 =	vadd.s32 v25, v46  }
0x14e: {  	[tilespmem:v10+s17+$0x0] =	vst.idx.msk $0xffff, v2;
	v63 =	vmul.f32 $8.000000000e+00, v63  }
0x14f: {  	v14 =	vmul.f32 $8.000000000e+00, v55;
	[tilespmem:v53+s17+$0x0] =	vst.idx.msk $0xffff, v0  }
0x150: {  	v4 =	vld [tilespmem:s12+$0x160];
	[tilespmem:v61+s17+$0x0] =	vst.idx.msk $0xffff, v63;
	v8 =	vmul.f32 $8.000000000e+00, v8  }
0x151: {  	v11 =	vld [tilespmem:s12+$0x1A0];
	[tilespmem:v3+s17+$0x0] =	vst.idx.msk $0xffff, v14  }
0x152: {  	v13 =	vld [tilespmem:$0x1FF50];
	[tilespmem:v6+s17+$0x0] =	vst.idx.msk $0xffff, v8  }
0x153: {  	v55 =	vadd.s32 v21, v38;
	v21 =	vld [tilespmem:$0x1FEF0]  }
0x154: {  	v12 =	vadd.s32 v17, v47;
	v2 =	vld [tilespmem:s12+$0xFFFFFE20]  }
0x155: {  	v0 =	vld [tilespmem:s12+$0xFFFFFE70];
	v53 =	vadd.s32 v26, v39  }
0x156: {  	v61 =	vld [tilespmem:s12+$0xFFFFFEB0]  }
0x157: {  	v4 =	vmul.f32 $8.000000000e+00, v4;
	v63 =	vld [tilespmem:s12+$0xFFFFFEF0];
	v3 =	vadd.s32 v13, v33  }
0x158: {  	v11 =	vmul.f32 $8.000000000e+00, v11;
	v33 =	vadd.s32 v21, v34;
	v34 =	vld [tilespmem:s12+$0xFFFFFF30]  }
0x159: {  	[tilespmem:v12+s17+$0x0] =	vst.idx.msk $0xffff, v4;
	v2 =	vmul.f32 $8.000000000e+00, v2;
	v4 =	vadd.s32 v29, v35;
	v35 =	vld [tilespmem:s12+$0xFFFFFF70]  }
0x15a: {  	v9 =	vadd.s32 v27, v36;
	[tilespmem:v53+s17+$0x0] =	vst.idx.msk $0xffff, v11;
	v0 =	vmul.f32 $8.000000000e+00, v0;
	v53 =	vld [tilespmem:s12+$0xFFFFFFB0]  }
0x15b: {  	[tilespmem:v55+s17+$0x0] =	vst.idx.msk $0xffff, v2;
	v2 =	vmul.f32 $8.000000000e+00, v61;
	v55 =	vadd.s32 v18, v37;
	v61 =	vld [tilespmem:s12+$0xFFFFFFF0]  }
0x15c: {  	[tilespmem:v3+s17+$0x0] =	vst.idx.msk $0xffff, v0;
	v0 =	vmul.f32 $8.000000000e+00, v63;
	v3 =	vadd.s32 v16, v40;
	v63 =	vld [tilespmem:s12+$0x30]  }
0x15d: {  	[tilespmem:v33+s17+$0x0] =	vst.idx.msk $0xffff, v2;
	v2 =	vmul.f32 $8.000000000e+00, v34;
	v33 =	vadd.s32 v24, v41;
	v34 =	vld [tilespmem:s12+$0x70]  }
0x15e: {  	v36 =	vld [tilespmem:s12+$0xB0];
	[tilespmem:v4+s17+$0x0] =	vst.idx.msk $0xffff, v0;
	v0 =	vmul.f32 $8.000000000e+00, v35;
	v35 =	vadd.s32 v22, v42  }
0x15f: {  	v37 =	vadd.s32 v13, v43;
	v40 =	vld [tilespmem:s12+$0xF0];
	[tilespmem:v9+s17+$0x0] =	vst.idx.msk $0xffff, v2;
	v2 =	vmul.f32 $8.000000000e+00, v53  }
0x160: {  	v41 =	vadd.s32 v21, v44;
	v42 =	vld [tilespmem:s12+$0x130];
	[tilespmem:v55+s17+$0x0] =	vst.idx.msk $0xffff, v0;
	v0 =	vmul.f32 $8.000000000e+00, v61  }
0x161: {  	v43 =	vld [tilespmem:s12+$0x170];
	[tilespmem:v3+s17+$0x0] =	vst.idx.msk $0xffff, v2;
	v2 =	vmul.f32 $8.000000000e+00, v63;
	v3 =	vadd.s32 v29, v45  }
0x162: {  	v44 =	vadd.s32 v27, v46;
	v45 =	vld [tilespmem:s12+$0x1B0];
	[tilespmem:v33+s17+$0x0] =	vst.idx.msk $0xffff, v0;
	v0 =	vmul.f32 $8.000000000e+00, v34  }
0x163: {  	v46 =	vmul.f32 $8.000000000e+00, v36;
	v53 =	vadd.s32 v18, v47;
	[tilespmem:v35+s17+$0x0] =	vst.idx.msk $0xffff, v2;
	v2 =	vld [tilespmem:s12+$0xFFFFFE30]  }
0x164: {  	v55 =	vadd.s32 v16, v39;
	[tilespmem:v37+s17+$0x0] =	vst.idx.msk $0xffff, v0;
	v0 =	vmul.f32 $8.000000000e+00, v40  }
0x165: {  	v61 =	vadd.s32 v22, v38;
	[tilespmem:v41+s17+$0x0] =	vst.idx.msk $0xffff, v46;
	v63 =	vmul.f32 $8.000000000e+00, v42  }
0x166: {  	[tilespmem:v3+s17+$0x0] =	vst.idx.msk $0xffff, v0;
	v0 =	vmul.f32 $8.000000000e+00, v43  }
0x167: {  	[tilespmem:v44+s17+$0x0] =	vst.idx.msk $0xffff, v63;
	v3 =	vmul.f32 $8.000000000e+00, v45  }
0x168: {  	s13 =	sshll.u32 s10, $0x3;
	s14 =	sand.u32 $0xE00, s10;
	[tilespmem:v53+s17+$0x0] =	vst.idx.msk $0xffff, v0;
	v0 =	vmul.f32 $8.000000000e+00, v2  }
0x169: {  	s10 =	sadd.s32 s2, s14;
	s1 =	sand.u32 $0xFFF8000, s13;
	[tilespmem:v55+s17+$0x0] =	vst.idx.msk $0xffff, v3  }
0x16a: {  	s6 =	simm.s32 $0xE400;
	s10 =	sadd.s32 s1, s10;
	[tilespmem:v61+s17+$0x0] =	vst.idx.msk $0xffff, v0  }
0x16b: {  	[hbm4b:s10+s4] =	stream.linear.scatter [tilespmem:s6], [sflag:$0x5], $0x80, $0x38;
	[tilespmem:$0x16C00] =	vst v63  }
0x16c: {  	s7 =	simm.s32 $0xE488;
	s11 =	sadd.s32 $0x10, s10  }
0x16d: {  	[hbm4b:s11+s4] =	stream.linear.scatter [tilespmem:s7], [sflag:$0x5], $0x80, $0x38;
	[tilespmem:$0x16C00] =	vst v63  }
0x16e: {  	s12 =	sadd.s32 $0x20, s10;
	s11 =	simm.s32 $0xE510  }
0x16f: {  	[hbm4b:s12+s4] =	stream.linear.scatter [tilespmem:s11], [sflag:$0x5], $0x80, $0x38;
	[tilespmem:$0x16C00] =	vst v63  }
0x170: {  	s13 =	simm.s32 $0xE598;
	s14 =	sadd.s32 $0x30, s10  }
0x171: {  	[hbm4b:s14+s4] =	stream.linear.scatter [tilespmem:s13], [sflag:$0x5], $0x80, $0x38;
	[tilespmem:$0x16C00] =	vst v63  }
0x172: {  	s6 =	simm.s32 $0xE620;
	s7 =	sadd.s32 $0x40, s10  }
0x173: {  	[hbm4b:s7+s4] =	stream.linear.scatter [tilespmem:s6], [sflag:$0x5], $0x80, $0x38;
	[tilespmem:$0x16C00] =	vst v63  }
0x174: {  	s1 =	simm.s32 $0x440;
	s11 =	simm.s32 $0xE6A8;
	s12 =	sadd.s32 $0x50, s10  }
0x175: {  	[hbm4b:s12+s4] =	stream.linear.scatter [tilespmem:s11], [sflag:$0x5], $0x80, $0x38;
	[tilespmem:$0x16C00] =	vst v63  }
0x176: {  	v25 =	vmovc v30;
	v26 =	vmov v23;
	v21 =	vmov v52;
	v27 =	vmov v49;
	s13 =	simm.s32 $0xE730;
	s14 =	sadd.s32 $0x60, s10;
	s11 =	simm.s32 $0x2200  }
0x177: {  	v46 =	vmovc v60;
	v60 =	vmovc v62;
	v41 =	vmov v51;
	v51 =	vmov v50;
	v42 =	vmov v57;
	[hbm4b:s14+s4] =	stream.linear.scatter [tilespmem:s13], [sflag:$0x5], $0x80, $0x38;
	[tilespmem:$0x16C00] =	vst v63  }
0x178: {  	v40 =	vmovc v48;
	v44 =	vmovc v32;
	v32 =	vmov v28;
	v55 =	vmov v31;
	v31 =	vmov v54;
	s12 =	simm.s32 $0xE7B8;
	s13 =	sadd.s32 $0x70, s10;
	s10 =	sadd.s32 $0x1000, s10  }
.LBB2_5:
0x179: {  	[hbm4b:s13+s4] =	stream.linear.scatter [tilespmem:s12], [sflag:$0x5], $0x80, $0x38;
	[tilespmem:$0x16C00] =	vst v63  }
0x17a: {  	s12 =	smov.u32 s1;
	s1 =	smov.u32 s11  }
0x17b: {  	s14 =	sadd.s32 $0x1100, s11;
	s1 =	sshra.s32 s1, $0x2;
	s13 =	sadd.s32 $0xE400, s12  }
0x17c: {  	[hbm4b:s10+s4] =	stream.linear.scatter [tilespmem:s13], [sflag:$0x5], $0x80, $0x38;
	[tilespmem:$0x16C00] =	vst v63  }
0x17d: {  	p1 =	sne.s32 s11, $0x7700;
	s11 =	sadd.s32 $0xE488, s12;
	s13 =	sadd.s32 $0x10, s10  }
0x17e: {  	[hbm4b:s13+s4] =	stream.linear.scatter [tilespmem:s11], [sflag:$0x5], $0x80, $0x38;
	[tilespmem:$0x16C00] =	vst v63  }
0x17f: {  	s11 =	sadd.s32 $0xE510, s12;
	s13 =	sadd.s32 $0x20, s10  }
0x180: {  	[hbm4b:s13+s4] =	stream.linear.scatter [tilespmem:s11], [sflag:$0x5], $0x80, $0x38;
	[tilespmem:$0x16C00] =	vst v63  }
0x181: {  	s11 =	sadd.s32 $0xE598, s12;
	s13 =	sadd.s32 $0x30, s10  }
0x182: {  	[hbm4b:s13+s4] =	stream.linear.scatter [tilespmem:s11], [sflag:$0x5], $0x80, $0x38;
	[tilespmem:$0x16C00] =	vst v63  }
0x183: {  	s11 =	sadd.s32 $0xE620, s12;
	s13 =	sadd.s32 $0x40, s10  }
0x184: {  	[hbm4b:s13+s4] =	stream.linear.scatter [tilespmem:s11], [sflag:$0x5], $0x80, $0x38;
	[tilespmem:$0x16C00] =	vst v63  }
.Ltmp3:
0x185: {  	s11 =	sadd.s32 $0xE6A8, s12;
	s13 =	sadd.s32 $0x50, s10;
	(pc) =	sbr.rel @p1 .LBB2_5-.Ltmp3, $4  }
0x186: {  	[hbm4b:s13+s4] =	stream.linear.scatter [tilespmem:s11], [sflag:$0x5], $0x80, $0x38;
	[tilespmem:$0x16C00] =	vst v63  }
0x187: {  	s11 =	sadd.s32 $0xE730, s12;
	s13 =	sadd.s32 $0x60, s10;
	s12 =	sadd.s32 $0xE7B8, s12  }
0x188: {  	[hbm4b:s13+s4] =	stream.linear.scatter [tilespmem:s11], [sflag:$0x5], $0x80, $0x38;
	[tilespmem:$0x16C00] =	vst v63  }
0x189: {  	s13 =	sadd.s32 $0x70, s10;
	s10 =	sadd.s32 $0x1000, s10;
	s11 =	smov.u32 s14  }
0x18a: {  	[hbm4b:s13+s4] =	stream.linear.scatter [tilespmem:s12], [sflag:$0x5], $0x80, $0x38;
	[tilespmem:$0x16C00] =	vst v63  }
0x18b: {  	s11 =	sadd.s32 $0xE400, s1;
	s6 =	sadd.s32 $0xE488, s1;
	s7 =	sadd.s32 $0x10, s10  }
0x18c: {  	[hbm4b:s10+s4] =	stream.linear.scatter [tilespmem:s11], [sflag:$0x5], $0x80, $0x38;
	[tilespmem:$0x16C00] =	vst v63  }
0x18d: {  	s13 =	sadd.s32 $0xE510, s1;
	s14 =	sadd.s32 $0x20, s10;
	s11 =	simm.s32 $0x2  }
0x18e: {  	[hbm4b:s7+s4] =	stream.linear.scatter [tilespmem:s6], [sflag:$0x5], $0x80, $0x38;
	[tilespmem:$0x16C00] =	vst v63  }
0x18f: {  	s12 =	sadd.s32 $0xE730, s1;
	p1 =	seq.s32 s30, $0x31;
	v3 =	vmov s11;
	s11 =	simm.s32 $0x9  }
0x190: {  	[hbm4b:s14+s4] =	stream.linear.scatter [tilespmem:s13], [sflag:$0x5], $0x80, $0x38;
	[tilespmem:$0x16C00] =	vst v63  }
0x191: {  	s6 =	sadd.s32 $0xE598, s1;
	s7 =	sadd.s32 $0x30, s10;
	s13 =	sadd.s32 $0xE620, s1  }
0x192: {  	[hbm4b:s7+s4] =	stream.linear.scatter [tilespmem:s6], [sflag:$0x5], $0x80, $0x38;
	[tilespmem:$0x16C00] =	vst v63  }
0x193: {  	s14 =	sadd.s32 $0x40, s10;
	s6 =	sadd.s32 $0xE6A8, s1;
	s7 =	sadd.s32 $0x50, s10  }
0x194: {  	[hbm4b:s14+s4] =	stream.linear.scatter [tilespmem:s13], [sflag:$0x5], $0x80, $0x38;
	[tilespmem:$0x16C00] =	vst v63  }
0x195: {  	s13 =	sadd.s32 $0x60, s10;
	s14 =	sadd.s32 $0xE7B8, s1;
	s1 =	sshrl.u32 @!p1 s31, $0x2  }
0x196: {  	[hbm4b:s7+s4] =	stream.linear.scatter [tilespmem:s6], [sflag:$0x5], $0x80, $0x38;
	[tilespmem:$0x16C00] =	vst v63  }
0x197: {  	v10 =	vmov s11;
	v3 =	vshrl.u32 v3, $0x3;
	s11 =	sadd.s32 @!p1 $0x200, s1;
	s6 =	sadd.s32 $0x70, s10;
	s7 =	simm.s32 $0x0  }
0x198: {  	v3 =	vshll.u32 v3, v1;
	[hbm4b:s13+s4] =	stream.linear.scatter [tilespmem:s12], [sflag:$0x5], $0x80, $0x38;
	[tilespmem:$0x16C00] =	vst v63  }
0x199: {  	v61 =	vbroadcast v3, $0x0;
	s10 =	simm.s32 $0x1;
	s12 =	simm.s32 $0x3;
	s13 =	simm.s32 $0x4  }
0x19a: {  	v0 =	vmov s7;
	s7 =	simm.s32 $0x7;
	v4 =	vmov s12;
	v5 =	vmov s13;
	s12 =	simm.s32 $0xA;
	s13 =	simm.s32 $0xB  }
0x19b: {  	v10 =	vshrl.u32 v10, $0x3;
	v53 =	vadd.s32 v60, v61;
	v2 =	vmov s10;
	[hbm4b:s6+s4] =	stream.linear.scatter [tilespmem:s14], [sflag:$0x5], $0x80, $0x38;
	[tilespmem:$0x16C00] =	vst v63  }
0x19c: {  	s10 =	simm.s32 $0x8;
	v0 =	vshrl.u32 v0, $0x3;
	v11 =	vmov s12;
	v12 =	vmov s13;
	s12 =	simm.s32 @!p1 $0x80;
	s13 =	simm.s32 @!p1 $0x6400  }
0x19d: {  	v8 =	vmov s7;
	v9 =	vmov s10;
	v2 =	vshrl.u32 v2, $0x3;
	[tilespmem:s13], [sflag:$0x1] =	stream.indirect.gather @!p1 [hbm4b:s5+s12], $0x40, s11, s12, $0xb8;
	[tilespmem:$0x16C00] =	vst v63  }
0x19e: {  	v0 =	vshll.u32 v0, v1;
	v8 =	vshrl.u32 v8, $0x3;
	v9 =	vshrl.u32 v9, $0x3;
	s14 =	simm.s32 $0x5;
	_ =	swait.ge [sflag:s18], $0x2000  }
0x19f: {  	v2 =	vshll.u32 v2, v1;
	v4 =	vshrl.u32 v4, $0x3;
	v6 =	vmov s14;
	s14 =	simm.s32 $0xC;
	[sflag:s18] =	ssyncset.done $0x0  }
0x1a0: {  	s10 =	simm.s32 @!p0 $0x6;
	v5 =	vshrl.u32 v5, $0x3;
	v33 =	vbroadcast v0, $0x0;
	v13 =	vmov s14;
	s14 =	simm.s32 $0xF;
	[sflag:s18] =	ssyncadd.s32 $0xFFFFE000  }
0x1a1: {  	s6 =	simm.s32 $0x6;
	v45 =	vshll.u32 v9, v1;
	v9 =	vshll.u32 v10, v1;
	v0 =	vmov s14;
	_ =	swait.ge @!p0 [sflag:s10], $0x2000  }
0x1a2: {  	v30 =	vbroadcast v2, $0x0;
	v7 =	vmov s6;
	v0 =	vshrl.u32 v0, $0x3;
	[sflag:s10] =	ssyncset.done @!p0 $0x0  }
0x1a3: {  	s6 =	simm.s32 $0xD;
	v11 =	vshrl.u32 v11, $0x3;
	v4 =	vshll.u32 v4, v1;
	v0 =	vshll.u32 v0, v1;
	[sflag:s10] =	ssyncadd.s32 @!p0 $0xFFFFE000;
	s10 =	simm.s32 $0x8600  }
0x1a4: {  	v5 =	vshll.u32 v5, v1;
	v14 =	vmov s6;
	v38 =	vbroadcast v0, $0x0;
	v16 =	vld [tilespmem:s10+$0x1C0]  }
0x1a5: {  	v6 =	vshrl.u32 v6, $0x3;
	v7 =	vshrl.u32 v7, $0x3;
	v35 =	vadd.s32 v19, v33;
	v47 =	vld [tilespmem:s10+$0xFFFFFE00]  }
0x1a6: {  	v52 =	vadd.s32 v59, v30;
	v50 =	vbroadcast v5, $0x0;
	v2 =	vadd.s32 v26, v38;
	v39 =	vld [tilespmem:s10+$0xFFFFFF00]  }
0x1a7: {  	v28 =	vbroadcast v4, $0x0;
	v13 =	vshrl.u32 v13, $0x3;
	v6 =	vshll.u32 v6, v1;
	v36 =	vld [tilespmem:s10+$0xFFFFFE80]  }
0x1a8: {  	v7 =	vshll.u32 v7, v1;
	v63 =	vbroadcast v6, $0x0;
	v62 =	vadd.s32 v41, v50;
	v37 =	vld [tilespmem:s10+$0xFFFFFEC0]  }
0x1a9: {  	v14 =	vshrl.u32 v14, $0x3;
	v49 =	vbroadcast v7, $0x0;
	v34 =	vld [tilespmem:s10+$0xFFFFFE40];
	v54 =	vmul.f32 $8.000000000e+00, v16  }
0x1aa: {  	v0 =	vshll.u32 v8, v1;
	v48 =	vld [tilespmem:s10+$0xFFFFFF80];
	v10 =	vmul.f32 $8.000000000e+00, v47;
	v16 =	vadd.s32 v27, v28  }
0x1ab: {  	v3 =	vshll.u32 v13, v1;
	v23 =	vbroadcast v0, $0x0;
	v43 =	vld [tilespmem:s10+$0xFFFFFF40];
	v0 =	vmul.f32 $8.000000000e+00, v39;
	[tilespmem:v2+s19+$0x0] =	vst.idx.msk $0xffff, v54  }
0x1ac: {  	v7 =	vshll.u32 v14, v1;
	v13 =	vadd.s32 v25, v49;
	v14 =	vld [tilespmem:s10+$0xFFFFFFC0];
	[tilespmem:v35+s19+$0x0] =	vst.idx.msk $0xffff, v10;
	v2 =	vmul.f32 $8.000000000e+00, v36  }
0x1ad: {  	v12 =	vshrl.u32 v12, $0x3;
	v5 =	vadd.s32 v42, v63;
	v54 =	vmul.f32 $8.000000000e+00, v37;
	[tilespmem:v62+s19+$0x0] =	vst.idx.msk $0xffff, v0;
	v10 =	vld [tilespmem:s10+$0x1D0]  }
0x1ae: {  	v45 =	vbroadcast v45, $0x0;
	v8 =	vadd.s32 v26, v23;
	v57 =	vmul.f32 $8.000000000e+00, v34;
	[tilespmem:v53+s19+$0x0] =	vst.idx.msk $0xffff, v2;
	v2 =	vld [tilespmem:s10+$0x0]  }
0x1af: {  	v11 =	vshll.u32 v11, v1;
	v4 =	vadd.s32 v21, v38;
	v0 =	vmul.f32 $8.000000000e+00, v48;
	[tilespmem:v16+s19+$0x0] =	vst.idx.msk $0xffff, v54;
	v16 =	vld [tilespmem:s10+$0x40]  }
0x1b0: {  	v12 =	vshll.u32 v12, v1;
	v47 =	vld [tilespmem:s10+$0x140];
	[tilespmem:v52+s19+$0x0] =	vst.idx.msk $0xffff, v57;
	v57 =	vmul.f32 $8.000000000e+00, v43;
	v54 =	vbroadcast v9, $0x0  }
0x1b1: {  	v62 =	vadd.s32 v19, v45;
	v43 =	vld [tilespmem:s10+$0x80];
	v48 =	vbroadcast v11, $0x0;
	[tilespmem:v13+s19+$0x0] =	vst.idx.msk $0xffff, v0;
	v0 =	vmul.f32 $8.000000000e+00, v14  }
0x1b2: {  	v52 =	vld [tilespmem:s10+$0xC0];
	v35 =	vbroadcast v12, $0x0;
	[tilespmem:v5+s19+$0x0] =	vst.idx.msk $0xffff, v57;
	v5 =	vadd.s32 v59, v54;
	v10 =	vmul.f32 $8.000000000e+00, v10  }
0x1b3: {  	v34 =	vbroadcast v7, $0x0;
	v12 =	vld [tilespmem:s10+$0x100];
	v36 =	vbroadcast v3, $0x0;
	v11 =	vadd.s32 v60, v48;
	[tilespmem:v8+s19+$0x0] =	vst.idx.msk $0xffff, v0  }
0x1b4: {  	s7 =	simm.s32 $0xE;
	v3 =	vadd.s32 v27, v35;
	v2 =	vmul.f32 $8.000000000e+00, v2;
	[tilespmem:v4+s19+$0x0] =	vst.idx.msk $0xffff, v10;
	v0 =	vmul.f32 $8.000000000e+00, v16;
	v16 =	vld [tilespmem:s10+$0xFFFFFED0]  }
0x1b5: {  	v15 =	vmov s7;
	v59 =	vmov v48;
	v48 =	vadd.s32 v41, v36;
	v57 =	vld [tilespmem:s10+$0x1E0]  }
0x1b6: {  	v15 =	vshrl.u32 v15, $0x3;
	v60 =	vadd.s32 v42, v34;
	[tilespmem:v62+s19+$0x0] =	vst.idx.msk $0xffff, v2;
	v2 =	vmul.f32 $8.000000000e+00, v43;
	v62 =	vld [tilespmem:s10+$0x180]  }
0x1b7: {  	v53 =	vshll.u32 v15, v1;
	v8 =	vadd.s32 v31, v28;
	v43 =	vld [tilespmem:s10+$0xFFFFFE50];
	[tilespmem:v5+s19+$0x0] =	vst.idx.msk $0xffff, v0;
	v0 =	vmul.f32 $8.000000000e+00, v52  }
0x1b8: {  	s6 =	simm.s32 $0x10;
	v37 =	vbroadcast v53, $0x0;
	v5 =	vadd.s32 v56, v38;
	[tilespmem:v11+s19+$0x0] =	vst.idx.msk $0xffff, v2;
	v2 =	vmul.f32 $8.000000000e+00, v12  }
0x1b9: {  	v42 =	vmov s6;
	v15 =	vadd.s32 v58, v30;
	v52 =	vld [tilespmem:s10+$0xFFFFFE90];
	[tilespmem:v3+s19+$0x0] =	vst.idx.msk $0xffff, v0;
	v0 =	vmul.f32 $8.000000000e+00, v47  }
0x1ba: {  	v6 =	vshrl.u32 v42, $0x3;
	v53 =	vadd.s32 v25, v37;
	v47 =	vld [tilespmem:s10+$0xFFFFFF10];
	[tilespmem:v48+s19+$0x0] =	vst.idx.msk $0xffff, v2;
	v42 =	vmul.f32 $8.000000000e+00, v16  }
0x1bb: {  	v13 =	vadd.s32 v40, v61;
	v48 =	vld [tilespmem:s10+$0xFFFFFF50];
	v2 =	vmul.f32 $8.000000000e+00, v57;
	[tilespmem:v60+s19+$0x0] =	vst.idx.msk $0xffff, v0  }
0x1bc: {  	v0 =	vmul.f32 $8.000000000e+00, v62;
	v57 =	vmul.f32 $8.000000000e+00, v43;
	v60 =	vadd.s32 v32, v50;
	v62 =	vld [tilespmem:s10+$0xFFFFFF90];
	[tilespmem:v8+s19+$0x0] =	vst.idx.msk $0xffff, v42  }
0x1bd: {  	v7 =	vadd.s32 v51, v63;
	[tilespmem:v5+s19+$0x0] =	vst.idx.msk $0xffff, v2  }
0x1be: {  	v41 =	vmul.f32 $8.000000000e+00, v52;
	[tilespmem:v15+s19+$0x0] =	vst.idx.msk $0xffff, v57;
	v15 =	vadd.s32 v55, v49  }
0x1bf: {  	v16 =	vld [tilespmem:s10+$0xFFFFFFD0];
	[tilespmem:v53+s19+$0x0] =	vst.idx.msk $0xffff, v0;
	v47 =	vmul.f32 $8.000000000e+00, v47  }
0x1c0: {  	v0 =	vld [tilespmem:s10+$0x1F0];
	[tilespmem:v13+s19+$0x0] =	vst.idx.msk $0xffff, v41;
	v57 =	vmul.f32 $8.000000000e+00, v48  }
0x1c1: {  	v10 =	vadd.s32 v21, v23;
	v13 =	vld [tilespmem:s10+$0x10];
	[tilespmem:v60+s19+$0x0] =	vst.idx.msk $0xffff, v47;
	v60 =	vmul.f32 $8.000000000e+00, v62  }
0x1c2: {  	v38 =	vadd.s32 v24, v38;
	v48 =	vld [tilespmem:s10+$0x50];
	[tilespmem:v7+s19+$0x0] =	vst.idx.msk $0xffff, v57  }
0x1c3: {  	v14 =	vadd.s32 v20, v45;
	v8 =	vld [tilespmem:s10+$0xD0];
	[tilespmem:v15+s19+$0x0] =	vst.idx.msk $0xffff, v60  }
0x1c4: {  	v62 =	vld [tilespmem:s10+$0x90];
	v47 =	vmul.f32 $8.000000000e+00, v16;
	v7 =	vadd.s32 v58, v54;
	[tilespmem:$0x1FDF0] =	vst v59  }
0x1c5: {  	v57 =	vadd.s32 v31, v35;
	v0 =	vmul.f32 $8.000000000e+00, v0;
	v16 =	vld [tilespmem:s10+$0x110]  }
0x1c6: {  	v15 =	vadd.s32 v40, v59;
	v13 =	vmul.f32 $8.000000000e+00, v13;
	[tilespmem:v10+s19+$0x0] =	vst.idx.msk $0xffff, v47  }
0x1c7: {  	v58 =	vld [tilespmem:s10+$0x150];
	v60 =	vmul.f32 $8.000000000e+00, v48;
	v10 =	vadd.s32 v32, v36;
	[tilespmem:v38+s19+$0x0] =	vst.idx.msk $0xffff, v0  }
0x1c8: {  	v25 =	vmov v51;
	v32 =	vmul.f32 $8.000000000e+00, v8;
	v38 =	vld [tilespmem:s10+$0x190];
	[tilespmem:v14+s19+$0x0] =	vst.idx.msk $0xffff, v13  }
0x1c9: {  	v21 =	vmovc v55;
	v43 =	vmov v50;
	v50 =	vadd.s32 v25, v34;
	v62 =	vmul.f32 $8.000000000e+00, v62;
	[tilespmem:v7+s19+$0x0] =	vst.idx.msk $0xffff, v60  }
0x1ca: {  	v40 =	vadd.s32 v21, v37;
	v13 =	vld [tilespmem:s10+$0xFFFFFE10];
	[tilespmem:v57+s19+$0x0] =	vst.idx.msk $0xffff, v32;
	v16 =	vmul.f32 $8.000000000e+00, v16  }
0x1cb: {  	v5 =	vld [tilespmem:s10+$0xFFFFFE60];
	[tilespmem:v15+s19+$0x0] =	vst.idx.msk $0xffff, v62  }
0x1cc: {  	v47 =	vadd.s32 v20, v33;
	v58 =	vmul.f32 $8.000000000e+00, v58;
	[tilespmem:v10+s19+$0x0] =	vst.idx.msk $0xffff, v16  }
0x1cd: {  	v7 =	vadd.s32 v46, v30;
	v38 =	vmul.f32 $8.000000000e+00, v38;
	v24 =	vld [tilespmem:$0x1FF70]  }
0x1ce: {  	v60 =	vld [tilespmem:s10+$0xFFFFFEE0];
	[tilespmem:v50+s19+$0x0] =	vst.idx.msk $0xffff, v58  }
0x1cf: {  	v15 =	vld [tilespmem:s10+$0xFFFFFEA0];
	v13 =	vmul.f32 $8.000000000e+00, v13;
	[tilespmem:v40+s19+$0x0] =	vst.idx.msk $0xffff, v38  }
0x1d0: {  	v5 =	vmul.f32 $8.000000000e+00, v5;
	v25 =	vld [tilespmem:$0x1FF10]  }
0x1d1: {  	v32 =	vld [tilespmem:s10+$0xFFFFFF60];
	v50 =	vadd.s32 v44, v28;
	[tilespmem:v47+s19+$0x0] =	vst.idx.msk $0xffff, v13  }
0x1d2: {  	s13 =	simm.s32 $0x13;
	v16 =	vld [tilespmem:s10+$0xFFFFFF20];
	[tilespmem:v7+s19+$0x0] =	vst.idx.msk $0xffff, v5;
	v62 =	vadd.s32 v24, v61  }
0x1d3: {  	s14 =	simm.s32 $0x14;
	v4 =	vmov s13;
	s13 =	simm.s32 $0x18;
	v26 =	vld [tilespmem:$0x1FEA0]  }
0x1d4: {  	s7 =	simm.s32 $0x11;
	v9 =	vmov s14;
	v39 =	vmov s13;
	v57 =	vld [tilespmem:s10+$0x20];
	v60 =	vmul.f32 $8.000000000e+00, v60  }
0x1d5: {  	s6 =	simm.s32 $0x15;
	v12 =	vmov s7;
	s7 =	simm.s32 $0x16;
	v38 =	vld [tilespmem:s10+$0xFFFFFFA0];
	v40 =	vmul.f32 $8.000000000e+00, v15;
	v8 =	vadd.s32 v25, v43  }
0x1d6: {  	v11 =	vmov s7;
	v2 =	vmov s6;
	s6 =	simm.s32 $0x1A;
	v15 =	vld [tilespmem:s10+$0xFFFFFFE0];
	[tilespmem:v50+s19+$0x0] =	vst.idx.msk $0xffff, v60  }
0x1d7: {  	v53 =	vmov s6;
	v14 =	vadd.s32 v17, v63;
	[tilespmem:v62+s19+$0x0] =	vst.idx.msk $0xffff, v40;
	v62 =	vmul.f32 $8.000000000e+00, v16;
	v16 =	vld [tilespmem:s10+$0x60]  }
0x1d8: {  	s14 =	simm.s32 $0x19;
	s7 =	simm.s32 $0x1B;
	v31 =	vmovc v46;
	v50 =	vmul.f32 $8.000000000e+00, v32;
	v32 =	vshrl.u32 v53, $0x3;
	v7 =	vadd.s32 v26, v49;
	v27 =	vld [tilespmem:$0x1FE00]  }
0x1d9: {  	s13 =	simm.s32 $0x1D;
	v52 =	vmov s14;
	v41 =	vmovc v23;
	v23 =	vmov s7;
	v58 =	vld [tilespmem:s10+$0xA0];
	v60 =	vadd.s32 v31, v54;
	[tilespmem:$0x1FDD0] =	vst v32  }
0x1da: {  	v23 =	vshrl.u32 v23, $0x3;
	v0 =	vmov s13;
	v13 =	vadd.s32 v56, v41;
	[tilespmem:v8+s19+$0x0] =	vst.idx.msk $0xffff, v62;
	v62 =	vld [tilespmem:s10+$0xE0]  }
0x1db: {  	v46 =	vshrl.u32 v39, $0x3;
	v39 =	vmul.f32 $8.000000000e+00, v38;
	v59 =	vadd.s32 v24, v59;
	[tilespmem:$0x1FDE0] =	vst v23  }
0x1dc: {  	v44 =	vadd.s32 v44, v35;
	[tilespmem:v14+s19+$0x0] =	vst.idx.msk $0xffff, v50;
	v50 =	vshrl.u32 v0, $0x3;
	v0 =	vmul.f32 $8.000000000e+00, v16  }
0x1dd: {  	v56 =	vshrl.u32 v52, $0x3;
	v40 =	vmovc v45;
	[tilespmem:v7+s19+$0x0] =	vst.idx.msk $0xffff, v39;
	v52 =	vadd.s32 v27, v45;
	v45 =	vmul.f32 $8.000000000e+00, v15  }
0x1de: {  	v16 =	vmul.f32 $8.000000000e+00, v58;
	[tilespmem:v60+s19+$0x0] =	vst.idx.msk $0xffff, v0  }
0x1df: {  	[tilespmem:v13+s19+$0x0] =	vst.idx.msk $0xffff, v45;
	v45 =	vmul.f32 $8.000000000e+00, v62  }
0x1e0: {  	v32 =	vmul.f32 $8.000000000e+00, v57;
	v15 =	vld [tilespmem:s10+$0x120];
	[tilespmem:v59+s19+$0x0] =	vst.idx.msk $0xffff, v16  }
0x1e1: {  	s14 =	simm.s32 $0x1E;
	v42 =	vmov v54;
	v54 =	vld [tilespmem:s10+$0x160];
	[tilespmem:v44+s19+$0x0] =	vst.idx.msk $0xffff, v45  }
0x1e2: {  	v48 =	vmov s14;
	v5 =	vadd.s32 v25, v36;
	[tilespmem:v52+s19+$0x0] =	vst.idx.msk $0xffff, v32  }
0x1e3: {  	v39 =	vshrl.u32 v48, $0x3;
	v48 =	vadd.s32 v17, v34;
	v32 =	vld [tilespmem:$0x1FF50]  }
0x1e4: {  	s12 =	simm.s32 $0x12  }
0x1e5: {  	v3 =	vmov s12;
	v15 =	vmul.f32 $8.000000000e+00, v15  }
0x1e6: {  	v3 =	vshrl.u32 v3, $0x3;
	v13 =	vld [tilespmem:s10+$0x1A0];
	v45 =	vmul.f32 $8.000000000e+00, v54  }
0x1e7: {  	v7 =	vld [tilespmem:s10+$0xFFFFFE20];
	v59 =	vshll.u32 v3, v1;
	[tilespmem:v5+s19+$0x0] =	vst.idx.msk $0xffff, v15  }
0x1e8: {  	v52 =	vadd.s32 v26, v37;
	v3 =	vadd.s32 v32, v30;
	v30 =	vld [tilespmem:$0x1FEF0];
	[tilespmem:v48+s19+$0x0] =	vst.idx.msk $0xffff, v45  }
0x1e9: {  	v29 =	vld [tilespmem:$0x1FF00]  }
0x1ea: {  	s12 =	simm.s32 $0x17;
	v0 =	vld [tilespmem:s10+$0xFFFFFE70]  }
0x1eb: {  	v51 =	vmov s12;
	s12 =	simm.s32 $0x1C;
	v53 =	vadd.s32 v27, v33;
	v13 =	vmul.f32 $8.000000000e+00, v13  }
0x1ec: {  	v55 =	vmov s12  }
0x1ed: {  	v47 =	vshrl.u32 v51, $0x3;
	v51 =	vshrl.u32 v55, $0x3;
	v55 =	vld [tilespmem:s10+$0xFFFFFEB0];
	[tilespmem:v52+s19+$0x0] =	vst.idx.msk $0xffff, v13  }
0x1ee: {  	v7 =	vmul.f32 $8.000000000e+00, v7;
	v8 =	vadd.s32 v29, v28;
	v28 =	vld [tilespmem:$0x1FF20]  }
0x1ef: {  	v4 =	vshrl.u32 v4, $0x3;
	v44 =	vld [tilespmem:s10+$0xFFFFFEF0];
	v0 =	vmul.f32 $8.000000000e+00, v0  }
0x1f0: {  	v9 =	vshrl.u32 v9, $0x3;
	v60 =	vshll.u32 v4, v1;
	v5 =	vld [tilespmem:s10+$0xFFFFFF30];
	[tilespmem:v53+s19+$0x0] =	vst.idx.msk $0xffff, v7  }
0x1f1: {  	v4 =	vadd.s32 v30, v61;
	v61 =	vshll.u32 v9, v1;
	v9 =	vld [tilespmem:s10+$0xFFFFFF70];
	[tilespmem:v3+s19+$0x0] =	vst.idx.msk $0xffff, v0  }
0x1f2: {  	v2 =	vshrl.u32 v2, $0x3;
	v16 =	vld [tilespmem:$0x1FEB0]  }
0x1f3: {  	v11 =	vshrl.u32 v11, $0x3;
	v57 =	vshll.u32 v2, v1;
	v2 =	vadd.s32 v28, v43  }
0x1f4: {  	v58 =	vshll.u32 v11, v1;
	v11 =	vadd.s32 v18, v63;
	v48 =	vmul.f32 $8.000000000e+00, v55  }
0x1f5: {  	v0 =	vmul.f32 $8.000000000e+00, v44  }
0x1f6: {  	v3 =	vmul.f32 $8.000000000e+00, v5;
	[tilespmem:v4+s19+$0x0] =	vst.idx.msk $0xffff, v48  }
0x1f7: {  	v4 =	vld [tilespmem:$0x1FEE0];
	[tilespmem:v8+s19+$0x0] =	vst.idx.msk $0xffff, v0;
	v63 =	vadd.s32 v16, v49;
	v49 =	vmul.f32 $8.000000000e+00, v9  }
0x1f8: {  	[tilespmem:v2+s19+$0x0] =	vst.idx.msk $0xffff, v3  }
0x1f9: {  	v0 =	vld [tilespmem:$0x1FDD0];
	[tilespmem:v11+s19+$0x0] =	vst.idx.msk $0xffff, v49  }
0x1fa: {  	v2 =	vld [tilespmem:$0x1FDE0];
	_ =	sdelay $0x2  }
0x1fb: {  	v12 =	vshrl.u32 v12, $0x3;
	v10 =	vld [tilespmem:s10+$0xFFFFFFB0]  }
0x1fc: {  	v62 =	vshll.u32 v12, v1;
	v12 =	vld [tilespmem:s10+$0xFFFFFFF0]  }
0x1fd: {  	v53 =	vshll.u32 v56, v1;
	v56 =	vshll.u32 v2, v1;
	v2 =	vld [tilespmem:$0x1FDF0]  }
0x1fe: {  	v45 =	vld [tilespmem:s10+$0x70]  }
0x1ff: {  	v6 =	vshll.u32 v6, v1;
	v52 =	vshll.u32 v47, v1;
	v47 =	vadd.s32 v22, v40;
	v40 =	vld [tilespmem:s10+$0xF0]  }
0x200: {  	v38 =	vbroadcast v6, $0x0;
	v55 =	vshll.u32 v46, v1;
	v44 =	vld [tilespmem:s10+$0x30]  }
0x201: {  	s0 =	sadd.s32 s0, s3;
	v42 =	vadd.s32 v32, v42;
	v43 =	vld [tilespmem:s10+$0x130];
	v48 =	vadd.s32 v4, v41;
	v49 =	vmul.f32 $8.000000000e+00, v12  }
0x202: {  	s11 =	sadd.s32 $0x80, s0;
	s12 =	simm.s32 $0x20;
	s13 =	simm.s32 $0x1F;
	v23 =	vmovc v21;
	v41 =	vld [tilespmem:s10+$0xB0];
	v54 =	vshll.u32 v0, v1;
	v0 =	vmul.f32 $8.000000000e+00, v10;
	v46 =	vadd.s32 v30, v2  }
.LBB2_7:
0x203: {  	v4 =	vld [tilespmem:s10+$0x170]  }
0x204: {  	v7 =	vld [tilespmem:s10+$0x1B0]  }
0x205: {  	v8 =	vld [tilespmem:s10+$0xFFFFFE30]  }
0x206: {  	v3 =	vadd.s32 v29, v35;
	v35 =	vld [tilespmem:$0x1FF90]  }
0x207: {  	v21 =	vld [tilespmem:$0x1FFA0]  }
0x208: {  	v13 =	vadd.s32 v22, v33;
	v33 =	vmov v38;
	v38 =	vld [tilespmem:$0x1FE40]  }
0x209: {  	s10 =	sadd.s32 $0x400, s10;
	v37 =	vadd.s32 v16, v37;
	v16 =	vld [tilespmem:$0x1FE80]  }
0x20a: {  	v2 =	vmov s13;
	v10 =	vld [tilespmem:s10+$0x1C0]  }
0x20b: {  	[tilespmem:v63+s19+$0x0] =	vst.idx.msk $0xffff, v0;
	v2 =	vshrl.u32 v2, $0x3;
	v11 =	vld [tilespmem:s10+$0xFFFFFE00];
	v0 =	vmul.f32 $8.000000000e+00, v44  }
0x20c: {  	v6 =	vadd.s32 v28, v36;
	[tilespmem:v48+s19+$0x0] =	vst.idx.msk $0xffff, v49;
	v14 =	vld [tilespmem:s10+$0xFFFFFE40];
	v2 =	vshll.u32 v2, v1  }
0x20d: {  	v48 =	vld [tilespmem:s10+$0xFFFFFE80];
	v63 =	vbroadcast v2, $0x0;
	[tilespmem:v47+s19+$0x0] =	vst.idx.msk $0xffff, v0;
	v0 =	vmul.f32 $8.000000000e+00, v41  }
0x20e: {  	v5 =	vmul.f32 $8.000000000e+00, v45;
	v9 =	vadd.s32 v18, v34;
	v2 =	vmul.f32 $8.000000000e+00, v40;
	v34 =	vld [tilespmem:$0x1FFB0]  }
0x20f: {  	v12 =	vshll.u32 v51, v1;
	v51 =	vld [tilespmem:s10+$0xFFFFFEC0];
	v40 =	vbroadcast v62, $0x0;
	[tilespmem:v46+s19+$0x0] =	vst.idx.msk $0xffff, v0;
	v0 =	vmul.f32 $8.000000000e+00, v43  }
0x210: {  	v18 =	vld [tilespmem:$0x1FE20];
	[tilespmem:v42+s19+$0x0] =	vst.idx.msk $0xffff, v5  }
0x211: {  	v36 =	vld [tilespmem:s10+$0xFFFFFFC0];
	v49 =	vadd.s32 v35, v40;
	[tilespmem:v6+s19+$0x0] =	vst.idx.msk $0xffff, v0;
	v0 =	vmul.f32 $8.000000000e+00, v7  }
0x212: {  	v45 =	vbroadcast v59, $0x0;
	[tilespmem:v3+s19+$0x0] =	vst.idx.msk $0xffff, v2;
	v42 =	vbroadcast v61, $0x0;
	v61 =	vld [tilespmem:s10+$0xFFFFFF80]  }
0x213: {  	v2 =	vmul.f32 $8.000000000e+00, v4;
	v41 =	vbroadcast v60, $0x0;
	v15 =	vadd.s32 v34, v63;
	[tilespmem:v37+s19+$0x0] =	vst.idx.msk $0xffff, v0;
	v37 =	vld [tilespmem:$0x1FE30]  }
0x214: {  	v3 =	vadd.s32 v19, v33;
	v59 =	vmul.f32 $8.000000000e+00, v14;
	v47 =	vbroadcast v55, $0x0;
	v55 =	vld [tilespmem:$0x1FEC0]  }
0x215: {  	v8 =	vmul.f32 $8.000000000e+00, v8;
	[tilespmem:v9+s19+$0x0] =	vst.idx.msk $0xffff, v2;
	v9 =	vld [tilespmem:s10+$0xFFFFFF00];
	v5 =	vadd.s32 v18, v41  }
0x216: {  	v44 =	vbroadcast v58, $0x0;
	v10 =	vmul.f32 $8.000000000e+00, v10;
	v2 =	vadd.s32 v21, v45;
	[tilespmem:v49+s19+$0x0] =	vst.idx.msk $0xffff, v59;
	v59 =	vld [tilespmem:s10+$0x40]  }
0x217: {  	[tilespmem:v13+s19+$0x0] =	vst.idx.msk $0xffff, v8;
	v43 =	vbroadcast v57, $0x0;
	v0 =	vmul.f32 $8.000000000e+00, v11;
	v11 =	vld [tilespmem:s10+$0xFFFFFF40]  }
0x218: {  	v62 =	vmul.f32 $8.000000000e+00, v51;
	v49 =	vbroadcast v53, $0x0;
	v53 =	vld [tilespmem:s10+$0x100];
	[tilespmem:v15+s19+$0x0] =	vst.idx.msk $0xffff, v10;
	v60 =	vadd.s32 v37, v42  }
0x219: {  	v51 =	vld [tilespmem:s10+$0xFFFFFE50];
	[tilespmem:v3+s19+$0x0] =	vst.idx.msk $0xffff, v0;
	v0 =	vmul.f32 $8.000000000e+00, v48;
	v3 =	vadd.s32 v38, v43  }
0x21a: {  	v7 =	vadd.s32 v16, v44;
	v48 =	vbroadcast v52, $0x0;
	[tilespmem:v5+s19+$0x0] =	vst.idx.msk $0xffff, v62;
	v62 =	vld [tilespmem:s10+$0xC0]  }
0x21b: {  	v10 =	vld [tilespmem:s10+$0x1D0];
	[tilespmem:v2+s19+$0x0] =	vst.idx.msk $0xffff, v0;
	v0 =	vmul.f32 $8.000000000e+00, v9  }
0x21c: {  	v15 =	vld [tilespmem:s10+$0x140];
	v58 =	vadd.s32 v34, v48;
	v57 =	vmul.f32 $8.000000000e+00, v11  }
0x21d: {  	v2 =	vld [tilespmem:s10+$0x0];
	v9 =	vadd.s32 v55, v63;
	[tilespmem:v60+s19+$0x0] =	vst.idx.msk $0xffff, v0;
	v0 =	vmul.f32 $8.000000000e+00, v61  }
0x21e: {  	v11 =	vld [tilespmem:s10+$0x180];
	[tilespmem:v3+s19+$0x0] =	vst.idx.msk $0xffff, v57;
	v3 =	vadd.s32 v35, v49  }
0x21f: {  	v35 =	vbroadcast v56, $0x0;
	v57 =	vld [tilespmem:$0x1FF30];
	[tilespmem:v7+s19+$0x0] =	vst.idx.msk $0xffff, v0;
	v0 =	vmul.f32 $8.000000000e+00, v36  }
0x220: {  	v56 =	vld [tilespmem:$0x1FF60];
	v10 =	vmul.f32 $8.000000000e+00, v10  }
0x221: {  	v46 =	vbroadcast v54, $0x0;
	v54 =	vadd.s32 v18, v35;
	v18 =	vld [tilespmem:$0x1FE50];
	[tilespmem:v58+s19+$0x0] =	vst.idx.msk $0xffff, v0;
	v0 =	vmul.f32 $8.000000000e+00, v59  }
0x222: {  	v60 =	vadd.s32 v19, v47;
	v61 =	vld [tilespmem:s10+$0x80];
	[tilespmem:v9+s19+$0x0] =	vst.idx.msk $0xffff, v10  }
0x223: {  	[tilespmem:v3+s19+$0x0] =	vst.idx.msk $0xffff, v0;
	v0 =	vmul.f32 $8.000000000e+00, v62;
	v62 =	vld [tilespmem:$0x1FED0]  }
0x224: {  	v4 =	vshll.u32 v50, v1;
	v52 =	vadd.s32 v21, v46;
	v9 =	vld [tilespmem:s10+$0x1E0];
	v36 =	vbroadcast v12, $0x0  }
0x225: {  	v39 =	vshll.u32 v39, v1;
	v34 =	vbroadcast v4, $0x0;
	v2 =	vmul.f32 $8.000000000e+00, v2;
	v58 =	vld [tilespmem:$0x1FFC0]  }
0x226: {  	v4 =	vadd.s32 v37, v36;
	v37 =	vbroadcast v39, $0x0;
	v39 =	vld [tilespmem:s10+$0xFFFFFF50]  }
0x227: {  	v10 =	vadd.s32 v38, v34;
	v59 =	vld [tilespmem:$0x1FFD0];
	[tilespmem:v60+s19+$0x0] =	vst.idx.msk $0xffff, v2;
	v2 =	vmul.f32 $8.000000000e+00, v61  }
0x228: {  	v61 =	vld [tilespmem:s10+$0xFFFFFE90];
	v3 =	vadd.s32 v62, v63  }
0x229: {  	[tilespmem:v52+s19+$0x0] =	vst.idx.msk $0xffff, v2;
	v2 =	vmul.f32 $8.000000000e+00, v53;
	v52 =	vadd.s32 v16, v37;
	v53 =	vadd.s32 v57, v40;
	v16 =	vld [tilespmem:s10+$0xFFFFFED0]  }
0x22a: {  	[tilespmem:v54+s19+$0x0] =	vst.idx.msk $0xffff, v0;
	v0 =	vmul.f32 $8.000000000e+00, v15;
	v15 =	vadd.s32 v56, v45;
	v54 =	vld [tilespmem:s10+$0xFFFFFF10]  }
0x22b: {  	v50 =	vmov s12;
	[tilespmem:v4+s19+$0x0] =	vst.idx.msk $0xffff, v2;
	v2 =	vmul.f32 $8.000000000e+00, v9  }
0x22c: {  	v5 =	vshrl.u32 v50, $0x3;
	v50 =	vld [tilespmem:s10+$0xFFFFFF90];
	v60 =	vmul.f32 $8.000000000e+00, v51;
	v13 =	vadd.s32 v59, v42;
	[tilespmem:v10+s19+$0x0] =	vst.idx.msk $0xffff, v0  }
0x22d: {  	v21 =	vld [tilespmem:$0x1FEE0];
	v9 =	vadd.s32 v58, v41;
	[tilespmem:v3+s19+$0x0] =	vst.idx.msk $0xffff, v2;
	v3 =	vmul.f32 $8.000000000e+00, v61  }
0x22e: {  	v14 =	vadd.s32 v23, v44;
	v0 =	vmul.f32 $8.000000000e+00, v11;
	[tilespmem:v53+s19+$0x0] =	vst.idx.msk $0xffff, v60;
	v61 =	vmul.f32 $8.000000000e+00, v16;
	v16 =	vld [tilespmem:s10+$0xFFFFFFD0]  }
0x22f: {  	v6 =	vadd.s32 v18, v43;
	v60 =	vmul.f32 $8.000000000e+00, v39;
	v39 =	vld [tilespmem:s10+$0x50];
	[tilespmem:v15+s19+$0x0] =	vst.idx.msk $0xffff, v3;
	v3 =	vmul.f32 $8.000000000e+00, v54  }
0x230: {  	v11 =	vadd.s32 v55, v48;
	[tilespmem:v52+s19+$0x0] =	vst.idx.msk $0xffff, v0;
	v0 =	vld [tilespmem:s10+$0x1F0]  }
0x231: {  	v15 =	vld [tilespmem:s10+$0x10];
	[tilespmem:v13+s19+$0x0] =	vst.idx.msk $0xffff, v3;
	v3 =	vmul.f32 $8.000000000e+00, v50  }
0x232: {  	v38 =	vadd.s32 v21, v63;
	[tilespmem:v9+s19+$0x0] =	vst.idx.msk $0xffff, v61;
	v61 =	vld [tilespmem:s10+$0x90]  }
0x233: {  	v13 =	vadd.s32 v20, v47;
	[tilespmem:v14+s19+$0x0] =	vst.idx.msk $0xffff, v3;
	v3 =	vmul.f32 $8.000000000e+00, v16;
	v16 =	vld [tilespmem:s10+$0x110]  }
0x234: {  	v63 =	vadd.s32 v57, v49;
	[tilespmem:v6+s19+$0x0] =	vst.idx.msk $0xffff, v60;
	v60 =	vld [tilespmem:s10+$0xD0]  }
0x235: {  	v57 =	vadd.s32 v58, v35;
	v58 =	vld [tilespmem:s10+$0x150];
	v0 =	vmul.f32 $8.000000000e+00, v0;
	[tilespmem:v11+s19+$0x0] =	vst.idx.msk $0xffff, v3;
	v11 =	vadd.s32 v59, v36  }
0x236: {  	v50 =	vld [tilespmem:s10+$0xFFFFFE60];
	v14 =	vadd.s32 v56, v46;
	v15 =	vmul.f32 $8.000000000e+00, v15  }
0x237: {  	[tilespmem:v38+s19+$0x0] =	vst.idx.msk $0xffff, v0;
	v3 =	vmul.f32 $8.000000000e+00, v39;
	v38 =	vld [tilespmem:s10+$0x190]  }
0x238: {  	v59 =	vld [tilespmem:s10+$0xFFFFFE10];
	[tilespmem:v13+s19+$0x0] =	vst.idx.msk $0xffff, v15;
	v13 =	vmul.f32 $8.000000000e+00, v61;
	v61 =	vmul.f32 $8.000000000e+00, v16  }
0x239: {  	s7 =	sadd.s32 $0x1, s12;
	v15 =	vadd.s32 v18, v34;
	[tilespmem:v63+s19+$0x0] =	vst.idx.msk $0xffff, v3;
	v3 =	vmul.f32 $8.000000000e+00, v60;
	v60 =	vld [tilespmem:s10+$0xFFFFFEA0]  }
0x23a: {  	s14 =	sadd.s32 $0x2, s12;
	s6 =	sadd.s32 $0x3, s12;
	v8 =	vmov s7;
	v6 =	vadd.s32 v23, v37;
	[tilespmem:v11+s19+$0x0] =	vst.idx.msk $0xffff, v61;
	v61 =	vld [tilespmem:$0x1FFF0]  }
0x23b: {  	s7 =	sadd.s32 $0x4, s12;
	v12 =	vmov s14;
	v4 =	vmov s6;
	[tilespmem:v14+s19+$0x0] =	vst.idx.msk $0xffff, v13;
	v14 =	vadd.s32 v31, v40;
	v16 =	vld [tilespmem:s10+$0xFFFFFEE0]  }
0x23c: {  	s6 =	sadd.s32 $0x6, s12;
	v10 =	vmov s7;
	v9 =	vadd.s32 v20, v33;
	[tilespmem:v57+s19+$0x0] =	vst.idx.msk $0xffff, v3;
	v3 =	vmul.f32 $8.000000000e+00, v58;
	v58 =	vld [tilespmem:s10+$0xFFFFFF20]  }
0x23d: {  	v7 =	vmov s6;
	s7 =	sadd.s32 $0x7, s12;
	v57 =	vadd.s32 v24, v45;
	v11 =	vmul.f32 $8.000000000e+00, v38  }
0x23e: {  	s6 =	sadd.s32 $0x9, s12;
	v51 =	vmov s7;
	[tilespmem:v15+s19+$0x0] =	vst.idx.msk $0xffff, v3;
	v3 =	vmul.f32 $8.000000000e+00, v50;
	v15 =	vadd.s32 v25, v42;
	v50 =	vld [tilespmem:s10+$0xFFFFFFA0]  }
0x23f: {  	s14 =	sadd.s32 $0x5, s12;
	v53 =	vmov s6;
	v13 =	vmul.f32 $8.000000000e+00, v59;
	v59 =	vld [tilespmem:s10+$0xFFFFFF60];
	[tilespmem:v6+s19+$0x0] =	vst.idx.msk $0xffff, v11;
	v38 =	vadd.s32 v61, v41  }
0x240: {  	v2 =	vmov s14;
	v63 =	vmul.f32 $8.000000000e+00, v60;
	v11 =	vld [tilespmem:s10+$0xFFFFFFE0];
	[tilespmem:v14+s19+$0x0] =	vst.idx.msk $0xffff, v3;
	v14 =	vadd.s32 v26, v44  }
0x241: {  	s7 =	sadd.s32 $0xA, s12;
	s14 =	sadd.s32 $0x8, s12;
	[tilespmem:v9+s19+$0x0] =	vst.idx.msk $0xffff, v13;
	v9 =	vadd.s32 v17, v43;
	v3 =	vmul.f32 $8.000000000e+00, v16;
	v16 =	vld [tilespmem:s10+$0x20];
	v60 =	vmul.f32 $8.000000000e+00, v58  }
0x242: {  	v12 =	vshrl.u32 v12, $0x3;
	v52 =	vmov s14;
	v54 =	vmov s7;
	[tilespmem:v57+s19+$0x0] =	vst.idx.msk $0xffff, v63;
	v57 =	vld [tilespmem:s10+$0x60]  }
0x243: {  	s6 =	sadd.s32 $0xC, s12;
	s14 =	sadd.s32 $0xB, s12;
	v17 =	vshrl.u32 v52, $0x3;
	v52 =	vadd.s32 v62, v48;
	v58 =	vld [tilespmem:s10+$0xA0];
	[tilespmem:v15+s19+$0x0] =	vst.idx.msk $0xffff, v60;
	v63 =	vmul.f32 $8.000000000e+00, v50  }
0x244: {  	v55 =	vmov s14;
	s7 =	sadd.s32 $0xD, s12;
	v56 =	vmov s6;
	v60 =	vld [tilespmem:s10+$0xE0];
	[tilespmem:v38+s19+$0x0] =	vst.idx.msk $0xffff, v3;
	v3 =	vmul.f32 $8.000000000e+00, v59  }
0x245: {  	v0 =	vmov s7;
	v18 =	vshrl.u32 v55, $0x3;
	v15 =	vadd.s32 v31, v49;
	[tilespmem:v14+s19+$0x0] =	vst.idx.msk $0xffff, v63;
	v63 =	vld [tilespmem:$0x1FE60]  }
0x246: {  	v6 =	vshrl.u32 v7, $0x3;
	[tilespmem:v9+s19+$0x0] =	vst.idx.msk $0xffff, v3;
	v3 =	vmul.f32 $8.000000000e+00, v11;
	v9 =	vadd.s32 v24, v46;
	v11 =	vld [tilespmem:s10+$0x120]  }
0x247: {  	v13 =	vshrl.u32 v51, $0x3;
	v62 =	vmul.f32 $8.000000000e+00, v16;
	v14 =	vadd.s32 v61, v35;
	v16 =	vld [tilespmem:s10+$0x160]  }
0x248: {  	v50 =	vshrl.u32 v0, $0x3;
	v0 =	vmul.f32 $8.000000000e+00, v57;
	[tilespmem:v52+s19+$0x0] =	vst.idx.msk $0xffff, v3;
	v3 =	vadd.s32 v25, v36;
	v52 =	vld [tilespmem:s10+$0x1A0]  }
0x249: {  	v51 =	vshrl.u32 v56, $0x3;
	v55 =	vld [tilespmem:s10+$0xFFFFFE20];
	v7 =	vmul.f32 $8.000000000e+00, v58;
	v38 =	vadd.s32 v27, v47  }
0x24a: {  	[tilespmem:v15+s19+$0x0] =	vst.idx.msk $0xffff, v0;
	v0 =	vmul.f32 $8.000000000e+00, v60;
	v15 =	vadd.s32 v26, v37;
	v56 =	vadd.s32 v63, v34;
	v63 =	vld [tilespmem:s10+$0xFFFFFEB0]  }
0x24b: {  	v4 =	vshrl.u32 v4, $0x3;
	v59 =	vshll.u32 v12, v1;
	v12 =	vld [tilespmem:s10+$0xFFFFFF30];
	[tilespmem:v9+s19+$0x0] =	vst.idx.msk $0xffff, v7;
	v7 =	vmul.f32 $8.000000000e+00, v11  }
0x24c: {  	v60 =	vshll.u32 v4, v1;
	v4 =	vadd.s32 v30, v45;
	v45 =	vld [tilespmem:s10+$0x70];
	[tilespmem:v14+s19+$0x0] =	vst.idx.msk $0xffff, v0  }
0x24d: {  	v5 =	vshll.u32 v5, v1;
	v0 =	vmul.f32 $8.000000000e+00, v16;
	v16 =	vld [tilespmem:$0x1FEB0];
	[tilespmem:v3+s19+$0x0] =	vst.idx.msk $0xffff, v7;
	v3 =	vmul.f32 $8.000000000e+00, v52  }
0x24e: {  	v8 =	vshrl.u32 v8, $0x3;
	v53 =	vshrl.u32 v53, $0x3;
	[tilespmem:v38+s19+$0x0] =	vst.idx.msk $0xffff, v62;
	v38 =	vbroadcast v5, $0x0;
	v5 =	vld [tilespmem:s10+$0xFFFFFE70]  }
0x24f: {  	v62 =	vshll.u32 v8, v1;
	v8 =	vadd.s32 v27, v33;
	[tilespmem:v15+s19+$0x0] =	vst.idx.msk $0xffff, v3;
	v3 =	vmul.f32 $8.000000000e+00, v63;
	v63 =	vld [tilespmem:$0x1FE70]  }
0x250: {  	v53 =	vshll.u32 v53, v1;
	v9 =	vadd.s32 v32, v40;
	v11 =	vld [tilespmem:s10+$0xFFFFFEF0]  }
0x251: {  	v2 =	vshrl.u32 v2, $0x3;
	v54 =	vshrl.u32 v54, $0x3;
	v40 =	vadd.s32 v29, v41;
	v41 =	vld [tilespmem:s10+$0xFFFFFF70]  }
0x252: {  	v54 =	vshll.u32 v54, v1;
	v55 =	vmul.f32 $8.000000000e+00, v55;
	[tilespmem:v56+s19+$0x0] =	vst.idx.msk $0xffff, v0;
	v56 =	vshll.u32 v18, v1;
	v18 =	vld [tilespmem:$0x1FE70]  }
0x253: {  	v57 =	vshll.u32 v2, v1;
	v2 =	vadd.s32 v28, v42;
	v7 =	vld [tilespmem:s10+$0xFFFFFFF0];
	v0 =	vmul.f32 $8.000000000e+00, v5  }
0x254: {  	p2 =	slt.u32 s12, $0x70;
	v10 =	vshrl.u32 v10, $0x3;
	v58 =	vshll.u32 v6, v1;
	v5 =	vld [tilespmem:s10+$0xFFFFFFB0];
	[tilespmem:v8+s19+$0x0] =	vst.idx.msk $0xffff, v55;
	v6 =	vadd.s32 v63, v43  }
.Ltmp4:
0x255: {  	v48 =	vadd.s32 v21, v48;
	v55 =	vshll.u32 v17, v1;
	v17 =	vld [tilespmem:$0x1FE60];
	[tilespmem:v9+s19+$0x0] =	vst.idx.msk $0xffff, v0;
	v0 =	vmul.f32 $8.000000000e+00, v11;
	(pc) =	sbr.rel @p2 .LBB2_7-.Ltmp4, $4  }
0x256: {  	s14 =	sadd.s32 $0xE, s12;
	v61 =	vshll.u32 v10, v1;
	v14 =	vmul.f32 $8.000000000e+00, v41;
	v41 =	vld [tilespmem:s10+$0xB0];
	[tilespmem:v4+s19+$0x0] =	vst.idx.msk $0xffff, v3;
	v3 =	vmul.f32 $8.000000000e+00, v12  }
0x257: {  	v39 =	vmov s14;
	v42 =	vadd.s32 v32, v49;
	v47 =	vadd.s32 v22, v47;
	[tilespmem:v40+s19+$0x0] =	vst.idx.msk $0xffff, v0;
	v40 =	vld [tilespmem:s10+$0xF0]  }
0x258: {  	v39 =	vshrl.u32 v39, $0x3;
	v46 =	vadd.s32 v30, v46;
	[tilespmem:v2+s19+$0x0] =	vst.idx.msk $0xffff, v3;
	v63 =	vadd.s32 v16, v44;
	v44 =	vld [tilespmem:s10+$0x30]  }
0x259: {  	s13 =	sadd.s32 $0xF, s12;
	s12 =	sadd.s32 $0x10, s12;
	v52 =	vshll.u32 v13, v1;
	v49 =	vmul.f32 $8.000000000e+00, v7;
	v0 =	vmul.f32 $8.000000000e+00, v5;
	v43 =	vld [tilespmem:s10+$0x130];
	[tilespmem:v6+s19+$0x0] =	vst.idx.msk $0xffff, v14  }
0x25a: {  	_ =	sdelay $0x3  }
0x25b: {  	v3 =	vadd.s32 v29, v35;
	v5 =	vmul.f32 $8.000000000e+00, v45;
	[tilespmem:v63+s19+$0x0] =	vst.idx.msk $0xffff, v0  }
0x25c: {  	[tilespmem:v48+s19+$0x0] =	vst.idx.msk $0xffff, v49;
	v8 =	vmul.f32 $8.000000000e+00, v41  }
0x25d: {  	v4 =	vld [tilespmem:s10+$0x170];
	[tilespmem:v42+s19+$0x0] =	vst.idx.msk $0xffff, v5;
	v2 =	vmul.f32 $8.000000000e+00, v44  }
0x25e: {  	v6 =	vadd.s32 v28, v36;
	v7 =	vld [tilespmem:s10+$0x1B0];
	v10 =	vmul.f32 $8.000000000e+00, v40;
	[tilespmem:v46+s19+$0x0] =	vst.idx.msk $0xffff, v8  }
0x25f: {  	v9 =	vadd.s32 v18, v34;
	[tilespmem:v47+s19+$0x0] =	vst.idx.msk $0xffff, v2  }
0x260: {  	v11 =	vadd.s32 v16, v37;
	v2 =	vld [tilespmem:s10+$0xFFFFFE30];
	[tilespmem:v3+s19+$0x0] =	vst.idx.msk $0xffff, v10  }
0x261: {  	v0 =	vmov s13;
	v14 =	vmul.f32 $8.000000000e+00, v43;
	v43 =	vld [tilespmem:$0x1FFB0]  }
0x262: {  	s12 =	sadd.s32 $0x400, s10;
	v0 =	vshrl.u32 v0, $0x3;
	v4 =	vmul.f32 $8.000000000e+00, v4  }
0x263: {  	v13 =	vadd.s32 v22, v33;
	v49 =	vld [tilespmem:s12+$0x1C0];
	v0 =	vshll.u32 v0, v1;
	v7 =	vmul.f32 $8.000000000e+00, v7;
	[tilespmem:v6+s19+$0x0] =	vst.idx.msk $0xffff, v14  }
0x264: {  	v45 =	vld [tilespmem:s12+$0xFFFFFE00];
	v0 =	vbroadcast v0, $0x0;
	[tilespmem:v9+s19+$0x0] =	vst.idx.msk $0xffff, v4  }
0x265: {  	v63 =	vld [tilespmem:$0x1FF90];
	[tilespmem:v11+s19+$0x0] =	vst.idx.msk $0xffff, v7  }
0x266: {  	v33 =	vbroadcast v62, $0x0;
	v62 =	vld [tilespmem:$0x1FFA0];
	v2 =	vmul.f32 $8.000000000e+00, v2;
	v46 =	vadd.s32 v43, v0  }
0x267: {  	v3 =	vld [tilespmem:s12+$0xFFFFFE40];
	v6 =	vadd.s32 v19, v38  }
0x268: {  	v47 =	vld [tilespmem:s12+$0xFFFFFE80];
	[tilespmem:v13+s19+$0x0] =	vst.idx.msk $0xffff, v2  }
0x269: {  	v34 =	vbroadcast v59, $0x0;
	v5 =	vmul.f32 $8.000000000e+00, v49;
	v49 =	vld [tilespmem:$0x1FE20]  }
0x26a: {  	v35 =	vbroadcast v60, $0x0;
	v60 =	vld [tilespmem:s12+$0xFFFFFF40];
	v8 =	vmul.f32 $8.000000000e+00, v45;
	v4 =	vadd.s32 v63, v33  }
0x26b: {  	v9 =	vld [tilespmem:s12+$0xFFFFFEC0];
	v7 =	vadd.s32 v62, v34;
	[tilespmem:v46+s19+$0x0] =	vst.idx.msk $0xffff, v5  }
0x26c: {  	v12 =	vshll.u32 v51, v1;
	v51 =	vld [tilespmem:$0x1FE30];
	[tilespmem:v6+s19+$0x0] =	vst.idx.msk $0xffff, v8  }
0x26d: {  	v37 =	vbroadcast v57, $0x0;
	v3 =	vmul.f32 $8.000000000e+00, v3;
	v57 =	vld [tilespmem:$0x1FE40]  }
0x26e: {  	v36 =	vbroadcast v61, $0x0;
	v61 =	vld [tilespmem:s12+$0xFFFFFFC0];
	v47 =	vmul.f32 $8.000000000e+00, v47;
	v2 =	vadd.s32 v49, v35  }
0x26f: {  	v44 =	vld [tilespmem:s12+$0xFFFFFF00];
	[tilespmem:v4+s19+$0x0] =	vst.idx.msk $0xffff, v3  }
0x270: {  	v48 =	vld [tilespmem:$0x1FE80];
	[tilespmem:v7+s19+$0x0] =	vst.idx.msk $0xffff, v47  }
0x271: {  	v41 =	vbroadcast v52, $0x0;
	v3 =	vmul.f32 $8.000000000e+00, v9;
	v21 =	vld [tilespmem:$0x1FEC0];
	v45 =	vadd.s32 v51, v36  }
0x272: {  	v42 =	vbroadcast v55, $0x0;
	v7 =	vld [tilespmem:s12+$0x0];
	v59 =	vadd.s32 v57, v37  }
0x273: {  	v40 =	vbroadcast v58, $0x0;
	v14 =	vshll.u32 v50, v1;
	v46 =	vld [tilespmem:s12+$0xFFFFFF80];
	[tilespmem:v2+s19+$0x0] =	vst.idx.msk $0xffff, v3;
	v3 =	vadd.s32 v43, v41  }
0x274: {  	v50 =	vmul.f32 $8.000000000e+00, v44;
	v15 =	vld [tilespmem:s12+$0x1D0];
	v2 =	vmul.f32 $8.000000000e+00, v60;
	v60 =	vadd.s32 v19, v42  }
0x275: {  	v55 =	vmov v43;
	v13 =	vld [tilespmem:s12+$0x40];
	v43 =	vbroadcast v53, $0x0;
	v4 =	vadd.s32 v48, v40  }
0x276: {  	v58 =	vld [tilespmem:s12+$0x80];
	v61 =	vmul.f32 $8.000000000e+00, v61;
	v44 =	vbroadcast v54, $0x0;
	v11 =	vadd.s32 v21, v0;
	[tilespmem:v45+s19+$0x0] =	vst.idx.msk $0xffff, v50  }
0x277: {  	v7 =	vmul.f32 $8.000000000e+00, v7;
	v45 =	vbroadcast v56, $0x0;
	[tilespmem:v59+s19+$0x0] =	vst.idx.msk $0xffff, v2;
	v2 =	vadd.s32 v63, v43;
	v59 =	vld [tilespmem:s12+$0xC0]  }
0x278: {  	v5 =	vadd.s32 v62, v44;
	v53 =	vmul.f32 $8.000000000e+00, v46;
	v46 =	vbroadcast v12, $0x0;
	v50 =	vld [tilespmem:s12+$0x100];
	[tilespmem:v3+s19+$0x0] =	vst.idx.msk $0xffff, v61  }
0x279: {  	v15 =	vmul.f32 $8.000000000e+00, v15;
	[tilespmem:v60+s19+$0x0] =	vst.idx.msk $0xffff, v7;
	v52 =	vadd.s32 v49, v45  }
0x27a: {  	v3 =	vmul.f32 $8.000000000e+00, v13;
	[tilespmem:v4+s19+$0x0] =	vst.idx.msk $0xffff, v53;
	v4 =	vadd.s32 v51, v46  }
0x27b: {  	v54 =	vmul.f32 $8.000000000e+00, v58;
	[tilespmem:v11+s19+$0x0] =	vst.idx.msk $0xffff, v15  }
0x27c: {  	v12 =	vld [tilespmem:s12+$0x140];
	[tilespmem:v2+s19+$0x0] =	vst.idx.msk $0xffff, v3;
	v3 =	vmul.f32 $8.000000000e+00, v59  }
0x27d: {  	v50 =	vmul.f32 $8.000000000e+00, v50;
	v58 =	vld [tilespmem:$0x1FED0];
	[tilespmem:v5+s19+$0x0] =	vst.idx.msk $0xffff, v54  }
0x27e: {  	v47 =	vbroadcast v14, $0x0;
	v14 =	vld [tilespmem:s12+$0x1E0];
	[tilespmem:v52+s19+$0x0] =	vst.idx.msk $0xffff, v3  }
0x27f: {  	v53 =	vshll.u32 v39, v1;
	v54 =	vld [tilespmem:$0x1FF30];
	[tilespmem:v4+s19+$0x0] =	vst.idx.msk $0xffff, v50  }
0x280: {  	v7 =	vadd.s32 v57, v47;
	v39 =	vbroadcast v53, $0x0;
	v53 =	vld [tilespmem:$0x1FF60]  }
0x281: {  	v60 =	vld [tilespmem:s12+$0x180]  }
0x282: {  	v2 =	vld [tilespmem:s12+$0xFFFFFE50];
	v61 =	vadd.s32 v58, v0  }
0x283: {  	v12 =	vmul.f32 $8.000000000e+00, v12;
	v9 =	vadd.s32 v48, v39;
	v5 =	vld [tilespmem:s12+$0xFFFFFE90]  }
0x284: {  	v3 =	vadd.s32 v54, v33  }
0x285: {  	v11 =	vld [tilespmem:s12+$0xFFFFFED0];
	v59 =	vmul.f32 $8.000000000e+00, v14;
	[tilespmem:v7+s19+$0x0] =	vst.idx.msk $0xffff, v12;
	v4 =	vadd.s32 v53, v34  }
0x286: {  	v10 =	vmul.f32 $8.000000000e+00, v60;
	v50 =	vld [tilespmem:$0x1FFC0]  }
0x287: {  	v52 =	vld [tilespmem:s12+$0xFFFFFF10];
	v2 =	vmul.f32 $8.000000000e+00, v2;
	[tilespmem:v61+s19+$0x0] =	vst.idx.msk $0xffff, v59  }
0x288: {  	v5 =	vmul.f32 $8.000000000e+00, v5;
	v59 =	vld [tilespmem:$0x1FFD0];
	[tilespmem:v9+s19+$0x0] =	vst.idx.msk $0xffff, v10  }
0x289: {  	v14 =	vld [tilespmem:$0x1FE50];
	[tilespmem:v3+s19+$0x0] =	vst.idx.msk $0xffff, v2  }
0x28a: {  	v61 =	vld [tilespmem:s12+$0xFFFFFF90];
	[tilespmem:v4+s19+$0x0] =	vst.idx.msk $0xffff, v5  }
0x28b: {  	v7 =	vadd.s32 v50, v35;
	v15 =	vld [tilespmem:$0x1FEE0]  }
0x28c: {  	v2 =	vmul.f32 $8.000000000e+00, v11;
	v3 =	vadd.s32 v23, v40;
	v11 =	vld [tilespmem:s12+$0xFFFFFFD0]  }
0x28d: {  	v12 =	vld [tilespmem:s12+$0xFFFFFF50];
	v60 =	vadd.s32 v59, v36  }
0x28e: {  	v10 =	vld [tilespmem:s12+$0x1F0]  }
0x28f: {  	v5 =	vld [tilespmem:s12+$0x10];
	v56 =	vmul.f32 $8.000000000e+00, v61;
	v9 =	vadd.s32 v14, v37  }
0x290: {  	v52 =	vmul.f32 $8.000000000e+00, v52;
	[tilespmem:v7+s19+$0x0] =	vst.idx.msk $0xffff, v2;
	v7 =	vld [tilespmem:s12+$0x50];
	v0 =	vadd.s32 v15, v0  }
0x291: {  	v6 =	vadd.s32 v21, v41;
	[tilespmem:v3+s19+$0x0] =	vst.idx.msk $0xffff, v56;
	v3 =	vmul.f32 $8.000000000e+00, v11;
	v11 =	vld [tilespmem:s12+$0x110]  }
0x292: {  	v2 =	vmul.f32 $8.000000000e+00, v12;
	v61 =	vld [tilespmem:s12+$0x90];
	[tilespmem:v60+s19+$0x0] =	vst.idx.msk $0xffff, v52;
	v60 =	vadd.s32 v20, v42  }
0x293: {  	v10 =	vmul.f32 $8.000000000e+00, v10;
	v56 =	vadd.s32 v59, v46  }
0x294: {  	[tilespmem:v9+s19+$0x0] =	vst.idx.msk $0xffff, v2;
	v2 =	vadd.s32 v54, v43;
	v9 =	vld [tilespmem:s12+$0xD0]  }
0x295: {  	v5 =	vmul.f32 $8.000000000e+00, v5;
	v52 =	vadd.s32 v53, v44;
	[tilespmem:v0+s19+$0x0] =	vst.idx.msk $0xffff, v10;
	v10 =	vld [tilespmem:s12+$0x150]  }
0x296: {  	[tilespmem:v6+s19+$0x0] =	vst.idx.msk $0xffff, v3;
	v11 =	vmul.f32 $8.000000000e+00, v11;
	v0 =	vadd.s32 v50, v45  }
0x297: {  	v3 =	vmul.f32 $8.000000000e+00, v7;
	[tilespmem:v60+s19+$0x0] =	vst.idx.msk $0xffff, v5;
	v60 =	vmul.f32 $8.000000000e+00, v61;
	v61 =	vadd.s32 v14, v47  }
0x298: {  	[tilespmem:v56+s19+$0x0] =	vst.idx.msk $0xffff, v11  }
0x299: {  	[tilespmem:v2+s19+$0x0] =	vst.idx.msk $0xffff, v3;
	v3 =	vmul.f32 $8.000000000e+00, v9  }
0x29a: {  	[tilespmem:v52+s19+$0x0] =	vst.idx.msk $0xffff, v60;
	v10 =	vmul.f32 $8.000000000e+00, v10  }
0x29b: {  	v7 =	vld [tilespmem:s12+$0x190];
	[tilespmem:v0+s19+$0x0] =	vst.idx.msk $0xffff, v3  }
0x29c: {  	v5 =	vld [tilespmem:s12+$0xFFFFFE10];
	[tilespmem:v61+s19+$0x0] =	vst.idx.msk $0xffff, v10  }
0x29d: {  	v60 =	vld [tilespmem:$0x1FFF0]  }
0x29e: {  	v2 =	vld [tilespmem:s12+$0xFFFFFE60];
	v9 =	vadd.s32 v23, v39  }
0x29f: {  	v4 =	vadd.s32 v20, v38;
	v52 =	vld [tilespmem:s12+$0xFFFFFEA0]  }
0x2a0: {  	v0 =	vadd.s32 v31, v33;
	v3 =	vld [tilespmem:s12+$0xFFFFFEE0]  }
0x2a1: {  	v6 =	vadd.s32 v24, v34;
	v56 =	vld [tilespmem:s12+$0xFFFFFF20];
	v7 =	vmul.f32 $8.000000000e+00, v7  }
0x2a2: {  	v5 =	vmul.f32 $8.000000000e+00, v5;
	v61 =	vld [tilespmem:s12+$0xFFFFFF60];
	v10 =	vadd.s32 v60, v35  }
0x2a3: {  	v2 =	vmul.f32 $8.000000000e+00, v2;
	[tilespmem:v9+s19+$0x0] =	vst.idx.msk $0xffff, v7;
	v7 =	vadd.s32 v25, v36;
	v9 =	vld [tilespmem:s12+$0xFFFFFFA0]  }
0x2a4: {  	v8 =	vld [tilespmem:s12+$0xFFFFFFE0];
	[tilespmem:v4+s19+$0x0] =	vst.idx.msk $0xffff, v5;
	v52 =	vmul.f32 $8.000000000e+00, v52;
	v5 =	vadd.s32 v17, v37  }
0x2a5: {  	[tilespmem:v0+s19+$0x0] =	vst.idx.msk $0xffff, v2;
	v0 =	vmul.f32 $8.000000000e+00, v3;
	v2 =	vadd.s32 v26, v40;
	v3 =	vld [tilespmem:s12+$0x20]  }
0x2a6: {  	v11 =	vld [tilespmem:s12+$0x60];
	v56 =	vmul.f32 $8.000000000e+00, v56;
	[tilespmem:v6+s19+$0x0] =	vst.idx.msk $0xffff, v52;
	v6 =	vadd.s32 v58, v41  }
0x2a7: {  	[tilespmem:v10+s19+$0x0] =	vst.idx.msk $0xffff, v0;
	v0 =	vmul.f32 $8.000000000e+00, v61;
	v10 =	vadd.s32 v27, v42;
	v61 =	vld [tilespmem:s12+$0xA0]  }
0x2a8: {  	v52 =	vld [tilespmem:s12+$0xE0];
	[tilespmem:v7+s19+$0x0] =	vst.idx.msk $0xffff, v56;
	v13 =	vmul.f32 $8.000000000e+00, v9;
	v7 =	vadd.s32 v31, v43  }
0x2a9: {  	v4 =	vld [tilespmem:s12+$0x160];
	v56 =	vadd.s32 v24, v44;
	[tilespmem:v5+s19+$0x0] =	vst.idx.msk $0xffff, v0;
	v0 =	vmul.f32 $8.000000000e+00, v8  }
0x2aa: {  	[tilespmem:v2+s19+$0x0] =	vst.idx.msk $0xffff, v13;
	v2 =	vmul.f32 $8.000000000e+00, v3;
	v3 =	vadd.s32 v60, v45;
	v8 =	vld [tilespmem:s12+$0x120]  }
0x2ab: {  	v12 =	vadd.s32 v17, v47;
	[tilespmem:v6+s19+$0x0] =	vst.idx.msk $0xffff, v0;
	v0 =	vmul.f32 $8.000000000e+00, v11;
	v11 =	vld [tilespmem:s12+$0x1A0]  }
0x2ac: {  	v6 =	vadd.s32 v25, v46;
	[tilespmem:v10+s19+$0x0] =	vst.idx.msk $0xffff, v2;
	v2 =	vld [tilespmem:s12+$0xFFFFFE20];
	v61 =	vmul.f32 $8.000000000e+00, v61  }
0x2ad: {  	v9 =	vadd.s32 v26, v39;
	v13 =	vmul.f32 $8.000000000e+00, v52;
	[tilespmem:v7+s19+$0x0] =	vst.idx.msk $0xffff, v0;
	v0 =	vld [tilespmem:s12+$0xFFFFFE70]  }
0x2ae: {  	v4 =	vmul.f32 $8.000000000e+00, v4;
	v52 =	vadd.s32 v27, v38;
	[tilespmem:v56+s19+$0x0] =	vst.idx.msk $0xffff, v61;
	v56 =	vld [tilespmem:s12+$0xFFFFFEB0]  }
0x2af: {  	[tilespmem:v3+s19+$0x0] =	vst.idx.msk $0xffff, v13;
	v3 =	vadd.s32 v32, v33;
	v8 =	vmul.f32 $8.000000000e+00, v8;
	v61 =	vld [tilespmem:s12+$0xFFFFFEF0]  }
0x2b0: {  	[tilespmem:v12+s19+$0x0] =	vst.idx.msk $0xffff, v4;
	v33 =	vadd.s32 v30, v34;
	v34 =	vld [tilespmem:s12+$0xFFFFFF30];
	v11 =	vmul.f32 $8.000000000e+00, v11  }
0x2b1: {  	v4 =	vadd.s32 v29, v35;
	v35 =	vld [tilespmem:s12+$0xFFFFFF70];
	[tilespmem:v6+s19+$0x0] =	vst.idx.msk $0xffff, v8;
	v2 =	vmul.f32 $8.000000000e+00, v2  }
0x2b2: {  	[tilespmem:v9+s19+$0x0] =	vst.idx.msk $0xffff, v11;
	v0 =	vmul.f32 $8.000000000e+00, v0;
	v9 =	vadd.s32 v28, v36;
	v11 =	vld [tilespmem:s12+$0xFFFFFFB0]  }
0x2b3: {  	[tilespmem:v52+s19+$0x0] =	vst.idx.msk $0xffff, v2;
	v2 =	vmul.f32 $8.000000000e+00, v56;
	v52 =	vadd.s32 v18, v37;
	v56 =	vld [tilespmem:s12+$0xFFFFFFF0]  }
0x2b4: {  	[tilespmem:v3+s19+$0x0] =	vst.idx.msk $0xffff, v0;
	v0 =	vmul.f32 $8.000000000e+00, v61;
	v3 =	vadd.s32 v16, v40;
	v61 =	vld [tilespmem:s12+$0x30]  }
0x2b5: {  	[tilespmem:v33+s19+$0x0] =	vst.idx.msk $0xffff, v2;
	v2 =	vmul.f32 $8.000000000e+00, v34;
	v33 =	vadd.s32 v15, v41;
	v34 =	vld [tilespmem:s12+$0x70]  }
0x2b6: {  	v36 =	vld [tilespmem:s12+$0xB0];
	[tilespmem:v4+s19+$0x0] =	vst.idx.msk $0xffff, v0;
	v0 =	vmul.f32 $8.000000000e+00, v35;
	v35 =	vadd.s32 v22, v42  }
0x2b7: {  	v37 =	vadd.s32 v32, v43;
	v40 =	vld [tilespmem:s12+$0xF0];
	[tilespmem:v9+s19+$0x0] =	vst.idx.msk $0xffff, v2;
	v2 =	vmul.f32 $8.000000000e+00, v11  }
0x2b8: {  	v41 =	vadd.s32 v30, v44;
	v42 =	vld [tilespmem:s12+$0x130];
	[tilespmem:v52+s19+$0x0] =	vst.idx.msk $0xffff, v0;
	v0 =	vmul.f32 $8.000000000e+00, v56  }
0x2b9: {  	v43 =	vld [tilespmem:s12+$0x170];
	[tilespmem:v3+s19+$0x0] =	vst.idx.msk $0xffff, v2;
	v2 =	vmul.f32 $8.000000000e+00, v61;
	v3 =	vadd.s32 v29, v45  }
0x2ba: {  	v44 =	vadd.s32 v28, v46;
	v45 =	vld [tilespmem:s12+$0x1B0];
	[tilespmem:v33+s19+$0x0] =	vst.idx.msk $0xffff, v0;
	v0 =	vmul.f32 $8.000000000e+00, v34  }
0x2bb: {  	v47 =	vadd.s32 v18, v47;
	v46 =	vmul.f32 $8.000000000e+00, v36;
	[tilespmem:v35+s19+$0x0] =	vst.idx.msk $0xffff, v2;
	v2 =	vld [tilespmem:s12+$0xFFFFFE30]  }
0x2bc: {  	v52 =	vadd.s32 v16, v39;
	[tilespmem:v37+s19+$0x0] =	vst.idx.msk $0xffff, v0;
	v0 =	vmul.f32 $8.000000000e+00, v40  }
0x2bd: {  	v56 =	vadd.s32 v22, v38;
	[tilespmem:v41+s19+$0x0] =	vst.idx.msk $0xffff, v46;
	v61 =	vmul.f32 $8.000000000e+00, v42  }
0x2be: {  	[tilespmem:v3+s19+$0x0] =	vst.idx.msk $0xffff, v0;
	v0 =	vmul.f32 $8.000000000e+00, v43  }
0x2bf: {  	[tilespmem:v44+s19+$0x0] =	vst.idx.msk $0xffff, v61;
	v3 =	vmul.f32 $8.000000000e+00, v45  }
0x2c0: {  	s14 =	sand.u32 $0xE80, s11;
	s13 =	sshll.u32 s11, $0x3;
	[tilespmem:v47+s19+$0x0] =	vst.idx.msk $0xffff, v0;
	v0 =	vmul.f32 $8.000000000e+00, v2  }
0x2c1: {  	s11 =	sadd.s32 s2, s14;
	s10 =	sand.u32 $0xFFF8000, s13;
	[tilespmem:v52+s19+$0x0] =	vst.idx.msk $0xffff, v3  }
0x2c2: {  	s6 =	simm.s32 $0x10600;
	s11 =	sadd.s32 s10, s11;
	[tilespmem:v56+s19+$0x0] =	vst.idx.msk $0xffff, v0  }
0x2c3: {  	[hbm4b:s11+s4] =	stream.linear.scatter [tilespmem:s6], [sflag:$0x6], $0x80, $0x38;
	[tilespmem:$0x16C00] =	vst v63  }
0x2c4: {  	s7 =	simm.s32 $0x10688;
	s12 =	sadd.s32 $0x10, s11  }
0x2c5: {  	[hbm4b:s12+s4] =	stream.linear.scatter [tilespmem:s7], [sflag:$0x6], $0x80, $0x38;
	[tilespmem:$0x16C00] =	vst v63  }
0x2c6: {  	s13 =	simm.s32 $0x10710;
	s14 =	sadd.s32 $0x20, s11  }
0x2c7: {  	[hbm4b:s14+s4] =	stream.linear.scatter [tilespmem:s13], [sflag:$0x6], $0x80, $0x38;
	[tilespmem:$0x16C00] =	vst v63  }
0x2c8: {  	s6 =	simm.s32 $0x10798;
	s7 =	sadd.s32 $0x30, s11  }
0x2c9: {  	[hbm4b:s7+s4] =	stream.linear.scatter [tilespmem:s6], [sflag:$0x6], $0x80, $0x38;
	[tilespmem:$0x16C00] =	vst v63  }
0x2ca: {  	s13 =	simm.s32 $0x10820;
	s14 =	sadd.s32 $0x40, s11  }
0x2cb: {  	[hbm4b:s14+s4] =	stream.linear.scatter [tilespmem:s13], [sflag:$0x6], $0x80, $0x38;
	[tilespmem:$0x16C00] =	vst v63  }
0x2cc: {  	s10 =	simm.s32 $0x440;
	s6 =	simm.s32 $0x108A8;
	s7 =	sadd.s32 $0x50, s11  }
0x2cd: {  	[hbm4b:s7+s4] =	stream.linear.scatter [tilespmem:s6], [sflag:$0x6], $0x80, $0x38;
	[tilespmem:$0x16C00] =	vst v63  }
0x2ce: {  	v26 =	vmovc v55;
	v27 =	vmov v23;
	v23 =	vmov v50;
	v32 =	vmov v14;
	s12 =	simm.s32 $0x2200;
	s13 =	simm.s32 $0x10930;
	s14 =	sadd.s32 $0x60, s11  }
0x2cf: {  	v30 =	vmovc v59;
	v29 =	vmovc v24;
	v24 =	vmov v51;
	v51 =	vmov v57;
	v42 =	vmov v15;
	[hbm4b:s14+s4] =	stream.linear.scatter [tilespmem:s13], [sflag:$0x6], $0x80, $0x38;
	[tilespmem:$0x16C00] =	vst v63  }
0x2d0: {  	v40 =	vmovc v48;
	v43 =	vmovc v21;
	v21 =	vmov v49;
	v61 =	vmov v63;
	v56 =	vmov v31;
	s13 =	simm.s32 $0x109B8;
	s14 =	sadd.s32 $0x70, s11;
	s11 =	sadd.s32 $0x1000, s11  }
.LBB2_9:
0x2d1: {  	[hbm4b:s14+s4] =	stream.linear.scatter [tilespmem:s13], [sflag:$0x6], $0x80, $0x38;
	[tilespmem:$0x16C00] =	vst v63  }
0x2d2: {  	s13 =	smov.u32 s10;
	s10 =	smov.u32 s12  }
0x2d3: {  	s6 =	sadd.s32 $0x1100, s12;
	s10 =	sshra.s32 s10, $0x2;
	s14 =	sadd.s32 $0x10600, s13  }
0x2d4: {  	[hbm4b:s11+s4] =	stream.linear.scatter [tilespmem:s14], [sflag:$0x6], $0x80, $0x38;
	[tilespmem:$0x16C00] =	vst v63  }
0x2d5: {  	p2 =	sne.s32 s12, $0x7700;
	s12 =	sadd.s32 $0x10688, s13;
	s14 =	sadd.s32 $0x10, s11  }
0x2d6: {  	[hbm4b:s14+s4] =	stream.linear.scatter [tilespmem:s12], [sflag:$0x6], $0x80, $0x38;
	[tilespmem:$0x16C00] =	vst v63  }
0x2d7: {  	s12 =	sadd.s32 $0x10710, s13;
	s14 =	sadd.s32 $0x20, s11  }
0x2d8: {  	[hbm4b:s14+s4] =	stream.linear.scatter [tilespmem:s12], [sflag:$0x6], $0x80, $0x38;
	[tilespmem:$0x16C00] =	vst v63  }
0x2d9: {  	s12 =	sadd.s32 $0x10798, s13;
	s14 =	sadd.s32 $0x30, s11  }
0x2da: {  	[hbm4b:s14+s4] =	stream.linear.scatter [tilespmem:s12], [sflag:$0x6], $0x80, $0x38;
	[tilespmem:$0x16C00] =	vst v63  }
0x2db: {  	s12 =	sadd.s32 $0x10820, s13;
	s14 =	sadd.s32 $0x40, s11  }
0x2dc: {  	[hbm4b:s14+s4] =	stream.linear.scatter [tilespmem:s12], [sflag:$0x6], $0x80, $0x38;
	[tilespmem:$0x16C00] =	vst v63  }
.Ltmp5:
0x2dd: {  	s12 =	sadd.s32 $0x108A8, s13;
	s14 =	sadd.s32 $0x50, s11;
	(pc) =	sbr.rel @p2 .LBB2_9-.Ltmp5, $4  }
0x2de: {  	[hbm4b:s14+s4] =	stream.linear.scatter [tilespmem:s12], [sflag:$0x6], $0x80, $0x38;
	[tilespmem:$0x16C00] =	vst v63  }
0x2df: {  	s12 =	sadd.s32 $0x10930, s13;
	s14 =	sadd.s32 $0x60, s11;
	s13 =	sadd.s32 $0x109B8, s13  }
0x2e0: {  	[hbm4b:s14+s4] =	stream.linear.scatter [tilespmem:s12], [sflag:$0x6], $0x80, $0x38;
	[tilespmem:$0x16C00] =	vst v63  }
0x2e1: {  	s14 =	sadd.s32 $0x70, s11;
	s11 =	sadd.s32 $0x1000, s11;
	s12 =	smov.u32 s6  }
0x2e2: {  	[hbm4b:s14+s4] =	stream.linear.scatter [tilespmem:s13], [sflag:$0x6], $0x80, $0x38;
	[tilespmem:$0x16C00] =	vst v63  }
0x2e3: {  	s6 =	sadd.s32 $0x10600, s10  }
0x2e4: {  	[hbm4b:s11+s4] =	stream.linear.scatter [tilespmem:s6], [sflag:$0x6], $0x80, $0x38;
	[tilespmem:$0x16C00] =	vst v63  }
0x2e5: {  	s7 =	sadd.s32 $0x10688, s10;
	s12 =	sadd.s32 $0x10, s11  }
0x2e6: {  	[hbm4b:s12+s4] =	stream.linear.scatter [tilespmem:s7], [sflag:$0x6], $0x80, $0x38;
	[tilespmem:$0x16C00] =	vst v63  }
0x2e7: {  	s13 =	sadd.s32 $0x20, s11;
	s12 =	sadd.s32 $0x10710, s10  }
0x2e8: {  	[hbm4b:s13+s4] =	stream.linear.scatter [tilespmem:s12], [sflag:$0x6], $0x80, $0x38;
	[tilespmem:$0x16C00] =	vst v63  }
0x2e9: {  	s14 =	sadd.s32 $0x10798, s10;
	s7 =	sadd.s32 $0x30, s11  }
0x2ea: {  	[hbm4b:s7+s4] =	stream.linear.scatter [tilespmem:s14], [sflag:$0x6], $0x80, $0x38;
	[tilespmem:$0x16C00] =	vst v63  }
0x2eb: {  	s12 =	sadd.s32 $0x10820, s10;
	s13 =	sadd.s32 $0x40, s11  }
0x2ec: {  	[hbm4b:s13+s4] =	stream.linear.scatter [tilespmem:s12], [sflag:$0x6], $0x80, $0x38;
	[tilespmem:$0x16C00] =	vst v63  }
0x2ed: {  	s14 =	sadd.s32 $0x108A8, s10;
	s7 =	sadd.s32 $0x50, s11  }
0x2ee: {  	[hbm4b:s7+s4] =	stream.linear.scatter [tilespmem:s14], [sflag:$0x6], $0x80, $0x38;
	[tilespmem:$0x16C00] =	vst v63  }
0x2ef: {  	s12 =	sadd.s32 $0x10930, s10;
	s13 =	sadd.s32 $0x60, s11;
	s14 =	sadd.s32 $0x109B8, s10  }
0x2f0: {  	s7 =	sadd.s32 $0x70, s11;
	s11 =	simm.s32 $0x0;
	s10 =	simm.s32 $0x5  }
0x2f1: {  	v0 =	vmov s11;
	[hbm4b:s13+s4] =	stream.linear.scatter [tilespmem:s12], [sflag:$0x6], $0x80, $0x38;
	[tilespmem:$0x16C00] =	vst v63  }
0x2f2: {  	s11 =	simm.s32 $0x6;
	v6 =	vmov s10;
	s10 =	simm.s32 $0xB;
	s12 =	simm.s32 $0x1;
	v0 =	vshrl.u32 v0, $0x3  }
0x2f3: {  	s13 =	simm.s32 $0x2;
	v7 =	vmov s11;
	s11 =	simm.s32 $0xC;
	v12 =	vmov s10;
	v2 =	vmov s12;
	s12 =	simm.s32 $0x7  }
0x2f4: {  	v6 =	vshrl.u32 v6, $0x3;
	v3 =	vmov s13;
	v13 =	vmov s11;
	[hbm4b:s7+s4] =	stream.linear.scatter [tilespmem:s14], [sflag:$0x6], $0x80, $0x38;
	[tilespmem:$0x16C00] =	vst v63  }
0x2f5: {  	s10 =	sadd.s32 @!p1 $0x280, s1;
	v0 =	vshll.u32 v0, v1;
	v7 =	vshrl.u32 v7, $0x3;
	v8 =	vmov s12;
	s12 =	simm.s32 $0xD  }
0x2f6: {  	s13 =	simm.s32 $0x8;
	s11 =	simm.s32 @!p1 $0x80;
	v12 =	vshrl.u32 v12, $0x3;
	v6 =	vshll.u32 v6, v1;
	v14 =	vmov s12;
	s12 =	simm.s32 @!p1 $0x8400  }
0x2f7: {  	v9 =	vmov s13;
	v2 =	vshrl.u32 v2, $0x3;
	v3 =	vshrl.u32 v3, $0x3;
	[tilespmem:s12], [sflag:$0x2] =	stream.indirect.gather @!p1 [hbm4b:s5+s11], $0x40, s10, s11, $0xb8;
	[tilespmem:$0x16C00] =	vst v63  }
0x2f8: {  	s14 =	simm.s32 $0x3;
	v13 =	vshrl.u32 v13, $0x3;
	v33 =	vbroadcast v0, $0x0;
	v7 =	vshll.u32 v7, v1;
	_ =	swait.ge [sflag:s20], $0x2000  }
0x2f9: {  	s7 =	simm.s32 $0x4;
	v12 =	vshll.u32 v12, v1;
	v46 =	vbroadcast v6, $0x0;
	v4 =	vmov s14;
	[sflag:s20] =	ssyncset.done $0x0  }
0x2fa: {  	s6 =	simm.s32 @!p0 $0x7;
	v5 =	vmov s7;
	s14 =	simm.s32 $0x9;
	v8 =	vshrl.u32 v8, $0x3;
	v9 =	vshrl.u32 v9, $0x3;
	[sflag:s20] =	ssyncadd.s32 $0xFFFFE000  }
0x2fb: {  	s7 =	simm.s32 $0xA;
	v2 =	vshll.u32 v2, v1;
	v3 =	vshll.u32 v3, v1;
	v10 =	vmov s14;
	s14 =	simm.s32 $0xF;
	_ =	swait.ge @!p0 [sflag:s6], $0x2000  }
0x2fc: {  	v44 =	vbroadcast v7, $0x0;
	v11 =	vmov s7;
	v0 =	vmov s14;
	[sflag:s6] =	ssyncset.done @!p0 $0x0  }
0x2fd: {  	v4 =	vshrl.u32 v4, $0x3;
	v5 =	vshrl.u32 v5, $0x3;
	s10 =	simm.s32 $0xA600;
	v0 =	vshrl.u32 v0, $0x3;
	[sflag:s6] =	ssyncadd.s32 @!p0 $0xFFFFE000  }
0x2fe: {  	v14 =	vshrl.u32 v14, $0x3;
	v45 =	vbroadcast v2, $0x0;
	v0 =	vshll.u32 v0, v1;
	v16 =	vld [tilespmem:s10+$0x1C0]  }
0x2ff: {  	v18 =	vadd.s32 v19, v33;
	v57 =	vbroadcast v3, $0x0;
	v38 =	vbroadcast v0, $0x0;
	v50 =	vld [tilespmem:s10+$0xFFFFFE00]  }
0x300: {  	v3 =	vshll.u32 v13, v1;
	v10 =	vshrl.u32 v10, $0x3;
	v11 =	vshrl.u32 v11, $0x3;
	v17 =	vld [tilespmem:s10+$0xFFFFFE40]  }
0x301: {  	v4 =	vshll.u32 v4, v1;
	v5 =	vshll.u32 v5, v1;
	v2 =	vadd.s32 v26, v38;
	v34 =	vld [tilespmem:s10+$0xFFFFFE80]  }
0x302: {  	v7 =	vshll.u32 v14, v1;
	v11 =	vshll.u32 v11, v1;
	v52 =	vadd.s32 v61, v45;
	v35 =	vld [tilespmem:s10+$0xFFFFFEC0]  }
0x303: {  	v63 =	vbroadcast v4, $0x0;
	v4 =	vadd.s32 v62, v57;
	v31 =	vbroadcast v5, $0x0;
	v36 =	vld [tilespmem:s10+$0xFFFFFF00]  }
0x304: {  	v0 =	vshll.u32 v8, v1;
	v8 =	vshll.u32 v9, v1;
	v37 =	vld [tilespmem:s10+$0xFFFFFF40];
	v55 =	vmul.f32 $8.000000000e+00, v16  }
0x305: {  	v9 =	vshll.u32 v10, v1;
	v39 =	vld [tilespmem:s10+$0xFFFFFF80];
	v10 =	vmul.f32 $8.000000000e+00, v50;
	v16 =	vadd.s32 v21, v63  }
0x306: {  	v14 =	vld [tilespmem:s10+$0xFFFFFFC0];
	v59 =	vmul.f32 $8.000000000e+00, v17;
	v17 =	vadd.s32 v24, v31;
	v50 =	vbroadcast v11, $0x0;
	[tilespmem:v2+s21+$0x0] =	vst.idx.msk $0xffff, v55  }
0x307: {  	v13 =	vadd.s32 v40, v44;
	[tilespmem:v18+s21+$0x0] =	vst.idx.msk $0xffff, v10;
	v2 =	vmul.f32 $8.000000000e+00, v34;
	v34 =	vadd.s32 v51, v46;
	v10 =	vld [tilespmem:s10+$0x1D0]  }
0x308: {  	v48 =	vbroadcast v0, $0x0;
	[tilespmem:v52+s21+$0x0] =	vst.idx.msk $0xffff, v59;
	v52 =	vmul.f32 $8.000000000e+00, v35;
	v11 =	vadd.s32 v62, v50;
	v62 =	vld [tilespmem:s10+$0x180]  }
0x309: {  	v47 =	vbroadcast v8, $0x0;
	v0 =	vmul.f32 $8.000000000e+00, v36;
	[tilespmem:v4+s21+$0x0] =	vst.idx.msk $0xffff, v2;
	v2 =	vld [tilespmem:s10+$0x0];
	v4 =	vadd.s32 v43, v38  }
0x30a: {  	s13 =	simm.s32 $0xE;
	v49 =	vbroadcast v9, $0x0;
	v55 =	vmul.f32 $8.000000000e+00, v37;
	v59 =	vadd.s32 v26, v48;
	[tilespmem:v16+s21+$0x0] =	vst.idx.msk $0xffff, v52;
	v16 =	vld [tilespmem:s10+$0x40]  }
0x30b: {  	v15 =	vmov s13;
	v41 =	vadd.s32 v19, v47;
	[tilespmem:v17+s21+$0x0] =	vst.idx.msk $0xffff, v0;
	v0 =	vmul.f32 $8.000000000e+00, v39;
	v17 =	vld [tilespmem:s10+$0x80]  }
0x30c: {  	v5 =	vadd.s32 v61, v49;
	v35 =	vbroadcast v12, $0x0;
	v52 =	vld [tilespmem:s10+$0xC0];
	[tilespmem:v34+s21+$0x0] =	vst.idx.msk $0xffff, v55;
	v10 =	vmul.f32 $8.000000000e+00, v10  }
0x30d: {  	v15 =	vshrl.u32 v15, $0x3;
	v36 =	vbroadcast v3, $0x0;
	[tilespmem:v13+s21+$0x0] =	vst.idx.msk $0xffff, v0;
	v0 =	vmul.f32 $8.000000000e+00, v14;
	v55 =	vld [tilespmem:s10+$0x100]  }
0x30e: {  	v3 =	vadd.s32 v21, v35;
	v13 =	vld [tilespmem:s10+$0x140];
	v34 =	vbroadcast v7, $0x0;
	v2 =	vmul.f32 $8.000000000e+00, v2;
	[tilespmem:v4+s21+$0x0] =	vst.idx.msk $0xffff, v10  }
0x30f: {  	[tilespmem:v59+s21+$0x0] =	vst.idx.msk $0xffff, v0;
	v59 =	vshll.u32 v15, v1;
	v0 =	vmul.f32 $8.000000000e+00, v16;
	v4 =	vadd.s32 v24, v36;
	v8 =	vld [tilespmem:s10+$0x1E0]  }
0x310: {  	v18 =	vld [tilespmem:s10+$0xFFFFFF50];
	v61 =	vadd.s32 v51, v34;
	v37 =	vbroadcast v59, $0x0;
	[tilespmem:v41+s21+$0x0] =	vst.idx.msk $0xffff, v2;
	v2 =	vmul.f32 $8.000000000e+00, v17  }
0x311: {  	v51 =	vld [tilespmem:s10+$0xFFFFFE50];
	[tilespmem:v5+s21+$0x0] =	vst.idx.msk $0xffff, v0;
	v0 =	vmul.f32 $8.000000000e+00, v52;
	v5 =	vadd.s32 v58, v38  }
0x312: {  	v52 =	vld [tilespmem:s10+$0xFFFFFE90];
	[tilespmem:v11+s21+$0x0] =	vst.idx.msk $0xffff, v2;
	v2 =	vmul.f32 $8.000000000e+00, v55;
	v55 =	vadd.s32 v40, v37  }
0x313: {  	v15 =	vadd.s32 v54, v45;
	v16 =	vld [tilespmem:s10+$0xFFFFFED0];
	[tilespmem:v3+s21+$0x0] =	vst.idx.msk $0xffff, v0;
	v0 =	vmul.f32 $8.000000000e+00, v13  }
0x314: {  	v59 =	vadd.s32 v53, v57;
	v17 =	vld [tilespmem:s10+$0xFFFFFF10];
	[tilespmem:v4+s21+$0x0] =	vst.idx.msk $0xffff, v2;
	v2 =	vmul.f32 $8.000000000e+00, v8  }
0x315: {  	v7 =	vadd.s32 v32, v46;
	[tilespmem:v61+s21+$0x0] =	vst.idx.msk $0xffff, v0;
	v0 =	vmul.f32 $8.000000000e+00, v62  }
0x316: {  	v61 =	vmul.f32 $8.000000000e+00, v51;
	v62 =	vadd.s32 v30, v31;
	v51 =	vld [tilespmem:s10+$0xFFFFFF90];
	[tilespmem:v5+s21+$0x0] =	vst.idx.msk $0xffff, v2  }
0x317: {  	v13 =	vld [tilespmem:s10+$0x10];
	v8 =	vadd.s32 v23, v63;
	v52 =	vmul.f32 $8.000000000e+00, v52;
	[tilespmem:v55+s21+$0x0] =	vst.idx.msk $0xffff, v0  }
0x318: {  	[tilespmem:v15+s21+$0x0] =	vst.idx.msk $0xffff, v61;
	v15 =	vadd.s32 v27, v44;
	v61 =	vmul.f32 $8.000000000e+00, v18;
	v0 =	vld [tilespmem:s10+$0x1F0]  }
0x319: {  	v14 =	vadd.s32 v20, v47;
	v55 =	vmul.f32 $8.000000000e+00, v16;
	v16 =	vld [tilespmem:s10+$0xFFFFFFD0];
	[tilespmem:v59+s21+$0x0] =	vst.idx.msk $0xffff, v52;
	v59 =	vmul.f32 $8.000000000e+00, v17  }
0x31a: {  	v18 =	vld [tilespmem:s10+$0x50];
	v17 =	vadd.s32 v42, v38;
	[tilespmem:v7+s21+$0x0] =	vst.idx.msk $0xffff, v61  }
0x31b: {  	s7 =	simm.s32 $0x10;
	v10 =	vadd.s32 v43, v48;
	[tilespmem:v62+s21+$0x0] =	vst.idx.msk $0xffff, v59;
	v62 =	vmul.f32 $8.000000000e+00, v51;
	v59 =	vld [tilespmem:s10+$0x90]  }
0x31c: {  	v41 =	vmov s7;
	v13 =	vmul.f32 $8.000000000e+00, v13;
	v61 =	vadd.s32 v54, v49;
	[tilespmem:v8+s21+$0x0] =	vst.idx.msk $0xffff, v55;
	v8 =	vld [tilespmem:s10+$0xD0]  }
0x31d: {  	v55 =	vld [tilespmem:s10+$0x150];
	[tilespmem:v15+s21+$0x0] =	vst.idx.msk $0xffff, v62;
	v15 =	vadd.s32 v53, v50;
	v0 =	vmul.f32 $8.000000000e+00, v0  }
0x31e: {  	v54 =	vadd.s32 v23, v35;
	[tilespmem:v14+s21+$0x0] =	vst.idx.msk $0xffff, v13;
	v62 =	vmul.f32 $8.000000000e+00, v16;
	v16 =	vld [tilespmem:s10+$0x110]  }
0x31f: {  	v39 =	vadd.s32 v32, v34;
	v6 =	vshrl.u32 v41, $0x3;
	v41 =	vmovc v42;
	v42 =	vmul.f32 $8.000000000e+00, v18;
	[tilespmem:v17+s21+$0x0] =	vst.idx.msk $0xffff, v0;
	v17 =	vld [tilespmem:s10+$0x190]  }
0x320: {  	[tilespmem:v10+s21+$0x0] =	vst.idx.msk $0xffff, v62;
	v10 =	vadd.s32 v30, v36;
	v59 =	vmul.f32 $8.000000000e+00, v59  }
0x321: {  	v32 =	vadd.s32 v27, v37;
	v13 =	vld [tilespmem:s10+$0xFFFFFE10];
	[tilespmem:v61+s21+$0x0] =	vst.idx.msk $0xffff, v42;
	v62 =	vmul.f32 $8.000000000e+00, v8  }
0x322: {  	v61 =	vld [tilespmem:s10+$0xFFFFFE60];
	v55 =	vmul.f32 $8.000000000e+00, v55;
	[tilespmem:v15+s21+$0x0] =	vst.idx.msk $0xffff, v59  }
0x323: {  	v42 =	vadd.s32 v20, v33;
	v16 =	vmul.f32 $8.000000000e+00, v16;
	[tilespmem:v54+s21+$0x0] =	vst.idx.msk $0xffff, v62  }
0x324: {  	v7 =	vadd.s32 v56, v45;
	[tilespmem:v39+s21+$0x0] =	vst.idx.msk $0xffff, v55;
	v17 =	vmul.f32 $8.000000000e+00, v17  }
0x325: {  	v15 =	vld [tilespmem:s10+$0xFFFFFEA0];
	[tilespmem:v10+s21+$0x0] =	vst.idx.msk $0xffff, v16  }
0x326: {  	v13 =	vmul.f32 $8.000000000e+00, v13;
	v59 =	vld [tilespmem:s10+$0xFFFFFEE0];
	[tilespmem:v32+s21+$0x0] =	vst.idx.msk $0xffff, v17  }
0x327: {  	s12 =	simm.s32 $0x12;
	v10 =	vadd.s32 v29, v57;
	v5 =	vmul.f32 $8.000000000e+00, v61;
	v32 =	vmov v29;
	v29 =	vld [tilespmem:$0x1FF10]  }
0x328: {  	v3 =	vmov s12;
	s12 =	simm.s32 $0x17;
	v39 =	vadd.s32 v60, v63;
	v16 =	vld [tilespmem:s10+$0xFFFFFF20];
	[tilespmem:v42+s21+$0x0] =	vst.idx.msk $0xffff, v13  }
0x329: {  	v28 =	vmov s12;
	v62 =	vld [tilespmem:$0x1FE60];
	[tilespmem:v7+s21+$0x0] =	vst.idx.msk $0xffff, v5  }
0x32a: {  	v24 =	vshrl.u32 v28, $0x3;
	v42 =	vmul.f32 $8.000000000e+00, v15;
	v28 =	vld [tilespmem:$0x1FEA0]  }
0x32b: {  	v55 =	vld [tilespmem:s10+$0xFFFFFF60];
	v59 =	vmul.f32 $8.000000000e+00, v59  }
0x32c: {  	s11 =	simm.s32 $0x11;
	s7 =	simm.s32 $0x15;
	v17 =	vld [tilespmem:s10+$0xFFFFFFA0];
	[tilespmem:v10+s21+$0x0] =	vst.idx.msk $0xffff, v42;
	v8 =	vadd.s32 v29, v31  }
0x32d: {  	v12 =	vmov s11;
	s11 =	simm.s32 $0x16;
	v2 =	vmov s7;
	v15 =	vld [tilespmem:s10+$0xFFFFFFE0];
	[tilespmem:v39+s21+$0x0] =	vst.idx.msk $0xffff, v59  }
0x32e: {  	s13 =	simm.s32 $0x13;
	v11 =	vmov s11;
	v23 =	vshrl.u32 v2, $0x3;
	v2 =	vld [tilespmem:$0x1FE00];
	v14 =	vadd.s32 v62, v46  }
0x32f: {  	s11 =	simm.s32 $0x1B;
	v4 =	vmov s13;
	v61 =	vmul.f32 $8.000000000e+00, v16;
	v16 =	vld [tilespmem:s10+$0x60];
	v7 =	vadd.s32 v28, v44  }
0x330: {  	s13 =	simm.s32 $0x18;
	v52 =	vmov s11;
	v13 =	vadd.s32 v58, v48;
	v58 =	vmul.f32 $8.000000000e+00, v55;
	v55 =	vld [tilespmem:s10+$0xA0]  }
0x331: {  	v38 =	vmov s13;
	v54 =	vld [tilespmem:s10+$0x20];
	v10 =	vadd.s32 v56, v49;
	[tilespmem:v8+s21+$0x0] =	vst.idx.msk $0xffff, v61;
	v61 =	vshrl.u32 v52, $0x3  }
0x332: {  	s13 =	simm.s32 $0x1D;
	v21 =	vshrl.u32 v38, $0x3;
	v56 =	vadd.s32 v32, v50;
	v59 =	vmul.f32 $8.000000000e+00, v17;
	v17 =	vld [tilespmem:s10+$0xE0];
	[tilespmem:$0x1FDC0] =	vst v61  }
0x333: {  	v0 =	vmov s13;
	v39 =	vmul.f32 $8.000000000e+00, v15;
	v38 =	vadd.s32 v2, v47;
	[tilespmem:v14+s21+$0x0] =	vst.idx.msk $0xffff, v58  }
0x334: {  	v43 =	vmovc v50;
	v50 =	vshrl.u32 v0, $0x3;
	v0 =	vmul.f32 $8.000000000e+00, v16;
	[tilespmem:v7+s21+$0x0] =	vst.idx.msk $0xffff, v59;
	v59 =	vadd.s32 v60, v35  }
0x335: {  	s14 =	simm.s32 $0x14;
	v16 =	vmul.f32 $8.000000000e+00, v55;
	[tilespmem:v13+s21+$0x0] =	vst.idx.msk $0xffff, v39  }
0x336: {  	v9 =	vmov s14;
	s14 =	simm.s32 $0x19;
	v15 =	vld [tilespmem:s10+$0x120];
	v58 =	vmul.f32 $8.000000000e+00, v54;
	[tilespmem:v10+s21+$0x0] =	vst.idx.msk $0xffff, v0  }
0x337: {  	v40 =	vmov s14;
	s14 =	simm.s32 $0x1E;
	s7 =	simm.s32 $0x1A;
	v32 =	vmul.f32 $8.000000000e+00, v17;
	v52 =	vld [tilespmem:s10+$0x160];
	[tilespmem:v56+s21+$0x0] =	vst.idx.msk $0xffff, v16  }
0x338: {  	s12 =	simm.s32 $0x1C;
	v51 =	vmov s7;
	v18 =	vmov s14;
	v5 =	vadd.s32 v29, v36;
	v13 =	vld [tilespmem:s10+$0x1A0];
	[tilespmem:v38+s21+$0x0] =	vst.idx.msk $0xffff, v58  }
0x339: {  	v53 =	vmov s12;
	v39 =	vshrl.u32 v18, $0x3;
	v7 =	vld [tilespmem:s10+$0xFFFFFE20];
	v18 =	vadd.s32 v62, v34;
	[tilespmem:v59+s21+$0x0] =	vst.idx.msk $0xffff, v32  }
0x33a: {  	v42 =	vshrl.u32 v51, $0x3;
	v51 =	vshrl.u32 v53, $0x3;
	v53 =	vadd.s32 v28, v37;
	v26 =	vld [tilespmem:$0x1FF50]  }
0x33b: {  	v54 =	vadd.s32 v2, v33;
	v15 =	vmul.f32 $8.000000000e+00, v15  }
0x33c: {  	v0 =	vld [tilespmem:s10+$0xFFFFFE70];
	v58 =	vmul.f32 $8.000000000e+00, v52  }
0x33d: {  	v55 =	vld [tilespmem:s10+$0xFFFFFEB0];
	v13 =	vmul.f32 $8.000000000e+00, v13;
	[tilespmem:v5+s21+$0x0] =	vst.idx.msk $0xffff, v15  }
0x33e: {  	v3 =	vshrl.u32 v3, $0x3;
	v7 =	vmul.f32 $8.000000000e+00, v7;
	v15 =	vld [tilespmem:$0x1FEF0];
	[tilespmem:v18+s21+$0x0] =	vst.idx.msk $0xffff, v58  }
0x33f: {  	v59 =	vshll.u32 v3, v1;
	v8 =	vld [tilespmem:$0x1FF00];
	[tilespmem:v53+s21+$0x0] =	vst.idx.msk $0xffff, v13;
	v3 =	vadd.s32 v26, v45  }
0x340: {  	v2 =	vld [tilespmem:$0x1FF20];
	[tilespmem:v54+s21+$0x0] =	vst.idx.msk $0xffff, v7  }
0x341: {  	v16 =	vld [tilespmem:$0x1FE70]  }
0x342: {  	v32 =	vld [tilespmem:s10+$0xFFFFFF70];
	v0 =	vmul.f32 $8.000000000e+00, v0  }
0x343: {  	v4 =	vshrl.u32 v4, $0x3;
	v45 =	vld [tilespmem:s10+$0xFFFFFEF0]  }
0x344: {  	v60 =	vshll.u32 v4, v1;
	v5 =	vld [tilespmem:s10+$0xFFFFFF30];
	v4 =	vadd.s32 v15, v57;
	[tilespmem:v3+s21+$0x0] =	vst.idx.msk $0xffff, v0  }
0x345: {  	v11 =	vshrl.u32 v11, $0x3;
	v8 =	vadd.s32 v8, v63;
	v3 =	vld [tilespmem:$0x1FEB0]  }
0x346: {  	v58 =	vshll.u32 v11, v1;
	v11 =	vadd.s32 v16, v46  }
0x347: {  	v56 =	vmul.f32 $8.000000000e+00, v55;
	v2 =	vadd.s32 v2, v31  }
0x348: {  	v12 =	vshrl.u32 v12, $0x3;
	v10 =	vld [tilespmem:s10+$0xFFFFFFB0];
	v0 =	vmul.f32 $8.000000000e+00, v45  }
0x349: {  	v40 =	vshrl.u32 v40, $0x3;
	v62 =	vshll.u32 v12, v1;
	v12 =	vld [tilespmem:s10+$0xFFFFFFF0];
	v32 =	vmul.f32 $8.000000000e+00, v32;
	[tilespmem:v4+s21+$0x0] =	vst.idx.msk $0xffff, v56  }
0x34a: {  	v53 =	vshll.u32 v40, v1;
	v40 =	vld [tilespmem:s10+$0xF0];
	[tilespmem:v8+s21+$0x0] =	vst.idx.msk $0xffff, v0;
	v63 =	vadd.s32 v3, v44;
	v3 =	vmul.f32 $8.000000000e+00, v5  }
0x34b: {  	v45 =	vld [tilespmem:s10+$0x30];
	[tilespmem:v11+s21+$0x0] =	vst.idx.msk $0xffff, v32  }
0x34c: {  	v46 =	vadd.s32 v15, v43;
	v43 =	vld [tilespmem:s10+$0x130];
	[tilespmem:v2+s21+$0x0] =	vst.idx.msk $0xffff, v3  }
0x34d: {  	v2 =	vld [tilespmem:$0x1FDC0]  }
0x34e: {  	v9 =	vshrl.u32 v9, $0x3;
	v44 =	vadd.s32 v41, v48;
	v48 =	vld [tilespmem:s10+$0x70]  }
0x34f: {  	v6 =	vshll.u32 v6, v1;
	v47 =	vadd.s32 v22, v47;
	v61 =	vshll.u32 v9, v1;
	v41 =	vld [tilespmem:s10+$0xB0]  }
0x350: {  	v38 =	vbroadcast v6, $0x0;
	v52 =	vshll.u32 v24, v1;
	v55 =	vshll.u32 v21, v1;
	v24 =	vld [tilespmem:$0x1FE30]  }
0x351: {  	v54 =	vshll.u32 v42, v1;
	v42 =	vadd.s32 v26, v49;
	v49 =	vmul.f32 $8.000000000e+00, v12;
	v31 =	vld [tilespmem:$0x1FE40]  }
0x352: {  	s11 =	sadd.s32 $0x100, s0;
	s12 =	simm.s32 $0x20;
	s13 =	simm.s32 $0x1F;
	v57 =	vshll.u32 v23, v1;
	v0 =	vmul.f32 $8.000000000e+00, v10;
	v25 =	vld [tilespmem:$0x1FE20];
	v56 =	vshll.u32 v2, v1  }
.LBB2_11:
0x353: {  	v28 =	vld [tilespmem:$0x1FF00]  }
0x354: {  	v4 =	vld [tilespmem:s10+$0x170]  }
0x355: {  	v29 =	vld [tilespmem:$0x1FF20]  }
0x356: {  	v7 =	vld [tilespmem:s10+$0x1B0]  }
0x357: {  	v8 =	vld [tilespmem:s10+$0xFFFFFE30]  }
0x358: {  	v26 =	vld [tilespmem:$0x1FEB0]  }
0x359: {  	v18 =	vld [tilespmem:$0x1FFB0]  }
0x35a: {  	v13 =	vadd.s32 v22, v33;
	v22 =	vld [tilespmem:$0x1FF90]  }
0x35b: {  	v17 =	vld [tilespmem:$0x1FFA0]  }
0x35c: {  	v9 =	vadd.s32 v16, v34;
	v16 =	vld [tilespmem:$0x1FE80]  }
0x35d: {  	v21 =	vld [tilespmem:$0x1FEC0]  }
0x35e: {  	v23 =	vld [tilespmem:$0x1FF30]  }
0x35f: {  	v2 =	vmov s13;
	v30 =	vld [tilespmem:$0x1FFC0]  }
0x360: {  	s10 =	sadd.s32 $0x400, s10;
	v27 =	vld [tilespmem:$0x1FEE0];
	v2 =	vshrl.u32 v2, $0x3  }
0x361: {  	v10 =	vld [tilespmem:s10+$0x1C0];
	v2 =	vshll.u32 v2, v1  }
0x362: {  	[tilespmem:v63+s21+$0x0] =	vst.idx.msk $0xffff, v0;
	v11 =	vld [tilespmem:s10+$0xFFFFFE00];
	v63 =	vbroadcast v2, $0x0;
	v0 =	vmul.f32 $8.000000000e+00, v45  }
0x363: {  	[tilespmem:v44+s21+$0x0] =	vst.idx.msk $0xffff, v49;
	v14 =	vld [tilespmem:s10+$0xFFFFFE40];
	v5 =	vmul.f32 $8.000000000e+00, v48;
	v2 =	vmul.f32 $8.000000000e+00, v40;
	v3 =	vadd.s32 v28, v35  }
0x364: {  	v49 =	vld [tilespmem:s10+$0xFFFFFE80];
	v40 =	vbroadcast v62, $0x0;
	v6 =	vadd.s32 v29, v36;
	v8 =	vmul.f32 $8.000000000e+00, v8;
	[tilespmem:v47+s21+$0x0] =	vst.idx.msk $0xffff, v0  }
0x365: {  	v45 =	vbroadcast v59, $0x0;
	v59 =	vld [tilespmem:s10+$0xFFFFFEC0];
	v15 =	vadd.s32 v18, v63;
	v0 =	vmul.f32 $8.000000000e+00, v41;
	[tilespmem:v42+s21+$0x0] =	vst.idx.msk $0xffff, v5  }
0x366: {  	v12 =	vshll.u32 v51, v1;
	v33 =	vmov v38;
	v38 =	vld [tilespmem:s10+$0xFFFFFFC0];
	v51 =	vadd.s32 v22, v40;
	[tilespmem:v13+s21+$0x0] =	vst.idx.msk $0xffff, v8  }
0x367: {  	v62 =	vld [tilespmem:s10+$0xFFFFFF40];
	v41 =	vbroadcast v60, $0x0;
	[tilespmem:v46+s21+$0x0] =	vst.idx.msk $0xffff, v0;
	v0 =	vmul.f32 $8.000000000e+00, v43  }
0x368: {  	v48 =	vadd.s32 v26, v37;
	v35 =	vld [tilespmem:s10+$0xFFFFFF80];
	v10 =	vmul.f32 $8.000000000e+00, v10;
	[tilespmem:v3+s21+$0x0] =	vst.idx.msk $0xffff, v2  }
0x369: {  	v60 =	vld [tilespmem:s10+$0xFFFFFF00];
	v42 =	vbroadcast v61, $0x0;
	v32 =	vmul.f32 $8.000000000e+00, v14;
	v61 =	vadd.s32 v25, v41;
	[tilespmem:v6+s21+$0x0] =	vst.idx.msk $0xffff, v0  }
0x36a: {  	v36 =	vmul.f32 $8.000000000e+00, v59;
	v59 =	vld [tilespmem:s10+$0x40];
	v2 =	vmul.f32 $8.000000000e+00, v4;
	v3 =	vadd.s32 v19, v33;
	[tilespmem:v15+s21+$0x0] =	vst.idx.msk $0xffff, v10  }
0x36b: {  	v0 =	vmul.f32 $8.000000000e+00, v7;
	v10 =	vld [tilespmem:s10+$0x1D0];
	[tilespmem:v51+s21+$0x0] =	vst.idx.msk $0xffff, v32  }
0x36c: {  	v43 =	vbroadcast v57, $0x0;
	v57 =	vmul.f32 $8.000000000e+00, v62;
	v62 =	vld [tilespmem:s10+$0xC0];
	[tilespmem:v9+s21+$0x0] =	vst.idx.msk $0xffff, v2;
	v2 =	vadd.s32 v17, v45  }
0x36d: {  	v47 =	vbroadcast v55, $0x0;
	v55 =	vadd.s32 v21, v63;
	v51 =	vld [tilespmem:s10+$0x100];
	[tilespmem:v48+s21+$0x0] =	vst.idx.msk $0xffff, v0;
	v0 =	vmul.f32 $8.000000000e+00, v11  }
0x36e: {  	v44 =	vbroadcast v58, $0x0;
	v34 =	vadd.s32 v24, v42;
	v32 =	vld [tilespmem:$0x1FE50];
	[tilespmem:v61+s21+$0x0] =	vst.idx.msk $0xffff, v36  }
0x36f: {  	v61 =	vld [tilespmem:s10+$0x80];
	[tilespmem:v3+s21+$0x0] =	vst.idx.msk $0xffff, v0;
	v0 =	vmul.f32 $8.000000000e+00, v49;
	v3 =	vadd.s32 v31, v43  }
0x370: {  	v37 =	vadd.s32 v16, v44;
	v48 =	vbroadcast v52, $0x0;
	v15 =	vld [tilespmem:s10+$0x140];
	v10 =	vmul.f32 $8.000000000e+00, v10  }
0x371: {  	[tilespmem:v2+s21+$0x0] =	vst.idx.msk $0xffff, v0;
	v0 =	vmul.f32 $8.000000000e+00, v60;
	v2 =	vld [tilespmem:s10+$0x0]  }
0x372: {  	v58 =	vadd.s32 v18, v48;
	v49 =	vbroadcast v53, $0x0;
	[tilespmem:v55+s21+$0x0] =	vst.idx.msk $0xffff, v10;
	v55 =	vld [tilespmem:s10+$0x180]  }
0x373: {  	v46 =	vbroadcast v54, $0x0;
	v4 =	vshll.u32 v50, v1;
	[tilespmem:v34+s21+$0x0] =	vst.idx.msk $0xffff, v0;
	v0 =	vmul.f32 $8.000000000e+00, v35;
	v9 =	vld [tilespmem:s10+$0x1E0]  }
0x374: {  	v60 =	vadd.s32 v19, v47;
	[tilespmem:v3+s21+$0x0] =	vst.idx.msk $0xffff, v57;
	v3 =	vadd.s32 v22, v49;
	v22 =	vld [tilespmem:$0x1FF60]  }
0x375: {  	v50 =	vadd.s32 v17, v46;
	v35 =	vbroadcast v56, $0x0;
	v17 =	vld [tilespmem:s10+$0xFFFFFF10];
	[tilespmem:v37+s21+$0x0] =	vst.idx.msk $0xffff, v0;
	v0 =	vmul.f32 $8.000000000e+00, v38  }
0x376: {  	v36 =	vbroadcast v12, $0x0;
	v34 =	vbroadcast v4, $0x0;
	v57 =	vld [tilespmem:$0x1FFD0]  }
0x377: {  	v12 =	vadd.s32 v25, v35;
	v2 =	vmul.f32 $8.000000000e+00, v2;
	[tilespmem:v58+s21+$0x0] =	vst.idx.msk $0xffff, v0;
	v0 =	vmul.f32 $8.000000000e+00, v59;
	v59 =	vld [tilespmem:$0x1FED0]  }
0x378: {  	v52 =	vadd.s32 v24, v36;
	v53 =	vshll.u32 v39, v1;
	v18 =	vld [tilespmem:s10+$0xFFFFFF50]  }
0x379: {  	v54 =	vadd.s32 v31, v34;
	v37 =	vbroadcast v53, $0x0;
	[tilespmem:v60+s21+$0x0] =	vst.idx.msk $0xffff, v2;
	v2 =	vmul.f32 $8.000000000e+00, v61;
	v61 =	vld [tilespmem:s10+$0xFFFFFE50]  }
0x37a: {  	v58 =	vld [tilespmem:$0x1FE90];
	[tilespmem:v3+s21+$0x0] =	vst.idx.msk $0xffff, v0;
	v0 =	vmul.f32 $8.000000000e+00, v62  }
0x37b: {  	[tilespmem:v50+s21+$0x0] =	vst.idx.msk $0xffff, v2;
	v2 =	vmul.f32 $8.000000000e+00, v51;
	v50 =	vadd.s32 v16, v37;
	v51 =	vadd.s32 v23, v40;
	v16 =	vld [tilespmem:s10+$0xFFFFFED0]  }
0x37c: {  	v62 =	vld [tilespmem:s10+$0xFFFFFE90];
	[tilespmem:v12+s21+$0x0] =	vst.idx.msk $0xffff, v0;
	v0 =	vmul.f32 $8.000000000e+00, v15;
	v3 =	vadd.s32 v59, v63  }
0x37d: {  	[tilespmem:v52+s21+$0x0] =	vst.idx.msk $0xffff, v2;
	v2 =	vmul.f32 $8.000000000e+00, v9;
	v9 =	vld [tilespmem:s10+$0xD0]  }
0x37e: {  	v52 =	vadd.s32 v30, v41;
	[tilespmem:v54+s21+$0x0] =	vst.idx.msk $0xffff, v0;
	v0 =	vmul.f32 $8.000000000e+00, v55;
	v53 =	vmul.f32 $8.000000000e+00, v61;
	v55 =	vld [tilespmem:s10+$0xFFFFFF90]  }
0x37f: {  	v60 =	vmov s12;
	v15 =	vadd.s32 v22, v45;
	v56 =	vld [tilespmem:s10+$0x150]  }
0x380: {  	v6 =	vadd.s32 v32, v43;
	v5 =	vshrl.u32 v60, $0x3;
	[tilespmem:v51+s21+$0x0] =	vst.idx.msk $0xffff, v53;
	v60 =	vmul.f32 $8.000000000e+00, v16;
	v16 =	vld [tilespmem:s10+$0xFFFFFFD0]  }
0x381: {  	v54 =	vadd.s32 v57, v42;
	v38 =	vld [tilespmem:s10+$0xFFFFFE60];
	[tilespmem:v3+s21+$0x0] =	vst.idx.msk $0xffff, v2  }
0x382: {  	[tilespmem:v50+s21+$0x0] =	vst.idx.msk $0xffff, v0;
	v3 =	vmul.f32 $8.000000000e+00, v62;
	v0 =	vld [tilespmem:s10+$0x1F0]  }
0x383: {  	v61 =	vadd.s32 v58, v44;
	[tilespmem:v52+s21+$0x0] =	vst.idx.msk $0xffff, v60;
	v62 =	vmul.f32 $8.000000000e+00, v18;
	v18 =	vld [tilespmem:s10+$0x50]  }
0x384: {  	[tilespmem:v15+s21+$0x0] =	vst.idx.msk $0xffff, v3;
	v3 =	vmul.f32 $8.000000000e+00, v17;
	v15 =	vld [tilespmem:s10+$0x10];
	v17 =	vadd.s32 v27, v63  }
0x385: {  	v60 =	vld [tilespmem:s10+$0x90];
	v63 =	vadd.s32 v21, v48;
	[tilespmem:v6+s21+$0x0] =	vst.idx.msk $0xffff, v62  }
0x386: {  	v13 =	vadd.s32 v20, v47;
	v21 =	vld [tilespmem:$0x1FF40];
	[tilespmem:v54+s21+$0x0] =	vst.idx.msk $0xffff, v3;
	v3 =	vmul.f32 $8.000000000e+00, v55  }
0x387: {  	v6 =	vadd.s32 v23, v49;
	v62 =	vadd.s32 v57, v36;
	v57 =	vld [tilespmem:s10+$0xFFFFFF60];
	v0 =	vmul.f32 $8.000000000e+00, v0  }
0x388: {  	[tilespmem:v61+s21+$0x0] =	vst.idx.msk $0xffff, v3;
	v3 =	vmul.f32 $8.000000000e+00, v16;
	v61 =	vadd.s32 v22, v46;
	v16 =	vld [tilespmem:s10+$0x110]  }
0x389: {  	v55 =	vadd.s32 v30, v35;
	v30 =	vld [tilespmem:$0x1FE60];
	v15 =	vmul.f32 $8.000000000e+00, v15;
	[tilespmem:v17+s21+$0x0] =	vst.idx.msk $0xffff, v0  }
0x38a: {  	[tilespmem:v63+s21+$0x0] =	vst.idx.msk $0xffff, v3;
	v3 =	vmul.f32 $8.000000000e+00, v18;
	v17 =	vld [tilespmem:s10+$0x190]  }
0x38b: {  	v60 =	vmul.f32 $8.000000000e+00, v60;
	v63 =	vld [tilespmem:s10+$0xFFFFFE10];
	[tilespmem:v13+s21+$0x0] =	vst.idx.msk $0xffff, v15  }
0x38c: {  	v15 =	vadd.s32 v32, v34;
	v32 =	vld [tilespmem:$0x1FF70];
	[tilespmem:v6+s21+$0x0] =	vst.idx.msk $0xffff, v3  }
0x38d: {  	s6 =	sadd.s32 $0x1, s12;
	v6 =	vadd.s32 v58, v37;
	v58 =	vld [tilespmem:s10+$0xFFFFFEA0];
	[tilespmem:v61+s21+$0x0] =	vst.idx.msk $0xffff, v60;
	v61 =	vmul.f32 $8.000000000e+00, v16  }
0x38e: {  	v8 =	vmov s6;
	v60 =	vld [tilespmem:$0x1FF10]  }
0x38f: {  	s7 =	sadd.s32 $0x3, s12;
	s13 =	sadd.s32 $0x4, s12;
	v8 =	vshrl.u32 v8, $0x3;
	v3 =	vmul.f32 $8.000000000e+00, v9;
	v9 =	vadd.s32 v20, v33;
	[tilespmem:v62+s21+$0x0] =	vst.idx.msk $0xffff, v61;
	v61 =	vld [tilespmem:$0x1FFF0]  }
0x390: {  	v10 =	vmov s13;
	s13 =	sadd.s32 $0x7, s12;
	v4 =	vmov s7;
	v14 =	vadd.s32 v21, v40;
	v16 =	vld [tilespmem:s10+$0xFFFFFEE0]  }
0x391: {  	v39 =	vmov s13;
	[tilespmem:v55+s21+$0x0] =	vst.idx.msk $0xffff, v3;
	v3 =	vmul.f32 $8.000000000e+00, v56;
	v56 =	vld [tilespmem:s10+$0xFFFFFF20];
	v55 =	vadd.s32 v32, v45  }
0x392: {  	v10 =	vshrl.u32 v10, $0x3;
	v13 =	vmul.f32 $8.000000000e+00, v63;
	v62 =	vmul.f32 $8.000000000e+00, v58;
	v58 =	vld [tilespmem:$0x1FEA0]  }
0x393: {  	v11 =	vmul.f32 $8.000000000e+00, v17;
	[tilespmem:v15+s21+$0x0] =	vst.idx.msk $0xffff, v3;
	v3 =	vmul.f32 $8.000000000e+00, v38;
	v38 =	vld [tilespmem:s10+$0xFFFFFFA0];
	v15 =	vadd.s32 v60, v42  }
0x394: {  	s14 =	sadd.s32 $0x2, s12;
	s7 =	sadd.s32 $0x6, s12;
	[tilespmem:v9+s21+$0x0] =	vst.idx.msk $0xffff, v13;
	v13 =	vshrl.u32 v39, $0x3;
	v39 =	vadd.s32 v59, v48;
	v59 =	vld [tilespmem:$0x1FE00];
	v17 =	vadd.s32 v61, v41  }
0x395: {  	v7 =	vmov s7;
	v12 =	vmov s14;
	s14 =	sadd.s32 $0x5, s12;
	[tilespmem:v14+s21+$0x0] =	vst.idx.msk $0xffff, v3;
	v3 =	vmul.f32 $8.000000000e+00, v16;
	v16 =	vld [tilespmem:s10+$0x20]  }
0x396: {  	s13 =	sadd.s32 $0xA, s12;
	v2 =	vmov s14;
	s14 =	sadd.s32 $0x8, s12;
	v9 =	vadd.s32 v30, v43;
	v63 =	vmul.f32 $8.000000000e+00, v56;
	[tilespmem:v55+s21+$0x0] =	vst.idx.msk $0xffff, v62;
	v55 =	vld [tilespmem:s10+$0x60]  }
0x397: {  	v52 =	vmov s13;
	s13 =	sadd.s32 $0xD, s12;
	v50 =	vmov s14;
	s14 =	sadd.s32 $0xB, s12;
	[tilespmem:v6+s21+$0x0] =	vst.idx.msk $0xffff, v11;
	v11 =	vld [tilespmem:s10+$0xFFFFFFE0];
	v14 =	vadd.s32 v58, v44  }
0x398: {  	v53 =	vmov s14;
	v0 =	vmov s13;
	v62 =	vld [tilespmem:s10+$0xE0];
	[tilespmem:v15+s21+$0x0] =	vst.idx.msk $0xffff, v63;
	v15 =	vadd.s32 v21, v49  }
0x399: {  	v22 =	vmovc v19;
	v19 =	vshrl.u32 v50, $0x3;
	v50 =	vshrl.u32 v0, $0x3;
	[tilespmem:v17+s21+$0x0] =	vst.idx.msk $0xffff, v3;
	v3 =	vmul.f32 $8.000000000e+00, v57;
	v57 =	vld [tilespmem:s10+$0xA0]  }
0x39a: {  	v23 =	vmovc v20;
	v20 =	vshrl.u32 v52, $0x3;
	v38 =	vmul.f32 $8.000000000e+00, v38;
	v52 =	vld [tilespmem:s10+$0xFFFFFEB0];
	v17 =	vadd.s32 v59, v47  }
0x39b: {  	v63 =	vmul.f32 $8.000000000e+00, v16;
	v16 =	vld [tilespmem:s10+$0x160];
	v0 =	vmul.f32 $8.000000000e+00, v55;
	[tilespmem:v9+s21+$0x0] =	vst.idx.msk $0xffff, v3;
	v9 =	vadd.s32 v32, v46  }
0x39c: {  	v4 =	vshrl.u32 v4, $0x3;
	v21 =	vshrl.u32 v53, $0x3;
	v53 =	vld [tilespmem:s10+$0x1A0];
	v3 =	vmul.f32 $8.000000000e+00, v11;
	[tilespmem:v14+s21+$0x0] =	vst.idx.msk $0xffff, v38  }
0x39d: {  	s7 =	sadd.s32 $0x9, s12;
	v5 =	vshll.u32 v5, v1;
	v12 =	vshrl.u32 v12, $0x3;
	v11 =	vld [tilespmem:s10+$0x120];
	v14 =	vadd.s32 v61, v35;
	[tilespmem:v15+s21+$0x0] =	vst.idx.msk $0xffff, v0  }
0x39e: {  	v51 =	vmov s7;
	s7 =	sadd.s32 $0xC, s12;
	s14 =	sadd.s32 $0xE, s12;
	v38 =	vbroadcast v5, $0x0;
	v5 =	vld [tilespmem:s10+$0xFFFFFE70];
	[tilespmem:v39+s21+$0x0] =	vst.idx.msk $0xffff, v3;
	v32 =	vmul.f32 $8.000000000e+00, v57  }
0x39f: {  	v54 =	vmov s7;
	v18 =	vmov s14;
	[tilespmem:v17+s21+$0x0] =	vst.idx.msk $0xffff, v63;
	v17 =	vadd.s32 v30, v34;
	v30 =	vld [tilespmem:$0x1FF50]  }
0x3a0: {  	v6 =	vshrl.u32 v7, $0x3;
	v0 =	vmul.f32 $8.000000000e+00, v62;
	v3 =	vadd.s32 v60, v36;
	[tilespmem:v9+s21+$0x0] =	vst.idx.msk $0xffff, v32;
	v32 =	vld [tilespmem:$0x1FEF0]  }
0x3a1: {  	v56 =	vshrl.u32 v51, $0x3;
	v51 =	vshrl.u32 v54, $0x3;
	v39 =	vshrl.u32 v18, $0x3;
	v18 =	vld [tilespmem:s10+$0xFFFFFE20]  }
0x3a2: {  	v15 =	vadd.s32 v58, v37;
	v62 =	vshll.u32 v8, v1;
	[tilespmem:v14+s21+$0x0] =	vst.idx.msk $0xffff, v0;
	v0 =	vmul.f32 $8.000000000e+00, v16;
	v16 =	vld [tilespmem:$0x1FE70]  }
0x3a3: {  	v8 =	vadd.s32 v59, v33;
	v59 =	vshll.u32 v12, v1;
	v12 =	vld [tilespmem:s10+$0xFFFFFF30];
	v55 =	vmul.f32 $8.000000000e+00, v11  }
0x3a4: {  	v54 =	vshll.u32 v20, v1;
	v60 =	vshll.u32 v4, v1;
	v11 =	vld [tilespmem:s10+$0xFFFFFEF0];
	v9 =	vadd.s32 v30, v40  }
0x3a5: {  	[tilespmem:v3+s21+$0x0] =	vst.idx.msk $0xffff, v55;
	v3 =	vmul.f32 $8.000000000e+00, v53;
	v40 =	vadd.s32 v28, v41;
	v41 =	vld [tilespmem:s10+$0xFFFFFF70];
	v4 =	vadd.s32 v32, v45  }
0x3a6: {  	v58 =	vshll.u32 v6, v1;
	v7 =	vld [tilespmem:s10+$0xFFFFFFF0];
	v63 =	vmul.f32 $8.000000000e+00, v18;
	v55 =	vshll.u32 v19, v1;
	[tilespmem:v17+s21+$0x0] =	vst.idx.msk $0xffff, v0  }
0x3a7: {  	v2 =	vshrl.u32 v2, $0x3;
	v19 =	vmovc v22;
	v22 =	vld [tilespmem:$0x1FE10];
	v0 =	vmul.f32 $8.000000000e+00, v5;
	[tilespmem:v15+s21+$0x0] =	vst.idx.msk $0xffff, v3;
	v6 =	vadd.s32 v16, v43  }
0x3a8: {  	p2 =	slt.u32 s12, $0x70;
	v57 =	vshll.u32 v2, v1;
	v2 =	vadd.s32 v29, v42;
	v5 =	vld [tilespmem:s10+$0xFFFFFFB0];
	[tilespmem:v8+s21+$0x0] =	vst.idx.msk $0xffff, v63;
	v3 =	vmul.f32 $8.000000000e+00, v52  }
.Ltmp6:
0x3a9: {  	v63 =	vadd.s32 v26, v44;
	v44 =	vadd.s32 v27, v48;
	v48 =	vld [tilespmem:s10+$0x70];
	[tilespmem:v9+s21+$0x0] =	vst.idx.msk $0xffff, v0;
	v0 =	vmul.f32 $8.000000000e+00, v11;
	(pc) =	sbr.rel @p2 .LBB2_11-.Ltmp6, $4  }
0x3aa: {  	v20 =	vmov v23;
	v61 =	vshll.u32 v10, v1;
	v45 =	vld [tilespmem:s10+$0x30];
	v14 =	vmul.f32 $8.000000000e+00, v41;
	[tilespmem:v4+s21+$0x0] =	vst.idx.msk $0xffff, v3  }
0x3ab: {  	v53 =	vshll.u32 v56, v1;
	v56 =	vshll.u32 v21, v1;
	v43 =	vld [tilespmem:s10+$0x130];
	v3 =	vmul.f32 $8.000000000e+00, v12;
	[tilespmem:v40+s21+$0x0] =	vst.idx.msk $0xffff, v0  }
0x3ac: {  	v42 =	vadd.s32 v30, v49;
	v49 =	vmul.f32 $8.000000000e+00, v7;
	v52 =	vshll.u32 v13, v1;
	v41 =	vld [tilespmem:s10+$0xB0];
	[tilespmem:v6+s21+$0x0] =	vst.idx.msk $0xffff, v14  }
0x3ad: {  	s13 =	sadd.s32 $0xF, s12;
	s12 =	sadd.s32 $0x10, s12;
	v46 =	vadd.s32 v32, v46;
	v47 =	vadd.s32 v22, v47;
	v0 =	vmul.f32 $8.000000000e+00, v5;
	v40 =	vld [tilespmem:s10+$0xF0];
	[tilespmem:v2+s21+$0x0] =	vst.idx.msk $0xffff, v3  }
0x3ae: {  	_ =	sdelay $0x3  }
0x3af: {  	[tilespmem:v63+s21+$0x0] =	vst.idx.msk $0xffff, v0;
	v2 =	vmul.f32 $8.000000000e+00, v45  }
0x3b0: {  	v5 =	vmul.f32 $8.000000000e+00, v48;
	v29 =	vld [tilespmem:$0x1FF00];
	[tilespmem:v44+s21+$0x0] =	vst.idx.msk $0xffff, v49  }
0x3b1: {  	v21 =	vld [tilespmem:$0x1FF20];
	[tilespmem:v47+s21+$0x0] =	vst.idx.msk $0xffff, v2  }
0x3b2: {  	[tilespmem:v42+s21+$0x0] =	vst.idx.msk $0xffff, v5  }
0x3b3: {  	v26 =	vld [tilespmem:$0x1FEB0];
	_ =	sdelay $0x1  }
0x3b4: {  	v4 =	vld [tilespmem:s10+$0x170];
	v3 =	vadd.s32 v29, v35  }
0x3b5: {  	v7 =	vld [tilespmem:s10+$0x1B0];
	v6 =	vadd.s32 v21, v36  }
0x3b6: {  	v9 =	vadd.s32 v16, v34;
	v8 =	vmul.f32 $8.000000000e+00, v41  }
0x3b7: {  	v10 =	vmul.f32 $8.000000000e+00, v40;
	v11 =	vadd.s32 v26, v37  }
0x3b8: {  	v14 =	vmul.f32 $8.000000000e+00, v43;
	[tilespmem:v46+s21+$0x0] =	vst.idx.msk $0xffff, v8  }
0x3b9: {  	v2 =	vld [tilespmem:s10+$0xFFFFFE30];
	v4 =	vmul.f32 $8.000000000e+00, v4;
	[tilespmem:v3+s21+$0x0] =	vst.idx.msk $0xffff, v10  }
0x3ba: {  	s6 =	sadd.s32 $0x400, s10;
	v7 =	vmul.f32 $8.000000000e+00, v7;
	v63 =	vld [tilespmem:$0x1FFB0];
	[tilespmem:v6+s21+$0x0] =	vst.idx.msk $0xffff, v14  }
0x3bb: {  	v0 =	vmov s13;
	v47 =	vld [tilespmem:s6+$0xFFFFFE00];
	[tilespmem:v9+s21+$0x0] =	vst.idx.msk $0xffff, v4  }
0x3bc: {  	v34 =	vbroadcast v59, $0x0;
	v0 =	vshrl.u32 v0, $0x3;
	v59 =	vld [tilespmem:$0x1FF90];
	[tilespmem:v11+s21+$0x0] =	vst.idx.msk $0xffff, v7  }
0x3bd: {  	v13 =	vadd.s32 v22, v33;
	v33 =	vbroadcast v62, $0x0;
	v0 =	vshll.u32 v0, v1;
	v62 =	vld [tilespmem:$0x1FFA0]  }
0x3be: {  	v42 =	vld [tilespmem:s6+$0x1C0];
	v0 =	vbroadcast v0, $0x0  }
0x3bf: {  	v3 =	vld [tilespmem:s6+$0xFFFFFE40];
	v6 =	vadd.s32 v19, v38  }
0x3c0: {  	v49 =	vld [tilespmem:s6+$0xFFFFFE80];
	v48 =	vadd.s32 v63, v0  }
0x3c1: {  	v12 =	vshll.u32 v51, v1;
	v51 =	vld [tilespmem:s6+$0xFFFFFEC0];
	v2 =	vmul.f32 $8.000000000e+00, v2;
	v4 =	vadd.s32 v59, v33  }
0x3c2: {  	v45 =	vld [tilespmem:s6+$0xFFFFFF00];
	v35 =	vbroadcast v60, $0x0;
	v8 =	vmul.f32 $8.000000000e+00, v47;
	v44 =	vadd.s32 v62, v34  }
0x3c3: {  	v40 =	vbroadcast v58, $0x0;
	v58 =	vld [tilespmem:s6+$0x0];
	v5 =	vmul.f32 $8.000000000e+00, v42;
	[tilespmem:v13+s21+$0x0] =	vst.idx.msk $0xffff, v2  }
0x3c4: {  	v46 =	vld [tilespmem:s6+$0xFFFFFF40];
	v37 =	vbroadcast v57, $0x0;
	v2 =	vadd.s32 v25, v35;
	v3 =	vmul.f32 $8.000000000e+00, v3;
	[tilespmem:v6+s21+$0x0] =	vst.idx.msk $0xffff, v8  }
0x3c5: {  	v49 =	vmul.f32 $8.000000000e+00, v49;
	[tilespmem:v48+s21+$0x0] =	vst.idx.msk $0xffff, v5;
	v48 =	vld [tilespmem:s6+$0xFFFFFF80]  }
0x3c6: {  	v36 =	vbroadcast v61, $0x0;
	v8 =	vadd.s32 v31, v37;
	[tilespmem:v4+s21+$0x0] =	vst.idx.msk $0xffff, v3;
	v3 =	vmul.f32 $8.000000000e+00, v51;
	v51 =	vld [tilespmem:s6+$0xFFFFFFC0]  }
0x3c7: {  	v41 =	vbroadcast v52, $0x0;
	v17 =	vld [tilespmem:$0x1FE80];
	[tilespmem:v44+s21+$0x0] =	vst.idx.msk $0xffff, v49  }
0x3c8: {  	v42 =	vbroadcast v55, $0x0;
	v47 =	vadd.s32 v24, v36;
	v18 =	vld [tilespmem:$0x1FEC0]  }
0x3c9: {  	v43 =	vbroadcast v53, $0x0;
	v61 =	vld [tilespmem:s6+$0x40];
	[tilespmem:v2+s21+$0x0] =	vst.idx.msk $0xffff, v3;
	v2 =	vmul.f32 $8.000000000e+00, v46;
	v3 =	vadd.s32 v63, v41  }
0x3ca: {  	v32 =	vmul.f32 $8.000000000e+00, v48;
	v48 =	vadd.s32 v19, v42  }
0x3cb: {  	v57 =	vmul.f32 $8.000000000e+00, v45;
	v45 =	vbroadcast v56, $0x0;
	v15 =	vld [tilespmem:s6+$0x1D0];
	[tilespmem:v8+s21+$0x0] =	vst.idx.msk $0xffff, v2;
	v2 =	vadd.s32 v59, v43  }
0x3cc: {  	v14 =	vshll.u32 v50, v1;
	v50 =	vld [tilespmem:s6+$0xC0];
	v52 =	vmul.f32 $8.000000000e+00, v51;
	v4 =	vadd.s32 v17, v40  }
0x3cd: {  	v7 =	vmul.f32 $8.000000000e+00, v58;
	v49 =	vld [tilespmem:s6+$0x80];
	v44 =	vbroadcast v54, $0x0;
	[tilespmem:v47+s21+$0x0] =	vst.idx.msk $0xffff, v57;
	v60 =	vadd.s32 v18, v0  }
0x3ce: {  	v55 =	vadd.s32 v25, v45;
	v54 =	vld [tilespmem:s6+$0x100];
	v46 =	vbroadcast v12, $0x0;
	[tilespmem:v3+s21+$0x0] =	vst.idx.msk $0xffff, v52;
	v3 =	vmul.f32 $8.000000000e+00, v61  }
0x3cf: {  	v53 =	vadd.s32 v62, v44;
	[tilespmem:v48+s21+$0x0] =	vst.idx.msk $0xffff, v7  }
0x3d0: {  	v15 =	vmul.f32 $8.000000000e+00, v15;
	v51 =	vadd.s32 v24, v46;
	[tilespmem:v2+s21+$0x0] =	vst.idx.msk $0xffff, v3  }
0x3d1: {  	v3 =	vmul.f32 $8.000000000e+00, v50;
	[tilespmem:v4+s21+$0x0] =	vst.idx.msk $0xffff, v32  }
0x3d2: {  	v58 =	vshll.u32 v39, v1;
	v12 =	vld [tilespmem:s6+$0x140];
	[tilespmem:v60+s21+$0x0] =	vst.idx.msk $0xffff, v15;
	v60 =	vmul.f32 $8.000000000e+00, v49  }
0x3d3: {  	v39 =	vbroadcast v58, $0x0;
	v49 =	vmul.f32 $8.000000000e+00, v54;
	v58 =	vld [tilespmem:$0x1FED0];
	[tilespmem:v55+s21+$0x0] =	vst.idx.msk $0xffff, v3  }
0x3d4: {  	v47 =	vbroadcast v14, $0x0;
	v14 =	vld [tilespmem:s6+$0x1E0];
	[tilespmem:v53+s21+$0x0] =	vst.idx.msk $0xffff, v60  }
0x3d5: {  	v54 =	vld [tilespmem:$0x1FF30];
	[tilespmem:v51+s21+$0x0] =	vst.idx.msk $0xffff, v49  }
0x3d6: {  	v53 =	vld [tilespmem:$0x1FF60]  }
0x3d7: {  	v61 =	vadd.s32 v31, v47;
	v32 =	vld [tilespmem:s6+$0x180]  }
0x3d8: {  	v2 =	vld [tilespmem:s6+$0xFFFFFE50];
	v48 =	vadd.s32 v58, v0  }
0x3d9: {  	v5 =	vld [tilespmem:s6+$0xFFFFFE90];
	v50 =	vadd.s32 v17, v39  }
0x3da: {  	v12 =	vmul.f32 $8.000000000e+00, v12;
	v3 =	vadd.s32 v54, v33  }
0x3db: {  	v11 =	vld [tilespmem:s6+$0xFFFFFED0];
	v57 =	vmul.f32 $8.000000000e+00, v14;
	v55 =	vadd.s32 v53, v34  }
0x3dc: {  	v56 =	vld [tilespmem:s6+$0xFFFFFF10];
	[tilespmem:v61+s21+$0x0] =	vst.idx.msk $0xffff, v12;
	v10 =	vmul.f32 $8.000000000e+00, v32  }
0x3dd: {  	v2 =	vmul.f32 $8.000000000e+00, v2;
	v27 =	vld [tilespmem:$0x1FFC0];
	[tilespmem:v48+s21+$0x0] =	vst.idx.msk $0xffff, v57  }
0x3de: {  	v5 =	vmul.f32 $8.000000000e+00, v5;
	v28 =	vld [tilespmem:$0x1FFD0];
	[tilespmem:v50+s21+$0x0] =	vst.idx.msk $0xffff, v10  }
0x3df: {  	v25 =	vld [tilespmem:$0x1FE50];
	[tilespmem:v3+s21+$0x0] =	vst.idx.msk $0xffff, v2  }
0x3e0: {  	v15 =	vld [tilespmem:$0x1FE90];
	[tilespmem:v55+s21+$0x0] =	vst.idx.msk $0xffff, v5  }
0x3e1: {  	v14 =	vld [tilespmem:$0x1FEE0]  }
0x3e2: {  	v61 =	vld [tilespmem:s6+$0xFFFFFF50];
	v60 =	vadd.s32 v27, v35  }
0x3e3: {  	v48 =	vld [tilespmem:s6+$0xFFFFFF90];
	v32 =	vadd.s32 v28, v36  }
0x3e4: {  	v50 =	vld [tilespmem:s6+$0x1F0];
	v49 =	vadd.s32 v25, v37  }
0x3e5: {  	v51 =	vld [tilespmem:s6+$0xFFFFFFD0];
	v2 =	vmul.f32 $8.000000000e+00, v11;
	v3 =	vadd.s32 v15, v40  }
0x3e6: {  	v52 =	vmul.f32 $8.000000000e+00, v56;
	v55 =	vld [tilespmem:s6+$0x10];
	v0 =	vadd.s32 v14, v0  }
0x3e7: {  	v56 =	vadd.s32 v18, v41;
	v57 =	vld [tilespmem:s6+$0x50];
	[tilespmem:v60+s21+$0x0] =	vst.idx.msk $0xffff, v2;
	v2 =	vmul.f32 $8.000000000e+00, v61  }
0x3e8: {  	v61 =	vmul.f32 $8.000000000e+00, v48;
	v48 =	vld [tilespmem:s6+$0x90];
	[tilespmem:v32+s21+$0x0] =	vst.idx.msk $0xffff, v52;
	v32 =	vadd.s32 v20, v42  }
0x3e9: {  	v10 =	vmul.f32 $8.000000000e+00, v50;
	[tilespmem:v49+s21+$0x0] =	vst.idx.msk $0xffff, v2;
	v2 =	vadd.s32 v54, v43;
	v49 =	vld [tilespmem:s6+$0xD0]  }
0x3ea: {  	v60 =	vadd.s32 v53, v44;
	[tilespmem:v3+s21+$0x0] =	vst.idx.msk $0xffff, v61;
	v3 =	vmul.f32 $8.000000000e+00, v51;
	v61 =	vld [tilespmem:s6+$0x110]  }
0x3eb: {  	v50 =	vld [tilespmem:s6+$0x150];
	v5 =	vmul.f32 $8.000000000e+00, v55;
	[tilespmem:v0+s21+$0x0] =	vst.idx.msk $0xffff, v10;
	v0 =	vadd.s32 v27, v45  }
0x3ec: {  	v51 =	vadd.s32 v28, v46;
	[tilespmem:v56+s21+$0x0] =	vst.idx.msk $0xffff, v3;
	v3 =	vmul.f32 $8.000000000e+00, v57  }
0x3ed: {  	v56 =	vmul.f32 $8.000000000e+00, v48;
	v57 =	vadd.s32 v25, v47;
	[tilespmem:v32+s21+$0x0] =	vst.idx.msk $0xffff, v5  }
0x3ee: {  	[tilespmem:v2+s21+$0x0] =	vst.idx.msk $0xffff, v3;
	v3 =	vmul.f32 $8.000000000e+00, v49  }
0x3ef: {  	v55 =	vld [tilespmem:s6+$0xFFFFFE10];
	[tilespmem:v60+s21+$0x0] =	vst.idx.msk $0xffff, v56;
	v11 =	vmul.f32 $8.000000000e+00, v61  }
0x3f0: {  	v52 =	vld [tilespmem:s6+$0x190];
	v10 =	vmul.f32 $8.000000000e+00, v50;
	[tilespmem:v0+s21+$0x0] =	vst.idx.msk $0xffff, v3  }
0x3f1: {  	v60 =	vld [tilespmem:$0x1FF40];
	[tilespmem:v51+s21+$0x0] =	vst.idx.msk $0xffff, v11  }
0x3f2: {  	v25 =	vld [tilespmem:$0x1FF70];
	[tilespmem:v57+s21+$0x0] =	vst.idx.msk $0xffff, v10  }
0x3f3: {  	v24 =	vmov v28;
	v28 =	vld [tilespmem:$0x1FFF0]  }
0x3f4: {  	v32 =	vadd.s32 v15, v39;
	v2 =	vld [tilespmem:s6+$0xFFFFFE60]  }
0x3f5: {  	v48 =	vadd.s32 v20, v38;
	v49 =	vld [tilespmem:s6+$0xFFFFFEA0]  }
0x3f6: {  	v3 =	vld [tilespmem:s6+$0xFFFFFEE0];
	v0 =	vadd.s32 v60, v33  }
0x3f7: {  	v7 =	vmul.f32 $8.000000000e+00, v52;
	v50 =	vadd.s32 v25, v34  }
0x3f8: {  	v5 =	vmul.f32 $8.000000000e+00, v55;
	v52 =	vadd.s32 v28, v35  }
0x3f9: {  	v55 =	vld [tilespmem:s6+$0xFFFFFF60];
	v2 =	vmul.f32 $8.000000000e+00, v2;
	[tilespmem:v32+s21+$0x0] =	vst.idx.msk $0xffff, v7  }
0x3fa: {  	v61 =	vmul.f32 $8.000000000e+00, v49;
	v32 =	vld [tilespmem:$0x1FF10];
	[tilespmem:v48+s21+$0x0] =	vst.idx.msk $0xffff, v5  }
0x3fb: {  	v20 =	vld [tilespmem:$0x1FE60];
	[tilespmem:v0+s21+$0x0] =	vst.idx.msk $0xffff, v2;
	v0 =	vmul.f32 $8.000000000e+00, v3  }
0x3fc: {  	v13 =	vld [tilespmem:$0x1FEA0];
	[tilespmem:v50+s21+$0x0] =	vst.idx.msk $0xffff, v61  }
0x3fd: {  	v51 =	vld [tilespmem:s6+$0xFFFFFF20];
	[tilespmem:v52+s21+$0x0] =	vst.idx.msk $0xffff, v0  }
0x3fe: {  	v30 =	vld [tilespmem:$0x1FE00]  }
0x3ff: {  	v57 =	vld [tilespmem:s6+$0xFFFFFFA0];
	v56 =	vadd.s32 v32, v36  }
0x400: {  	v49 =	vld [tilespmem:s6+$0xFFFFFFE0];
	v48 =	vadd.s32 v20, v37  }
0x401: {  	v3 =	vld [tilespmem:s6+$0x20];
	v2 =	vadd.s32 v13, v40  }
0x402: {  	v6 =	vadd.s32 v58, v41;
	v50 =	vmul.f32 $8.000000000e+00, v51;
	v51 =	vld [tilespmem:s6+$0x60]  }
0x403: {  	v0 =	vmul.f32 $8.000000000e+00, v55;
	v55 =	vld [tilespmem:s6+$0xA0];
	v52 =	vadd.s32 v30, v42  }
0x404: {  	v61 =	vld [tilespmem:s6+$0xE0];
	[tilespmem:v56+s21+$0x0] =	vst.idx.msk $0xffff, v50;
	v56 =	vmul.f32 $8.000000000e+00, v57;
	v57 =	vadd.s32 v60, v43  }
0x405: {  	[tilespmem:v48+s21+$0x0] =	vst.idx.msk $0xffff, v0;
	v0 =	vmul.f32 $8.000000000e+00, v49;
	v48 =	vadd.s32 v25, v44;
	v49 =	vld [tilespmem:s6+$0x120]  }
0x406: {  	[tilespmem:v2+s21+$0x0] =	vst.idx.msk $0xffff, v56;
	v2 =	vmul.f32 $8.000000000e+00, v3;
	v3 =	vadd.s32 v28, v45  }
0x407: {  	[tilespmem:v6+s21+$0x0] =	vst.idx.msk $0xffff, v0;
	v0 =	vmul.f32 $8.000000000e+00, v51;
	v51 =	vadd.s32 v32, v46  }
0x408: {  	[tilespmem:v52+s21+$0x0] =	vst.idx.msk $0xffff, v2;
	v52 =	vmul.f32 $8.000000000e+00, v55  }
0x409: {  	[tilespmem:v57+s21+$0x0] =	vst.idx.msk $0xffff, v0;
	v56 =	vmul.f32 $8.000000000e+00, v61  }
0x40a: {  	v11 =	vld [tilespmem:s6+$0x1A0];
	v8 =	vmul.f32 $8.000000000e+00, v49;
	[tilespmem:v48+s21+$0x0] =	vst.idx.msk $0xffff, v52  }
0x40b: {  	v50 =	vld [tilespmem:s6+$0x160];
	[tilespmem:v3+s21+$0x0] =	vst.idx.msk $0xffff, v56  }
0x40c: {  	v61 =	vld [tilespmem:$0x1FF50];
	[tilespmem:v51+s21+$0x0] =	vst.idx.msk $0xffff, v8  }
0x40d: {  	v55 =	vadd.s32 v20, v47;
	v20 =	vld [tilespmem:$0x1FEF0]  }
0x40e: {  	v2 =	vld [tilespmem:s6+$0xFFFFFE20]  }
0x40f: {  	v0 =	vld [tilespmem:s6+$0xFFFFFE70];
	v57 =	vadd.s32 v13, v39  }
0x410: {  	v31 =	vmovc v25;
	v25 =	vmov v28;
	v28 =	vmov v32;
	v32 =	vadd.s32 v30, v38;
	v48 =	vld [tilespmem:s6+$0xFFFFFEB0]  }
0x411: {  	v4 =	vmul.f32 $8.000000000e+00, v50;
	v49 =	vld [tilespmem:s6+$0xFFFFFEF0];
	v3 =	vadd.s32 v61, v33  }
0x412: {  	v11 =	vmul.f32 $8.000000000e+00, v11;
	v51 =	vld [tilespmem:s6+$0xFFFFFF30];
	v50 =	vadd.s32 v20, v34  }
0x413: {  	v52 =	vadd.s32 v29, v35;
	[tilespmem:v55+s21+$0x0] =	vst.idx.msk $0xffff, v4;
	v2 =	vmul.f32 $8.000000000e+00, v2;
	v55 =	vld [tilespmem:s6+$0xFFFFFF70]  }
0x414: {  	v0 =	vmul.f32 $8.000000000e+00, v0;
	v56 =	vadd.s32 v21, v36;
	[tilespmem:v57+s21+$0x0] =	vst.idx.msk $0xffff, v11;
	v57 =	vld [tilespmem:s6+$0xFFFFFFB0]  }
0x415: {  	[tilespmem:v32+s21+$0x0] =	vst.idx.msk $0xffff, v2;
	v2 =	vmul.f32 $8.000000000e+00, v48;
	v32 =	vadd.s32 v16, v37;
	v33 =	vld [tilespmem:s6+$0xFFFFFFF0]  }
0x416: {  	v34 =	vld [tilespmem:s6+$0x30];
	[tilespmem:v3+s21+$0x0] =	vst.idx.msk $0xffff, v0;
	v0 =	vmul.f32 $8.000000000e+00, v49;
	v3 =	vadd.s32 v26, v40  }
0x417: {  	v35 =	vadd.s32 v14, v41;
	v36 =	vld [tilespmem:s6+$0x70];
	v37 =	vadd.s32 v22, v42;
	[tilespmem:v50+s21+$0x0] =	vst.idx.msk $0xffff, v2;
	v2 =	vmul.f32 $8.000000000e+00, v51  }
0x418: {  	v41 =	vadd.s32 v61, v43;
	v43 =	vadd.s32 v20, v44;
	v44 =	vld [tilespmem:s6+$0x130];
	[tilespmem:v52+s21+$0x0] =	vst.idx.msk $0xffff, v0;
	v0 =	vmul.f32 $8.000000000e+00, v55  }
0x419: {  	v42 =	vld [tilespmem:s6+$0xF0];
	[tilespmem:v56+s21+$0x0] =	vst.idx.msk $0xffff, v2;
	v2 =	vmul.f32 $8.000000000e+00, v57  }
0x41a: {  	v40 =	vld [tilespmem:s6+$0xB0];
	v49 =	vadd.s32 v21, v46;
	[tilespmem:v32+s21+$0x0] =	vst.idx.msk $0xffff, v0;
	v0 =	vmul.f32 $8.000000000e+00, v33  }
0x41b: {  	v48 =	vld [tilespmem:s6+$0x170];
	[tilespmem:v3+s21+$0x0] =	vst.idx.msk $0xffff, v2;
	v2 =	vmul.f32 $8.000000000e+00, v34;
	v3 =	vadd.s32 v29, v45  }
0x41c: {  	v50 =	vld [tilespmem:s6+$0x1B0];
	[tilespmem:v35+s21+$0x0] =	vst.idx.msk $0xffff, v0;
	v0 =	vmul.f32 $8.000000000e+00, v36  }
0x41d: {  	v52 =	vadd.s32 v16, v47;
	v57 =	vmul.f32 $8.000000000e+00, v44;
	[tilespmem:v37+s21+$0x0] =	vst.idx.msk $0xffff, v2;
	v2 =	vld [tilespmem:s6+$0xFFFFFE30]  }
0x41e: {  	v55 =	vadd.s32 v26, v39;
	[tilespmem:v41+s21+$0x0] =	vst.idx.msk $0xffff, v0;
	v0 =	vmul.f32 $8.000000000e+00, v42  }
0x41f: {  	v56 =	vadd.s32 v22, v38;
	v51 =	vmul.f32 $8.000000000e+00, v40;
	[tilespmem:v49+s21+$0x0] =	vst.idx.msk $0xffff, v57  }
0x420: {  	[tilespmem:v3+s21+$0x0] =	vst.idx.msk $0xffff, v0;
	v0 =	vmul.f32 $8.000000000e+00, v48  }
0x421: {  	[tilespmem:v43+s21+$0x0] =	vst.idx.msk $0xffff, v51;
	v3 =	vmul.f32 $8.000000000e+00, v50  }
0x422: {  	s7 =	sand.u32 $0xF00, s11;
	s6 =	sshll.u32 s11, $0x3;
	[tilespmem:v52+s21+$0x0] =	vst.idx.msk $0xffff, v0;
	v0 =	vmul.f32 $8.000000000e+00, v2  }
0x423: {  	s10 =	sadd.s32 s2, s7;
	s6 =	sand.u32 $0xFFF8000, s6;
	[tilespmem:v55+s21+$0x0] =	vst.idx.msk $0xffff, v3  }
0x424: {  	s11 =	simm.s32 $0x12800;
	s6 =	sadd.s32 s6, s10;
	[tilespmem:v56+s21+$0x0] =	vst.idx.msk $0xffff, v0  }
0x425: {  	[hbm4b:s6+s4] =	stream.linear.scatter [tilespmem:s11], [sflag:$0x7], $0x80, $0x38;
	[tilespmem:$0x16C00] =	vst v63  }
0x426: {  	s12 =	simm.s32 $0x12888;
	s13 =	sadd.s32 $0x10, s6  }
0x427: {  	[hbm4b:s13+s4] =	stream.linear.scatter [tilespmem:s12], [sflag:$0x7], $0x80, $0x38;
	[tilespmem:$0x16C00] =	vst v63  }
0x428: {  	s14 =	simm.s32 $0x12910;
	s7 =	sadd.s32 $0x20, s6  }
0x429: {  	[hbm4b:s7+s4] =	stream.linear.scatter [tilespmem:s14], [sflag:$0x7], $0x80, $0x38;
	[tilespmem:$0x16C00] =	vst v63  }
0x42a: {  	s12 =	simm.s32 $0x12998;
	s13 =	sadd.s32 $0x30, s6  }
0x42b: {  	[hbm4b:s13+s4] =	stream.linear.scatter [tilespmem:s12], [sflag:$0x7], $0x80, $0x38;
	[tilespmem:$0x16C00] =	vst v63  }
0x42c: {  	s14 =	simm.s32 $0x12A20;
	s7 =	sadd.s32 $0x40, s6  }
0x42d: {  	[hbm4b:s7+s4] =	stream.linear.scatter [tilespmem:s14], [sflag:$0x7], $0x80, $0x38;
	[tilespmem:$0x16C00] =	vst v63  }
0x42e: {  	s10 =	simm.s32 $0x440;
	s11 =	simm.s32 $0x12AA8;
	s12 =	sadd.s32 $0x50, s6  }
0x42f: {  	[hbm4b:s12+s4] =	stream.linear.scatter [tilespmem:s11], [sflag:$0x7], $0x80, $0x38;
	[tilespmem:$0x16C00] =	vst v63  }
0x430: {  	s13 =	simm.s32 $0x12B30;
	s14 =	sadd.s32 $0x60, s6;
	s12 =	simm.s32 $0x2200  }
0x431: {  	v30 =	vmov v13;
	[hbm4b:s14+s4] =	stream.linear.scatter [tilespmem:s13], [sflag:$0x7], $0x80, $0x38;
	[tilespmem:$0x16C00] =	vst v63  }
0x432: {  	v26 =	vmovc v27;
	v27 =	vmovc v17;
	v32 =	vmov v18;
	v29 =	vmov v15;
	v43 =	vmov v14;
	s11 =	sadd.s32 $0x1000, s6;
	s13 =	simm.s32 $0x12BB8;
	s14 =	sadd.s32 $0x70, s6  }
.LBB2_13:
0x433: {  	[hbm4b:s14+s4] =	stream.linear.scatter [tilespmem:s13], [sflag:$0x7], $0x80, $0x38;
	[tilespmem:$0x16C00] =	vst v63  }
0x434: {  	s6 =	smov.u32 s10;
	s10 =	smov.u32 s12  }
0x435: {  	s7 =	sadd.s32 $0x1100, s12;
	s10 =	sshra.s32 s10, $0x2;
	s13 =	sadd.s32 $0x12800, s6  }
0x436: {  	[hbm4b:s11+s4] =	stream.linear.scatter [tilespmem:s13], [sflag:$0x7], $0x80, $0x38;
	[tilespmem:$0x16C00] =	vst v63  }
0x437: {  	p2 =	sne.s32 s12, $0x7700;
	s12 =	sadd.s32 $0x12888, s6;
	s13 =	sadd.s32 $0x10, s11  }
0x438: {  	[hbm4b:s13+s4] =	stream.linear.scatter [tilespmem:s12], [sflag:$0x7], $0x80, $0x38;
	[tilespmem:$0x16C00] =	vst v63  }
0x439: {  	s12 =	sadd.s32 $0x12910, s6;
	s13 =	sadd.s32 $0x20, s11  }
0x43a: {  	[hbm4b:s13+s4] =	stream.linear.scatter [tilespmem:s12], [sflag:$0x7], $0x80, $0x38;
	[tilespmem:$0x16C00] =	vst v63  }
0x43b: {  	s12 =	sadd.s32 $0x12998, s6;
	s13 =	sadd.s32 $0x30, s11  }
0x43c: {  	[hbm4b:s13+s4] =	stream.linear.scatter [tilespmem:s12], [sflag:$0x7], $0x80, $0x38;
	[tilespmem:$0x16C00] =	vst v63  }
0x43d: {  	s12 =	sadd.s32 $0x12A20, s6;
	s13 =	sadd.s32 $0x40, s11  }
0x43e: {  	[hbm4b:s13+s4] =	stream.linear.scatter [tilespmem:s12], [sflag:$0x7], $0x80, $0x38;
	[tilespmem:$0x16C00] =	vst v63  }
.Ltmp7:
0x43f: {  	s12 =	sadd.s32 $0x12AA8, s6;
	s13 =	sadd.s32 $0x50, s11;
	(pc) =	sbr.rel @p2 .LBB2_13-.Ltmp7, $4  }
0x440: {  	[hbm4b:s13+s4] =	stream.linear.scatter [tilespmem:s12], [sflag:$0x7], $0x80, $0x38;
	[tilespmem:$0x16C00] =	vst v63  }
0x441: {  	s14 =	sadd.s32 $0x70, s11;
	s12 =	sadd.s32 $0x12B30, s6;
	s13 =	sadd.s32 $0x60, s11  }
0x442: {  	[hbm4b:s13+s4] =	stream.linear.scatter [tilespmem:s12], [sflag:$0x7], $0x80, $0x38;
	[tilespmem:$0x16C00] =	vst v63  }
0x443: {  	s11 =	sadd.s32 $0x1000, s11;
	s13 =	sadd.s32 $0x12BB8, s6;
	s12 =	smov.u32 s7  }
0x444: {  	[hbm4b:s14+s4] =	stream.linear.scatter [tilespmem:s13], [sflag:$0x7], $0x80, $0x38;
	[tilespmem:$0x16C00] =	vst v63  }
0x445: {  	s6 =	sadd.s32 $0x12800, s10  }
0x446: {  	[hbm4b:s11+s4] =	stream.linear.scatter [tilespmem:s6], [sflag:$0x7], $0x80, $0x38;
	[tilespmem:$0x16C00] =	vst v63  }
0x447: {  	s14 =	sadd.s32 $0x12888, s10;
	s7 =	sadd.s32 $0x10, s11  }
0x448: {  	[hbm4b:s7+s4] =	stream.linear.scatter [tilespmem:s14], [sflag:$0x7], $0x80, $0x38;
	[tilespmem:$0x16C00] =	vst v63  }
0x449: {  	s12 =	sadd.s32 $0x20, s11;
	s7 =	sadd.s32 $0x12910, s10  }
0x44a: {  	[hbm4b:s12+s4] =	stream.linear.scatter [tilespmem:s7], [sflag:$0x7], $0x80, $0x38;
	[tilespmem:$0x16C00] =	vst v63  }
0x44b: {  	s13 =	sadd.s32 $0x12998, s10;
	s14 =	sadd.s32 $0x30, s11  }
0x44c: {  	[hbm4b:s14+s4] =	stream.linear.scatter [tilespmem:s13], [sflag:$0x7], $0x80, $0x38;
	[tilespmem:$0x16C00] =	vst v63  }
0x44d: {  	s7 =	sadd.s32 $0x12A20, s10;
	s12 =	sadd.s32 $0x40, s11  }
0x44e: {  	[hbm4b:s12+s4] =	stream.linear.scatter [tilespmem:s7], [sflag:$0x7], $0x80, $0x38;
	[tilespmem:$0x16C00] =	vst v63  }
0x44f: {  	s13 =	sadd.s32 $0x12AA8, s10;
	s14 =	sadd.s32 $0x50, s11  }
0x450: {  	[hbm4b:s14+s4] =	stream.linear.scatter [tilespmem:s13], [sflag:$0x7], $0x80, $0x38;
	[tilespmem:$0x16C00] =	vst v63  }
0x451: {  	s7 =	sadd.s32 $0x12B30, s10;
	s12 =	sadd.s32 $0x60, s11;
	s13 =	sadd.s32 $0x12BB8, s10  }
0x452: {  	s14 =	sadd.s32 $0x70, s11;
	s10 =	simm.s32 $0x0;
	s11 =	simm.s32 $0x1  }
0x453: {  	s1 =	sadd.s32 @!p1 $0x300, s1;
	v0 =	vmov s10;
	v2 =	vmov s11;
	s10 =	simm.s32 $0x6;
	s11 =	simm.s32 $0x7  }
0x454: {  	[hbm4b:s12+s4] =	stream.linear.scatter [tilespmem:s7], [sflag:$0x7], $0x80, $0x38;
	[tilespmem:$0x16C00] =	vst v63  }
0x455: {  	v0 =	vshrl.u32 v0, $0x3;
	s12 =	simm.s32 $0x2;
	s7 =	simm.s32 $0x5;
	v7 =	vmov s10;
	v8 =	vmov s11;
	s11 =	simm.s32 $0xB  }
0x456: {  	v2 =	vshrl.u32 v2, $0x3;
	v3 =	vmov s12;
	v6 =	vmov s7;
	[hbm4b:s14+s4] =	stream.linear.scatter [tilespmem:s13], [sflag:$0x7], $0x80, $0x38;
	[tilespmem:$0x16C00] =	vst v63  }
0x457: {  	s10 =	simm.s32 @!p1 $0xA400;
	s12 =	simm.s32 $0x8;
	v12 =	vmov s11;
	s7 =	simm.s32 @!p1 $0x80;
	v0 =	vshll.u32 v0, v1;
	v7 =	vshrl.u32 v7, $0x3  }
0x458: {  	v8 =	vshrl.u32 v8, $0x3;
	v2 =	vshll.u32 v2, v1;
	v9 =	vmov s12;
	[tilespmem:s10], [sflag:$0x3] =	stream.indirect.gather @!p1 [hbm4b:s5+s7], $0x40, s1, s7, $0xb8;
	[tilespmem:$0x16C00] =	vst v63  }
0x459: {  	s11 =	simm.s32 $0xF;
	v3 =	vshrl.u32 v3, $0x3;
	v6 =	vshrl.u32 v6, $0x3;
	v12 =	vshrl.u32 v12, $0x3;
	_ =	swait.ge [sflag:s22], $0x2000  }
0x45a: {  	s13 =	simm.s32 $0x3;
	s14 =	simm.s32 $0x4;
	v33 =	vbroadcast v0, $0x0;
	v0 =	vmov s11;
	v7 =	vshll.u32 v7, v1;
	[sflag:s22] =	ssyncset.done $0x0  }
0x45b: {  	s12 =	simm.s32 $0xC;
	v45 =	vbroadcast v2, $0x0;
	v4 =	vmov s13;
	v5 =	vmov s14;
	s1 =	simm.s32 @!p0 $0x8;
	[sflag:s22] =	ssyncadd.s32 $0xFFFFE000  }
0x45c: {  	v13 =	vmov s12;
	v9 =	vshrl.u32 v9, $0x3;
	v3 =	vshll.u32 v3, v1;
	_ =	swait.ge @!p0 [sflag:s1], $0x2000  }
0x45d: {  	s13 =	simm.s32 $0x9;
	v0 =	vshrl.u32 v0, $0x3;
	v6 =	vshll.u32 v6, v1;
	v12 =	vshll.u32 v12, v1;
	[sflag:s1] =	ssyncset.done @!p0 $0x0;
	v37 =	vld [tilespmem:$0x1FE20]  }
0x45e: {  	s14 =	simm.s32 $0xA;
	v40 =	vbroadcast v7, $0x0;
	v10 =	vmov s13;
	v0 =	vshll.u32 v0, v1;
	v22 =	vld [tilespmem:$0x1FE30];
	[sflag:s1] =	ssyncadd.s32 @!p0 $0xFFFFE000;
	s1 =	simm.s32 $0xC600  }
0x45f: {  	v11 =	vmov s14;
	v4 =	vshrl.u32 v4, $0x3;
	v38 =	vbroadcast v0, $0x0;
	v16 =	vld [tilespmem:s1+$0x1C0]  }
0x460: {  	v5 =	vshrl.u32 v5, $0x3;
	v13 =	vshrl.u32 v13, $0x3;
	v18 =	vadd.s32 v19, v33;
	v51 =	vld [tilespmem:s1+$0xFFFFFE00]  }
0x461: {  	v46 =	vbroadcast v3, $0x0;
	v57 =	vadd.s32 v59, v45;
	v2 =	vadd.s32 v63, v38;
	v17 =	vld [tilespmem:s1+$0xFFFFFE40]  }
0x462: {  	v36 =	vmovc v19;
	v10 =	vshrl.u32 v10, $0x3;
	v4 =	vshll.u32 v4, v1;
	v5 =	vshll.u32 v5, v1;
	v19 =	vld [tilespmem:s1+$0xFFFFFE80]  }
0x463: {  	v0 =	vshll.u32 v8, v1;
	v8 =	vshll.u32 v9, v1;
	v55 =	vbroadcast v4, $0x0;
	v20 =	vld [tilespmem:s1+$0xFFFFFEC0]  }
0x464: {  	v47 =	vadd.s32 v62, v46;
	v41 =	vbroadcast v5, $0x0;
	v21 =	vld [tilespmem:s1+$0xFFFFFF00];
	v52 =	vmul.f32 $8.000000000e+00, v16  }
0x465: {  	v9 =	vshll.u32 v10, v1;
	v34 =	vld [tilespmem:s1+$0xFFFFFF40];
	v10 =	vmul.f32 $8.000000000e+00, v51;
	v16 =	vadd.s32 v37, v55  }
0x466: {  	s13 =	simm.s32 $0xD;
	v42 =	vbroadcast v6, $0x0;
	v35 =	vld [tilespmem:s1+$0xFFFFFF80];
	v56 =	vmul.f32 $8.000000000e+00, v17;
	v17 =	vadd.s32 v22, v41;
	[tilespmem:v2+s23+$0x0] =	vst.idx.msk $0xffff, v52  }
0x467: {  	v14 =	vmov s13;
	v3 =	vshll.u32 v13, v1;
	v39 =	vld [tilespmem:s1+$0xFFFFFFC0];
	[tilespmem:v18+s23+$0x0] =	vst.idx.msk $0xffff, v10;
	v2 =	vmul.f32 $8.000000000e+00, v19  }
0x468: {  	v13 =	vadd.s32 v27, v40;
	v48 =	vbroadcast v0, $0x0;
	v18 =	vld [tilespmem:$0x1FE40];
	[tilespmem:v57+s23+$0x0] =	vst.idx.msk $0xffff, v56;
	v57 =	vmul.f32 $8.000000000e+00, v20  }
0x469: {  	v11 =	vshrl.u32 v11, $0x3;
	v14 =	vshrl.u32 v14, $0x3;
	v0 =	vmul.f32 $8.000000000e+00, v21;
	v10 =	vld [tilespmem:s1+$0x1D0];
	[tilespmem:v47+s23+$0x0] =	vst.idx.msk $0xffff, v2  }
0x46a: {  	v11 =	vshll.u32 v11, v1;
	v56 =	vadd.s32 v63, v48;
	v2 =	vld [tilespmem:s1+$0x0];
	v47 =	vbroadcast v8, $0x0;
	[tilespmem:v16+s23+$0x0] =	vst.idx.msk $0xffff, v57  }
0x46b: {  	v44 =	vadd.s32 v32, v38;
	v49 =	vbroadcast v9, $0x0;
	v16 =	vld [tilespmem:s1+$0x40];
	[tilespmem:v17+s23+$0x0] =	vst.idx.msk $0xffff, v0;
	v0 =	vmul.f32 $8.000000000e+00, v35  }
0x46c: {  	v7 =	vshll.u32 v14, v1;
	v50 =	vbroadcast v11, $0x0;
	v57 =	vadd.s32 v36, v47  }
0x46d: {  	v52 =	vmul.f32 $8.000000000e+00, v34;
	v63 =	vadd.s32 v59, v49;
	v17 =	vld [tilespmem:s1+$0x80];
	[tilespmem:v13+s23+$0x0] =	vst.idx.msk $0xffff, v0;
	v0 =	vmul.f32 $8.000000000e+00, v39  }
0x46e: {  	v21 =	vld [tilespmem:s1+$0xC0];
	v35 =	vbroadcast v12, $0x0;
	v5 =	vadd.s32 v18, v42;
	v10 =	vmul.f32 $8.000000000e+00, v10  }
0x46f: {  	v11 =	vadd.s32 v62, v50;
	v12 =	vld [tilespmem:s1+$0x100];
	v36 =	vbroadcast v3, $0x0;
	v2 =	vmul.f32 $8.000000000e+00, v2;
	[tilespmem:v56+s23+$0x0] =	vst.idx.msk $0xffff, v0  }
0x470: {  	v34 =	vbroadcast v7, $0x0;
	v3 =	vadd.s32 v37, v35;
	v13 =	vld [tilespmem:s1+$0x140];
	[tilespmem:v44+s23+$0x0] =	vst.idx.msk $0xffff, v10;
	v0 =	vmul.f32 $8.000000000e+00, v16  }
0x471: {  	s14 =	simm.s32 $0xE;
	v4 =	vadd.s32 v22, v36;
	v44 =	vld [tilespmem:s1+$0x1E0];
	[tilespmem:v57+s23+$0x0] =	vst.idx.msk $0xffff, v2  }
0x472: {  	v15 =	vmov s14;
	v51 =	vadd.s32 v18, v34;
	v2 =	vmul.f32 $8.000000000e+00, v17;
	v57 =	vld [tilespmem:s1+$0xFFFFFE50];
	[tilespmem:v63+s23+$0x0] =	vst.idx.msk $0xffff, v0  }
0x473: {  	v15 =	vshrl.u32 v15, $0x3;
	v0 =	vmul.f32 $8.000000000e+00, v21;
	v63 =	vadd.s32 v58, v38;
	v21 =	vld [tilespmem:s1+$0xFFFFFE90];
	[tilespmem:v5+s23+$0x0] =	vst.idx.msk $0xffff, v52  }
0x474: {  	v39 =	vshll.u32 v15, v1;
	v52 =	vld [tilespmem:s1+$0x180];
	[tilespmem:v11+s23+$0x0] =	vst.idx.msk $0xffff, v2;
	v2 =	vmul.f32 $8.000000000e+00, v12  }
0x475: {  	v15 =	vadd.s32 v54, v45;
	v37 =	vbroadcast v39, $0x0;
	[tilespmem:v3+s23+$0x0] =	vst.idx.msk $0xffff, v0;
	v0 =	vmul.f32 $8.000000000e+00, v13  }
0x476: {  	v17 =	vld [tilespmem:s1+$0xFFFFFF10];
	v13 =	vadd.s32 v53, v46;
	[tilespmem:v4+s23+$0x0] =	vst.idx.msk $0xffff, v2;
	v2 =	vmul.f32 $8.000000000e+00, v44  }
0x477: {  	s12 =	simm.s32 $0x10;
	v19 =	vld [tilespmem:s1+$0xFFFFFF90];
	v22 =	vadd.s32 v27, v37;
	[tilespmem:v51+s23+$0x0] =	vst.idx.msk $0xffff, v0  }
0x478: {  	v14 =	vadd.s32 v24, v41;
	v56 =	vmov s12;
	v16 =	vld [tilespmem:s1+$0xFFFFFED0];
	v51 =	vmul.f32 $8.000000000e+00, v57;
	[tilespmem:v63+s23+$0x0] =	vst.idx.msk $0xffff, v2  }
0x479: {  	v6 =	vshrl.u32 v56, $0x3;
	v0 =	vmul.f32 $8.000000000e+00, v52;
	v52 =	vmul.f32 $8.000000000e+00, v21;
	v56 =	vld [tilespmem:$0x1FE50]  }
0x47a: {  	v18 =	vld [tilespmem:s1+$0xFFFFFF50];
	[tilespmem:v15+s23+$0x0] =	vst.idx.msk $0xffff, v51  }
0x47b: {  	v39 =	vadd.s32 v26, v55;
	v51 =	vmul.f32 $8.000000000e+00, v17;
	[tilespmem:v13+s23+$0x0] =	vst.idx.msk $0xffff, v52;
	v52 =	vld [tilespmem:s1+$0x10]  }
0x47c: {  	v15 =	vadd.s32 v29, v40;
	[tilespmem:v22+s23+$0x0] =	vst.idx.msk $0xffff, v0  }
0x47d: {  	v0 =	vld [tilespmem:s1+$0x1F0];
	[tilespmem:v14+s23+$0x0] =	vst.idx.msk $0xffff, v51;
	v14 =	vadd.s32 v23, v47  }
0x47e: {  	v44 =	vmul.f32 $8.000000000e+00, v16;
	v16 =	vld [tilespmem:s1+$0xFFFFFFD0];
	v63 =	vadd.s32 v56, v42  }
0x47f: {  	v57 =	vmul.f32 $8.000000000e+00, v19;
	v19 =	vld [tilespmem:s1+$0x90];
	v17 =	vadd.s32 v43, v38  }
0x480: {  	v32 =	vadd.s32 v32, v48;
	v8 =	vld [tilespmem:s1+$0xD0];
	[tilespmem:v39+s23+$0x0] =	vst.idx.msk $0xffff, v44;
	v22 =	vmul.f32 $8.000000000e+00, v18;
	v13 =	vmul.f32 $8.000000000e+00, v52  }
0x481: {  	v18 =	vld [tilespmem:s1+$0x50];
	[tilespmem:v15+s23+$0x0] =	vst.idx.msk $0xffff, v57;
	v15 =	vadd.s32 v53, v50  }
0x482: {  	v51 =	vadd.s32 v26, v35;
	v0 =	vmul.f32 $8.000000000e+00, v0;
	v52 =	vld [tilespmem:s1+$0x150];
	[tilespmem:v14+s23+$0x0] =	vst.idx.msk $0xffff, v13  }
0x483: {  	v7 =	vadd.s32 v54, v49;
	v13 =	vld [tilespmem:s1+$0xFFFFFE10];
	[tilespmem:v63+s23+$0x0] =	vst.idx.msk $0xffff, v22;
	v63 =	vmul.f32 $8.000000000e+00, v16  }
0x484: {  	[tilespmem:v17+s23+$0x0] =	vst.idx.msk $0xffff, v0;
	v17 =	vld [tilespmem:s1+$0x190];
	v22 =	vmov v43;
	v43 =	vmul.f32 $8.000000000e+00, v19;
	v19 =	vadd.s32 v56, v34  }
0x485: {  	v23 =	vadd.s32 v23, v33;
	v16 =	vld [tilespmem:s1+$0x110];
	v56 =	vmul.f32 $8.000000000e+00, v8;
	[tilespmem:v32+s23+$0x0] =	vst.idx.msk $0xffff, v63  }
0x486: {  	v5 =	vld [tilespmem:s1+$0xFFFFFE60];
	v32 =	vmul.f32 $8.000000000e+00, v18;
	v63 =	vadd.s32 v29, v37;
	[tilespmem:v15+s23+$0x0] =	vst.idx.msk $0xffff, v43  }
0x487: {  	v10 =	vadd.s32 v24, v36;
	v52 =	vmul.f32 $8.000000000e+00, v52;
	v15 =	vld [tilespmem:s1+$0xFFFFFEA0];
	[tilespmem:v51+s23+$0x0] =	vst.idx.msk $0xffff, v56  }
0x488: {  	v43 =	vld [tilespmem:s1+$0xFFFFFEE0];
	v13 =	vmul.f32 $8.000000000e+00, v13;
	[tilespmem:v7+s23+$0x0] =	vst.idx.msk $0xffff, v32;
	v32 =	vadd.s32 v60, v45  }
0x489: {  	v56 =	vadd.s32 v31, v46;
	v17 =	vmul.f32 $8.000000000e+00, v17;
	[tilespmem:v19+s23+$0x0] =	vst.idx.msk $0xffff, v52  }
0x48a: {  	v16 =	vmul.f32 $8.000000000e+00, v16;
	v19 =	vadd.s32 v25, v55;
	[tilespmem:v23+s23+$0x0] =	vst.idx.msk $0xffff, v13  }
0x48b: {  	s10 =	simm.s32 $0x14;
	s13 =	simm.s32 $0x11;
	v5 =	vmul.f32 $8.000000000e+00, v5;
	[tilespmem:v63+s23+$0x0] =	vst.idx.msk $0xffff, v17;
	v17 =	vld [tilespmem:s1+$0xFFFFFFA0]  }
0x48c: {  	s14 =	simm.s32 $0x12;
	v9 =	vmov s10;
	s12 =	simm.s32 $0x16;
	v12 =	vmov s13;
	[tilespmem:v10+s23+$0x0] =	vst.idx.msk $0xffff, v16;
	v63 =	vmul.f32 $8.000000000e+00, v15;
	v15 =	vld [tilespmem:s1+$0xFFFFFFE0]  }
0x48d: {  	s7 =	simm.s32 $0x13;
	v11 =	vmov s12;
	s13 =	simm.s32 $0x17;
	v3 =	vmov s14;
	v43 =	vmul.f32 $8.000000000e+00, v43;
	v23 =	vld [tilespmem:$0x1FE60];
	[tilespmem:v32+s23+$0x0] =	vst.idx.msk $0xffff, v5  }
0x48e: {  	s11 =	simm.s32 $0x15;
	v20 =	vmov s13;
	s14 =	simm.s32 $0x18;
	v4 =	vmov s7;
	v7 =	vadd.s32 v30, v40;
	v16 =	vld [tilespmem:s1+$0xFFFFFF20];
	[tilespmem:v56+s23+$0x0] =	vst.idx.msk $0xffff, v63  }
0x48f: {  	s10 =	simm.s32 $0x1A;
	s7 =	simm.s32 $0x19;
	v2 =	vmov s11;
	v21 =	vmov s14;
	v52 =	vld [tilespmem:s1+$0xFFFFFF60];
	[tilespmem:v19+s23+$0x0] =	vst.idx.msk $0xffff, v43  }
0x490: {  	s11 =	simm.s32 $0x1B;
	v38 =	vmov s7;
	v39 =	vmov s10;
	v13 =	vadd.s32 v58, v48;
	v24 =	vld [tilespmem:$0x1FE00]  }
0x491: {  	v44 =	vmov s11;
	v8 =	vadd.s32 v28, v41;
	v58 =	vmul.f32 $8.000000000e+00, v17;
	v17 =	vld [tilespmem:s1+$0xE0]  }
0x492: {  	v56 =	vshrl.u32 v39, $0x3;
	v39 =	vmul.f32 $8.000000000e+00, v15;
	v15 =	vld [tilespmem:s1+$0x120];
	v14 =	vadd.s32 v23, v42  }
0x493: {  	v27 =	vmovc v54;
	s14 =	simm.s32 $0x1E;
	v54 =	vshrl.u32 v38, $0x3;
	v51 =	vmul.f32 $8.000000000e+00, v16;
	v16 =	vld [tilespmem:s1+$0x60];
	[tilespmem:v7+s23+$0x0] =	vst.idx.msk $0xffff, v58;
	v58 =	vadd.s32 v25, v35  }
0x494: {  	v18 =	vmov s14;
	v32 =	vmovc v53;
	v53 =	vld [tilespmem:s1+$0x20];
	v63 =	vadd.s32 v60, v49;
	v5 =	vadd.s32 v28, v36  }
0x495: {  	v38 =	vld [tilespmem:s1+$0xA0];
	v52 =	vmul.f32 $8.000000000e+00, v52;
	v43 =	vshrl.u32 v44, $0x3;
	[tilespmem:v13+s23+$0x0] =	vst.idx.msk $0xffff, v39;
	v39 =	vshrl.u32 v18, $0x3  }
0x496: {  	s13 =	simm.s32 $0x1D;
	v44 =	vld [tilespmem:s1+$0x160];
	[tilespmem:v8+s23+$0x0] =	vst.idx.msk $0xffff, v51;
	v18 =	vadd.s32 v23, v34;
	v19 =	vadd.s32 v24, v47;
	v23 =	vmul.f32 $8.000000000e+00, v17  }
0x497: {  	s12 =	simm.s32 $0x1C;
	v0 =	vmov s13;
	v15 =	vmul.f32 $8.000000000e+00, v15;
	[tilespmem:v14+s23+$0x0] =	vst.idx.msk $0xffff, v52;
	v14 =	vadd.s32 v31, v50  }
0x498: {  	v57 =	vmov s12;
	v13 =	vld [tilespmem:s1+$0x1A0];
	v31 =	vmovc v50;
	v50 =	vshrl.u32 v0, $0x3;
	v0 =	vmul.f32 $8.000000000e+00, v16;
	[tilespmem:v58+s23+$0x0] =	vst.idx.msk $0xffff, v23  }
0x499: {  	v51 =	vshrl.u32 v57, $0x3;
	v57 =	vmul.f32 $8.000000000e+00, v53;
	[tilespmem:v5+s23+$0x0] =	vst.idx.msk $0xffff, v15  }
0x49a: {  	v10 =	vadd.s32 v30, v37;
	v16 =	vmul.f32 $8.000000000e+00, v38;
	[tilespmem:v63+s23+$0x0] =	vst.idx.msk $0xffff, v0  }
0x49b: {  	v7 =	vld [tilespmem:s1+$0xFFFFFE20];
	v58 =	vmul.f32 $8.000000000e+00, v44;
	[tilespmem:v19+s23+$0x0] =	vst.idx.msk $0xffff, v57  }
0x49c: {  	v3 =	vshrl.u32 v3, $0x3;
	v53 =	vld [tilespmem:s1+$0xFFFFFEB0];
	[tilespmem:v14+s23+$0x0] =	vst.idx.msk $0xffff, v16  }
0x49d: {  	v9 =	vshrl.u32 v9, $0x3;
	v25 =	vmovc v59;
	v59 =	vshll.u32 v3, v1;
	v13 =	vmul.f32 $8.000000000e+00, v13;
	v19 =	vld [tilespmem:$0x1FEF0];
	[tilespmem:v18+s23+$0x0] =	vst.idx.msk $0xffff, v58  }
0x49e: {  	v28 =	vmovc v61;
	v3 =	vadd.s32 v61, v45;
	v61 =	vshll.u32 v9, v1;
	v52 =	vadd.s32 v24, v33;
	v9 =	vld [tilespmem:$0x1FF00]  }
0x49f: {  	v0 =	vld [tilespmem:s1+$0xFFFFFE70];
	[tilespmem:v10+s23+$0x0] =	vst.idx.msk $0xffff, v13  }
0x4a0: {  	v13 =	vld [tilespmem:$0x1FF20]  }
0x4a1: {  	v4 =	vshrl.u32 v4, $0x3;
	v45 =	vld [tilespmem:s1+$0xFFFFFEF0];
	v7 =	vmul.f32 $8.000000000e+00, v7  }
0x4a2: {  	v12 =	vshrl.u32 v12, $0x3;
	v15 =	vmovc v60;
	v60 =	vshll.u32 v4, v1;
	v4 =	vadd.s32 v19, v46  }
0x4a3: {  	v17 =	vmov v62;
	v62 =	vshll.u32 v12, v1;
	v12 =	vld [tilespmem:s1+$0xFFFFFFF0];
	[tilespmem:v52+s23+$0x0] =	vst.idx.msk $0xffff, v7;
	v8 =	vadd.s32 v9, v55  }
0x4a4: {  	v2 =	vshrl.u32 v2, $0x3;
	v0 =	vmul.f32 $8.000000000e+00, v0;
	v18 =	vld [tilespmem:$0x1FE70]  }
0x4a5: {  	v23 =	vld [tilespmem:s1+$0xFFFFFF70];
	v57 =	vshll.u32 v2, v1;
	v2 =	vadd.s32 v13, v41;
	v41 =	vmul.f32 $8.000000000e+00, v53  }
0x4a6: {  	v5 =	vld [tilespmem:s1+$0xFFFFFF30];
	[tilespmem:v3+s23+$0x0] =	vst.idx.msk $0xffff, v0;
	v0 =	vmul.f32 $8.000000000e+00, v45  }
0x4a7: {  	v6 =	vshll.u32 v6, v1;
	v16 =	vld [tilespmem:$0x1FEB0];
	[tilespmem:v4+s23+$0x0] =	vst.idx.msk $0xffff, v41  }
0x4a8: {  	v11 =	vshrl.u32 v11, $0x3;
	v20 =	vshrl.u32 v20, $0x3;
	v21 =	vshrl.u32 v21, $0x3;
	v10 =	vld [tilespmem:s1+$0xFFFFFFB0];
	[tilespmem:v8+s23+$0x0] =	vst.idx.msk $0xffff, v0  }
0x4a9: {  	v38 =	vbroadcast v6, $0x0;
	v58 =	vshll.u32 v11, v1;
	v11 =	vadd.s32 v18, v42;
	v0 =	vld [tilespmem:$0x1FE10]  }
0x4aa: {  	v44 =	vadd.s32 v22, v48;
	v48 =	vld [tilespmem:s1+$0x70];
	v23 =	vmul.f32 $8.000000000e+00, v23;
	v52 =	vshll.u32 v20, v1  }
0x4ab: {  	v26 =	vmovc v27;
	v45 =	vld [tilespmem:s1+$0x30];
	v3 =	vmul.f32 $8.000000000e+00, v5;
	v46 =	vadd.s32 v19, v31;
	v55 =	vshll.u32 v21, v1  }
0x4ac: {  	v30 =	vmovc v32;
	v53 =	vshll.u32 v54, v1;
	v54 =	vshll.u32 v56, v1;
	v56 =	vshll.u32 v43, v1;
	v43 =	vld [tilespmem:s1+$0x130]  }
0x4ad: {  	v29 =	vmov v17;
	v42 =	vadd.s32 v28, v49;
	v63 =	vadd.s32 v16, v40;
	v40 =	vld [tilespmem:s1+$0xF0];
	[tilespmem:v2+s23+$0x0] =	vst.idx.msk $0xffff, v3  }
0x4ae: {  	s0 =	sadd.s32 $0x180, s0;
	s11 =	simm.s32 $0x1F;
	s10 =	simm.s32 $0x20;
	v27 =	vmovc v15;
	v49 =	vmul.f32 $8.000000000e+00, v12;
	v41 =	vld [tilespmem:s1+$0xB0];
	[tilespmem:v11+s23+$0x0] =	vst.idx.msk $0xffff, v23;
	v47 =	vadd.s32 v0, v47;
	v0 =	vmul.f32 $8.000000000e+00, v10  }
.LBB2_15:
0x4af: {  	v24 =	vld [tilespmem:$0x1FF00]  }
0x4b0: {  	v4 =	vld [tilespmem:s1+$0x170]  }
0x4b1: {  	v22 =	vld [tilespmem:$0x1FF20]  }
0x4b2: {  	v7 =	vld [tilespmem:s1+$0x1B0]  }
0x4b3: {  	v8 =	vld [tilespmem:s1+$0xFFFFFE30]  }
0x4b4: {  	v32 =	vld [tilespmem:$0x1FE10]  }
0x4b5: {  	v9 =	vadd.s32 v18, v34;
	v18 =	vld [tilespmem:$0x1FFB0]  }
0x4b6: {  	v20 =	vld [tilespmem:$0x1FE20]  }
0x4b7: {  	v19 =	vld [tilespmem:$0x1FE30]  }
0x4b8: {  	v21 =	vld [tilespmem:$0x1FE40]  }
0x4b9: {  	v17 =	vld [tilespmem:$0x1FE80]  }
0x4ba: {  	v28 =	vld [tilespmem:$0x1FF70]  }
0x4bb: {  	v2 =	vmov s11;
	s1 =	sadd.s32 $0x400, s1;
	v31 =	vld [tilespmem:$0x1FF50]  }
0x4bc: {  	v2 =	vshrl.u32 v2, $0x3;
	v10 =	vld [tilespmem:s1+$0x1C0]  }
0x4bd: {  	[tilespmem:v63+s23+$0x0] =	vst.idx.msk $0xffff, v0;
	v11 =	vld [tilespmem:s1+$0xFFFFFE00];
	v2 =	vshll.u32 v2, v1;
	v0 =	vmul.f32 $8.000000000e+00, v45;
	v3 =	vadd.s32 v24, v35  }
0x4be: {  	[tilespmem:v44+s23+$0x0] =	vst.idx.msk $0xffff, v49;
	v14 =	vld [tilespmem:s1+$0xFFFFFE40];
	v63 =	vbroadcast v2, $0x0;
	v5 =	vmul.f32 $8.000000000e+00, v48;
	v6 =	vadd.s32 v22, v36  }
0x4bf: {  	v49 =	vadd.s32 v16, v37;
	v16 =	vld [tilespmem:$0x1FF80];
	v13 =	vadd.s32 v32, v33;
	[tilespmem:v47+s23+$0x0] =	vst.idx.msk $0xffff, v0;
	v0 =	vmul.f32 $8.000000000e+00, v41  }
0x4c0: {  	v37 =	vld [tilespmem:s1+$0xFFFFFEC0];
	v2 =	vmul.f32 $8.000000000e+00, v40;
	v15 =	vadd.s32 v18, v63;
	[tilespmem:v42+s23+$0x0] =	vst.idx.msk $0xffff, v5  }
0x4c1: {  	v40 =	vbroadcast v62, $0x0;
	v62 =	vld [tilespmem:s1+$0xFFFFFE80];
	[tilespmem:v46+s23+$0x0] =	vst.idx.msk $0xffff, v0;
	v0 =	vmul.f32 $8.000000000e+00, v43  }
0x4c2: {  	v45 =	vbroadcast v59, $0x0;
	v59 =	vld [tilespmem:s1+$0xFFFFFF80];
	v8 =	vmul.f32 $8.000000000e+00, v8;
	[tilespmem:v3+s23+$0x0] =	vst.idx.msk $0xffff, v2  }
0x4c3: {  	v33 =	vmovc v38;
	v38 =	vld [tilespmem:s1+$0xFFFFFF00];
	v36 =	vadd.s32 v25, v40;
	v41 =	vbroadcast v60, $0x0;
	v10 =	vmul.f32 $8.000000000e+00, v10;
	[tilespmem:v6+s23+$0x0] =	vst.idx.msk $0xffff, v0  }
0x4c4: {  	v43 =	vbroadcast v57, $0x0;
	v57 =	vld [tilespmem:s1+$0x40];
	v2 =	vmul.f32 $8.000000000e+00, v4;
	v3 =	vadd.s32 v16, v33;
	[tilespmem:v13+s23+$0x0] =	vst.idx.msk $0xffff, v8  }
0x4c5: {  	v46 =	vbroadcast v54, $0x0;
	v54 =	vld [tilespmem:$0x1FFD0];
	v0 =	vmul.f32 $8.000000000e+00, v7;
	[tilespmem:v15+s23+$0x0] =	vst.idx.msk $0xffff, v10  }
0x4c6: {  	v12 =	vshll.u32 v51, v1;
	v34 =	vmul.f32 $8.000000000e+00, v14;
	v10 =	vld [tilespmem:s1+$0x1D0];
	[tilespmem:v9+s23+$0x0] =	vst.idx.msk $0xffff, v2;
	v2 =	vadd.s32 v29, v45  }
0x4c7: {  	v42 =	vbroadcast v61, $0x0;
	v5 =	vadd.s32 v20, v41;
	v51 =	vld [tilespmem:s1+$0x100];
	[tilespmem:v49+s23+$0x0] =	vst.idx.msk $0xffff, v0;
	v0 =	vmul.f32 $8.000000000e+00, v11  }
0x4c8: {  	v44 =	vbroadcast v58, $0x0;
	[tilespmem:v36+s23+$0x0] =	vst.idx.msk $0xffff, v34;
	v11 =	vld [tilespmem:s1+$0xFFFFFF40]  }
0x4c9: {  	v35 =	vadd.s32 v19, v42;
	v4 =	vshll.u32 v50, v1;
	v50 =	vld [tilespmem:s1+$0xFFFFFE50];
	[tilespmem:v3+s23+$0x0] =	vst.idx.msk $0xffff, v0;
	v0 =	vmul.f32 $8.000000000e+00, v62  }
0x4ca: {  	v60 =	vmul.f32 $8.000000000e+00, v37;
	v3 =	vadd.s32 v21, v43;
	v62 =	vld [tilespmem:s1+$0xFFFFFFC0]  }
0x4cb: {  	v48 =	vbroadcast v52, $0x0;
	v61 =	vadd.s32 v17, v44;
	[tilespmem:v2+s23+$0x0] =	vst.idx.msk $0xffff, v0;
	v0 =	vmul.f32 $8.000000000e+00, v38;
	v38 =	vld [tilespmem:$0x1FEC0]  }
0x4cc: {  	v47 =	vbroadcast v55, $0x0;
	[tilespmem:v5+s23+$0x0] =	vst.idx.msk $0xffff, v60;
	v60 =	vld [tilespmem:s1+$0xC0]  }
0x4cd: {  	v55 =	vadd.s32 v18, v48;
	v49 =	vbroadcast v53, $0x0;
	v15 =	vld [tilespmem:s1+$0x140];
	v52 =	vmul.f32 $8.000000000e+00, v11  }
0x4ce: {  	v58 =	vadd.s32 v16, v47;
	v16 =	vld [tilespmem:s1+$0xFFFFFED0];
	[tilespmem:v35+s23+$0x0] =	vst.idx.msk $0xffff, v0;
	v0 =	vmul.f32 $8.000000000e+00, v59  }
0x4cf: {  	v2 =	vld [tilespmem:s1+$0x0];
	v35 =	vbroadcast v56, $0x0;
	[tilespmem:v3+s23+$0x0] =	vst.idx.msk $0xffff, v52;
	v3 =	vadd.s32 v25, v49  }
0x4d0: {  	v59 =	vld [tilespmem:s1+$0x80];
	[tilespmem:v61+s23+$0x0] =	vst.idx.msk $0xffff, v0;
	v0 =	vmul.f32 $8.000000000e+00, v62;
	v23 =	vadd.s32 v38, v63  }
0x4d1: {  	v36 =	vbroadcast v12, $0x0;
	v56 =	vld [tilespmem:$0x1FED0];
	v52 =	vadd.s32 v20, v35  }
0x4d2: {  	v18 =	vld [tilespmem:s1+$0xFFFFFF50];
	[tilespmem:v55+s23+$0x0] =	vst.idx.msk $0xffff, v0;
	v0 =	vmul.f32 $8.000000000e+00, v57  }
0x4d3: {  	v53 =	vadd.s32 v19, v36;
	v10 =	vmul.f32 $8.000000000e+00, v10;
	v19 =	vld [tilespmem:s1+$0xFFFFFF90]  }
0x4d4: {  	v34 =	vbroadcast v4, $0x0;
	v57 =	vld [tilespmem:$0x1FE90];
	[tilespmem:v3+s23+$0x0] =	vst.idx.msk $0xffff, v0;
	v0 =	vmul.f32 $8.000000000e+00, v60  }
0x4d5: {  	v61 =	vadd.s32 v29, v46;
	v62 =	vshll.u32 v39, v1;
	[tilespmem:v23+s23+$0x0] =	vst.idx.msk $0xffff, v10;
	v23 =	vld [tilespmem:s1+$0x180]  }
0x4d6: {  	v21 =	vadd.s32 v21, v34;
	v2 =	vmul.f32 $8.000000000e+00, v2;
	v37 =	vbroadcast v62, $0x0;
	[tilespmem:v52+s23+$0x0] =	vst.idx.msk $0xffff, v0;
	v52 =	vld [tilespmem:$0x1FFC0]  }
0x4d7: {  	v9 =	vld [tilespmem:s1+$0x1E0]  }
0x4d8: {  	v55 =	vld [tilespmem:$0x1FFE0];
	[tilespmem:v58+s23+$0x0] =	vst.idx.msk $0xffff, v2;
	v2 =	vmul.f32 $8.000000000e+00, v59;
	v60 =	vadd.s32 v17, v37  }
0x4d9: {  	v59 =	vld [tilespmem:s1+$0xFFFFFE90];
	v3 =	vadd.s32 v56, v63;
	v0 =	vmul.f32 $8.000000000e+00, v15  }
0x4da: {  	v58 =	vld [tilespmem:$0x1FE50];
	[tilespmem:v61+s23+$0x0] =	vst.idx.msk $0xffff, v2;
	v2 =	vmul.f32 $8.000000000e+00, v51;
	v61 =	vadd.s32 v26, v40  }
0x4db: {  	v17 =	vld [tilespmem:s1+$0xFFFFFF10];
	v15 =	vadd.s32 v30, v45;
	[tilespmem:v21+s23+$0x0] =	vst.idx.msk $0xffff, v0;
	v0 =	vmul.f32 $8.000000000e+00, v23  }
0x4dc: {  	v39 =	vmov s10;
	[tilespmem:v53+s23+$0x0] =	vst.idx.msk $0xffff, v2;
	v62 =	vadd.s32 v52, v41;
	v23 =	vld [tilespmem:$0x1FEE0];
	v2 =	vmul.f32 $8.000000000e+00, v9  }
0x4dd: {  	v5 =	vshrl.u32 v39, $0x3;
	v39 =	vmul.f32 $8.000000000e+00, v50;
	v50 =	vadd.s32 v54, v42;
	v9 =	vld [tilespmem:s1+$0xD0];
	[tilespmem:v60+s23+$0x0] =	vst.idx.msk $0xffff, v0  }
0x4de: {  	v60 =	vmul.f32 $8.000000000e+00, v16;
	v16 =	vld [tilespmem:s1+$0xFFFFFFD0];
	[tilespmem:v3+s23+$0x0] =	vst.idx.msk $0xffff, v2;
	v3 =	vmul.f32 $8.000000000e+00, v59  }
0x4df: {  	[tilespmem:v61+s23+$0x0] =	vst.idx.msk $0xffff, v39;
	v61 =	vadd.s32 v57, v44;
	v0 =	vld [tilespmem:s1+$0x1F0]  }
0x4e0: {  	[tilespmem:v15+s23+$0x0] =	vst.idx.msk $0xffff, v3;
	v3 =	vmul.f32 $8.000000000e+00, v17;
	v15 =	vld [tilespmem:s1+$0x10]  }
0x4e1: {  	v17 =	vadd.s32 v23, v63;
	[tilespmem:v62+s23+$0x0] =	vst.idx.msk $0xffff, v60;
	v62 =	vmul.f32 $8.000000000e+00, v18;
	v18 =	vld [tilespmem:s1+$0x50]  }
0x4e2: {  	v63 =	vadd.s32 v38, v48;
	[tilespmem:v50+s23+$0x0] =	vst.idx.msk $0xffff, v3;
	v3 =	vmul.f32 $8.000000000e+00, v19;
	v19 =	vld [tilespmem:s1+$0x90]  }
0x4e3: {  	v59 =	vadd.s32 v55, v47;
	v53 =	vld [tilespmem:s1+$0xFFFFFF20]  }
0x4e4: {  	v0 =	vmul.f32 $8.000000000e+00, v0;
	[tilespmem:v61+s23+$0x0] =	vst.idx.msk $0xffff, v3;
	v3 =	vmul.f32 $8.000000000e+00, v16;
	v16 =	vld [tilespmem:s1+$0x110]  }
0x4e5: {  	v51 =	vadd.s32 v58, v43;
	v61 =	vld [tilespmem:s1+$0x150]  }
0x4e6: {  	v6 =	vadd.s32 v26, v49;
	v15 =	vmul.f32 $8.000000000e+00, v15;
	[tilespmem:v17+s23+$0x0] =	vst.idx.msk $0xffff, v0;
	v17 =	vld [tilespmem:s1+$0x190]  }
0x4e7: {  	[tilespmem:v63+s23+$0x0] =	vst.idx.msk $0xffff, v3;
	v63 =	vld [tilespmem:s1+$0xFFFFFE10]  }
0x4e8: {  	v60 =	vadd.s32 v30, v46;
	[tilespmem:v59+s23+$0x0] =	vst.idx.msk $0xffff, v15;
	v59 =	vmul.f32 $8.000000000e+00, v19;
	v19 =	vld [tilespmem:s1+$0xFFFFFE60]  }
0x4e9: {  	s6 =	sadd.s32 $0x1, s10;
	v52 =	vadd.s32 v52, v35;
	v3 =	vmul.f32 $8.000000000e+00, v18;
	v15 =	vadd.s32 v58, v34;
	v58 =	vld [tilespmem:$0x1FF10]  }
0x4ea: {  	s11 =	sadd.s32 $0x6, s10;
	v14 =	vadd.s32 v27, v40;
	v8 =	vmov s6;
	[tilespmem:v51+s23+$0x0] =	vst.idx.msk $0xffff, v62;
	v62 =	vadd.s32 v54, v36;
	v11 =	vld [tilespmem:s1+$0xFFFFFFE0]  }
0x4eb: {  	s12 =	sadd.s32 $0x2, s10;
	s13 =	sadd.s32 $0x3, s10;
	v7 =	vmov s11;
	[tilespmem:v6+s23+$0x0] =	vst.idx.msk $0xffff, v3;
	v3 =	vmul.f32 $8.000000000e+00, v9;
	v9 =	vadd.s32 v55, v33;
	v55 =	vld [tilespmem:s1+$0xFFFFFEA0]  }
0x4ec: {  	v12 =	vmov s12;
	v4 =	vmov s13;
	s12 =	sadd.s32 $0x7, s10;
	v6 =	vadd.s32 v57, v37;
	v57 =	vld [tilespmem:$0x1FFF0]  }
0x4ed: {  	v8 =	vshrl.u32 v8, $0x3;
	v20 =	vmov s12;
	[tilespmem:v60+s23+$0x0] =	vst.idx.msk $0xffff, v59;
	v60 =	vmul.f32 $8.000000000e+00, v16;
	v16 =	vld [tilespmem:s1+$0xFFFFFEE0]  }
0x4ee: {  	v12 =	vshrl.u32 v12, $0x3;
	v13 =	vshrl.u32 v20, $0x3;
	v59 =	vld [tilespmem:$0x1FE60];
	[tilespmem:v52+s23+$0x0] =	vst.idx.msk $0xffff, v3;
	v3 =	vmul.f32 $8.000000000e+00, v61  }
0x4ef: {  	s14 =	sadd.s32 $0x4, s10;
	s13 =	sadd.s32 $0x8, s10;
	v52 =	vadd.s32 v28, v45;
	[tilespmem:v62+s23+$0x0] =	vst.idx.msk $0xffff, v60;
	v61 =	vmul.f32 $8.000000000e+00, v17;
	v62 =	vmul.f32 $8.000000000e+00, v63;
	v63 =	vld [tilespmem:s1+$0xFFFFFF60]  }
0x4f0: {  	s7 =	sadd.s32 $0x5, s10;
	v10 =	vmov s14;
	v21 =	vmov s13;
	[tilespmem:v15+s23+$0x0] =	vst.idx.msk $0xffff, v3;
	v3 =	vmul.f32 $8.000000000e+00, v19;
	v19 =	vld [tilespmem:s1+$0xFFFFFFA0]  }
0x4f1: {  	v2 =	vmov s7;
	s7 =	sadd.s32 $0xA, s10;
	v17 =	vadd.s32 v57, v41;
	[tilespmem:v6+s23+$0x0] =	vst.idx.msk $0xffff, v61;
	v60 =	vmul.f32 $8.000000000e+00, v55;
	v55 =	vld [tilespmem:$0x1FEA0]  }
0x4f2: {  	s14 =	sadd.s32 $0x9, s10;
	v20 =	vshrl.u32 v21, $0x3;
	v39 =	vmov s7;
	v15 =	vadd.s32 v58, v42;
	[tilespmem:v9+s23+$0x0] =	vst.idx.msk $0xffff, v62;
	v61 =	vld [tilespmem:s1+$0xA0]  }
0x4f3: {  	v38 =	vmov s14;
	s14 =	sadd.s32 $0xE, s10;
	v9 =	vadd.s32 v59, v43;
	[tilespmem:v14+s23+$0x0] =	vst.idx.msk $0xffff, v3;
	v3 =	vmul.f32 $8.000000000e+00, v16;
	v16 =	vld [tilespmem:s1+$0x20]  }
0x4f4: {  	v21 =	vadd.s32 v56, v48;
	v54 =	vshrl.u32 v39, $0x3;
	v18 =	vmov s14;
	[tilespmem:v52+s23+$0x0] =	vst.idx.msk $0xffff, v60;
	v60 =	vld [tilespmem:$0x1FE00]  }
0x4f5: {  	v39 =	vshrl.u32 v18, $0x3;
	v6 =	vshrl.u32 v7, $0x3;
	v7 =	vmul.f32 $8.000000000e+00, v53;
	v18 =	vld [tilespmem:s1+$0xFFFFFE20]  }
0x4f6: {  	v4 =	vshrl.u32 v4, $0x3;
	v5 =	vshll.u32 v5, v1;
	v52 =	vld [tilespmem:s1+$0x60];
	[tilespmem:v17+s23+$0x0] =	vst.idx.msk $0xffff, v3;
	v3 =	vmul.f32 $8.000000000e+00, v63  }
0x4f7: {  	s11 =	sadd.s32 $0xB, s10;
	v10 =	vshrl.u32 v10, $0x3;
	[tilespmem:v15+s23+$0x0] =	vst.idx.msk $0xffff, v7;
	v62 =	vmul.f32 $8.000000000e+00, v19;
	v19 =	vld [tilespmem:s1+$0xE0];
	v14 =	vadd.s32 v55, v44  }
0x4f8: {  	v50 =	vmov s11;
	v15 =	vadd.s32 v27, v49;
	[tilespmem:v9+s23+$0x0] =	vst.idx.msk $0xffff, v3;
	v3 =	vmul.f32 $8.000000000e+00, v11;
	v11 =	vld [tilespmem:s1+$0x120]  }
0x4f9: {  	s13 =	sadd.s32 $0xD, s10;
	v53 =	vshrl.u32 v38, $0x3;
	v38 =	vbroadcast v5, $0x0;
	v5 =	vld [tilespmem:s1+$0xFFFFFE70];
	v17 =	vadd.s32 v60, v47  }
0x4fa: {  	v56 =	vshrl.u32 v50, $0x3;
	v0 =	vmov s13;
	[tilespmem:v21+s23+$0x0] =	vst.idx.msk $0xffff, v3;
	v3 =	vadd.s32 v58, v36;
	v21 =	vld [tilespmem:s1+$0x1A0]  }
0x4fb: {  	v50 =	vshrl.u32 v0, $0x3;
	v9 =	vadd.s32 v28, v46;
	v0 =	vmul.f32 $8.000000000e+00, v52;
	v28 =	vld [tilespmem:$0x1FEF0]  }
0x4fc: {  	v54 =	vshll.u32 v54, v1;
	v63 =	vmul.f32 $8.000000000e+00, v16;
	v16 =	vld [tilespmem:s1+$0x160];
	[tilespmem:v14+s23+$0x0] =	vst.idx.msk $0xffff, v62;
	v14 =	vadd.s32 v57, v35  }
0x4fd: {  	[tilespmem:v15+s23+$0x0] =	vst.idx.msk $0xffff, v0;
	v0 =	vmul.f32 $8.000000000e+00, v19;
	v15 =	vadd.s32 v55, v37;
	v19 =	vld [tilespmem:s1+$0xFFFFFEB0];
	v55 =	vmul.f32 $8.000000000e+00, v11  }
0x4fe: {  	v52 =	vadd.s32 v60, v33;
	v60 =	vshll.u32 v4, v1;
	v58 =	vmul.f32 $8.000000000e+00, v61;
	[tilespmem:v17+s23+$0x0] =	vst.idx.msk $0xffff, v63;
	v11 =	vld [tilespmem:s1+$0xFFFFFEF0]  }
0x4ff: {  	v17 =	vadd.s32 v59, v34;
	[tilespmem:v3+s23+$0x0] =	vst.idx.msk $0xffff, v55;
	v3 =	vmul.f32 $8.000000000e+00, v21;
	v21 =	vmul.f32 $8.000000000e+00, v18;
	v18 =	vld [tilespmem:$0x1FE70]  }
0x500: {  	s12 =	sadd.s32 $0xC, s10;
	v2 =	vshrl.u32 v2, $0x3;
	[tilespmem:v9+s23+$0x0] =	vst.idx.msk $0xffff, v58;
	v59 =	vshll.u32 v12, v1;
	v4 =	vadd.s32 v28, v45;
	v12 =	vld [tilespmem:s1+$0xFFFFFF30]  }
0x501: {  	v51 =	vmov s12;
	v9 =	vadd.s32 v31, v40;
	v40 =	vadd.s32 v24, v41;
	v41 =	vld [tilespmem:s1+$0xFFFFFF70];
	[tilespmem:v14+s23+$0x0] =	vst.idx.msk $0xffff, v0  }
0x502: {  	v57 =	vshll.u32 v2, v1;
	v2 =	vadd.s32 v22, v42;
	v0 =	vmul.f32 $8.000000000e+00, v16;
	v16 =	vld [tilespmem:$0x1FEB0];
	[tilespmem:v15+s23+$0x0] =	vst.idx.msk $0xffff, v3  }
0x503: {  	v56 =	vshll.u32 v56, v1;
	v53 =	vshll.u32 v53, v1;
	v22 =	vld [tilespmem:s1+$0xFFFFFFF0];
	[tilespmem:v52+s23+$0x0] =	vst.idx.msk $0xffff, v21;
	v3 =	vmul.f32 $8.000000000e+00, v19  }
0x504: {  	p0 =	slt.u32 s10, $0x70;
	v47 =	vadd.s32 v32, v47;
	[tilespmem:v17+s23+$0x0] =	vst.idx.msk $0xffff, v0;
	v0 =	vmul.f32 $8.000000000e+00, v5;
	v5 =	vld [tilespmem:s1+$0xFFFFFFB0];
	v21 =	vadd.s32 v18, v43  }
.Ltmp8:
0x505: {  	v61 =	vshll.u32 v10, v1;
	v62 =	vshll.u32 v8, v1;
	v45 =	vld [tilespmem:s1+$0x30];
	[tilespmem:v4+s23+$0x0] =	vst.idx.msk $0xffff, v3;
	v3 =	vmul.f32 $8.000000000e+00, v12;
	(pc) =	sbr.rel @p0 .LBB2_15-.Ltmp8, $4  }
0x506: {  	v42 =	vadd.s32 v31, v49;
	v58 =	vshll.u32 v6, v1;
	[tilespmem:v9+s23+$0x0] =	vst.idx.msk $0xffff, v0;
	v0 =	vmul.f32 $8.000000000e+00, v11;
	v43 =	vld [tilespmem:s1+$0x130]  }
0x507: {  	v63 =	vadd.s32 v16, v44;
	v44 =	vadd.s32 v23, v48;
	v48 =	vld [tilespmem:s1+$0x70];
	v23 =	vmul.f32 $8.000000000e+00, v41;
	[tilespmem:v2+s23+$0x0] =	vst.idx.msk $0xffff, v3  }
0x508: {  	v51 =	vshrl.u32 v51, $0x3;
	v46 =	vadd.s32 v28, v46;
	v55 =	vshll.u32 v20, v1;
	v41 =	vld [tilespmem:s1+$0xB0];
	[tilespmem:v40+s23+$0x0] =	vst.idx.msk $0xffff, v0  }
0x509: {  	s11 =	sadd.s32 $0xF, s10;
	s10 =	sadd.s32 $0x10, s10;
	v49 =	vmul.f32 $8.000000000e+00, v22;
	v52 =	vshll.u32 v13, v1;
	v40 =	vld [tilespmem:s1+$0xF0];
	v0 =	vmul.f32 $8.000000000e+00, v5;
	[tilespmem:v21+s23+$0x0] =	vst.idx.msk $0xffff, v23  }
0x50a: {  	_ =	sdelay $0x3  }
0x50b: {  	[tilespmem:v63+s23+$0x0] =	vst.idx.msk $0xffff, v0  }
0x50c: {  	v63 =	vld [tilespmem:$0x1FF00];
	[tilespmem:v44+s23+$0x0] =	vst.idx.msk $0xffff, v49  }
0x50d: {  	v2 =	vmul.f32 $8.000000000e+00, v45;
	v17 =	vld [tilespmem:$0x1FF20]  }
0x50e: {  	v5 =	vmul.f32 $8.000000000e+00, v48  }
0x50f: {  	[tilespmem:v47+s23+$0x0] =	vst.idx.msk $0xffff, v2;
	v8 =	vmul.f32 $8.000000000e+00, v41  }
0x510: {  	[tilespmem:v42+s23+$0x0] =	vst.idx.msk $0xffff, v5  }
0x511: {  	[tilespmem:v46+s23+$0x0] =	vst.idx.msk $0xffff, v8;
	v3 =	vadd.s32 v63, v35  }
0x512: {  	v32 =	vld [tilespmem:$0x1FE10];
	v6 =	vadd.s32 v17, v36  }
0x513: {  	v4 =	vld [tilespmem:s1+$0x170]  }
0x514: {  	v7 =	vld [tilespmem:s1+$0x1B0];
	v10 =	vmul.f32 $8.000000000e+00, v40  }
0x515: {  	v9 =	vadd.s32 v18, v34;
	v14 =	vmul.f32 $8.000000000e+00, v43;
	v2 =	vld [tilespmem:s1+$0xFFFFFE30]  }
0x516: {  	v11 =	vadd.s32 v16, v37;
	[tilespmem:v3+s23+$0x0] =	vst.idx.msk $0xffff, v10  }
0x517: {  	v12 =	vshll.u32 v51, v1;
	v0 =	vmov s11;
	v13 =	vadd.s32 v32, v33;
	v51 =	vld [tilespmem:$0x1FFB0];
	[tilespmem:v6+s23+$0x0] =	vst.idx.msk $0xffff, v14  }
0x518: {  	v0 =	vshrl.u32 v0, $0x3;
	v4 =	vmul.f32 $8.000000000e+00, v4;
	v21 =	vld [tilespmem:$0x1FF80]  }
0x519: {  	s13 =	sadd.s32 $0x400, s1;
	v0 =	vshll.u32 v0, v1;
	v7 =	vmul.f32 $8.000000000e+00, v7  }
0x51a: {  	v41 =	vld [tilespmem:s13+$0x1C0];
	v0 =	vbroadcast v0, $0x0;
	v2 =	vmul.f32 $8.000000000e+00, v2;
	[tilespmem:v9+s23+$0x0] =	vst.idx.msk $0xffff, v4  }
0x51b: {  	v42 =	vld [tilespmem:s13+$0xFFFFFE00];
	[tilespmem:v11+s23+$0x0] =	vst.idx.msk $0xffff, v7  }
0x51c: {  	v3 =	vld [tilespmem:s13+$0xFFFFFE40];
	[tilespmem:v13+s23+$0x0] =	vst.idx.msk $0xffff, v2;
	v43 =	vadd.s32 v51, v0  }
0x51d: {  	v33 =	vbroadcast v62, $0x0;
	v47 =	vld [tilespmem:$0x1FE20];
	v48 =	vadd.s32 v21, v38  }
0x51e: {  	v34 =	vbroadcast v59, $0x0;
	v59 =	vld [tilespmem:s13+$0xFFFFFEC0]  }
0x51f: {  	v49 =	vld [tilespmem:s13+$0xFFFFFE80];
	v5 =	vmul.f32 $8.000000000e+00, v41;
	v4 =	vadd.s32 v25, v33  }
0x520: {  	v35 =	vbroadcast v60, $0x0;
	v60 =	vld [tilespmem:s13+$0xFFFFFFC0];
	v8 =	vmul.f32 $8.000000000e+00, v42  }
0x521: {  	v62 =	vld [tilespmem:s13+$0xFFFFFF40];
	v7 =	vadd.s32 v29, v34;
	[tilespmem:v43+s23+$0x0] =	vst.idx.msk $0xffff, v5  }
0x522: {  	v3 =	vmul.f32 $8.000000000e+00, v3;
	v2 =	vadd.s32 v47, v35;
	v19 =	vld [tilespmem:$0x1FE30];
	[tilespmem:v48+s23+$0x0] =	vst.idx.msk $0xffff, v8  }
0x523: {  	v48 =	vld [tilespmem:$0x1FE40]  }
0x524: {  	v37 =	vbroadcast v57, $0x0;
	v57 =	vmul.f32 $8.000000000e+00, v49;
	v11 =	vld [tilespmem:s13+$0xFFFFFF00];
	[tilespmem:v4+s23+$0x0] =	vst.idx.msk $0xffff, v3  }
0x525: {  	v41 =	vbroadcast v52, $0x0;
	v3 =	vmul.f32 $8.000000000e+00, v59;
	v49 =	vld [tilespmem:$0x1FE80]  }
0x526: {  	[tilespmem:v7+s23+$0x0] =	vst.idx.msk $0xffff, v57;
	v7 =	vld [tilespmem:s13+$0x0]  }
0x527: {  	v42 =	vbroadcast v55, $0x0;
	v23 =	vld [tilespmem:$0x1FEC0];
	[tilespmem:v2+s23+$0x0] =	vst.idx.msk $0xffff, v3;
	v3 =	vadd.s32 v51, v41  }
0x528: {  	v40 =	vbroadcast v58, $0x0;
	v36 =	vbroadcast v61, $0x0;
	v58 =	vadd.s32 v48, v37  }
0x529: {  	v46 =	vld [tilespmem:s13+$0xFFFFFF80];
	v14 =	vshll.u32 v50, v1;
	v50 =	vadd.s32 v21, v42  }
0x52a: {  	v60 =	vmul.f32 $8.000000000e+00, v60;
	v15 =	vld [tilespmem:s13+$0x1D0];
	v45 =	vadd.s32 v19, v36  }
0x52b: {  	v13 =	vld [tilespmem:s13+$0x40];
	v43 =	vbroadcast v53, $0x0;
	v2 =	vmul.f32 $8.000000000e+00, v62;
	v59 =	vadd.s32 v49, v40  }
0x52c: {  	v61 =	vmul.f32 $8.000000000e+00, v11;
	v7 =	vmul.f32 $8.000000000e+00, v7;
	v11 =	vadd.s32 v23, v0;
	[tilespmem:v3+s23+$0x0] =	vst.idx.msk $0xffff, v60  }
0x52d: {  	[tilespmem:v58+s23+$0x0] =	vst.idx.msk $0xffff, v2;
	v2 =	vadd.s32 v25, v43  }
0x52e: {  	v52 =	vld [tilespmem:s13+$0x80];
	v62 =	vmul.f32 $8.000000000e+00, v46;
	[tilespmem:v50+s23+$0x0] =	vst.idx.msk $0xffff, v7  }
0x52f: {  	v15 =	vmul.f32 $8.000000000e+00, v15;
	[tilespmem:v45+s23+$0x0] =	vst.idx.msk $0xffff, v61  }
0x530: {  	v3 =	vmul.f32 $8.000000000e+00, v13;
	[tilespmem:v59+s23+$0x0] =	vst.idx.msk $0xffff, v62  }
0x531: {  	[tilespmem:v11+s23+$0x0] =	vst.idx.msk $0xffff, v15  }
0x532: {  	v44 =	vbroadcast v54, $0x0;
	v53 =	vld [tilespmem:s13+$0xC0];
	[tilespmem:v2+s23+$0x0] =	vst.idx.msk $0xffff, v3  }
0x533: {  	v50 =	vmul.f32 $8.000000000e+00, v52;
	v45 =	vbroadcast v56, $0x0;
	v52 =	vld [tilespmem:$0x1FED0]  }
0x534: {  	v46 =	vbroadcast v12, $0x0;
	v61 =	vadd.s32 v29, v44;
	v62 =	vld [tilespmem:s13+$0x100]  }
0x535: {  	v12 =	vld [tilespmem:s13+$0x140];
	v11 =	vadd.s32 v47, v45;
	v47 =	vbroadcast v14, $0x0  }
0x536: {  	v4 =	vadd.s32 v19, v46;
	v14 =	vld [tilespmem:s13+$0x1E0]  }
0x537: {  	v57 =	vadd.s32 v48, v47  }
0x538: {  	v3 =	vmul.f32 $8.000000000e+00, v53;
	v59 =	vadd.s32 v52, v0  }
0x539: {  	[tilespmem:v61+s23+$0x0] =	vst.idx.msk $0xffff, v50;
	v61 =	vmul.f32 $8.000000000e+00, v62  }
0x53a: {  	v12 =	vmul.f32 $8.000000000e+00, v12;
	[tilespmem:v11+s23+$0x0] =	vst.idx.msk $0xffff, v3  }
0x53b: {  	v58 =	vld [tilespmem:s13+$0x180];
	[tilespmem:v4+s23+$0x0] =	vst.idx.msk $0xffff, v61;
	v55 =	vmul.f32 $8.000000000e+00, v14  }
0x53c: {  	v39 =	vshll.u32 v39, v1;
	v2 =	vld [tilespmem:s13+$0xFFFFFE50];
	[tilespmem:v57+s23+$0x0] =	vst.idx.msk $0xffff, v12  }
0x53d: {  	v39 =	vbroadcast v39, $0x0;
	v31 =	vld [tilespmem:$0x1FFC0];
	[tilespmem:v59+s23+$0x0] =	vst.idx.msk $0xffff, v55  }
0x53e: {  	v28 =	vld [tilespmem:$0x1FFD0]  }
0x53f: {  	v60 =	vld [tilespmem:s13+$0xFFFFFE90];
	v62 =	vadd.s32 v49, v39  }
0x540: {  	v48 =	vld [tilespmem:s13+$0xFFFFFED0];
	v3 =	vadd.s32 v26, v33  }
0x541: {  	v49 =	vadd.s32 v30, v34;
	v50 =	vld [tilespmem:s13+$0xFFFFFF10]  }
0x542: {  	v10 =	vmul.f32 $8.000000000e+00, v58;
	v7 =	vadd.s32 v31, v35  }
0x543: {  	v2 =	vmul.f32 $8.000000000e+00, v2;
	v58 =	vadd.s32 v28, v36  }
0x544: {  	v5 =	vmul.f32 $8.000000000e+00, v60;
	v57 =	vld [tilespmem:s13+$0xFFFFFF50];
	[tilespmem:v62+s23+$0x0] =	vst.idx.msk $0xffff, v10  }
0x545: {  	v14 =	vld [tilespmem:$0x1FE50];
	[tilespmem:v3+s23+$0x0] =	vst.idx.msk $0xffff, v2;
	v2 =	vmul.f32 $8.000000000e+00, v48  }
0x546: {  	v62 =	vmul.f32 $8.000000000e+00, v50;
	v54 =	vld [tilespmem:$0x1FE90];
	[tilespmem:v49+s23+$0x0] =	vst.idx.msk $0xffff, v5  }
0x547: {  	v50 =	vld [tilespmem:$0x1FEE0];
	[tilespmem:v7+s23+$0x0] =	vst.idx.msk $0xffff, v2  }
0x548: {  	v59 =	vld [tilespmem:s13+$0xFFFFFF90];
	[tilespmem:v58+s23+$0x0] =	vst.idx.msk $0xffff, v62  }
0x549: {  	v56 =	vmov v29;
	v29 =	vld [tilespmem:$0x1FFE0]  }
0x54a: {  	v10 =	vld [tilespmem:s13+$0x1F0];
	v60 =	vadd.s32 v14, v37  }
0x54b: {  	v61 =	vld [tilespmem:s13+$0xFFFFFFD0];
	v3 =	vadd.s32 v54, v40  }
0x54c: {  	v5 =	vld [tilespmem:s13+$0x10];
	v0 =	vadd.s32 v50, v0  }
0x54d: {  	v53 =	vadd.s32 v23, v41;
	v55 =	vld [tilespmem:s13+$0x50];
	v2 =	vmul.f32 $8.000000000e+00, v57  }
0x54e: {  	v57 =	vmul.f32 $8.000000000e+00, v59;
	v59 =	vld [tilespmem:s13+$0x90];
	v58 =	vadd.s32 v29, v42  }
0x54f: {  	v10 =	vmul.f32 $8.000000000e+00, v10;
	v62 =	vld [tilespmem:s13+$0x110];
	[tilespmem:v60+s23+$0x0] =	vst.idx.msk $0xffff, v2;
	v2 =	vadd.s32 v26, v43  }
0x550: {  	v60 =	vld [tilespmem:s13+$0xD0];
	[tilespmem:v3+s23+$0x0] =	vst.idx.msk $0xffff, v57;
	v3 =	vmul.f32 $8.000000000e+00, v61;
	v61 =	vadd.s32 v30, v44  }
0x551: {  	v48 =	vld [tilespmem:s13+$0x150];
	v49 =	vadd.s32 v28, v46;
	v5 =	vmul.f32 $8.000000000e+00, v5;
	[tilespmem:v0+s23+$0x0] =	vst.idx.msk $0xffff, v10  }
0x552: {  	v0 =	vadd.s32 v31, v45;
	[tilespmem:v53+s23+$0x0] =	vst.idx.msk $0xffff, v3;
	v3 =	vmul.f32 $8.000000000e+00, v55  }
0x553: {  	v57 =	vmul.f32 $8.000000000e+00, v59;
	[tilespmem:v58+s23+$0x0] =	vst.idx.msk $0xffff, v5;
	v58 =	vadd.s32 v14, v47  }
0x554: {  	v53 =	vld [tilespmem:s13+$0x190];
	v11 =	vmul.f32 $8.000000000e+00, v62;
	[tilespmem:v2+s23+$0x0] =	vst.idx.msk $0xffff, v3  }
0x555: {  	v55 =	vld [tilespmem:s13+$0xFFFFFE10];
	v3 =	vmul.f32 $8.000000000e+00, v60;
	[tilespmem:v61+s23+$0x0] =	vst.idx.msk $0xffff, v57  }
0x556: {  	v59 =	vadd.s32 v54, v39;
	v10 =	vmul.f32 $8.000000000e+00, v48;
	v2 =	vld [tilespmem:s13+$0xFFFFFE60];
	[tilespmem:v49+s23+$0x0] =	vst.idx.msk $0xffff, v11  }
0x557: {  	v48 =	vld [tilespmem:s13+$0xFFFFFF20];
	v60 =	vadd.s32 v29, v38;
	[tilespmem:v0+s23+$0x0] =	vst.idx.msk $0xffff, v3  }
0x558: {  	v0 =	vadd.s32 v27, v33;
	v24 =	vld [tilespmem:$0x1FF70];
	[tilespmem:v58+s23+$0x0] =	vst.idx.msk $0xffff, v10  }
0x559: {  	v7 =	vmul.f32 $8.000000000e+00, v53;
	v26 =	vld [tilespmem:$0x1FFF0]  }
0x55a: {  	v61 =	vld [tilespmem:s13+$0xFFFFFEA0];
	v5 =	vmul.f32 $8.000000000e+00, v55  }
0x55b: {  	v3 =	vld [tilespmem:s13+$0xFFFFFEE0];
	v2 =	vmul.f32 $8.000000000e+00, v2;
	[tilespmem:v59+s23+$0x0] =	vst.idx.msk $0xffff, v7  }
0x55c: {  	v20 =	vmov v16;
	v16 =	vmov v25;
	v25 =	vld [tilespmem:$0x1FF10];
	[tilespmem:v60+s23+$0x0] =	vst.idx.msk $0xffff, v5  }
0x55d: {  	v62 =	vadd.s32 v24, v34;
	v15 =	vld [tilespmem:$0x1FE60];
	[tilespmem:v0+s23+$0x0] =	vst.idx.msk $0xffff, v2  }
0x55e: {  	v53 =	vld [tilespmem:$0x1FEA0];
	v10 =	vadd.s32 v26, v35  }
0x55f: {  	v49 =	vld [tilespmem:s13+$0xFFFFFF60]  }
0x560: {  	v57 =	vld [tilespmem:s13+$0xFFFFFFA0];
	v58 =	vmul.f32 $8.000000000e+00, v61  }
0x561: {  	v61 =	vmul.f32 $8.000000000e+00, v48;
	v48 =	vld [tilespmem:s13+$0x60];
	v0 =	vmul.f32 $8.000000000e+00, v3  }
0x562: {  	v60 =	vld [tilespmem:s13+$0xFFFFFFE0];
	[tilespmem:v62+s23+$0x0] =	vst.idx.msk $0xffff, v58;
	v59 =	vadd.s32 v15, v37  }
0x563: {  	v3 =	vld [tilespmem:s13+$0x20];
	v2 =	vadd.s32 v53, v40;
	[tilespmem:v10+s23+$0x0] =	vst.idx.msk $0xffff, v0  }
0x564: {  	v62 =	vadd.s32 v52, v41;
	v22 =	vld [tilespmem:$0x1FE00]  }
0x565: {  	v52 =	vld [tilespmem:s13+$0xA0];
	v7 =	vadd.s32 v25, v36;
	v0 =	vmul.f32 $8.000000000e+00, v49  }
0x566: {  	v55 =	vadd.s32 v27, v43;
	v54 =	vmul.f32 $8.000000000e+00, v57;
	v57 =	vld [tilespmem:s13+$0xE0]  }
0x567: {  	v58 =	vadd.s32 v24, v44;
	[tilespmem:v59+s23+$0x0] =	vst.idx.msk $0xffff, v0;
	v0 =	vmul.f32 $8.000000000e+00, v60  }
0x568: {  	v59 =	vld [tilespmem:s13+$0x120];
	[tilespmem:v2+s23+$0x0] =	vst.idx.msk $0xffff, v54;
	v2 =	vmul.f32 $8.000000000e+00, v3;
	v3 =	vadd.s32 v26, v45  }
0x569: {  	[tilespmem:v62+s23+$0x0] =	vst.idx.msk $0xffff, v0;
	v0 =	vmul.f32 $8.000000000e+00, v48;
	v49 =	vadd.s32 v22, v42  }
0x56a: {  	[tilespmem:v7+s23+$0x0] =	vst.idx.msk $0xffff, v61;
	v61 =	vadd.s32 v25, v46;
	v48 =	vmul.f32 $8.000000000e+00, v52  }
0x56b: {  	v52 =	vmul.f32 $8.000000000e+00, v57;
	[tilespmem:v55+s23+$0x0] =	vst.idx.msk $0xffff, v0  }
0x56c: {  	[tilespmem:v58+s23+$0x0] =	vst.idx.msk $0xffff, v48  }
0x56d: {  	v60 =	vld [tilespmem:s13+$0x160];
	v8 =	vmul.f32 $8.000000000e+00, v59;
	[tilespmem:v3+s23+$0x0] =	vst.idx.msk $0xffff, v52  }
0x56e: {  	v62 =	vld [tilespmem:s13+$0x1A0];
	[tilespmem:v49+s23+$0x0] =	vst.idx.msk $0xffff, v2  }
0x56f: {  	v24 =	vld [tilespmem:$0x1FF50];
	[tilespmem:v61+s23+$0x0] =	vst.idx.msk $0xffff, v8  }
0x570: {  	v55 =	vadd.s32 v22, v38;
	v22 =	vld [tilespmem:$0x1FEF0]  }
0x571: {  	v54 =	vadd.s32 v53, v39;
	v2 =	vld [tilespmem:s13+$0xFFFFFE20]  }
0x572: {  	v0 =	vld [tilespmem:s13+$0xFFFFFE70];
	v49 =	vadd.s32 v15, v47  }
0x573: {  	v57 =	vld [tilespmem:s13+$0xFFFFFEB0]  }
0x574: {  	v58 =	vld [tilespmem:s13+$0xFFFFFEF0];
	v11 =	vmul.f32 $8.000000000e+00, v62;
	v3 =	vadd.s32 v24, v33  }
0x575: {  	v4 =	vmul.f32 $8.000000000e+00, v60;
	v60 =	vld [tilespmem:s13+$0xFFFFFF30];
	v59 =	vadd.s32 v22, v34  }
0x576: {  	v62 =	vld [tilespmem:s13+$0xFFFFFF70];
	v61 =	vadd.s32 v63, v35;
	[tilespmem:v54+s23+$0x0] =	vst.idx.msk $0xffff, v11;
	v2 =	vmul.f32 $8.000000000e+00, v2  }
0x577: {  	v0 =	vmul.f32 $8.000000000e+00, v0;
	[tilespmem:v49+s23+$0x0] =	vst.idx.msk $0xffff, v4;
	v33 =	vadd.s32 v17, v36;
	v34 =	vld [tilespmem:s13+$0xFFFFFFB0]  }
0x578: {  	v35 =	vadd.s32 v18, v37;
	v36 =	vld [tilespmem:s13+$0xFFFFFFF0];
	[tilespmem:v55+s23+$0x0] =	vst.idx.msk $0xffff, v2;
	v2 =	vmul.f32 $8.000000000e+00, v57  }
0x579: {  	v37 =	vld [tilespmem:s13+$0x30];
	[tilespmem:v3+s23+$0x0] =	vst.idx.msk $0xffff, v0;
	v0 =	vmul.f32 $8.000000000e+00, v58;
	v3 =	vadd.s32 v20, v40  }
0x57a: {  	v40 =	vadd.s32 v50, v41;
	v41 =	vld [tilespmem:s13+$0x70];
	[tilespmem:v59+s23+$0x0] =	vst.idx.msk $0xffff, v2;
	v2 =	vmul.f32 $8.000000000e+00, v60  }
0x57b: {  	v48 =	vadd.s32 v32, v42;
	v49 =	vld [tilespmem:s13+$0xB0];
	[tilespmem:v61+s23+$0x0] =	vst.idx.msk $0xffff, v0;
	v0 =	vmul.f32 $8.000000000e+00, v62  }
0x57c: {  	v52 =	vld [tilespmem:s13+$0xF0];
	v50 =	vadd.s32 v24, v43;
	[tilespmem:v33+s23+$0x0] =	vst.idx.msk $0xffff, v2;
	v2 =	vmul.f32 $8.000000000e+00, v34  }
0x57d: {  	v54 =	vld [tilespmem:s13+$0x130];
	v53 =	vadd.s32 v22, v44;
	[tilespmem:v35+s23+$0x0] =	vst.idx.msk $0xffff, v0;
	v0 =	vmul.f32 $8.000000000e+00, v36  }
0x57e: {  	v55 =	vld [tilespmem:s13+$0x170];
	[tilespmem:v3+s23+$0x0] =	vst.idx.msk $0xffff, v2;
	v2 =	vmul.f32 $8.000000000e+00, v37;
	v3 =	vadd.s32 v63, v45  }
0x57f: {  	v57 =	vadd.s32 v17, v46;
	v58 =	vld [tilespmem:s13+$0x1B0];
	[tilespmem:v40+s23+$0x0] =	vst.idx.msk $0xffff, v0;
	v0 =	vmul.f32 $8.000000000e+00, v41  }
0x580: {  	v59 =	vmul.f32 $8.000000000e+00, v49;
	v60 =	vadd.s32 v18, v47;
	[tilespmem:v48+s23+$0x0] =	vst.idx.msk $0xffff, v2;
	v2 =	vld [tilespmem:s13+$0xFFFFFE30]  }
0x581: {  	v61 =	vadd.s32 v20, v39;
	[tilespmem:v50+s23+$0x0] =	vst.idx.msk $0xffff, v0;
	v0 =	vmul.f32 $8.000000000e+00, v52  }
0x582: {  	v62 =	vadd.s32 v32, v38;
	[tilespmem:v53+s23+$0x0] =	vst.idx.msk $0xffff, v59;
	v63 =	vmul.f32 $8.000000000e+00, v54  }
0x583: {  	[tilespmem:v3+s23+$0x0] =	vst.idx.msk $0xffff, v0;
	v0 =	vmul.f32 $8.000000000e+00, v55  }
0x584: {  	[tilespmem:v57+s23+$0x0] =	vst.idx.msk $0xffff, v63;
	v3 =	vmul.f32 $8.000000000e+00, v58  }
0x585: {  	s14 =	sshll.u32 s0, $0x3;
	s6 =	sand.u32 $0xF80, s0;
	[tilespmem:v60+s23+$0x0] =	vst.idx.msk $0xffff, v0;
	v0 =	vmul.f32 $8.000000000e+00, v2  }
0x586: {  	s0 =	sadd.s32 s2, s6;
	s1 =	sand.u32 $0xFFF8000, s14;
	[tilespmem:v61+s23+$0x0] =	vst.idx.msk $0xffff, v3  }
0x587: {  	s7 =	simm.s32 $0x14A00;
	s1 =	sadd.s32 s1, s0;
	[tilespmem:v62+s23+$0x0] =	vst.idx.msk $0xffff, v0  }
0x588: {  	[hbm4b:s1+s4] =	stream.linear.scatter [tilespmem:s7], [sflag:$0x8], $0x80, $0x38;
	[tilespmem:$0x16C00] =	vst v63  }
0x589: {  	s10 =	simm.s32 $0x14A88;
	s6 =	sadd.s32 $0x10, s1  }
0x58a: {  	[hbm4b:s6+s4] =	stream.linear.scatter [tilespmem:s10], [sflag:$0x8], $0x80, $0x38;
	[tilespmem:$0x16C00] =	vst v63  }
0x58b: {  	s11 =	simm.s32 $0x14B10;
	s0 =	simm.s32 $0x440;
	s12 =	sadd.s32 $0x20, s1  }
0x58c: {  	[hbm4b:s12+s4] =	stream.linear.scatter [tilespmem:s11], [sflag:$0x8], $0x80, $0x38;
	[tilespmem:$0x16C00] =	vst v63  }
0x58d: {  	s14 =	sadd.s32 $0x30, s1;
	s13 =	simm.s32 $0x14B98;
	s7 =	simm.s32 $0x14C20  }
0x58e: {  	[hbm4b:s14+s4] =	stream.linear.scatter [tilespmem:s13], [sflag:$0x8], $0x80, $0x38;
	[tilespmem:$0x16C00] =	vst v63  }
0x58f: {  	s10 =	sadd.s32 $0x40, s1;
	s11 =	simm.s32 $0x14CA8;
	s12 =	sadd.s32 $0x50, s1  }
0x590: {  	[hbm4b:s10+s4] =	stream.linear.scatter [tilespmem:s7], [sflag:$0x8], $0x80, $0x38;
	[tilespmem:$0x16C00] =	vst v63  }
0x591: {  	s13 =	simm.s32 $0x14D30;
	s14 =	sadd.s32 $0x60, s1;
	s10 =	simm.s32 $0x2200  }
0x592: {  	[hbm4b:s12+s4] =	stream.linear.scatter [tilespmem:s11], [sflag:$0x8], $0x80, $0x38;
	[tilespmem:$0x16C00] =	vst v63  }
0x593: {  	s11 =	simm.s32 $0x14DB8;
	s12 =	sadd.s32 $0x70, s1;
	s1 =	sadd.s32 $0x1000, s1  }
0x594: {  	v19 =	vmovc v21;
	v27 =	vmov v51;
	v20 =	vmov v29;
	v32 =	vmov v26;
	[hbm4b:s14+s4] =	stream.linear.scatter [tilespmem:s13], [sflag:$0x8], $0x80, $0x38;
	[tilespmem:$0x16C00] =	vst v63  }
.LBB2_17:
0x595: {  	[hbm4b:s12+s4] =	stream.linear.scatter [tilespmem:s11], [sflag:$0x8], $0x80, $0x38;
	[tilespmem:$0x16C00] =	vst v63  }
0x596: {  	s6 =	smov.u32 s0;
	s0 =	smov.u32 s10  }
0x597: {  	s7 =	sadd.s32 $0x1100, s10;
	s0 =	sshra.s32 s0, $0x2;
	s11 =	sadd.s32 $0x14A00, s6  }
0x598: {  	[hbm4b:s1+s4] =	stream.linear.scatter [tilespmem:s11], [sflag:$0x8], $0x80, $0x38;
	[tilespmem:$0x16C00] =	vst v63  }
0x599: {  	p0 =	sne.s32 s10, $0x7700;
	s10 =	sadd.s32 $0x14A88, s6;
	s11 =	sadd.s32 $0x10, s1  }
0x59a: {  	[hbm4b:s11+s4] =	stream.linear.scatter [tilespmem:s10], [sflag:$0x8], $0x80, $0x38;
	[tilespmem:$0x16C00] =	vst v63  }
0x59b: {  	s10 =	sadd.s32 $0x14B10, s6;
	s11 =	sadd.s32 $0x20, s1  }
0x59c: {  	[hbm4b:s11+s4] =	stream.linear.scatter [tilespmem:s10], [sflag:$0x8], $0x80, $0x38;
	[tilespmem:$0x16C00] =	vst v63  }
0x59d: {  	s10 =	sadd.s32 $0x14B98, s6;
	s11 =	sadd.s32 $0x30, s1  }
0x59e: {  	[hbm4b:s11+s4] =	stream.linear.scatter [tilespmem:s10], [sflag:$0x8], $0x80, $0x38;
	[tilespmem:$0x16C00] =	vst v63  }
0x59f: {  	s10 =	sadd.s32 $0x14C20, s6;
	s11 =	sadd.s32 $0x40, s1  }
0x5a0: {  	[hbm4b:s11+s4] =	stream.linear.scatter [tilespmem:s10], [sflag:$0x8], $0x80, $0x38;
	[tilespmem:$0x16C00] =	vst v63  }
.Ltmp9:
0x5a1: {  	s10 =	sadd.s32 $0x14CA8, s6;
	s11 =	sadd.s32 $0x50, s1;
	(pc) =	sbr.rel @p0 .LBB2_17-.Ltmp9, $4  }
0x5a2: {  	[hbm4b:s11+s4] =	stream.linear.scatter [tilespmem:s10], [sflag:$0x8], $0x80, $0x38;
	[tilespmem:$0x16C00] =	vst v63  }
0x5a3: {  	s12 =	sadd.s32 $0x70, s1;
	s10 =	sadd.s32 $0x14D30, s6;
	s11 =	sadd.s32 $0x60, s1  }
0x5a4: {  	[hbm4b:s11+s4] =	stream.linear.scatter [tilespmem:s10], [sflag:$0x8], $0x80, $0x38;
	[tilespmem:$0x16C00] =	vst v63  }
0x5a5: {  	s1 =	sadd.s32 $0x1000, s1;
	s11 =	sadd.s32 $0x14DB8, s6;
	s10 =	smov.u32 s7  }
0x5a6: {  	[hbm4b:s12+s4] =	stream.linear.scatter [tilespmem:s11], [sflag:$0x8], $0x80, $0x38;
	[tilespmem:$0x16C00] =	vst v63  }
0x5a7: {  	s6 =	sadd.s32 $0x14A00, s0  }
0x5a8: {  	[hbm4b:s1+s4] =	stream.linear.scatter [tilespmem:s6], [sflag:$0x8], $0x80, $0x38;
	[tilespmem:$0x16C00] =	vst v63  }
0x5a9: {  	s14 =	sadd.s32 $0x14A88, s0;
	s7 =	sadd.s32 $0x10, s1  }
0x5aa: {  	[hbm4b:s7+s4] =	stream.linear.scatter [tilespmem:s14], [sflag:$0x8], $0x80, $0x38;
	[tilespmem:$0x16C00] =	vst v63  }
0x5ab: {  	s10 =	sadd.s32 $0x20, s1;
	s7 =	sadd.s32 $0x14B10, s0  }
0x5ac: {  	[hbm4b:s10+s4] =	stream.linear.scatter [tilespmem:s7], [sflag:$0x8], $0x80, $0x38;
	[tilespmem:$0x16C00] =	vst v63  }
0x5ad: {  	s11 =	sadd.s32 $0x14B98, s0;
	s12 =	sadd.s32 $0x30, s1  }
0x5ae: {  	[hbm4b:s12+s4] =	stream.linear.scatter [tilespmem:s11], [sflag:$0x8], $0x80, $0x38;
	[tilespmem:$0x16C00] =	vst v63  }
0x5af: {  	s13 =	sadd.s32 $0x14C20, s0;
	s14 =	sadd.s32 $0x40, s1  }
0x5b0: {  	[hbm4b:s14+s4] =	stream.linear.scatter [tilespmem:s13], [sflag:$0x8], $0x80, $0x38;
	[tilespmem:$0x16C00] =	vst v63  }
0x5b1: {  	s7 =	sadd.s32 $0x14CA8, s0;
	s10 =	sadd.s32 $0x50, s1  }
0x5b2: {  	[hbm4b:s10+s4] =	stream.linear.scatter [tilespmem:s7], [sflag:$0x8], $0x80, $0x38;
	[tilespmem:$0x16C00] =	vst v63  }
.Ltmp10:
0x5b3: {  	_ = 	snop;
	(pc) =	sbr.rel @p1 .LBB2_20-.Ltmp10, $4  }
0x5b4: {  	s11 =	sadd.s32 $0x14D30, s0;
	s12 =	sadd.s32 $0x60, s1  }
0x5b5: {  	[hbm4b:s12+s4] =	stream.linear.scatter [tilespmem:s11], [sflag:$0x8], $0x80, $0x38;
	[tilespmem:$0x16C00] =	vst v63  }
0x5b6: {  	s13 =	sadd.s32 $0x14DB8, s0;
	s14 =	sadd.s32 $0x70, s1  }
0x5b7: {  	[hbm4b:s14+s4] =	stream.linear.scatter [tilespmem:s13], [sflag:$0x8], $0x80, $0x38;
	[tilespmem:$0x16C00] =	vst v63  }
.Ltmp11:
0x5b8: {  	v29 =	vld [tilespmem:$0x1FE00];
	(pc) =	sbr.rel .LBB2_2-.Ltmp11, $4  }
0x5b9: {  	v22 =	vld [tilespmem:$0x1FE10]  }
0x5ba: {  	s0 =	sshrl.u32 s31, $0x2;
	v17 =	vld [tilespmem:$0x1FE60]  }
0x5bb: {  	s30 =	sadd.s32 $0x1, s30;
	v18 =	vld [tilespmem:$0x1FE70];
	s0 =	sadd.s32 $0x380, s0  }
0x5bc: {  	v7 =	vmov v16;
	v8 =	vmov v56;
	v16 =	vld [tilespmem:$0x1FEB0];
	[tilespmem:s15], [sflag:$0x4] =	stream.indirect.gather [hbm4b:s5+s9], $0x40, s0, s9, $0xb8  }
.LBB2_21:
0x5bd: {  	_ =	sfence.sel $0x180000  }
0x5be: {  	[bflag:$0x0] =	sbarrier.arrive $0xFFFF  }
0x5bf: {  	_ =	strace $0x9000004A  }
0x5c0: {  	s0 =	stileid.u32;
	[bflag:$0x2] =	sbarrier.arrive $0xFFFF  }
0x5c1: {  	p0 =	sne.s32 s0, $0x0;
	s0 =	rddreg [dreg:$0x2]  }
0x5c2: {  	s0 =	sadd.s32 @!p0 $0x100000, s0  }
0x5c3: {  	[sflag:s0] =	ssyncadd.tile.s32 @!p0 $0x1;
	_ =	shalt  }
.Lfunc_end2:
_tile_overlayer_lowered:
.L_overlay_start_2:
0x5c4: {  	(tag) =	ssettag $0x2  }
0x5c5: {  	s0 =	rddreg [dreg:$0x0];
	s2 =	stileid.u32  }
0x5c6: {  	s1 =	rddreg [dreg:$0x1];
	p0 =	sne.s32 s2, $0x0  }
0x5c7: {  	s3 =	rddreg [dreg:$0x2];
	[bflag:$0x3] =	sbarrier.arrive $0xFFFF;
	s2 =	simm.s32 @!p0 $0x1C09  }
0x5c8: {  	[timem:s3], [sflag:s2] =	dma.local @!p0 [hbm:s0], s1  }
0x5c9: {  	s0 =	simm.s32 @!p0 $0x9  }
0x5ca: {  	_ =	swait.ge @!p0 [sflag:s0], s1  }
0x5cb: {  	s1 =	ssub.s32 @!p0 $0x0, s1;
	[sflag:s0] =	ssyncset.done @!p0 $0x0  }
0x5cc: {  	[sflag:s0] =	ssyncadd.s32 @!p0 s1  }
0x5cd: {  	[bflag:$0x3] =	sbarrier.arrive $0xFFFF  }
0x5ce: {  	_ =	shalt  }

// kernel: sparse-core-data-format-call.cloned.1.call-start
scs
called_computation_lowered:
.L_overlay_start_0:
0x0: {  	s2 =	sld [smem:$0x3FD9]  }
0x1: {  	s3 =	sld [smem:$0x3FFE];
	_ =	sdelay $0x1  }
0x2: {  	s1 =	srdreg.scid  }
0x3: {  	s0 =	sand.u32 $0x1, s1  }
0x4: {  	s18 =	sshll.u32 s0, $0xA;
	s2 =	sadd.s32 s3, s2  }
0x5: {  	s2 =	sadd.s32 s2, s18  }
0x6: {  	[smem:$0x3FC6] =	sst s2  }
0x7: {  	_ = 	snop  }
0x8: {  	s2 =	sld [smem:$0x3FC8];
	(tm) =	ssettm $0x1  }
0x9: {  	s19 =	sld [smem:$0x3FFB];
	_ =	sdelay $0x3  }
0xa: {  	_ =	strace s19  }
0xb: {  	s3 =	sld [smem:$0x3FFC];
	_ =	sdelay $0x3  }
0xc: {  	_ =	strace s3  }
0xd: {  	s3 =	sld [smem:$0x3FFD];
	_ =	sdelay $0x3  }
0xe: {  	_ =	strace s3  }
0xf: {  	_ =	strace $0x8FFFFFFF  }
0x10: {  	s20 =	sld [smem:$0x3FDB];
	_ =	sdelay $0x1  }
0x11: {  	s4 =	simm.s32 $_scs_section_size  }
0x12: {  	s5 =	simm.s32 $_size__tile_overlayer_lowered;
	s6 =	simm.s32 $_tile_overlayer_lowered  }
0x13: {  	s23 =	simm.s32 $0x1BFF;
	s22 =	sshll.u32 s6, $0x1;
	s3 =	sadd.s32 s4, s20  }
0x14: {  	s7 =	simm.s32 $0x0;
	s21 =	sshll.u32 s5, $0x1;
	s5 =	sadd.s32 s22, s3  }
0x15: {  	[timem:s7], [sflag:s23] =	dma.local [hbm:s5], s21  }
0x16: {  	_ =	swait.ge [sflag:s23], s21  }
0x17: {  	s4 =	ssub.s32 $0x0, s21;
	[sflag:s23] =	ssyncset.done $0x0  }
0x18: {  	[sflag:s23] =	ssyncadd.s32 s4;
	_ =	sdelay $0x1  }
0x19: {  	s24 =	simm.s32 $0x1B8B  }
0x1a: {  	_ =	swait.ge [sflag:s24], $0x1  }
0x1b: {  	[sflag:s24] =	ssyncset.done $0x0  }
0x1c: {  	s26 =	simm.s32 $0x1B8E;
	s25 =	sld [smem:$0x3FFE];
	[sflag:s24] =	ssyncadd.s32 $0xFFFFFFFF  }
0x1d: {  	s27 =	simm.s32 $execute0_lowered;
	[smem:$0x3FD2] =	sst s26  }
0x1e: {  	s5 =	sshll.u32 s27, $0x1;
	_ =	strace $0x80000046;
	[dreg:$0x1] =	wrdreg $0xFFFFFFFF  }
0x1f: {  	s28 =	simm.s32 $_size_execute0_lowered;
	s3 =	sadd.s32 s3, s5;
	[dreg:$0x0] =	wrdreg $0x0  }
0x20: {  	s5 =	sshll.u32 s28, $0x1;
	[dreg:$0x2] =	wrdreg s3  }
0x21: {  	[dreg:$0x3] =	wrdreg s5  }
0x22: {  	[dreg:$0x4] =	wrdreg $0xC0  }
0x23: {  	_ =	task [dreg:s7], $0x5FFFF  }
0x24: {  	[dreg:$0x1] =	wrdreg $0xFFFFFFFF  }
0x25: {  	[dreg:$0x0] =	wrdreg $0x60  }
0x26: {  	[dreg:$0x2] =	wrdreg s2  }
0x27: {  	[dreg:$0x3] =	wrdreg s25  }
0x28: {  	[dreg:$0x4] =	wrdreg $0x9  }
0x29: {  	_ =	task.clear_ibuf [dreg:s7], $0x5FFFF;
	_ =	strace $0x90000046  }
0x2a: {  	s29 =	simm.s32 $0x9;
	_ =	strace $0x80000048  }
0x2b: {  	_ =	swait.ge [sflag:s29], $0x1  }
0x2c: {  	[sflag:s29] =	ssyncadd.s32 $0xFFFFFFFF  }
0x2d: {  	_ =	strace $0x90000048  }
0x2e: {  	_ =	sfence  }
0x2f: {  	s30 =	sld [smem:$0x0];
	_ =	sdelay $0x2  }
0x30: {  	s31 =	sshll.u32 s1, $0xD;
	s1 =	sshrl.u32 s1, $0x2  }
0x31: {  	s3 =	sand.u32 $0x4000, s31;
	s1 =	sadd.s32 s1, s30  }
0x32: {  	s0 =	sor.u32 s3, s0;
	s1 =	sshll.u32 s1, $0x11  }
0x33: {  	s0 =	sor.u32 s1, s0  }
0x34: {  	s0 =	sadd.s32 $0x8F2B, s0  }
0x35: {  	[sflag:s0] =	ssyncadd.remote.s32 $0x1  }
0x36: {  	_ =	sfence.sel $0xFFFF  }
0x37: {  	[dreg:$0x0] =	wrdreg $0xFFFFFFFF;
	(pc) =	sbr.abs _section_cstart, $3  }
0x38: {  	[dreg:$0x1] =	wrdreg $0xFFFFFFFF  }
0x39: {  	_ =	task.clear_ibuf [dreg:s7], $0x2FFFF;
	_ =	strace $0x9FFFFFFF  }
0x3a: {  	(tm) =	ssettm $0x7FFFFFFF  }
0x3b: {  	_ =	shalt  }
tec
execute0_lowered:
.L_overlay_start_1:
0x0: {  	(tag) =	ssettag $0x1  }
0x1: {  	s0 =	srdreg.scid;
	s2 =	rddreg [dreg:$0x0]  }
0x2: {  	s5 =	rddreg [dreg:$0x1];
	s1 =	stileid.u32  }
0x3: {  	s4 =	simm.s32 $0x1;
	s6 =	simm.s32 $0x2;
	s15 =	simm.s32 $0x0  }
0x4: {  	p0 =	por $0x0, $0x0;
	s8 =	simm.s32 $0x80;
	s0 =	sshll.u32 s0, $0x4  }
0x5: {  	s14 =	simm.s32 $0x0;
	s9 =	simm.s32 $0x0;
	s3 =	sand.u32 $0x10, s0  }
.Ltmp0:
0x6: {  	s10 =	simm.s32 $0x0;
	s3 =	sor.u32 s1, s3;
	(pc) =	sbr.rel .LBB1_1-.Ltmp0, $4  }
0x7: {  	s0 =	rddreg [dreg:$0x2];
	_ =	strace $0x80000047;
	s3 =	sshll.u32 s3, $0x7  }
0x8: {  	s12 =	simm.s32 $0x0;
	[sflag:s4] =	ssyncpa.u1 $0x0;
	s7 =	ssub.s32 $0xF4200, s3  }
0x9: {  	s13 =	simm.s32 $0x0;
	[sflag:s6] =	ssyncpa.u1 $0x0;
	s6 =	sshrl.u32 s7, $0xC  }
0xa: {  	s5 =	sadd.s32 $0xA00, s5;
	s11 =	smov.u32 s3;
	s7 =	sadd.s32 $0x2, s6  }
.LBB1_5:
0xb: {  	p1 =	slt.u32 s13, $0x2  }
0xc: {  	s17 =	smov.u32 s15;
	p2 =	sgt.s32 @!p1 s15, $0xF41C0;
	s16 =	sshra.s32 @!p1 s15, $0x1F  }
0xd: {  	p3 =	sgt.s32 @!p1 s14, $0x40;
	s18 =	sshra.s32 @!p1 s14, $0x1F;
	p2 =	por !p2, p1  }
0xe: {  	s15 =	sand.u32 @!p1 s16, s15;
	p3 =	por !p3, p1;
	s16 =	smov.u32 s14  }
0xf: {  	s14 =	sand.u32 @!p1 s18, s14;
	s17 =	simm.s32 @p2 $0xF41C0;
	s16 =	simm.s32 @p3 $0x40  }
0x10: {  	s15 =	ssub.s32 @!p1 s17, s15;
	s14 =	ssub.s32 @!p1 s16, s14  }
0x11: {  	s18 =	smov.u32 s12;
	s16 =	sadd.s32 @!p1 $0xFFF0BE40, s15;
	s17 =	sadd.s32 @!p1 $0xFFFFFFC0, s14  }
0x12: {  	s15 =	ssub.s32 @!p1 $0xF4240, s15;
	p2 =	sgt.s32 @!p1 s16, $0x7F;
	p3 =	sgt.s32 @!p1 s17, $0x3F  }
0x13: {  	s14 =	ssub.s32 @!p1 $0x80, s14;
	p2 =	por !p2, p1;
	p3 =	por !p3, p1  }
0x14: {  	s16 =	sadd.s32 $0x1000, s11;
	s15 =	simm.s32 @!p2 $0x0;
	s14 =	simm.s32 @!p3 $0x0  }
0x15: {  	p2 =	sgt.s32 s16, $0xF423F;
	s14 =	smul.u32 @!p1 s14, s15;
	s15 =	sadd.s32 $0x40, s12  }
0x16: {  	s18 =	smov.u32 @p2 s15  }
0x17: {  	s16 =	smov.u32 @p2 s3;
	p2 =	sgt.s32 s18, $0x3F  }
0x18: {  	s18 =	simm.s32 @p2 $0x0;
	p2 =	sne.s32 s13, s7  }
.Ltmp1:
0x19: {  	p0 =	por !p0, !p0;
	s17 =	simm.s32 @!p1 $0x2;
	(pc) =	sbr.rel @!p2 .LBB1_6-.Ltmp1, $4  }
0x1a: {  	s15 =	smov.u32 s9;
	s9 =	smov.u32 s11;
	s14 =	sand.u32 @!p1 $0x3FFFFFFF, s14  }
0x1b: {  	s11 =	smov.u32 s16;
	_ =	swait.ge @!p1 [sflag:s17], s14;
	s19 =	ssub.s32 @!p1 $0x0, s14  }
0x1c: {  	s14 =	smov.u32 s10;
	s13 =	sadd.s32 $0x1, s13;
	[sflag:s17] =	ssyncset.done @!p1 $0x0  }
0x1d: {  	s10 =	smov.u32 s12;
	s12 =	smov.u32 s18;
	[sflag:s17] =	ssyncadd.s32 @!p1 s19  }
.LBB1_1:
0x1e: {  	p1 =	sgt.u32 s13, s6  }
0x1f: {  	s16 =	sshrl.u32 @!p1 s12, $0x3  }
0x20: {  	s17 =	sshll.u32 @!p1 s11, $0x3;
	s16 =	smul.u32 @!p1 $0x7A1400, s16  }
0x21: {  	s18 =	sshll.u32 @!p1 s12, $0x7;
	s17 =	sand.u32 @!p1 $0xFFFFFC00, s17  }
0x22: {  	s16 =	sadd.s32 @!p1 s16, s17;
	s17 =	sand.u32 @!p1 $0x380, s18  }
0x23: {  	s18 =	sand.u32 @!p1 $0x7F, s11;
	s16 =	sor.u32 @!p1 s17, s16  }
0x24: {  	s17 =	sor.u32 @!p1 s18, s16  }
0x25: {  	s18 =	smulhi.u32 @!p1 $0x218D6287, s17;
	_ =	sdelay $0x1  }
0x26: {  	s16 =	smulhi.u32 @!p1 $0x218D6287, s16;
	s18 =	sshrl.u32 @!p1 s18, $0x11  }
0x27: {  	s18 =	smul.u32 @!p1 $0xF4280, s18  }
0x28: {  	s19 =	sxor.u32 @!p1 $0xFFFFFFFF, s13;
	s16 =	sshrl.u32 @!p1 s16, $0x11  }
0x29: {  	s19 =	sshll.u32 @!p1 s19, $0xD;
	s16 =	sand.u32 @!p1 $0x3F, s16;
	s17 =	ssub.s32 @!p1 s17, s18  }
0x2a: {  	s16 =	smul.u32 @!p1 $0x1E850, s16;
	s18 =	sshrl.u32 @!p1 s17, $0x3;
	s17 =	sand.u32 @!p1 $0x7, s17  }
0x2b: {  	s19 =	sand.u32 @!p1 $0x2000, s19;
	s18 =	sadd.s32 @!p1 s2, s18;
	s17 =	sshll.u32 @!p1 s17, $0x12  }
0x2c: {  	s16 =	sadd.s32 @!p1 s16, s18;
	s17 =	sor.u32 @!p1 $0x400, s17;
	s18 =	simm.s32 @!p1 $0x7A1400  }
0x2d: {  	[tilespmem:s19], [sflag:$0x1] =	stream.strided.gather @!p1 [hbm4b:s16+s17], $0x2000, s18, s17, $0x38;
	[tilespmem:$0x8100] =	vst v63  }
0x2e: {  	p1 =	seq.s32 s13, $0x0  }
0x2f: {  	p2 =	sge.u32 @!p1 s13, s7  }
0x30: {  	p1 =	por p1, p2  }
.Ltmp2:
0x31: {  	_ = 	snop;
	(pc) =	sbr.rel @p1 .LBB1_5-.Ltmp2, $1  }
0x32: {  	_ =	sdelay $0x3  }
0x33: {  	s16 =	simm.s32 $0x1  }
0x34: {  	_ =	swait.ge [sflag:s4], $0x2000;
	s16 =	simm.s32 @!p0 $0x0  }
0x35: {  	[sflag:s4] =	ssyncset.done $0x0;
	s17 =	sshll.u32 s16, $0xD  }
0x36: {  	[sflag:s4] =	ssyncadd.s32 $0xFFFFE000;
	s17 =	sor.u32 $0x40, s17  }
0x37: {  	s16 =	smul.u32 $0x8200, s16;
	v0 =	vld [tilespmem:s17+$0x30]  }
0x38: {  	v1 =	vld [tilespmem:s17+$0xFFFFFFD0]  }
0x39: {  	s16 =	sshrl.u32 s16, $0x2;
	v5 =	vld [tilespmem:s17+$0xFFFFFFE0]  }
0x3a: {  	v6 =	vld [tilespmem:s17+$0xFFFFFFF0];
	s19 =	sor.u32 $0x4000, s16  }
0x3b: {  	s31 =	sand.u32 $0x1, s13;
	v4 =	vld [tilespmem:s17+$0x0];
	s18 =	sadd.s32 $0x0, s19  }
0x3c: {  	v3 =	vld [tilespmem:s17+$0x10];
	s16 =	smul.u32 $0x8200, s31;
	[tilespmem:s18+$0x1C70 ss:$0x41] =	vst.msk $0xffff, v0  }
0x3d: {  	v2 =	vld [tilespmem:s17+$0x20];
	[tilespmem:s18+$0x410 ss:$0x41] =	vst.msk $0xffff, v1  }
0x3e: {  	s16 =	sshrl.u32 s16, $0x2;
	v1 =	vld [tilespmem:s17+$0xFFFFFFC0];
	[tilespmem:s18+$0x820 ss:$0x41] =	vst.msk $0xffff, v5;
	s17 =	sadd.s32 $0x80, s17  }
0x3f: {  	s20 =	simm.s32 $0x4;
	s21 =	simm.s32 $0x8;
	s16 =	sor.u32 $0x4000, s16;
	[tilespmem:s18+$0xC30 ss:$0x41] =	vst.msk $0xffff, v6;
	v0 =	vld [tilespmem:s17+$0x30]  }
.LBB1_3:
0x40: {  	p1 =	sne.s32 s21, $0xFC;
	v5 =	vld [tilespmem:s17+$0xFFFFFFD0];
	[tilespmem:s18+$0x1040 ss:$0x41] =	vst.msk $0xffff, v4  }
0x41: {  	v6 =	vld [tilespmem:s17+$0xFFFFFFE0];
	[tilespmem:s18+$0x1450 ss:$0x41] =	vst.msk $0xffff, v3  }
0x42: {  	s22 =	sshra.s32 s20, $0x2;
	s20 =	smov.u32 s21;
	v7 =	vld [tilespmem:s17+$0xFFFFFFF0];
	[tilespmem:s18+$0x1860 ss:$0x41] =	vst.msk $0xffff, v2  }
.Ltmp3:
0x43: {  	v4 =	vld [tilespmem:s17+$0x0];
	[tilespmem:s18+$0x0 ss:$0x41] =	vst.msk $0xffff, v1;
	s18 =	sadd.s32 s22, s19;
	(pc) =	sbr.rel @p1 .LBB1_3-.Ltmp3, $4  }
0x44: {  	v3 =	vld [tilespmem:s17+$0x10];
	[tilespmem:s18+$0x1C70 ss:$0x41] =	vst.msk $0xffff, v0  }
0x45: {  	[tilespmem:s18+$0x410 ss:$0x41] =	vst.msk $0xffff, v5;
	v2 =	vld [tilespmem:s17+$0x20]  }
0x46: {  	v1 =	vld [tilespmem:s17+$0xFFFFFFC0];
	[tilespmem:s18+$0x820 ss:$0x41] =	vst.msk $0xffff, v6;
	s17 =	sadd.s32 $0x80, s17  }
0x47: {  	s21 =	sadd.s32 $0x4, s21;
	v0 =	vld [tilespmem:s17+$0x30];
	[tilespmem:s18+$0xC30 ss:$0x41] =	vst.msk $0xffff, v7  }
0x48: {  	s21 =	sshll.u32 s9, $0x7;
	s22 =	sshll.u32 s10, $0x3;
	s20 =	sshra.s32 s20, $0x2  }
0x49: {  	p1 =	sgt.s32 s9, $0xF41C0;
	s30 =	sshra.s32 s9, $0x1F;
	s25 =	sshra.s32 s10, $0x1F  }
0x4a: {  	v5 =	vld [tilespmem:s17+$0xFFFFFFD0];
	s28 =	sshrl.u32 s10, $0x3;
	s23 =	sand.u32 $0xFFFFFC00, s21;
	s22 =	sand.u32 $0xFFFFFC00, s22  }
0x4b: {  	[tilespmem:s18+$0x1040 ss:$0x41] =	vst.msk $0xffff, v4;
	v58 =	vld [tilespmem:s17+$0xFFFFFFE0];
	s21 =	sand.u32 $0x380, s21;
	s19 =	sadd.s32 s20, s19;
	s22 =	sadd.s32 s22, s23  }
0x4c: {  	v59 =	vld [tilespmem:s17+$0xFFFFFFF0];
	[tilespmem:s18+$0x1450 ss:$0x41] =	vst.msk $0xffff, v3;
	s29 =	sor.u32 s21, s22;
	s21 =	smov.u32 s9;
	s22 =	sand.u32 s30, s9  }
0x4d: {  	v60 =	vld [tilespmem:s17+$0x0];
	[tilespmem:s18+$0x1860 ss:$0x41] =	vst.msk $0xffff, v2;
	s30 =	sand.u32 $0x7, s10;
	s20 =	sshrl.u32 s29, $0x7;
	s21 =	simm.s32 @!p1 $0xF41C0  }
0x4e: {  	v61 =	vld [tilespmem:s17+$0x10];
	[tilespmem:s18+$0x0 ss:$0x41] =	vst.msk $0xffff, v1;
	p1 =	sgt.s32 s10, $0x40;
	s24 =	ssub.s32 s21, s22;
	s21 =	smov.u32 s10  }
0x4f: {  	v62 =	vld [tilespmem:s17+$0x20];
	[tilespmem:s19+$0x1C70 ss:$0x41] =	vst.msk $0xffff, v0;
	s31 =	smulhi.u32 $0x218DEF5, s20;
	s22 =	sand.u32 s25, s10;
	s21 =	simm.s32 @!p1 $0x40  }
0x50: {  	v63 =	vld [tilespmem:s17+$0xFFFFFFC0];
	[tilespmem:s19+$0x410 ss:$0x41] =	vst.msk $0xffff, v5;
	s26 =	sadd.s32 $0xFFF0BE40, s24;
	s17 =	ssub.s32 $0xF4240, s24;
	s21 =	ssub.s32 s21, s22  }
0x51: {  	[tilespmem:s19+$0x820 ss:$0x41] =	vst.msk $0xffff, v58;
	s23 =	sshrl.u32 s31, $0xD;
	p1 =	sgt.s32 s26, $0x7F;
	s27 =	sadd.s32 $0xFFFFFFC0, s21  }
0x52: {  	[tilespmem:s19+$0xC30 ss:$0x41] =	vst.msk $0xffff, v59;
	s23 =	smul.u32 $0xF4240, s23;
	s18 =	ssub.s32 $0x80, s21;
	p2 =	sgt.s32 s27, $0x3F  }
.Ltmp4:
0x53: {  	[tilespmem:s19+$0x1040 ss:$0x41] =	vst.msk $0xffff, v60;
	s17 =	simm.s32 @p1 $0x0;
	s18 =	simm.s32 @p2 $0x0;
	(pc) =	sbr.rel .LBB1_5-.Ltmp4, $4  }
0x54: {  	s29 =	sand.u32 $0xF, s28;
	[tilespmem:s19+$0x1450 ss:$0x41] =	vst.msk $0xffff, v61;
	s20 =	ssub.s32 s20, s23;
	s17 =	smul.u32 s18, s17  }
0x55: {  	[tilespmem:s19+$0x1860 ss:$0x41] =	vst.msk $0xffff, v62;
	s21 =	sshll.u32 s30, $0x12;
	s20 =	sshll.u32 s20, $0x4;
	s18 =	sadd.s32 s5, s29  }
0x56: {  	[tilespmem:s19+$0x0 ss:$0x41] =	vst.msk $0xffff, v63;
	s31 =	sor.u32 $0x40, s21;
	s18 =	sadd.s32 s20, s18;
	s17 =	sand.u32 $0x3FFFFFFF, s17  }
0x57: {  	[hbm4b:s18+s31] =	stream.strided.scatter [tilespmem:s16], [sflag:$0x2], s17, s8, s31, $0x18;
	[tilespmem:$0x8100] =	vst v63  }
.LBB1_6:
0x58: {  	_ =	sfence.sel $0x180000  }
0x59: {  	s2 =	simm.s32 $0x1;
	[bflag:$0x0] =	sbarrier.arrive $0xFFFF  }
0x5a: {  	s31 =	simm.s32 $0x2;
	[sflag:s2] =	ssyncpa.u1 $0x1  }
0x5b: {  	[sflag:s31] =	ssyncpa.u1 $0x1  }
0x5c: {  	p0 =	sne.s32 s1, $0x0;
	_ =	strace $0x90000047  }
0x5d: {  	s0 =	sadd.s32 @!p0 $0x100000, s0;
	[bflag:$0x2] =	sbarrier.arrive $0xFFFF  }
0x5e: {  	[sflag:s0] =	ssyncadd.tile.s32 @!p0 $0x1;
	_ =	shalt  }
.Lfunc_end1:
_tile_overlayer_lowered:
.L_overlay_start_2:
0x5f: {  	(tag) =	ssettag $0x2  }
0x60: {  	s0 =	rddreg [dreg:$0x0];
	s2 =	stileid.u32  }
0x61: {  	s1 =	rddreg [dreg:$0x1];
	p0 =	sne.s32 s2, $0x0  }
0x62: {  	s3 =	rddreg [dreg:$0x2];
	[bflag:$0x3] =	sbarrier.arrive $0xFFFF;
	s2 =	simm.s32 @!p0 $0x1C01  }
0x63: {  	[timem:s3], [sflag:s2] =	dma.local @!p0 [hbm:s0], s1  }
0x64: {  	s0 =	simm.s32 @!p0 $0x1  }
0x65: {  	_ =	swait.ge @!p0 [sflag:s0], s1  }
0x66: {  	s1 =	ssub.s32 @!p0 $0x0, s1;
	[sflag:s0] =	ssyncset.done @!p0 $0x0  }
0x67: {  	[sflag:s0] =	ssyncadd.s32 @!p0 s1  }
0x68: {  	[bflag:$0x3] =	sbarrier.arrive $0xFFFF  }
0x69: {  	_ =	shalt  }

</sc_bundles>
